<compile_context>
chip_gen: v7x
topology: tpu7x:2x2x1
jax: 0.10.2.dev20260603
libtpu: 0.0.44.dev20260713+nightly
codegen_flags: <defaults>
</compile_context>

<pallas_src>
import functools

import jax
import jax.numpy as jnp
import numpy as np
from jax import lax
from jax.experimental import pallas as pl
from jax.experimental.pallas import tpu as pltpu
import jax.experimental.pallas.tpu_sc as plsc

N = 100000
E = 1600000
NB = 16
GX, GY = 16, 12
NCELL = GX * GY

NC, NS = 2, 16
NW = NC * NS
N_PAD = 100352
E_ROWS = E // 128
E_ROWS_PAD = 12544
RW_INIT = N_PAD // NS
SEG_ROWS = 3264

_f32 = jnp.float32
_i32 = jnp.int32

_SC_MESH = dict(core_axis_name="c", subcore_axis_name="s",
                num_cores=NC, num_subcores=NS)

_PAD_ROWS = (np.arange((E_ROWS_PAD - E_ROWS) * 128, dtype=np.int32)
             % (N_PAD - N) + N).reshape(E_ROWS_PAD - E_ROWS, 128)


def _elu(t):
    return jnp.where(t > 0, t, jnp.exp(t) - 1.0)



def _make_edge_pass(w, edge_split):
    rows_w = E_ROWS_PAD // (NW if edge_split else NS)
    GJ = 4
    NG = rows_w // GJ
    H = NG // 2
    assert NG % 2 == 0 and NG * GJ == rows_w
    mesh = plsc.VectorSubcoreMesh(**_SC_MESH)

    def body(tabA, tabB, sd2d, out0, out1, acc,
             sd0, vb0, sd1, vb1, gsem0, gsem1, ssem0, ssem1):
        c = lax.axis_index("c")
        sid = lax.axis_index("s")
        wid = sid * NC + c
        r0 = sid * RW_INIT

        def run(tab, out):
            pltpu.sync_copy(tab.at[pl.ds(r0, RW_INIT)],
                            acc.at[pl.ds(r0, RW_INIT)])
            plsc.subcore_barrier()
            base0 = (wid if edge_split else sid) * rows_w

            g0 = base0 // GJ

            def load_idx(sd, grp):
                pltpu.sync_copy(sd2d.at[pl.ds((g0 + grp) * 2, 2)], sd)

            def fire_gathers(sd, vb, sem):
                pltpu.async_copy(tab.at[sd.at[0]], vb, sem)

            def wait_gathers(sd, vb, sem):
                pltpu.make_async_copy(tab.at[sd.at[0]], vb, sem).wait()

            def scatters(sd, vb, sem):
                pltpu.async_copy(vb, acc.at[sd.at[1]], sem, add=True).wait()

            load_idx(sd0, 0)
            fire_gathers(sd0, vb0, gsem0)

            def pair(t, carry):
                g = 2 * t
                load_idx(sd1, g + 1)
                fire_gathers(sd1, vb1, gsem1)
                wait_gathers(sd0, vb0, gsem0)
                scatters(sd0, vb0, ssem0)
                @pl.when(t + 1 < H)
                def _():
                    load_idx(sd0, g + 2)
                    fire_gathers(sd0, vb0, gsem0)
                wait_gathers(sd1, vb1, gsem1)
                scatters(sd1, vb1, ssem1)
                return carry

            lax.fori_loop(0, H, pair, 0)
            plsc.subcore_barrier()
            pltpu.sync_copy(acc.at[pl.ds(r0, RW_INIT)],
                            out.at[pl.ds(r0, RW_INIT)])

        @pl.when(c == 0)
        def _():
            run(tabA, out0)

        @pl.when(c == 1)
        def _():
            run(tabB, out1)

    sds = jax.ShapeDtypeStruct((N_PAD, w), _f32)
    idx_t = pltpu.VMEM((2, GJ * 128), _i32)
    val_t = pltpu.VMEM((GJ * 128, w), _f32)
    return pl.kernel(
        body,
        out_type=[sds, sds],
        mesh=mesh,
        compiler_params=pltpu.CompilerParams(use_tc_tiling_on_sc=False),
        scratch_types=[
            pltpu.VMEM_SHARED((N_PAD, w), _f32),
            idx_t, val_t,
            idx_t, val_t,
            pltpu.SemaphoreType.DMA,
            pltpu.SemaphoreType.DMA,
            pltpu.SemaphoreType.DMA,
            pltpu.SemaphoreType.DMA,
        ],
    )


_edge_pass_w16e = _make_edge_pass(16, True)
_edge_pass_w16f = _make_edge_pass(16, False)

_POOL_CH = 224
_POOL_NCH = 3136 // _POOL_CH


def _pool_body(hA, hB, px, py, bt, out, acc, bufA, bufB, pxb, pyb, btb):
    c = lax.axis_index("c")
    sid = lax.axis_index("s")
    wid = sid * NC + c
    base = wid * 3136
    neg = jnp.full((16,), -jnp.inf, _f32)

    def ib(r, carry):
        acc[r, pl.ds(0, 16)] = neg
        acc[r, pl.ds(16, 16)] = neg
        return carry

    lax.fori_loop(0, SEG_ROWS, ib, 0)

    def cb(k, carry):
        b = base + k * _POOL_CH
        pltpu.sync_copy(hA.at[pl.ds(b, _POOL_CH)], bufA)
        pltpu.sync_copy(hB.at[pl.ds(b, _POOL_CH)], bufB)
        pltpu.sync_copy(px.at[pl.ds(b, _POOL_CH)], pxb)
        pltpu.sync_copy(py.at[pl.ds(b, _POOL_CH)], pyb)
        pltpu.sync_copy(bt.at[pl.ds(b, _POOL_CH)], btb)

        def nb(g, carry2):
            sl = pl.ds(g * 16, 16)
            cx = jnp.clip((pxb[sl] * GX).astype(_i32), 0, GX - 1)
            cy = jnp.clip((pyb[sl] * GY).astype(_i32), 0, GY - 1)
            segv = btb[sl] * NCELL + cx * GY + cy
            for j in range(16):
                s = segv[j]
                i = g * 16 + j
                acc[s, pl.ds(0, 16)] = jnp.maximum(acc[s, pl.ds(0, 16)],
                                                   bufA[i])
                acc[s, pl.ds(16, 16)] = jnp.maximum(acc[s, pl.ds(16, 16)],
                                                    bufB[i])
            return carry2

        lax.fori_loop(0, _POOL_CH // 16, nb, 0)
        return carry

    lax.fori_loop(0, _POOL_NCH, cb, 0)
    pltpu.sync_copy(acc, out.at[wid])


_pool = pl.kernel(
    _pool_body,
    out_type=jax.ShapeDtypeStruct((NW, SEG_ROWS, 32), _f32),
    mesh=plsc.VectorSubcoreMesh(**_SC_MESH),
    compiler_params=pltpu.CompilerParams(use_tc_tiling_on_sc=False),
    scratch_types=[
        pltpu.VMEM((SEG_ROWS, 32), _f32),
        pltpu.VMEM((_POOL_CH, 16), _f32),
        pltpu.VMEM((_POOL_CH, 16), _f32),
        pltpu.VMEM((_POOL_CH,), _f32),
        pltpu.VMEM((_POOL_CH,), _f32),
        pltpu.VMEM((_POOL_CH,), _i32),
    ],
)



M16 = N_PAD * 16 // 128
_BR = 1568
_NBLK = M16 // _BR
_blk = pl.BlockSpec((_BR, 128), lambda i: (i, 0))
_wblk = pl.BlockSpec((128, 128), lambda i: (0, 0))
_sds2d = jax.ShapeDtypeStruct((M16, 128), _f32)


def _tc0(p0, p1, x16, w0t):
    def body(a_r, b_r, x_r, w_r, o_r):
        o_r[...] = _elu((a_r[...] + b_r[...] - x_r[...]) * w_r[...])

    return pl.pallas_call(
        body,
        grid=(_NBLK,),
        in_specs=[_blk, _blk, _blk, pl.BlockSpec((1, 128), lambda i: (0, 0))],
        out_specs=_blk,
        out_shape=_sds2d,
    )(p0, p1, x16, w0t)


def _tc5(p0, p1, h1, wA, wB):
    def body(a_r, b_r, h_r, wA_r, wB_r, oA, oB):
        t = a_r[...] + b_r[...] - h_r[...]
        oA[...] = _elu(jnp.dot(t, wA_r[...], preferred_element_type=_f32))
        oB[...] = _elu(jnp.dot(t, wB_r[...], preferred_element_type=_f32))

    return pl.pallas_call(
        body,
        grid=(_NBLK,),
        in_specs=[_blk, _blk, _blk, _wblk, _wblk],
        out_specs=[_blk, _blk],
        out_shape=[_sds2d, _sds2d],
    )(p0, p1, h1, wA, wB)


def _tc67(pA, pB, wAA, wBA, wAB, wBB, resA=None, resB=None):
    with_res = resA is not None

    def body(a_r, b_r, wAA_r, wBA_r, wAB_r, wBB_r, *rest):
        if with_res:
            rA_r, rB_r, oA, oB = rest
        else:
            oA, oB = rest
        a = a_r[...]
        b = b_r[...]
        yA = _elu(jnp.dot(a, wAA_r[...], preferred_element_type=_f32)
                  + jnp.dot(b, wBA_r[...], preferred_element_type=_f32))
        yB = _elu(jnp.dot(a, wAB_r[...], preferred_element_type=_f32)
                  + jnp.dot(b, wBB_r[...], preferred_element_type=_f32))
        if with_res:
            yA = yA + rA_r[...]
            yB = yB + rB_r[...]
        oA[...] = yA
        oB[...] = yB

    in_specs = [_blk, _blk, _wblk, _wblk, _wblk, _wblk]
    args = [pA, pB, wAA, wBA, wAB, wBB]
    if with_res:
        in_specs += [_blk, _blk]
        args += [resA, resB]
    return pl.pallas_call(
        body,
        grid=(_NBLK,),
        in_specs=in_specs,
        out_specs=[_blk, _blk],
        out_shape=[_sds2d, _sds2d],
    )(*args)


def _tcred(partsv):
    def body(p_r, o_r):
        m = p_r[0]
        for i in range(1, NW):
            m = jnp.maximum(m, p_r[i])
        o_r[...] = jnp.where(jnp.isfinite(m), m, 0.0)

    return pl.pallas_call(
        body,
        grid=(6,),
        in_specs=[pl.BlockSpec((NW, 128, 128), lambda i: (0, i, 0))],
        out_specs=pl.BlockSpec((128, 128), lambda i: (i, 0)),
        out_shape=jax.ShapeDtypeStruct((768, 128), _f32),
    )(partsv)


def _tcfc(feat, Wfc):
    def body(f_r, w_r, o_r):
        o_r[...] = jnp.dot(f_r[...], w_r[...], preferred_element_type=_f32)

    return pl.pallas_call(
        body,
        out_shape=jax.ShapeDtypeStruct((NB, 2), _f32),
    )(feat, Wfc)



def kernel(x, pos, edge_index, batch, W0, W5, W6, W7, Wfc):
    src = edge_index[0].astype(_i32)
    dst = edge_index[1].astype(_i32)
    pad = jnp.asarray(_PAD_ROWS)
    s2 = jnp.concatenate([src.reshape(E_ROWS, 128), pad], axis=0)
    d2 = jnp.concatenate([dst.reshape(E_ROWS, 128), pad], axis=0)
    ngt = E_ROWS_PAD // 4
    sd2d = jnp.stack([s2.reshape(ngt, 512), d2.reshape(ngt, 512)],
                     axis=1).reshape(2 * ngt, 512)

    npad = N_PAD - N
    eye8 = jnp.eye(8, dtype=_f32)
    w0t = jnp.tile(W0.reshape(1, 16), (1, 8))
    w5A = jnp.kron(eye8, W5[:, :16])
    w5B = jnp.kron(eye8, W5[:, 16:])
    w6 = [jnp.kron(eye8, W6[r, c]) for r in (slice(0, 16), slice(16, 32))
          for c in (slice(0, 16), slice(16, 32))]
    w7 = [jnp.kron(eye8, W7[r, c]) for r in (slice(0, 16), slice(16, 32))
          for c in (slice(0, 16), slice(16, 32))]

    xpad = jnp.pad(x.astype(_f32).reshape(N), (0, npad))
    x16p = jnp.repeat(xpad.reshape(M16, 8), 16, axis=1)
    x16 = x16p.reshape(N_PAD, 16)

    def v2d(a):
        return a.reshape(M16, 128)

    def vsc(a):
        return a.reshape(N_PAD, 16)

    P0, P1 = _edge_pass_w16e(x16, x16, sd2d)
    h1 = _tc0(v2d(P0), v2d(P1), x16p, w0t)
    P0, P1 = _edge_pass_w16e(vsc(h1), vsc(h1), sd2d)
    h2A, h2B = _tc5(v2d(P0), v2d(P1), h1, w5A, w5B)
    PA, PB = _edge_pass_w16f(vsc(h2A), vsc(h2B), sd2d)
    h3A, h3B = _tc67(v2d(PA), v2d(PB), w6[0], w6[2], w6[1], w6[3])
    PA, PB = _edge_pass_w16f(vsc(h3A), vsc(h3B), sd2d)
    h4A, h4B = _tc67(v2d(PA), v2d(PB), w7[0], w7[2], w7[1], w7[3],
                     resA=h2A, resB=h2B)

    pxp = jnp.pad(pos[:, 0], (0, npad))
    pyp = jnp.pad(pos[:, 1], (0, npad))
    btp = jnp.pad(batch.astype(_i32), (0, npad), constant_values=NB)
    parts = _pool(vsc(h4A), vsc(h4B), pxp, pyp, btp)
    pooled = _tcred(parts.reshape(NW, 816, 128))
    feat = pooled.reshape(NB, NCELL * 32)
    return _tcfc(feat, Wfc)

# --- scband reference (transcript-rebuilt; emitter-appended) ---
"""Pipeline reference for scband-graph-res-67439576482324 (READ-ONLY COPY).

The authoritative reference and input builder live on the scoring server;
editing this copy changes nothing except your own understanding.
"""

import jax, jax.numpy as jnp
import numpy as np

N_NODES = 100000
N_EDGES = 1600000
B = 16
GRID_X, GRID_Y = 16, 12
N_CELLS = GRID_X * GRID_Y


def setup_inputs(seed: int = 0) -> dict:
    key = jax.random.key(seed)
    ks = jax.random.split(key, 10)
    x = jax.random.normal(ks[0], (N_NODES, 1), dtype=jnp.float32)
    pos = jax.random.uniform(ks[1], (N_NODES, 3), dtype=jnp.float32)
    edge_index = jax.random.randint(ks[2], (2, N_EDGES), 0, N_NODES, dtype=jnp.int64)
    batch = jnp.sort(jax.random.randint(ks[3], (N_NODES,), 0, B, dtype=jnp.int64))
    # GCN weights (ncars config: n = [1,8,16,16,16,32,32,32,32]) -> conv0: 1->16, conv5: 16->32, conv6: 32->32, conv7: 32->32
    W0 = jax.random.normal(ks[4], (1, 16), dtype=jnp.float32) * 0.1
    W5 = jax.random.normal(ks[5], (16, 32), dtype=jnp.float32) * 0.1
    W6 = jax.random.normal(ks[6], (32, 32), dtype=jnp.float32) * 0.1
    W7 = jax.random.normal(ks[7], (32, 32), dtype=jnp.float32) * 0.1
    Wfc = jax.random.normal(ks[8], (N_CELLS * 32, 2), dtype=jnp.float32) * 0.02
    return {"x": x, "pos": pos, "edge_index": edge_index, "batch": batch,
            "W0": W0, "W5": W5, "W6": W6, "W7": W7, "Wfc": Wfc}


def _gcn(x, W, src, dst, n):
    # GCNConv(normalize=False, bias=False): out = (A + I) @ (X W)
    h = x @ W
    agg = jax.ops.segment_sum(h[src], dst, num_segments=n)
    return agg + h  # self-loops


def reference(x, pos, edge_index, batch, W0, W5, W6, W7, Wfc):
    src = edge_index[0]
    dst = edge_index[1]
    n = x.shape[0]
    h = jax.nn.elu(_gcn(x, W0, src, dst, n))
    h = jax.nn.elu(_gcn(h, W5, src, dst, n))
    h_sc = h
    h = jax.nn.elu(_gcn(h, W6, src, dst, n))
    h = jax.nn.elu(_gcn(h, W7, src, dst, n))
    h = h + h_sc
    # max_pool_x over a (16, 12) voxel grid of the (normalized) spatial positions
    cx = jnp.clip(jnp.floor(pos[:, 0] * GRID_X).astype(jnp.int32), 0, GRID_X - 1)
    cy = jnp.clip(jnp.floor(pos[:, 1] * GRID_Y).astype(jnp.int32), 0, GRID_Y - 1)
    cell = cx * GRID_Y + cy
    seg = batch.astype(jnp.int32) * N_CELLS + cell
    pooled = jax.ops.segment_max(h, seg, num_segments=B * N_CELLS)
    pooled = jnp.where(jnp.isfinite(pooled), pooled, 0.0)
    feat = pooled.reshape(B, N_CELLS * 32)
    return feat @ Wfc

if __name__ == "__main__":
    import jax
    _d = setup_inputs()
    print(jax.jit(kernel)(*tuple(_d.values())))

</pallas_src>

<mosaic_0001>
#map = affine_map<(d0, d1) -> (0, 0)>
module attributes {stable_mosaic.version = 14 : i64} {
  func.func @body(%arg0: i32, %arg1: i32, %arg2: memref<100352x16xf32, #tpu.memory_space<hbm>>, %arg3: memref<100352x16xf32, #tpu.memory_space<hbm>>, %arg4: memref<6272x512xi32, #tpu.memory_space<hbm>>, %arg5: memref<100352x16xf32, #tpu.memory_space<hbm>>, %arg6: memref<100352x16xf32, #tpu.memory_space<hbm>>, %arg7: memref<100352x16xf32, #tpu.memory_space<vmem_shared>>, %arg8: memref<2x512xi32, #tpu.memory_space<vmem>>, %arg9: memref<512x16xf32, #tpu.memory_space<vmem>>, %arg10: memref<2x512xi32, #tpu.memory_space<vmem>>, %arg11: memref<512x16xf32, #tpu.memory_space<vmem>>, %arg12: memref<!tpu.dma_semaphore, #tpu.memory_space<semaphore_mem>>, %arg13: memref<!tpu.dma_semaphore, #tpu.memory_space<semaphore_mem>>, %arg14: memref<!tpu.dma_semaphore, #tpu.memory_space<semaphore_mem>>, %arg15: memref<!tpu.dma_semaphore, #tpu.memory_space<semaphore_mem>>) attributes {dimension_semantics = [#tpu.dimension_semantics<core_parallel>, #tpu.dimension_semantics<subcore_parallel>], iteration_bounds = array<i64: 2, 16>, scalar_prefetch = 0 : i64, scratch_operands = 9 : i64, tpu.core_type = #tpu.core_type<sc_vector_subcore>, window_params = [{transform_indices = #map}, {transform_indices = #map}, {transform_indices = #map}, {transform_indices = #map}, {transform_indices = #map}]} {
    %mul3A = arith.constant 2 : i32
    %mul3A_0 = arith.muli %arg1, %mul3A : i32
    %add3A = arith.addi %mul3A_0, %arg0 : i32
    %mul3A_1 = arith.constant 6272 : i32
    %mul3A_2 = arith.muli %arg1, %mul3A_1 : i32
    %eq3A = arith.constant 0 : i32
    %eq3A_3 = arith.cmpi eq, %arg0, %eq3A : i32
    %convert_element_type3A = arith.extui %eq3A_3 : i1 to i32
    %cond3A = arith.constant 0 : i32
    %cond3A_4 = arith.cmpi ne, %convert_element_type3A, %cond3A : i32
    scf.if %cond3A_4 {
      "tpu.region"() ({
        %run_scoped3A = tpu.sem_alloc : memref<!tpu.dma_semaphore, #tpu.memory_space<semaphore_mem>>
        %dma_start3A_44 = arith.constant 0 : i32
        %dma_start3A_45 = tpu.memref_slice %arg7[%mul3A_2, %dma_start3A_44] : memref<100352x16xf32, #tpu.memory_space<vmem_shared>> -> memref<6272x16xf32, #tpu.memory_space<vmem_shared>>
        %dma_start3A_46 = arith.constant 0 : i32
        %dma_start3A_47 = tpu.memref_slice %arg2[%mul3A_2, %dma_start3A_46] : memref<100352x16xf32, #tpu.memory_space<hbm>> -> memref<6272x16xf32, #tpu.memory_space<hbm>>
        tpu.enqueue_dma source(%dma_start3A_47 : memref<6272x16xf32, #tpu.memory_space<hbm>>) target(%dma_start3A_45 : memref<6272x16xf32, #tpu.memory_space<vmem_shared>>) target_semaphore(%run_scoped3A : memref<!tpu.dma_semaphore, #tpu.memory_space<semaphore_mem>>)
        %dma_wait3A = arith.constant 0 : i32
        %dma_wait3A_48 = tpu.memref_slice %arg7[%mul3A_2, %dma_wait3A] : memref<100352x16xf32, #tpu.memory_space<vmem_shared>> -> memref<6272x16xf32, #tpu.memory_space<vmem_shared>>
        %dma_wait3A_49 = arith.constant 0 : i32
        %dma_wait3A_50 = tpu.memref_slice %arg2[%mul3A_2, %dma_wait3A_49] : memref<100352x16xf32, #tpu.memory_space<hbm>> -> memref<6272x16xf32, #tpu.memory_space<hbm>>
        tpu.wait_dma2 semaphore(%run_scoped3A : memref<!tpu.dma_semaphore, #tpu.memory_space<semaphore_mem>>) src(%dma_wait3A_50 : memref<6272x16xf32, #tpu.memory_space<hbm>>) dst(%dma_wait3A_48 : memref<6272x16xf32, #tpu.memory_space<vmem_shared>>)
        tpu.yield
      }) : () -> ()
      %barrier3A = arith.constant 0 : index
      tpu.barrier barrier_id(%barrier3A)
      %mul3A_10 = arith.constant 784 : i32
      %mul3A_11 = arith.muli %arg1, %mul3A_10 : i32
      %jit3A = arith.constant 4 : i32
      %div3A = arith.divsi %mul3A_11, %jit3A : i32
      %sign3A = arith.constant 0 : i32
      %sign3A_12 = arith.cmpi sgt, %mul3A_11, %sign3A : i32
      %sign3A_13 = arith.extui %sign3A_12 : i1 to i32
      %sign3A_14 = arith.constant 0 : i32
      %sign3A_15 = arith.cmpi slt, %mul3A_11, %sign3A_14 : i32
      %sign3A_16 = arith.extui %sign3A_15 : i1 to i32
      %sign3A_17 = arith.subi %sign3A_13, %sign3A_16 : i32
      %sign3A_18 = arith.constant 0 : i32
      %sign3A_19 = arith.cmpi sgt, %jit3A, %sign3A_18 : i32
      %sign3A_20 = arith.extui %sign3A_19 : i1 to i32
      %sign3A_21 = arith.constant 0 : i32
      %sign3A_22 = arith.cmpi slt, %jit3A, %sign3A_21 : i32
      %sign3A_23 = arith.extui %sign3A_22 : i1 to i32
      %sign3A_24 = arith.subi %sign3A_20, %sign3A_23 : i32
      %ne3A = arith.cmpi ne, %sign3A_17, %sign3A_24 : i32
      %rem3A = arith.remsi %mul3A_11, %jit3A : i32
      %ne3A_25 = arith.constant 0 : i32
      %ne3A_26 = arith.cmpi ne, %rem3A, %ne3A_25 : i32
      %and3A = arith.andi %ne3A, %ne3A_26 : i1
      %sub3A = arith.constant 1 : i32
      %sub3A_27 = arith.subi %div3A, %sub3A : i32
      %select_n3A = arith.select %and3A, %sub3A_27, %div3A : i32
      %add3A_28 = arith.constant 0 : i32
      %add3A_29 = arith.addi %select_n3A, %add3A_28 : i32
      %mul3A_30 = arith.constant 2 : i32
      %mul3A_31 = arith.muli %add3A_29, %mul3A_30 : i32
      "tpu.region"() ({
        %run_scoped3A = tpu.sem_alloc : memref<!tpu.dma_semaphore, #tpu.memory_space<semaphore_mem>>
        %dma_start3A_44 = arith.constant 0 : i32
        %dma_start3A_45 = tpu.memref_slice %arg4[%mul3A_31, %dma_start3A_44] : memref<6272x512xi32, #tpu.memory_space<hbm>> -> memref<2x512xi32, #tpu.memory_space<hbm>>
        %dma_start3A_46 = arith.constant 0 : i32
        %dma_start3A_47 = tpu.memref_slice %arg4[%mul3A_31, %dma_start3A_46] : memref<6272x512xi32, #tpu.memory_space<hbm>> -> memref<2x512xi32, #tpu.memory_space<hbm>>
        tpu.enqueue_dma source(%dma_start3A_47 : memref<2x512xi32, #tpu.memory_space<hbm>>) target(%arg8 : memref<2x512xi32, #tpu.memory_space<vmem>>) target_semaphore(%run_scoped3A : memref<!tpu.dma_semaphore, #tpu.memory_space<semaphore_mem>>)
        %dma_wait3A = arith.constant 0 : i32
        %dma_wait3A_48 = tpu.memref_slice %arg4[%mul3A_31, %dma_wait3A] : memref<6272x512xi32, #tpu.memory_space<hbm>> -> memref<2x512xi32, #tpu.memory_space<hbm>>
        %dma_wait3A_49 = arith.constant 0 : i32
        %dma_wait3A_50 = tpu.memref_slice %arg4[%mul3A_31, %dma_wait3A_49] : memref<6272x512xi32, #tpu.memory_space<hbm>> -> memref<2x512xi32, #tpu.memory_space<hbm>>
        tpu.wait_dma2 semaphore(%run_scoped3A : memref<!tpu.dma_semaphore, #tpu.memory_space<semaphore_mem>>) src(%dma_wait3A_50 : memref<2x512xi32, #tpu.memory_space<hbm>>) dst(%arg8 : memref<2x512xi32, #tpu.memory_space<vmem>>)
        tpu.yield
      }) : () -> ()
      %dma_start3A = arith.constant 0 : i32
      %dma_start3A_32 = arith.constant 0 : i32
      %dma_start3A_33 = tpu.memref_slice %arg8[%dma_start3A, %dma_start3A_32] : memref<2x512xi32, #tpu.memory_space<vmem>> -> memref<1x512xi32, #tpu.memory_space<vmem>>
      %dma_start3A_34 = tpu.memref_squeeze %dma_start3A_33 : memref<1x512xi32, #tpu.memory_space<vmem>> -> memref<512xi32, #tpu.memory_space<vmem>>
      %dma_start3A_35 = arith.constant 0 : i32
      %dma_start3A_36 = arith.constant 0 : i32
      %dma_start3A_37 = tpu.memref_slice %arg2[%dma_start3A_35, %dma_start3A_36] : memref<100352x16xf32, #tpu.memory_space<hbm>> -> memref<100352x16xf32, #tpu.memory_space<hbm>>
      tpu.enqueue_indirect_dma source(%dma_start3A_37 : memref<100352x16xf32, #tpu.memory_space<hbm>>) target(%arg9 : memref<512x16xf32, #tpu.memory_space<vmem>>) offsets(%dma_start3A_34 : memref<512xi32, #tpu.memory_space<vmem>>) semaphore(%arg12 : memref<!tpu.dma_semaphore, #tpu.memory_space<semaphore_mem>>)
      %scan3A = arith.constant 0 : i32
      %scan3A_38 = arith.constant 0 : i32
      %scan3A_39 = arith.constant 98 : i32
      %scan3A_40 = arith.addi %scan3A_38, %scan3A_39 : i32
      %scan3A_41 = arith.constant 1 : i32
      scf.for %scan3A_44 = %scan3A_38 to %scan3A_40 step %scan3A_41  : i32 {
        %mul3A_45 = arith.constant 2 : i32
        %mul3A_46 = arith.muli %mul3A_45, %scan3A_44 : i32
        %add3A_47 = arith.constant 1 : i32
        %add3A_48 = arith.addi %mul3A_46, %add3A_47 : i32
        %add3A_49 = arith.addi %select_n3A, %add3A_48 : i32
        %mul3A_50 = arith.constant 2 : i32
        %mul3A_51 = arith.muli %add3A_49, %mul3A_50 : i32
        "tpu.region"() ({
          %run_scoped3A = tpu.sem_alloc : memref<!tpu.dma_semaphore, #tpu.memory_space<semaphore_mem>>
          %dma_start3A_106 = arith.constant 0 : i32
          %dma_start3A_107 = tpu.memref_slice %arg4[%mul3A_51, %dma_start3A_106] : memref<6272x512xi32, #tpu.memory_space<hbm>> -> memref<2x512xi32, #tpu.memory_space<hbm>>
          %dma_start3A_108 = arith.constant 0 : i32
          %dma_start3A_109 = tpu.memref_slice %arg4[%mul3A_51, %dma_start3A_108] : memref<6272x512xi32, #tpu.memory_space<hbm>> -> memref<2x512xi32, #tpu.memory_space<hbm>>
          tpu.enqueue_dma source(%dma_start3A_109 : memref<2x512xi32, #tpu.memory_space<hbm>>) target(%arg10 : memref<2x512xi32, #tpu.memory_space<vmem>>) target_semaphore(%run_scoped3A : memref<!tpu.dma_semaphore, #tpu.memory_space<semaphore_mem>>)
          %dma_wait3A_110 = arith.constant 0 : i32
          %dma_wait3A_111 = tpu.memref_slice %arg4[%mul3A_51, %dma_wait3A_110] : memref<6272x512xi32, #tpu.memory_space<hbm>> -> memref<2x512xi32, #tpu.memory_space<hbm>>
          %dma_wait3A_112 = arith.constant 0 : i32
          %dma_wait3A_113 = tpu.memref_slice %arg4[%mul3A_51, %dma_wait3A_112] : memref<6272x512xi32, #tpu.memory_space<hbm>> -> memref<2x512xi32, #tpu.memory_space<hbm>>
          tpu.wait_dma2 semaphore(%run_scoped3A : memref<!tpu.dma_semaphore, #tpu.memory_space<semaphore_mem>>) src(%dma_wait3A_113 : memref<2x512xi32, #tpu.memory_space<hbm>>) dst(%arg10 : memref<2x512xi32, #tpu.memory_space<vmem>>)
          tpu.yield
        }) : () -> ()
        %dma_start3A_52 = arith.constant 0 : i32
        %dma_start3A_53 = arith.constant 0 : i32
        %dma_start3A_54 = tpu.memref_slice %arg10[%dma_start3A_52, %dma_start3A_53] : memref<2x512xi32, #tpu.memory_space<vmem>> -> memref<1x512xi32, #tpu.memory_space<vmem>>
        %dma_start3A_55 = tpu.memref_squeeze %dma_start3A_54 : memref<1x512xi32, #tpu.memory_space<vmem>> -> memref<512xi32, #tpu.memory_space<vmem>>
        %dma_start3A_56 = arith.constant 0 : i32
        %dma_start3A_57 = arith.constant 0 : i32
        %dma_start3A_58 = tpu.memref_slice %arg2[%dma_start3A_56, %dma_start3A_57] : memref<100352x16xf32, #tpu.memory_space<hbm>> -> memref<100352x16xf32, #tpu.memory_space<hbm>>
        tpu.enqueue_indirect_dma source(%dma_start3A_58 : memref<100352x16xf32, #tpu.memory_space<hbm>>) target(%arg11 : memref<512x16xf32, #tpu.memory_space<vmem>>) offsets(%dma_start3A_55 : memref<512xi32, #tpu.memory_space<vmem>>) semaphore(%arg13 : memref<!tpu.dma_semaphore, #tpu.memory_space<semaphore_mem>>)
        %dma_wait3A = arith.constant 0 : i32
        %dma_wait3A_59 = arith.constant 0 : i32
        %dma_wait3A_60 = tpu.memref_slice %arg8[%dma_wait3A, %dma_wait3A_59] : memref<2x512xi32, #tpu.memory_space<vmem>> -> memref<1x512xi32, #tpu.memory_space<vmem>>
        %dma_wait3A_61 = tpu.memref_squeeze %dma_wait3A_60 : memref<1x512xi32, #tpu.memory_space<vmem>> -> memref<512xi32, #tpu.memory_space<vmem>>
        %dma_wait3A_62 = arith.constant 0 : i32
        %dma_wait3A_63 = arith.constant 0 : i32
        %dma_wait3A_64 = tpu.memref_slice %arg2[%dma_wait3A_62, %dma_wait3A_63] : memref<100352x16xf32, #tpu.memory_space<hbm>> -> memref<100352x16xf32, #tpu.memory_space<hbm>>
        tpu.wait_indirect_dma semaphore(%arg12 : memref<!tpu.dma_semaphore, #tpu.memory_space<semaphore_mem>>) src(%dma_wait3A_64 : memref<100352x16xf32, #tpu.memory_space<hbm>>) dst(%arg9 : memref<512x16xf32, #tpu.memory_space<vmem>>)
        %dma_start3A_65 = arith.constant 1 : i32
        %dma_start3A_66 = arith.constant 0 : i32
        %dma_start3A_67 = tpu.memref_slice %arg8[%dma_start3A_65, %dma_start3A_66] : memref<2x512xi32, #tpu.memory_space<vmem>> -> memref<1x512xi32, #tpu.memory_space<vmem>>
        %dma_start3A_68 = tpu.memref_squeeze %dma_start3A_67 : memref<1x512xi32, #tpu.memory_space<vmem>> -> memref<512xi32, #tpu.memory_space<vmem>>
        %dma_start3A_69 = arith.constant 0 : i32
        %dma_start3A_70 = arith.constant 0 : i32
        %dma_start3A_71 = tpu.memref_slice %arg7[%dma_start3A_69, %dma_start3A_70] : memref<100352x16xf32, #tpu.memory_space<vmem_shared>> -> memref<100352x16xf32, #tpu.memory_space<vmem_shared>>
        tpu.enqueue_indirect_dma source(%arg9 : memref<512x16xf32, #tpu.memory_space<vmem>>) target(%dma_start3A_71 : memref<100352x16xf32, #tpu.memory_space<vmem_shared>>) offsets(%dma_start3A_68 : memref<512xi32, #tpu.memory_space<vmem>>) semaphore(%arg14 : memref<!tpu.dma_semaphore, #tpu.memory_space<semaphore_mem>>) {add = true}
        %dma_wait3A_72 = arith.constant 1 : i32
        %dma_wait3A_73 = arith.constant 0 : i32
        %dma_wait3A_74 = tpu.memref_slice %arg8[%dma_wait3A_72, %dma_wait3A_73] : memref<2x512xi32, #tpu.memory_space<vmem>> -> memref<1x512xi32, #tpu.memory_space<vmem>>
        %dma_wait3A_75 = tpu.memref_squeeze %dma_wait3A_74 : memref<1x512xi32, #tpu.memory_space<vmem>> -> memref<512xi32, #tpu.memory_space<vmem>>
        %dma_wait3A_76 = arith.constant 0 : i32
        %dma_wait3A_77 = arith.constant 0 : i32
        %dma_wait3A_78 = tpu.memref_slice %arg7[%dma_wait3A_76, %dma_wait3A_77] : memref<100352x16xf32, #tpu.memory_space<vmem_shared>> -> memref<100352x16xf32, #tpu.memory_space<vmem_shared>>
        tpu.wait_indirect_dma semaphore(%arg14 : memref<!tpu.dma_semaphore, #tpu.memory_space<semaphore_mem>>) src(%arg9 : memref<512x16xf32, #tpu.memory_space<vmem>>) dst(%dma_wait3A_78 : memref<100352x16xf32, #tpu.memory_space<vmem_shared>>)
        %add3A_79 = arith.constant 1 : i32
        %add3A_80 = arith.addi %scan3A_44, %add3A_79 : i32
        %lt3A = arith.constant 98 : i32
        %lt3A_81 = arith.cmpi slt, %add3A_80, %lt3A : i32
        %convert_element_type3A_82 = arith.extui %lt3A_81 : i1 to i32
        %cond3A_83 = arith.constant 0 : i32
        %cond3A_84 = arith.cmpi ne, %convert_element_type3A_82, %cond3A_83 : i32
        scf.if %cond3A_84 {
          %add3A_106 = arith.constant 2 : i32
          %add3A_107 = arith.addi %mul3A_46, %add3A_106 : i32
          %add3A_108 = arith.addi %select_n3A, %add3A_107 : i32
          %mul3A_109 = arith.constant 2 : i32
          %mul3A_110 = arith.muli %add3A_108, %mul3A_109 : i32
          "tpu.region"() ({
            %run_scoped3A = tpu.sem_alloc : memref<!tpu.dma_semaphore, #tpu.memory_space<semaphore_mem>>
            %dma_start3A_118 = arith.constant 0 : i32
            %dma_start3A_119 = tpu.memref_slice %arg4[%mul3A_110, %dma_start3A_118] : memref<6272x512xi32, #tpu.memory_space<hbm>> -> memref<2x512xi32, #tpu.memory_space<hbm>>
            %dma_start3A_120 = arith.constant 0 : i32
            %dma_start3A_121 = tpu.memref_slice %arg4[%mul3A_110, %dma_start3A_120] : memref<6272x512xi32, #tpu.memory_space<hbm>> -> memref<2x512xi32, #tpu.memory_space<hbm>>
            tpu.enqueue_dma source(%dma_start3A_121 : memref<2x512xi32, #tpu.memory_space<hbm>>) target(%arg8 : memref<2x512xi32, #tpu.memory_space<vmem>>) target_semaphore(%run_scoped3A : memref<!tpu.dma_semaphore, #tpu.memory_space<semaphore_mem>>)
            %dma_wait3A_122 = arith.constant 0 : i32
            %dma_wait3A_123 = tpu.memref_slice %arg4[%mul3A_110, %dma_wait3A_122] : memref<6272x512xi32, #tpu.memory_space<hbm>> -> memref<2x512xi32, #tpu.memory_space<hbm>>
            %dma_wait3A_124 = arith.constant 0 : i32
            %dma_wait3A_125 = tpu.memref_slice %arg4[%mul3A_110, %dma_wait3A_124] : memref<6272x512xi32, #tpu.memory_space<hbm>> -> memref<2x512xi32, #tpu.memory_space<hbm>>
            tpu.wait_dma2 semaphore(%run_scoped3A : memref<!tpu.dma_semaphore, #tpu.memory_space<semaphore_mem>>) src(%dma_wait3A_125 : memref<2x512xi32, #tpu.memory_space<hbm>>) dst(%arg8 : memref<2x512xi32, #tpu.memory_space<vmem>>)
            tpu.yield
          }) : () -> ()
          %dma_start3A_111 = arith.constant 0 : i32
          %dma_start3A_112 = arith.constant 0 : i32
          %dma_start3A_113 = tpu.memref_slice %arg8[%dma_start3A_111, %dma_start3A_112] : memref<2x512xi32, #tpu.memory_space<vmem>> -> memref<1x512xi32, #tpu.memory_space<vmem>>
          %dma_start3A_114 = tpu.memref_squeeze %dma_start3A_113 : memref<1x512xi32, #tpu.memory_space<vmem>> -> memref<512xi32, #tpu.memory_space<vmem>>
          %dma_start3A_115 = arith.constant 0 : i32
          %dma_start3A_116 = arith.constant 0 : i32
          %dma_start3A_117 = tpu.memref_slice %arg2[%dma_start3A_115, %dma_start3A_116] : memref<100352x16xf32, #tpu.memory_space<hbm>> -> memref<100352x16xf32, #tpu.memory_space<hbm>>
          tpu.enqueue_indirect_dma source(%dma_start3A_117 : memref<100352x16xf32, #tpu.memory_space<hbm>>) target(%arg9 : memref<512x16xf32, #tpu.memory_space<vmem>>) offsets(%dma_start3A_114 : memref<512xi32, #tpu.memory_space<vmem>>) semaphore(%arg12 : memref<!tpu.dma_semaphore, #tpu.memory_space<semaphore_mem>>)
        } else {
        }
        %dma_wait3A_85 = arith.constant 0 : i32
        %dma_wait3A_86 = arith.constant 0 : i32
        %dma_wait3A_87 = tpu.memref_slice %arg10[%dma_wait3A_85, %dma_wait3A_86] : memref<2x512xi32, #tpu.memory_space<vmem>> -> memref<1x512xi32, #tpu.memory_space<vmem>>
        %dma_wait3A_88 = tpu.memref_squeeze %dma_wait3A_87 : memref<1x512xi32, #tpu.memory_space<vmem>> -> memref<512xi32, #tpu.memory_space<vmem>>
        %dma_wait3A_89 = arith.constant 0 : i32
        %dma_wait3A_90 = arith.constant 0 : i32
        %dma_wait3A_91 = tpu.memref_slice %arg2[%dma_wait3A_89, %dma_wait3A_90] : memref<100352x16xf32, #tpu.memory_space<hbm>> -> memref<100352x16xf32, #tpu.memory_space<hbm>>
        tpu.wait_indirect_dma semaphore(%arg13 : memref<!tpu.dma_semaphore, #tpu.memory_space<semaphore_mem>>) src(%dma_wait3A_91 : memref<100352x16xf32, #tpu.memory_space<hbm>>) dst(%arg11 : memref<512x16xf32, #tpu.memory_space<vmem>>)
        %dma_start3A_92 = arith.constant 1 : i32
        %dma_start3A_93 = arith.constant 0 : i32
        %dma_start3A_94 = tpu.memref_slice %arg10[%dma_start3A_92, %dma_start3A_93] : memref<2x512xi32, #tpu.memory_space<vmem>> -> memref<1x512xi32, #tpu.memory_space<vmem>>
        %dma_start3A_95 = tpu.memref_squeeze %dma_start3A_94 : memref<1x512xi32, #tpu.memory_space<vmem>> -> memref<512xi32, #tpu.memory_space<vmem>>
        %dma_start3A_96 = arith.constant 0 : i32
        %dma_start3A_97 = arith.constant 0 : i32
        %dma_start3A_98 = tpu.memref_slice %arg7[%dma_start3A_96, %dma_start3A_97] : memref<100352x16xf32, #tpu.memory_space<vmem_shared>> -> memref<100352x16xf32, #tpu.memory_space<vmem_shared>>
        tpu.enqueue_indirect_dma source(%arg11 : memref<512x16xf32, #tpu.memory_space<vmem>>) target(%dma_start3A_98 : memref<100352x16xf32, #tpu.memory_space<vmem_shared>>) offsets(%dma_start3A_95 : memref<512xi32, #tpu.memory_space<vmem>>) semaphore(%arg15 : memref<!tpu.dma_semaphore, #tpu.memory_space<semaphore_mem>>) {add = true}
        %dma_wait3A_99 = arith.constant 1 : i32
        %dma_wait3A_100 = arith.constant 0 : i32
        %dma_wait3A_101 = tpu.memref_slice %arg10[%dma_wait3A_99, %dma_wait3A_100] : memref<2x512xi32, #tpu.memory_space<vmem>> -> memref<1x512xi32, #tpu.memory_space<vmem>>
        %dma_wait3A_102 = tpu.memref_squeeze %dma_wait3A_101 : memref<1x512xi32, #tpu.memory_space<vmem>> -> memref<512xi32, #tpu.memory_space<vmem>>
        %dma_wait3A_103 = arith.constant 0 : i32
        %dma_wait3A_104 = arith.constant 0 : i32
        %dma_wait3A_105 = tpu.memref_slice %arg7[%dma_wait3A_103, %dma_wait3A_104] : memref<100352x16xf32, #tpu.memory_space<vmem_shared>> -> memref<100352x16xf32, #tpu.memory_space<vmem_shared>>
        tpu.wait_indirect_dma semaphore(%arg15 : memref<!tpu.dma_semaphore, #tpu.memory_space<semaphore_mem>>) src(%arg11 : memref<512x16xf32, #tpu.memory_space<vmem>>) dst(%dma_wait3A_105 : memref<100352x16xf32, #tpu.memory_space<vmem_shared>>)
      }
      %scan3A_42 = arith.constant 98 : i32
      %barrier3A_43 = arith.constant 0 : index
      tpu.barrier barrier_id(%barrier3A_43)
      "tpu.region"() ({
        %run_scoped3A = tpu.sem_alloc : memref<!tpu.dma_semaphore, #tpu.memory_space<semaphore_mem>>
        %dma_start3A_44 = arith.constant 0 : i32
        %dma_start3A_45 = tpu.memref_slice %arg5[%mul3A_2, %dma_start3A_44] : memref<100352x16xf32, #tpu.memory_space<hbm>> -> memref<6272x16xf32, #tpu.memory_space<hbm>>
        %dma_start3A_46 = arith.constant 0 : i32
        %dma_start3A_47 = tpu.memref_slice %arg7[%mul3A_2, %dma_start3A_46] : memref<100352x16xf32, #tpu.memory_space<vmem_shared>> -> memref<6272x16xf32, #tpu.memory_space<vmem_shared>>
        tpu.enqueue_dma source(%dma_start3A_47 : memref<6272x16xf32, #tpu.memory_space<vmem_shared>>) target(%dma_start3A_45 : memref<6272x16xf32, #tpu.memory_space<hbm>>) target_semaphore(%run_scoped3A : memref<!tpu.dma_semaphore, #tpu.memory_space<semaphore_mem>>)
        %dma_wait3A = arith.constant 0 : i32
        %dma_wait3A_48 = tpu.memref_slice %arg5[%mul3A_2, %dma_wait3A] : memref<100352x16xf32, #tpu.memory_space<hbm>> -> memref<6272x16xf32, #tpu.memory_space<hbm>>
        %dma_wait3A_49 = arith.constant 0 : i32
        %dma_wait3A_50 = tpu.memref_slice %arg7[%mul3A_2, %dma_wait3A_49] : memref<100352x16xf32, #tpu.memory_space<vmem_shared>> -> memref<6272x16xf32, #tpu.memory_space<vmem_shared>>
        tpu.wait_dma2 semaphore(%run_scoped3A : memref<!tpu.dma_semaphore, #tpu.memory_space<semaphore_mem>>) src(%dma_wait3A_50 : memref<6272x16xf32, #tpu.memory_space<vmem_shared>>) dst(%dma_wait3A_48 : memref<6272x16xf32, #tpu.memory_space<hbm>>)
        tpu.yield
      }) : () -> ()
    } else {
    }
    %eq3A_5 = arith.constant 1 : i32
    %eq3A_6 = arith.cmpi eq, %arg0, %eq3A_5 : i32
    %convert_element_type3A_7 = arith.extui %eq3A_6 : i1 to i32
    %cond3A_8 = arith.constant 0 : i32
    %cond3A_9 = arith.cmpi ne, %convert_element_type3A_7, %cond3A_8 : i32
    scf.if %cond3A_9 {
      "tpu.region"() ({
        %run_scoped3A = tpu.sem_alloc : memref<!tpu.dma_semaphore, #tpu.memory_space<semaphore_mem>>
        %dma_start3A_44 = arith.constant 0 : i32
        %dma_start3A_45 = tpu.memref_slice %arg7[%mul3A_2, %dma_start3A_44] : memref<100352x16xf32, #tpu.memory_space<vmem_shared>> -> memref<6272x16xf32, #tpu.memory_space<vmem_shared>>
        %dma_start3A_46 = arith.constant 0 : i32
        %dma_start3A_47 = tpu.memref_slice %arg3[%mul3A_2, %dma_start3A_46] : memref<100352x16xf32, #tpu.memory_space<hbm>> -> memref<6272x16xf32, #tpu.memory_space<hbm>>
        tpu.enqueue_dma source(%dma_start3A_47 : memref<6272x16xf32, #tpu.memory_space<hbm>>) target(%dma_start3A_45 : memref<6272x16xf32, #tpu.memory_space<vmem_shared>>) target_semaphore(%run_scoped3A : memref<!tpu.dma_semaphore, #tpu.memory_space<semaphore_mem>>)
        %dma_wait3A = arith.constant 0 : i32
        %dma_wait3A_48 = tpu.memref_slice %arg7[%mul3A_2, %dma_wait3A] : memref<100352x16xf32, #tpu.memory_space<vmem_shared>> -> memref<6272x16xf32, #tpu.memory_space<vmem_shared>>
        %dma_wait3A_49 = arith.constant 0 : i32
        %dma_wait3A_50 = tpu.memref_slice %arg3[%mul3A_2, %dma_wait3A_49] : memref<100352x16xf32, #tpu.memory_space<hbm>> -> memref<6272x16xf32, #tpu.memory_space<hbm>>
        tpu.wait_dma2 semaphore(%run_scoped3A : memref<!tpu.dma_semaphore, #tpu.memory_space<semaphore_mem>>) src(%dma_wait3A_50 : memref<6272x16xf32, #tpu.memory_space<hbm>>) dst(%dma_wait3A_48 : memref<6272x16xf32, #tpu.memory_space<vmem_shared>>)
        tpu.yield
      }) : () -> ()
      %barrier3A = arith.constant 0 : index
      tpu.barrier barrier_id(%barrier3A)
      %mul3A_10 = arith.constant 784 : i32
      %mul3A_11 = arith.muli %arg1, %mul3A_10 : i32
      %jit3A = arith.constant 4 : i32
      %div3A = arith.divsi %mul3A_11, %jit3A : i32
      %sign3A = arith.constant 0 : i32
      %sign3A_12 = arith.cmpi sgt, %mul3A_11, %sign3A : i32
      %sign3A_13 = arith.extui %sign3A_12 : i1 to i32
      %sign3A_14 = arith.constant 0 : i32
      %sign3A_15 = arith.cmpi slt, %mul3A_11, %sign3A_14 : i32
      %sign3A_16 = arith.extui %sign3A_15 : i1 to i32
      %sign3A_17 = arith.subi %sign3A_13, %sign3A_16 : i32
      %sign3A_18 = arith.constant 0 : i32
      %sign3A_19 = arith.cmpi sgt, %jit3A, %sign3A_18 : i32
      %sign3A_20 = arith.extui %sign3A_19 : i1 to i32
      %sign3A_21 = arith.constant 0 : i32
      %sign3A_22 = arith.cmpi slt, %jit3A, %sign3A_21 : i32
      %sign3A_23 = arith.extui %sign3A_22 : i1 to i32
      %sign3A_24 = arith.subi %sign3A_20, %sign3A_23 : i32
      %ne3A = arith.cmpi ne, %sign3A_17, %sign3A_24 : i32
      %rem3A = arith.remsi %mul3A_11, %jit3A : i32
      %ne3A_25 = arith.constant 0 : i32
      %ne3A_26 = arith.cmpi ne, %rem3A, %ne3A_25 : i32
      %and3A = arith.andi %ne3A, %ne3A_26 : i1
      %sub3A = arith.constant 1 : i32
      %sub3A_27 = arith.subi %div3A, %sub3A : i32
      %select_n3A = arith.select %and3A, %sub3A_27, %div3A : i32
      %add3A_28 = arith.constant 0 : i32
      %add3A_29 = arith.addi %select_n3A, %add3A_28 : i32
      %mul3A_30 = arith.constant 2 : i32
      %mul3A_31 = arith.muli %add3A_29, %mul3A_30 : i32
      "tpu.region"() ({
        %run_scoped3A = tpu.sem_alloc : memref<!tpu.dma_semaphore, #tpu.memory_space<semaphore_mem>>
        %dma_start3A_44 = arith.constant 0 : i32
        %dma_start3A_45 = tpu.memref_slice %arg4[%mul3A_31, %dma_start3A_44] : memref<6272x512xi32, #tpu.memory_space<hbm>> -> memref<2x512xi32, #tpu.memory_space<hbm>>
        %dma_start3A_46 = arith.constant 0 : i32
        %dma_start3A_47 = tpu.memref_slice %arg4[%mul3A_31, %dma_start3A_46] : memref<6272x512xi32, #tpu.memory_space<hbm>> -> memref<2x512xi32, #tpu.memory_space<hbm>>
        tpu.enqueue_dma source(%dma_start3A_47 : memref<2x512xi32, #tpu.memory_space<hbm>>) target(%arg8 : memref<2x512xi32, #tpu.memory_space<vmem>>) target_semaphore(%run_scoped3A : memref<!tpu.dma_semaphore, #tpu.memory_space<semaphore_mem>>)
        %dma_wait3A = arith.constant 0 : i32
        %dma_wait3A_48 = tpu.memref_slice %arg4[%mul3A_31, %dma_wait3A] : memref<6272x512xi32, #tpu.memory_space<hbm>> -> memref<2x512xi32, #tpu.memory_space<hbm>>
        %dma_wait3A_49 = arith.constant 0 : i32
        %dma_wait3A_50 = tpu.memref_slice %arg4[%mul3A_31, %dma_wait3A_49] : memref<6272x512xi32, #tpu.memory_space<hbm>> -> memref<2x512xi32, #tpu.memory_space<hbm>>
        tpu.wait_dma2 semaphore(%run_scoped3A : memref<!tpu.dma_semaphore, #tpu.memory_space<semaphore_mem>>) src(%dma_wait3A_50 : memref<2x512xi32, #tpu.memory_space<hbm>>) dst(%arg8 : memref<2x512xi32, #tpu.memory_space<vmem>>)
        tpu.yield
      }) : () -> ()
      %dma_start3A = arith.constant 0 : i32
      %dma_start3A_32 = arith.constant 0 : i32
      %dma_start3A_33 = tpu.memref_slice %arg8[%dma_start3A, %dma_start3A_32] : memref<2x512xi32, #tpu.memory_space<vmem>> -> memref<1x512xi32, #tpu.memory_space<vmem>>
      %dma_start3A_34 = tpu.memref_squeeze %dma_start3A_33 : memref<1x512xi32, #tpu.memory_space<vmem>> -> memref<512xi32, #tpu.memory_space<vmem>>
      %dma_start3A_35 = arith.constant 0 : i32
      %dma_start3A_36 = arith.constant 0 : i32
      %dma_start3A_37 = tpu.memref_slice %arg3[%dma_start3A_35, %dma_start3A_36] : memref<100352x16xf32, #tpu.memory_space<hbm>> -> memref<100352x16xf32, #tpu.memory_space<hbm>>
      tpu.enqueue_indirect_dma source(%dma_start3A_37 : memref<100352x16xf32, #tpu.memory_space<hbm>>) target(%arg9 : memref<512x16xf32, #tpu.memory_space<vmem>>) offsets(%dma_start3A_34 : memref<512xi32, #tpu.memory_space<vmem>>) semaphore(%arg12 : memref<!tpu.dma_semaphore, #tpu.memory_space<semaphore_mem>>)
      %scan3A = arith.constant 0 : i32
      %scan3A_38 = arith.constant 0 : i32
      %scan3A_39 = arith.constant 98 : i32
      %scan3A_40 = arith.addi %scan3A_38, %scan3A_39 : i32
      %scan3A_41 = arith.constant 1 : i32
      scf.for %scan3A_44 = %scan3A_38 to %scan3A_40 step %scan3A_41  : i32 {
        %mul3A_45 = arith.constant 2 : i32
        %mul3A_46 = arith.muli %mul3A_45, %scan3A_44 : i32
        %add3A_47 = arith.constant 1 : i32
        %add3A_48 = arith.addi %mul3A_46, %add3A_47 : i32
        %add3A_49 = arith.addi %select_n3A, %add3A_48 : i32
        %mul3A_50 = arith.constant 2 : i32
        %mul3A_51 = arith.muli %add3A_49, %mul3A_50 : i32
        "tpu.region"() ({
          %run_scoped3A = tpu.sem_alloc : memref<!tpu.dma_semaphore, #tpu.memory_space<semaphore_mem>>
          %dma_start3A_106 = arith.constant 0 : i32
          %dma_start3A_107 = tpu.memref_slice %arg4[%mul3A_51, %dma_start3A_106] : memref<6272x512xi32, #tpu.memory_space<hbm>> -> memref<2x512xi32, #tpu.memory_space<hbm>>
          %dma_start3A_108 = arith.constant 0 : i32
          %dma_start3A_109 = tpu.memref_slice %arg4[%mul3A_51, %dma_start3A_108] : memref<6272x512xi32, #tpu.memory_space<hbm>> -> memref<2x512xi32, #tpu.memory_space<hbm>>
          tpu.enqueue_dma source(%dma_start3A_109 : memref<2x512xi32, #tpu.memory_space<hbm>>) target(%arg10 : memref<2x512xi32, #tpu.memory_space<vmem>>) target_semaphore(%run_scoped3A : memref<!tpu.dma_semaphore, #tpu.memory_space<semaphore_mem>>)
          %dma_wait3A_110 = arith.constant 0 : i32
          %dma_wait3A_111 = tpu.memref_slice %arg4[%mul3A_51, %dma_wait3A_110] : memref<6272x512xi32, #tpu.memory_space<hbm>> -> memref<2x512xi32, #tpu.memory_space<hbm>>
          %dma_wait3A_112 = arith.constant 0 : i32
          %dma_wait3A_113 = tpu.memref_slice %arg4[%mul3A_51, %dma_wait3A_112] : memref<6272x512xi32, #tpu.memory_space<hbm>> -> memref<2x512xi32, #tpu.memory_space<hbm>>
          tpu.wait_dma2 semaphore(%run_scoped3A : memref<!tpu.dma_semaphore, #tpu.memory_space<semaphore_mem>>) src(%dma_wait3A_113 : memref<2x512xi32, #tpu.memory_space<hbm>>) dst(%arg10 : memref<2x512xi32, #tpu.memory_space<vmem>>)
          tpu.yield
        }) : () -> ()
        %dma_start3A_52 = arith.constant 0 : i32
        %dma_start3A_53 = arith.constant 0 : i32
        %dma_start3A_54 = tpu.memref_slice %arg10[%dma_start3A_52, %dma_start3A_53] : memref<2x512xi32, #tpu.memory_space<vmem>> -> memref<1x512xi32, #tpu.memory_space<vmem>>
        %dma_start3A_55 = tpu.memref_squeeze %dma_start3A_54 : memref<1x512xi32, #tpu.memory_space<vmem>> -> memref<512xi32, #tpu.memory_space<vmem>>
        %dma_start3A_56 = arith.constant 0 : i32
        %dma_start3A_57 = arith.constant 0 : i32
        %dma_start3A_58 = tpu.memref_slice %arg3[%dma_start3A_56, %dma_start3A_57] : memref<100352x16xf32, #tpu.memory_space<hbm>> -> memref<100352x16xf32, #tpu.memory_space<hbm>>
        tpu.enqueue_indirect_dma source(%dma_start3A_58 : memref<100352x16xf32, #tpu.memory_space<hbm>>) target(%arg11 : memref<512x16xf32, #tpu.memory_space<vmem>>) offsets(%dma_start3A_55 : memref<512xi32, #tpu.memory_space<vmem>>) semaphore(%arg13 : memref<!tpu.dma_semaphore, #tpu.memory_space<semaphore_mem>>)
        %dma_wait3A = arith.constant 0 : i32
        %dma_wait3A_59 = arith.constant 0 : i32
        %dma_wait3A_60 = tpu.memref_slice %arg8[%dma_wait3A, %dma_wait3A_59] : memref<2x512xi32, #tpu.memory_space<vmem>> -> memref<1x512xi32, #tpu.memory_space<vmem>>
        %dma_wait3A_61 = tpu.memref_squeeze %dma_wait3A_60 : memref<1x512xi32, #tpu.memory_space<vmem>> -> memref<512xi32, #tpu.memory_space<vmem>>
        %dma_wait3A_62 = arith.constant 0 : i32
        %dma_wait3A_63 = arith.constant 0 : i32
        %dma_wait3A_64 = tpu.memref_slice %arg3[%dma_wait3A_62, %dma_wait3A_63] : memref<100352x16xf32, #tpu.memory_space<hbm>> -> memref<100352x16xf32, #tpu.memory_space<hbm>>
        tpu.wait_indirect_dma semaphore(%arg12 : memref<!tpu.dma_semaphore, #tpu.memory_space<semaphore_mem>>) src(%dma_wait3A_64 : memref<100352x16xf32, #tpu.memory_space<hbm>>) dst(%arg9 : memref<512x16xf32, #tpu.memory_space<vmem>>)
        %dma_start3A_65 = arith.constant 1 : i32
        %dma_start3A_66 = arith.constant 0 : i32
        %dma_start3A_67 = tpu.memref_slice %arg8[%dma_start3A_65, %dma_start3A_66] : memref<2x512xi32, #tpu.memory_space<vmem>> -> memref<1x512xi32, #tpu.memory_space<vmem>>
        %dma_start3A_68 = tpu.memref_squeeze %dma_start3A_67 : memref<1x512xi32, #tpu.memory_space<vmem>> -> memref<512xi32, #tpu.memory_space<vmem>>
        %dma_start3A_69 = arith.constant 0 : i32
        %dma_start3A_70 = arith.constant 0 : i32
        %dma_start3A_71 = tpu.memref_slice %arg7[%dma_start3A_69, %dma_start3A_70] : memref<100352x16xf32, #tpu.memory_space<vmem_shared>> -> memref<100352x16xf32, #tpu.memory_space<vmem_shared>>
        tpu.enqueue_indirect_dma source(%arg9 : memref<512x16xf32, #tpu.memory_space<vmem>>) target(%dma_start3A_71 : memref<100352x16xf32, #tpu.memory_space<vmem_shared>>) offsets(%dma_start3A_68 : memref<512xi32, #tpu.memory_space<vmem>>) semaphore(%arg14 : memref<!tpu.dma_semaphore, #tpu.memory_space<semaphore_mem>>) {add = true}
        %dma_wait3A_72 = arith.constant 1 : i32
        %dma_wait3A_73 = arith.constant 0 : i32
        %dma_wait3A_74 = tpu.memref_slice %arg8[%dma_wait3A_72, %dma_wait3A_73] : memref<2x512xi32, #tpu.memory_space<vmem>> -> memref<1x512xi32, #tpu.memory_space<vmem>>
        %dma_wait3A_75 = tpu.memref_squeeze %dma_wait3A_74 : memref<1x512xi32, #tpu.memory_space<vmem>> -> memref<512xi32, #tpu.memory_space<vmem>>
        %dma_wait3A_76 = arith.constant 0 : i32
        %dma_wait3A_77 = arith.constant 0 : i32
        %dma_wait3A_78 = tpu.memref_slice %arg7[%dma_wait3A_76, %dma_wait3A_77] : memref<100352x16xf32, #tpu.memory_space<vmem_shared>> -> memref<100352x16xf32, #tpu.memory_space<vmem_shared>>
        tpu.wait_indirect_dma semaphore(%arg14 : memref<!tpu.dma_semaphore, #tpu.memory_space<semaphore_mem>>) src(%arg9 : memref<512x16xf32, #tpu.memory_space<vmem>>) dst(%dma_wait3A_78 : memref<100352x16xf32, #tpu.memory_space<vmem_shared>>)
        %add3A_79 = arith.constant 1 : i32
        %add3A_80 = arith.addi %scan3A_44, %add3A_79 : i32
        %lt3A = arith.constant 98 : i32
        %lt3A_81 = arith.cmpi slt, %add3A_80, %lt3A : i32
        %convert_element_type3A_82 = arith.extui %lt3A_81 : i1 to i32
        %cond3A_83 = arith.constant 0 : i32
        %cond3A_84 = arith.cmpi ne, %convert_element_type3A_82, %cond3A_83 : i32
        scf.if %cond3A_84 {
          %add3A_106 = arith.constant 2 : i32
          %add3A_107 = arith.addi %mul3A_46, %add3A_106 : i32
          %add3A_108 = arith.addi %select_n3A, %add3A_107 : i32
          %mul3A_109 = arith.constant 2 : i32
          %mul3A_110 = arith.muli %add3A_108, %mul3A_109 : i32
          "tpu.region"() ({
            %run_scoped3A = tpu.sem_alloc : memref<!tpu.dma_semaphore, #tpu.memory_space<semaphore_mem>>
            %dma_start3A_118 = arith.constant 0 : i32
            %dma_start3A_119 = tpu.memref_slice %arg4[%mul3A_110, %dma_start3A_118] : memref<6272x512xi32, #tpu.memory_space<hbm>> -> memref<2x512xi32, #tpu.memory_space<hbm>>
            %dma_start3A_120 = arith.constant 0 : i32
            %dma_start3A_121 = tpu.memref_slice %arg4[%mul3A_110, %dma_start3A_120] : memref<6272x512xi32, #tpu.memory_space<hbm>> -> memref<2x512xi32, #tpu.memory_space<hbm>>
            tpu.enqueue_dma source(%dma_start3A_121 : memref<2x512xi32, #tpu.memory_space<hbm>>) target(%arg8 : memref<2x512xi32, #tpu.memory_space<vmem>>) target_semaphore(%run_scoped3A : memref<!tpu.dma_semaphore, #tpu.memory_space<semaphore_mem>>)
            %dma_wait3A_122 = arith.constant 0 : i32
            %dma_wait3A_123 = tpu.memref_slice %arg4[%mul3A_110, %dma_wait3A_122] : memref<6272x512xi32, #tpu.memory_space<hbm>> -> memref<2x512xi32, #tpu.memory_space<hbm>>
            %dma_wait3A_124 = arith.constant 0 : i32
            %dma_wait3A_125 = tpu.memref_slice %arg4[%mul3A_110, %dma_wait3A_124] : memref<6272x512xi32, #tpu.memory_space<hbm>> -> memref<2x512xi32, #tpu.memory_space<hbm>>
            tpu.wait_dma2 semaphore(%run_scoped3A : memref<!tpu.dma_semaphore, #tpu.memory_space<semaphore_mem>>) src(%dma_wait3A_125 : memref<2x512xi32, #tpu.memory_space<hbm>>) dst(%arg8 : memref<2x512xi32, #tpu.memory_space<vmem>>)
            tpu.yield
          }) : () -> ()
          %dma_start3A_111 = arith.constant 0 : i32
          %dma_start3A_112 = arith.constant 0 : i32
          %dma_start3A_113 = tpu.memref_slice %arg8[%dma_start3A_111, %dma_start3A_112] : memref<2x512xi32, #tpu.memory_space<vmem>> -> memref<1x512xi32, #tpu.memory_space<vmem>>
          %dma_start3A_114 = tpu.memref_squeeze %dma_start3A_113 : memref<1x512xi32, #tpu.memory_space<vmem>> -> memref<512xi32, #tpu.memory_space<vmem>>
          %dma_start3A_115 = arith.constant 0 : i32
          %dma_start3A_116 = arith.constant 0 : i32
          %dma_start3A_117 = tpu.memref_slice %arg3[%dma_start3A_115, %dma_start3A_116] : memref<100352x16xf32, #tpu.memory_space<hbm>> -> memref<100352x16xf32, #tpu.memory_space<hbm>>
          tpu.enqueue_indirect_dma source(%dma_start3A_117 : memref<100352x16xf32, #tpu.memory_space<hbm>>) target(%arg9 : memref<512x16xf32, #tpu.memory_space<vmem>>) offsets(%dma_start3A_114 : memref<512xi32, #tpu.memory_space<vmem>>) semaphore(%arg12 : memref<!tpu.dma_semaphore, #tpu.memory_space<semaphore_mem>>)
        } else {
        }
        %dma_wait3A_85 = arith.constant 0 : i32
        %dma_wait3A_86 = arith.constant 0 : i32
        %dma_wait3A_87 = tpu.memref_slice %arg10[%dma_wait3A_85, %dma_wait3A_86] : memref<2x512xi32, #tpu.memory_space<vmem>> -> memref<1x512xi32, #tpu.memory_space<vmem>>
        %dma_wait3A_88 = tpu.memref_squeeze %dma_wait3A_87 : memref<1x512xi32, #tpu.memory_space<vmem>> -> memref<512xi32, #tpu.memory_space<vmem>>
        %dma_wait3A_89 = arith.constant 0 : i32
        %dma_wait3A_90 = arith.constant 0 : i32
        %dma_wait3A_91 = tpu.memref_slice %arg3[%dma_wait3A_89, %dma_wait3A_90] : memref<100352x16xf32, #tpu.memory_space<hbm>> -> memref<100352x16xf32, #tpu.memory_space<hbm>>
        tpu.wait_indirect_dma semaphore(%arg13 : memref<!tpu.dma_semaphore, #tpu.memory_space<semaphore_mem>>) src(%dma_wait3A_91 : memref<100352x16xf32, #tpu.memory_space<hbm>>) dst(%arg11 : memref<512x16xf32, #tpu.memory_space<vmem>>)
        %dma_start3A_92 = arith.constant 1 : i32
        %dma_start3A_93 = arith.constant 0 : i32
        %dma_start3A_94 = tpu.memref_slice %arg10[%dma_start3A_92, %dma_start3A_93] : memref<2x512xi32, #tpu.memory_space<vmem>> -> memref<1x512xi32, #tpu.memory_space<vmem>>
        %dma_start3A_95 = tpu.memref_squeeze %dma_start3A_94 : memref<1x512xi32, #tpu.memory_space<vmem>> -> memref<512xi32, #tpu.memory_space<vmem>>
        %dma_start3A_96 = arith.constant 0 : i32
        %dma_start3A_97 = arith.constant 0 : i32
        %dma_start3A_98 = tpu.memref_slice %arg7[%dma_start3A_96, %dma_start3A_97] : memref<100352x16xf32, #tpu.memory_space<vmem_shared>> -> memref<100352x16xf32, #tpu.memory_space<vmem_shared>>
        tpu.enqueue_indirect_dma source(%arg11 : memref<512x16xf32, #tpu.memory_space<vmem>>) target(%dma_start3A_98 : memref<100352x16xf32, #tpu.memory_space<vmem_shared>>) offsets(%dma_start3A_95 : memref<512xi32, #tpu.memory_space<vmem>>) semaphore(%arg15 : memref<!tpu.dma_semaphore, #tpu.memory_space<semaphore_mem>>) {add = true}
        %dma_wait3A_99 = arith.constant 1 : i32
        %dma_wait3A_100 = arith.constant 0 : i32
        %dma_wait3A_101 = tpu.memref_slice %arg10[%dma_wait3A_99, %dma_wait3A_100] : memref<2x512xi32, #tpu.memory_space<vmem>> -> memref<1x512xi32, #tpu.memory_space<vmem>>
        %dma_wait3A_102 = tpu.memref_squeeze %dma_wait3A_101 : memref<1x512xi32, #tpu.memory_space<vmem>> -> memref<512xi32, #tpu.memory_space<vmem>>
        %dma_wait3A_103 = arith.constant 0 : i32
        %dma_wait3A_104 = arith.constant 0 : i32
        %dma_wait3A_105 = tpu.memref_slice %arg7[%dma_wait3A_103, %dma_wait3A_104] : memref<100352x16xf32, #tpu.memory_space<vmem_shared>> -> memref<100352x16xf32, #tpu.memory_space<vmem_shared>>
        tpu.wait_indirect_dma semaphore(%arg15 : memref<!tpu.dma_semaphore, #tpu.memory_space<semaphore_mem>>) src(%arg11 : memref<512x16xf32, #tpu.memory_space<vmem>>) dst(%dma_wait3A_105 : memref<100352x16xf32, #tpu.memory_space<vmem_shared>>)
      }
      %scan3A_42 = arith.constant 98 : i32
      %barrier3A_43 = arith.constant 0 : index
      tpu.barrier barrier_id(%barrier3A_43)
      "tpu.region"() ({
        %run_scoped3A = tpu.sem_alloc : memref<!tpu.dma_semaphore, #tpu.memory_space<semaphore_mem>>
        %dma_start3A_44 = arith.constant 0 : i32
        %dma_start3A_45 = tpu.memref_slice %arg6[%mul3A_2, %dma_start3A_44] : memref<100352x16xf32, #tpu.memory_space<hbm>> -> memref<6272x16xf32, #tpu.memory_space<hbm>>
        %dma_start3A_46 = arith.constant 0 : i32
        %dma_start3A_47 = tpu.memref_slice %arg7[%mul3A_2, %dma_start3A_46] : memref<100352x16xf32, #tpu.memory_space<vmem_shared>> -> memref<6272x16xf32, #tpu.memory_space<vmem_shared>>
        tpu.enqueue_dma source(%dma_start3A_47 : memref<6272x16xf32, #tpu.memory_space<vmem_shared>>) target(%dma_start3A_45 : memref<6272x16xf32, #tpu.memory_space<hbm>>) target_semaphore(%run_scoped3A : memref<!tpu.dma_semaphore, #tpu.memory_space<semaphore_mem>>)
        %dma_wait3A = arith.constant 0 : i32
        %dma_wait3A_48 = tpu.memref_slice %arg6[%mul3A_2, %dma_wait3A] : memref<100352x16xf32, #tpu.memory_space<hbm>> -> memref<6272x16xf32, #tpu.memory_space<hbm>>
        %dma_wait3A_49 = arith.constant 0 : i32
        %dma_wait3A_50 = tpu.memref_slice %arg7[%mul3A_2, %dma_wait3A_49] : memref<100352x16xf32, #tpu.memory_space<vmem_shared>> -> memref<6272x16xf32, #tpu.memory_space<vmem_shared>>
        tpu.wait_dma2 semaphore(%run_scoped3A : memref<!tpu.dma_semaphore, #tpu.memory_space<semaphore_mem>>) src(%dma_wait3A_50 : memref<6272x16xf32, #tpu.memory_space<vmem_shared>>) dst(%dma_wait3A_48 : memref<6272x16xf32, #tpu.memory_space<hbm>>)
        tpu.yield
      }) : () -> ()
    } else {
    }
    return
  }
}

#map = affine_map<(d0, d1) -> (0, 0)>
module attributes {stable_mosaic.version = 14 : i64} {
  func.func @body(%arg0: i32, %arg1: i32, %arg2: memref<100352x16xf32, #tpu.memory_space<hbm>>, %arg3: memref<100352x16xf32, #tpu.memory_space<hbm>>, %arg4: memref<6272x512xi32, #tpu.memory_space<hbm>>, %arg5: memref<100352x16xf32, #tpu.memory_space<hbm>>, %arg6: memref<100352x16xf32, #tpu.memory_space<hbm>>, %arg7: memref<100352x16xf32, #tpu.memory_space<vmem_shared>>, %arg8: memref<2x512xi32, #tpu.memory_space<vmem>>, %arg9: memref<512x16xf32, #tpu.memory_space<vmem>>, %arg10: memref<2x512xi32, #tpu.memory_space<vmem>>, %arg11: memref<512x16xf32, #tpu.memory_space<vmem>>, %arg12: memref<!tpu.dma_semaphore, #tpu.memory_space<semaphore_mem>>, %arg13: memref<!tpu.dma_semaphore, #tpu.memory_space<semaphore_mem>>, %arg14: memref<!tpu.dma_semaphore, #tpu.memory_space<semaphore_mem>>, %arg15: memref<!tpu.dma_semaphore, #tpu.memory_space<semaphore_mem>>) attributes {dimension_semantics = [#tpu.dimension_semantics<core_parallel>, #tpu.dimension_semantics<subcore_parallel>], iteration_bounds = array<i64: 2, 16>, scalar_prefetch = 0 : i64, scratch_operands = 9 : i64, tpu.core_type = #tpu.core_type<sc_vector_subcore>, window_params = [{transform_indices = #map}, {transform_indices = #map}, {transform_indices = #map}, {transform_indices = #map}, {transform_indices = #map}]} {
    %mul3A = arith.constant 2 : i32
    %mul3A_0 = arith.muli %arg1, %mul3A : i32
    %add3A = arith.addi %mul3A_0, %arg0 : i32
    %mul3A_1 = arith.constant 6272 : i32
    %mul3A_2 = arith.muli %arg1, %mul3A_1 : i32
    %eq3A = arith.constant 0 : i32
    %eq3A_3 = arith.cmpi eq, %arg0, %eq3A : i32
    %convert_element_type3A = arith.extui %eq3A_3 : i1 to i32
    %cond3A = arith.constant 0 : i32
    %cond3A_4 = arith.cmpi ne, %convert_element_type3A, %cond3A : i32
    scf.if %cond3A_4 {
      "tpu.region"() ({
        %run_scoped3A = tpu.sem_alloc : memref<!tpu.dma_semaphore, #tpu.memory_space<semaphore_mem>>
        %dma_start3A_44 = arith.constant 0 : i32
        %dma_start3A_45 = tpu.memref_slice %arg7[%mul3A_2, %dma_start3A_44] : memref<100352x16xf32, #tpu.memory_space<vmem_shared>> -> memref<6272x16xf32, #tpu.memory_space<vmem_shared>>
        %dma_start3A_46 = arith.constant 0 : i32
        %dma_start3A_47 = tpu.memref_slice %arg2[%mul3A_2, %dma_start3A_46] : memref<100352x16xf32, #tpu.memory_space<hbm>> -> memref<6272x16xf32, #tpu.memory_space<hbm>>
        tpu.enqueue_dma source(%dma_start3A_47 : memref<6272x16xf32, #tpu.memory_space<hbm>>) target(%dma_start3A_45 : memref<6272x16xf32, #tpu.memory_space<vmem_shared>>) target_semaphore(%run_scoped3A : memref<!tpu.dma_semaphore, #tpu.memory_space<semaphore_mem>>)
        %dma_wait3A = arith.constant 0 : i32
        %dma_wait3A_48 = tpu.memref_slice %arg7[%mul3A_2, %dma_wait3A] : memref<100352x16xf32, #tpu.memory_space<vmem_shared>> -> memref<6272x16xf32, #tpu.memory_space<vmem_shared>>
        %dma_wait3A_49 = arith.constant 0 : i32
        %dma_wait3A_50 = tpu.memref_slice %arg2[%mul3A_2, %dma_wait3A_49] : memref<100352x16xf32, #tpu.memory_space<hbm>> -> memref<6272x16xf32, #tpu.memory_space<hbm>>
        tpu.wait_dma2 semaphore(%run_scoped3A : memref<!tpu.dma_semaphore, #tpu.memory_space<semaphore_mem>>) src(%dma_wait3A_50 : memref<6272x16xf32, #tpu.memory_space<hbm>>) dst(%dma_wait3A_48 : memref<6272x16xf32, #tpu.memory_space<vmem_shared>>)
        tpu.yield
      }) : () -> ()
      %barrier3A = arith.constant 0 : index
      tpu.barrier barrier_id(%barrier3A)
      %mul3A_10 = arith.constant 392 : i32
      %mul3A_11 = arith.muli %add3A, %mul3A_10 : i32
      %jit3A = arith.constant 4 : i32
      %div3A = arith.divsi %mul3A_11, %jit3A : i32
      %sign3A = arith.constant 0 : i32
      %sign3A_12 = arith.cmpi sgt, %mul3A_11, %sign3A : i32
      %sign3A_13 = arith.extui %sign3A_12 : i1 to i32
      %sign3A_14 = arith.constant 0 : i32
      %sign3A_15 = arith.cmpi slt, %mul3A_11, %sign3A_14 : i32
      %sign3A_16 = arith.extui %sign3A_15 : i1 to i32
      %sign3A_17 = arith.subi %sign3A_13, %sign3A_16 : i32
      %sign3A_18 = arith.constant 0 : i32
      %sign3A_19 = arith.cmpi sgt, %jit3A, %sign3A_18 : i32
      %sign3A_20 = arith.extui %sign3A_19 : i1 to i32
      %sign3A_21 = arith.constant 0 : i32
      %sign3A_22 = arith.cmpi slt, %jit3A, %sign3A_21 : i32
      %sign3A_23 = arith.extui %sign3A_22 : i1 to i32
      %sign3A_24 = arith.subi %sign3A_20, %sign3A_23 : i32
      %ne3A = arith.cmpi ne, %sign3A_17, %sign3A_24 : i32
      %rem3A = arith.remsi %mul3A_11, %jit3A : i32
      %ne3A_25 = arith.constant 0 : i32
      %ne3A_26 = arith.cmpi ne, %rem3A, %ne3A_25 : i32
      %and3A = arith.andi %ne3A, %ne3A_26 : i1
      %sub3A = arith.constant 1 : i32
      %sub3A_27 = arith.subi %div3A, %sub3A : i32
      %select_n3A = arith.select %and3A, %sub3A_27, %div3A : i32
      %add3A_28 = arith.constant 0 : i32
      %add3A_29 = arith.addi %select_n3A, %add3A_28 : i32
      %mul3A_30 = arith.constant 2 : i32
      %mul3A_31 = arith.muli %add3A_29, %mul3A_30 : i32
      "tpu.region"() ({
        %run_scoped3A = tpu.sem_alloc : memref<!tpu.dma_semaphore, #tpu.memory_space<semaphore_mem>>
        %dma_start3A_44 = arith.constant 0 : i32
        %dma_start3A_45 = tpu.memref_slice %arg4[%mul3A_31, %dma_start3A_44] : memref<6272x512xi32, #tpu.memory_space<hbm>> -> memref<2x512xi32, #tpu.memory_space<hbm>>
        %dma_start3A_46 = arith.constant 0 : i32
        %dma_start3A_47 = tpu.memref_slice %arg4[%mul3A_31, %dma_start3A_46] : memref<6272x512xi32, #tpu.memory_space<hbm>> -> memref<2x512xi32, #tpu.memory_space<hbm>>
        tpu.enqueue_dma source(%dma_start3A_47 : memref<2x512xi32, #tpu.memory_space<hbm>>) target(%arg8 : memref<2x512xi32, #tpu.memory_space<vmem>>) target_semaphore(%run_scoped3A : memref<!tpu.dma_semaphore, #tpu.memory_space<semaphore_mem>>)
        %dma_wait3A = arith.constant 0 : i32
        %dma_wait3A_48 = tpu.memref_slice %arg4[%mul3A_31, %dma_wait3A] : memref<6272x512xi32, #tpu.memory_space<hbm>> -> memref<2x512xi32, #tpu.memory_space<hbm>>
        %dma_wait3A_49 = arith.constant 0 : i32
        %dma_wait3A_50 = tpu.memref_slice %arg4[%mul3A_31, %dma_wait3A_49] : memref<6272x512xi32, #tpu.memory_space<hbm>> -> memref<2x512xi32, #tpu.memory_space<hbm>>
        tpu.wait_dma2 semaphore(%run_scoped3A : memref<!tpu.dma_semaphore, #tpu.memory_space<semaphore_mem>>) src(%dma_wait3A_50 : memref<2x512xi32, #tpu.memory_space<hbm>>) dst(%arg8 : memref<2x512xi32, #tpu.memory_space<vmem>>)
        tpu.yield
      }) : () -> ()
      %dma_start3A = arith.constant 0 : i32
      %dma_start3A_32 = arith.constant 0 : i32
      %dma_start3A_33 = tpu.memref_slice %arg8[%dma_start3A, %dma_start3A_32] : memref<2x512xi32, #tpu.memory_space<vmem>> -> memref<1x512xi32, #tpu.memory_space<vmem>>
      %dma_start3A_34 = tpu.memref_squeeze %dma_start3A_33 : memref<1x512xi32, #tpu.memory_space<vmem>> -> memref<512xi32, #tpu.memory_space<vmem>>
      %dma_start3A_35 = arith.constant 0 : i32
      %dma_start3A_36 = arith.constant 0 : i32
      %dma_start3A_37 = tpu.memref_slice %arg2[%dma_start3A_35, %dma_start3A_36] : memref<100352x16xf32, #tpu.memory_space<hbm>> -> memref<100352x16xf32, #tpu.memory_space<hbm>>
      tpu.enqueue_indirect_dma source(%dma_start3A_37 : memref<100352x16xf32, #tpu.memory_space<hbm>>) target(%arg9 : memref<512x16xf32, #tpu.memory_space<vmem>>) offsets(%dma_start3A_34 : memref<512xi32, #tpu.memory_space<vmem>>) semaphore(%arg12 : memref<!tpu.dma_semaphore, #tpu.memory_space<semaphore_mem>>)
      %scan3A = arith.constant 0 : i32
      %scan3A_38 = arith.constant 0 : i32
      %scan3A_39 = arith.constant 49 : i32
      %scan3A_40 = arith.addi %scan3A_38, %scan3A_39 : i32
      %scan3A_41 = arith.constant 1 : i32
      scf.for %scan3A_44 = %scan3A_38 to %scan3A_40 step %scan3A_41  : i32 {
        %mul3A_45 = arith.constant 2 : i32
        %mul3A_46 = arith.muli %mul3A_45, %scan3A_44 : i32
        %add3A_47 = arith.constant 1 : i32
        %add3A_48 = arith.addi %mul3A_46, %add3A_47 : i32
        %add3A_49 = arith.addi %select_n3A, %add3A_48 : i32
        %mul3A_50 = arith.constant 2 : i32
        %mul3A_51 = arith.muli %add3A_49, %mul3A_50 : i32
        "tpu.region"() ({
          %run_scoped3A = tpu.sem_alloc : memref<!tpu.dma_semaphore, #tpu.memory_space<semaphore_mem>>
          %dma_start3A_106 = arith.constant 0 : i32
          %dma_start3A_107 = tpu.memref_slice %arg4[%mul3A_51, %dma_start3A_106] : memref<6272x512xi32, #tpu.memory_space<hbm>> -> memref<2x512xi32, #tpu.memory_space<hbm>>
          %dma_start3A_108 = arith.constant 0 : i32
          %dma_start3A_109 = tpu.memref_slice %arg4[%mul3A_51, %dma_start3A_108] : memref<6272x512xi32, #tpu.memory_space<hbm>> -> memref<2x512xi32, #tpu.memory_space<hbm>>
          tpu.enqueue_dma source(%dma_start3A_109 : memref<2x512xi32, #tpu.memory_space<hbm>>) target(%arg10 : memref<2x512xi32, #tpu.memory_space<vmem>>) target_semaphore(%run_scoped3A : memref<!tpu.dma_semaphore, #tpu.memory_space<semaphore_mem>>)
          %dma_wait3A_110 = arith.constant 0 : i32
          %dma_wait3A_111 = tpu.memref_slice %arg4[%mul3A_51, %dma_wait3A_110] : memref<6272x512xi32, #tpu.memory_space<hbm>> -> memref<2x512xi32, #tpu.memory_space<hbm>>
          %dma_wait3A_112 = arith.constant 0 : i32
          %dma_wait3A_113 = tpu.memref_slice %arg4[%mul3A_51, %dma_wait3A_112] : memref<6272x512xi32, #tpu.memory_space<hbm>> -> memref<2x512xi32, #tpu.memory_space<hbm>>
          tpu.wait_dma2 semaphore(%run_scoped3A : memref<!tpu.dma_semaphore, #tpu.memory_space<semaphore_mem>>) src(%dma_wait3A_113 : memref<2x512xi32, #tpu.memory_space<hbm>>) dst(%arg10 : memref<2x512xi32, #tpu.memory_space<vmem>>)
          tpu.yield
        }) : () -> ()
        %dma_start3A_52 = arith.constant 0 : i32
        %dma_start3A_53 = arith.constant 0 : i32
        %dma_start3A_54 = tpu.memref_slice %arg10[%dma_start3A_52, %dma_start3A_53] : memref<2x512xi32, #tpu.memory_space<vmem>> -> memref<1x512xi32, #tpu.memory_space<vmem>>
        %dma_start3A_55 = tpu.memref_squeeze %dma_start3A_54 : memref<1x512xi32, #tpu.memory_space<vmem>> -> memref<512xi32, #tpu.memory_space<vmem>>
        %dma_start3A_56 = arith.constant 0 : i32
        %dma_start3A_57 = arith.constant 0 : i32
        %dma_start3A_58 = tpu.memref_slice %arg2[%dma_start3A_56, %dma_start3A_57] : memref<100352x16xf32, #tpu.memory_space<hbm>> -> memref<100352x16xf32, #tpu.memory_space<hbm>>
        tpu.enqueue_indirect_dma source(%dma_start3A_58 : memref<100352x16xf32, #tpu.memory_space<hbm>>) target(%arg11 : memref<512x16xf32, #tpu.memory_space<vmem>>) offsets(%dma_start3A_55 : memref<512xi32, #tpu.memory_space<vmem>>) semaphore(%arg13 : memref<!tpu.dma_semaphore, #tpu.memory_space<semaphore_mem>>)
        %dma_wait3A = arith.constant 0 : i32
        %dma_wait3A_59 = arith.constant 0 : i32
        %dma_wait3A_60 = tpu.memref_slice %arg8[%dma_wait3A, %dma_wait3A_59] : memref<2x512xi32, #tpu.memory_space<vmem>> -> memref<1x512xi32, #tpu.memory_space<vmem>>
        %dma_wait3A_61 = tpu.memref_squeeze %dma_wait3A_60 : memref<1x512xi32, #tpu.memory_space<vmem>> -> memref<512xi32, #tpu.memory_space<vmem>>
        %dma_wait3A_62 = arith.constant 0 : i32
        %dma_wait3A_63 = arith.constant 0 : i32
        %dma_wait3A_64 = tpu.memref_slice %arg2[%dma_wait3A_62, %dma_wait3A_63] : memref<100352x16xf32, #tpu.memory_space<hbm>> -> memref<100352x16xf32, #tpu.memory_space<hbm>>
        tpu.wait_indirect_dma semaphore(%arg12 : memref<!tpu.dma_semaphore, #tpu.memory_space<semaphore_mem>>) src(%dma_wait3A_64 : memref<100352x16xf32, #tpu.memory_space<hbm>>) dst(%arg9 : memref<512x16xf32, #tpu.memory_space<vmem>>)
        %dma_start3A_65 = arith.constant 1 : i32
        %dma_start3A_66 = arith.constant 0 : i32
        %dma_start3A_67 = tpu.memref_slice %arg8[%dma_start3A_65, %dma_start3A_66] : memref<2x512xi32, #tpu.memory_space<vmem>> -> memref<1x512xi32, #tpu.memory_space<vmem>>
        %dma_start3A_68 = tpu.memref_squeeze %dma_start3A_67 : memref<1x512xi32, #tpu.memory_space<vmem>> -> memref<512xi32, #tpu.memory_space<vmem>>
        %dma_start3A_69 = arith.constant 0 : i32
        %dma_start3A_70 = arith.constant 0 : i32
        %dma_start3A_71 = tpu.memref_slice %arg7[%dma_start3A_69, %dma_start3A_70] : memref<100352x16xf32, #tpu.memory_space<vmem_shared>> -> memref<100352x16xf32, #tpu.memory_space<vmem_shared>>
        tpu.enqueue_indirect_dma source(%arg9 : memref<512x16xf32, #tpu.memory_space<vmem>>) target(%dma_start3A_71 : memref<100352x16xf32, #tpu.memory_space<vmem_shared>>) offsets(%dma_start3A_68 : memref<512xi32, #tpu.memory_space<vmem>>) semaphore(%arg14 : memref<!tpu.dma_semaphore, #tpu.memory_space<semaphore_mem>>) {add = true}
        %dma_wait3A_72 = arith.constant 1 : i32
        %dma_wait3A_73 = arith.constant 0 : i32
        %dma_wait3A_74 = tpu.memref_slice %arg8[%dma_wait3A_72, %dma_wait3A_73] : memref<2x512xi32, #tpu.memory_space<vmem>> -> memref<1x512xi32, #tpu.memory_space<vmem>>
        %dma_wait3A_75 = tpu.memref_squeeze %dma_wait3A_74 : memref<1x512xi32, #tpu.memory_space<vmem>> -> memref<512xi32, #tpu.memory_space<vmem>>
        %dma_wait3A_76 = arith.constant 0 : i32
        %dma_wait3A_77 = arith.constant 0 : i32
        %dma_wait3A_78 = tpu.memref_slice %arg7[%dma_wait3A_76, %dma_wait3A_77] : memref<100352x16xf32, #tpu.memory_space<vmem_shared>> -> memref<100352x16xf32, #tpu.memory_space<vmem_shared>>
        tpu.wait_indirect_dma semaphore(%arg14 : memref<!tpu.dma_semaphore, #tpu.memory_space<semaphore_mem>>) src(%arg9 : memref<512x16xf32, #tpu.memory_space<vmem>>) dst(%dma_wait3A_78 : memref<100352x16xf32, #tpu.memory_space<vmem_shared>>)
        %add3A_79 = arith.constant 1 : i32
        %add3A_80 = arith.addi %scan3A_44, %add3A_79 : i32
        %lt3A = arith.constant 49 : i32
        %lt3A_81 = arith.cmpi slt, %add3A_80, %lt3A : i32
        %convert_element_type3A_82 = arith.extui %lt3A_81 : i1 to i32
        %cond3A_83 = arith.constant 0 : i32
        %cond3A_84 = arith.cmpi ne, %convert_element_type3A_82, %cond3A_83 : i32
        scf.if %cond3A_84 {
          %add3A_106 = arith.constant 2 : i32
          %add3A_107 = arith.addi %mul3A_46, %add3A_106 : i32
          %add3A_108 = arith.addi %select_n3A, %add3A_107 : i32
          %mul3A_109 = arith.constant 2 : i32
          %mul3A_110 = arith.muli %add3A_108, %mul3A_109 : i32
          "tpu.region"() ({
            %run_scoped3A = tpu.sem_alloc : memref<!tpu.dma_semaphore, #tpu.memory_space<semaphore_mem>>
            %dma_start3A_118 = arith.constant 0 : i32
            %dma_start3A_119 = tpu.memref_slice %arg4[%mul3A_110, %dma_start3A_118] : memref<6272x512xi32, #tpu.memory_space<hbm>> -> memref<2x512xi32, #tpu.memory_space<hbm>>
            %dma_start3A_120 = arith.constant 0 : i32
            %dma_start3A_121 = tpu.memref_slice %arg4[%mul3A_110, %dma_start3A_120] : memref<6272x512xi32, #tpu.memory_space<hbm>> -> memref<2x512xi32, #tpu.memory_space<hbm>>
            tpu.enqueue_dma source(%dma_start3A_121 : memref<2x512xi32, #tpu.memory_space<hbm>>) target(%arg8 : memref<2x512xi32, #tpu.memory_space<vmem>>) target_semaphore(%run_scoped3A : memref<!tpu.dma_semaphore, #tpu.memory_space<semaphore_mem>>)
            %dma_wait3A_122 = arith.constant 0 : i32
            %dma_wait3A_123 = tpu.memref_slice %arg4[%mul3A_110, %dma_wait3A_122] : memref<6272x512xi32, #tpu.memory_space<hbm>> -> memref<2x512xi32, #tpu.memory_space<hbm>>
            %dma_wait3A_124 = arith.constant 0 : i32
            %dma_wait3A_125 = tpu.memref_slice %arg4[%mul3A_110, %dma_wait3A_124] : memref<6272x512xi32, #tpu.memory_space<hbm>> -> memref<2x512xi32, #tpu.memory_space<hbm>>
            tpu.wait_dma2 semaphore(%run_scoped3A : memref<!tpu.dma_semaphore, #tpu.memory_space<semaphore_mem>>) src(%dma_wait3A_125 : memref<2x512xi32, #tpu.memory_space<hbm>>) dst(%arg8 : memref<2x512xi32, #tpu.memory_space<vmem>>)
            tpu.yield
          }) : () -> ()
          %dma_start3A_111 = arith.constant 0 : i32
          %dma_start3A_112 = arith.constant 0 : i32
          %dma_start3A_113 = tpu.memref_slice %arg8[%dma_start3A_111, %dma_start3A_112] : memref<2x512xi32, #tpu.memory_space<vmem>> -> memref<1x512xi32, #tpu.memory_space<vmem>>
          %dma_start3A_114 = tpu.memref_squeeze %dma_start3A_113 : memref<1x512xi32, #tpu.memory_space<vmem>> -> memref<512xi32, #tpu.memory_space<vmem>>
          %dma_start3A_115 = arith.constant 0 : i32
          %dma_start3A_116 = arith.constant 0 : i32
          %dma_start3A_117 = tpu.memref_slice %arg2[%dma_start3A_115, %dma_start3A_116] : memref<100352x16xf32, #tpu.memory_space<hbm>> -> memref<100352x16xf32, #tpu.memory_space<hbm>>
          tpu.enqueue_indirect_dma source(%dma_start3A_117 : memref<100352x16xf32, #tpu.memory_space<hbm>>) target(%arg9 : memref<512x16xf32, #tpu.memory_space<vmem>>) offsets(%dma_start3A_114 : memref<512xi32, #tpu.memory_space<vmem>>) semaphore(%arg12 : memref<!tpu.dma_semaphore, #tpu.memory_space<semaphore_mem>>)
        } else {
        }
        %dma_wait3A_85 = arith.constant 0 : i32
        %dma_wait3A_86 = arith.constant 0 : i32
        %dma_wait3A_87 = tpu.memref_slice %arg10[%dma_wait3A_85, %dma_wait3A_86] : memref<2x512xi32, #tpu.memory_space<vmem>> -> memref<1x512xi32, #tpu.memory_space<vmem>>
        %dma_wait3A_88 = tpu.memref_squeeze %dma_wait3A_87 : memref<1x512xi32, #tpu.memory_space<vmem>> -> memref<512xi32, #tpu.memory_space<vmem>>
        %dma_wait3A_89 = arith.constant 0 : i32
        %dma_wait3A_90 = arith.constant 0 : i32
        %dma_wait3A_91 = tpu.memref_slice %arg2[%dma_wait3A_89, %dma_wait3A_90] : memref<100352x16xf32, #tpu.memory_space<hbm>> -> memref<100352x16xf32, #tpu.memory_space<hbm>>
        tpu.wait_indirect_dma semaphore(%arg13 : memref<!tpu.dma_semaphore, #tpu.memory_space<semaphore_mem>>) src(%dma_wait3A_91 : memref<100352x16xf32, #tpu.memory_space<hbm>>) dst(%arg11 : memref<512x16xf32, #tpu.memory_space<vmem>>)
        %dma_start3A_92 = arith.constant 1 : i32
        %dma_start3A_93 = arith.constant 0 : i32
        %dma_start3A_94 = tpu.memref_slice %arg10[%dma_start3A_92, %dma_start3A_93] : memref<2x512xi32, #tpu.memory_space<vmem>> -> memref<1x512xi32, #tpu.memory_space<vmem>>
        %dma_start3A_95 = tpu.memref_squeeze %dma_start3A_94 : memref<1x512xi32, #tpu.memory_space<vmem>> -> memref<512xi32, #tpu.memory_space<vmem>>
        %dma_start3A_96 = arith.constant 0 : i32
        %dma_start3A_97 = arith.constant 0 : i32
        %dma_start3A_98 = tpu.memref_slice %arg7[%dma_start3A_96, %dma_start3A_97] : memref<100352x16xf32, #tpu.memory_space<vmem_shared>> -> memref<100352x16xf32, #tpu.memory_space<vmem_shared>>
        tpu.enqueue_indirect_dma source(%arg11 : memref<512x16xf32, #tpu.memory_space<vmem>>) target(%dma_start3A_98 : memref<100352x16xf32, #tpu.memory_space<vmem_shared>>) offsets(%dma_start3A_95 : memref<512xi32, #tpu.memory_space<vmem>>) semaphore(%arg15 : memref<!tpu.dma_semaphore, #tpu.memory_space<semaphore_mem>>) {add = true}
        %dma_wait3A_99 = arith.constant 1 : i32
        %dma_wait3A_100 = arith.constant 0 : i32
        %dma_wait3A_101 = tpu.memref_slice %arg10[%dma_wait3A_99, %dma_wait3A_100] : memref<2x512xi32, #tpu.memory_space<vmem>> -> memref<1x512xi32, #tpu.memory_space<vmem>>
        %dma_wait3A_102 = tpu.memref_squeeze %dma_wait3A_101 : memref<1x512xi32, #tpu.memory_space<vmem>> -> memref<512xi32, #tpu.memory_space<vmem>>
        %dma_wait3A_103 = arith.constant 0 : i32
        %dma_wait3A_104 = arith.constant 0 : i32
        %dma_wait3A_105 = tpu.memref_slice %arg7[%dma_wait3A_103, %dma_wait3A_104] : memref<100352x16xf32, #tpu.memory_space<vmem_shared>> -> memref<100352x16xf32, #tpu.memory_space<vmem_shared>>
        tpu.wait_indirect_dma semaphore(%arg15 : memref<!tpu.dma_semaphore, #tpu.memory_space<semaphore_mem>>) src(%arg11 : memref<512x16xf32, #tpu.memory_space<vmem>>) dst(%dma_wait3A_105 : memref<100352x16xf32, #tpu.memory_space<vmem_shared>>)
      }
      %scan3A_42 = arith.constant 49 : i32
      %barrier3A_43 = arith.constant 0 : index
      tpu.barrier barrier_id(%barrier3A_43)
      "tpu.region"() ({
        %run_scoped3A = tpu.sem_alloc : memref<!tpu.dma_semaphore, #tpu.memory_space<semaphore_mem>>
        %dma_start3A_44 = arith.constant 0 : i32
        %dma_start3A_45 = tpu.memref_slice %arg5[%mul3A_2, %dma_start3A_44] : memref<100352x16xf32, #tpu.memory_space<hbm>> -> memref<6272x16xf32, #tpu.memory_space<hbm>>
        %dma_start3A_46 = arith.constant 0 : i32
        %dma_start3A_47 = tpu.memref_slice %arg7[%mul3A_2, %dma_start3A_46] : memref<100352x16xf32, #tpu.memory_space<vmem_shared>> -> memref<6272x16xf32, #tpu.memory_space<vmem_shared>>
        tpu.enqueue_dma source(%dma_start3A_47 : memref<6272x16xf32, #tpu.memory_space<vmem_shared>>) target(%dma_start3A_45 : memref<6272x16xf32, #tpu.memory_space<hbm>>) target_semaphore(%run_scoped3A : memref<!tpu.dma_semaphore, #tpu.memory_space<semaphore_mem>>)
        %dma_wait3A = arith.constant 0 : i32
        %dma_wait3A_48 = tpu.memref_slice %arg5[%mul3A_2, %dma_wait3A] : memref<100352x16xf32, #tpu.memory_space<hbm>> -> memref<6272x16xf32, #tpu.memory_space<hbm>>
        %dma_wait3A_49 = arith.constant 0 : i32
        %dma_wait3A_50 = tpu.memref_slice %arg7[%mul3A_2, %dma_wait3A_49] : memref<100352x16xf32, #tpu.memory_space<vmem_shared>> -> memref<6272x16xf32, #tpu.memory_space<vmem_shared>>
        tpu.wait_dma2 semaphore(%run_scoped3A : memref<!tpu.dma_semaphore, #tpu.memory_space<semaphore_mem>>) src(%dma_wait3A_50 : memref<6272x16xf32, #tpu.memory_space<vmem_shared>>) dst(%dma_wait3A_48 : memref<6272x16xf32, #tpu.memory_space<hbm>>)
        tpu.yield
      }) : () -> ()
    } else {
    }
    %eq3A_5 = arith.constant 1 : i32
    %eq3A_6 = arith.cmpi eq, %arg0, %eq3A_5 : i32
    %convert_element_type3A_7 = arith.extui %eq3A_6 : i1 to i32
    %cond3A_8 = arith.constant 0 : i32
    %cond3A_9 = arith.cmpi ne, %convert_element_type3A_7, %cond3A_8 : i32
    scf.if %cond3A_9 {
      "tpu.region"() ({
        %run_scoped3A = tpu.sem_alloc : memref<!tpu.dma_semaphore, #tpu.memory_space<semaphore_mem>>
        %dma_start3A_44 = arith.constant 0 : i32
        %dma_start3A_45 = tpu.memref_slice %arg7[%mul3A_2, %dma_start3A_44] : memref<100352x16xf32, #tpu.memory_space<vmem_shared>> -> memref<6272x16xf32, #tpu.memory_space<vmem_shared>>
        %dma_start3A_46 = arith.constant 0 : i32
        %dma_start3A_47 = tpu.memref_slice %arg3[%mul3A_2, %dma_start3A_46] : memref<100352x16xf32, #tpu.memory_space<hbm>> -> memref<6272x16xf32, #tpu.memory_space<hbm>>
        tpu.enqueue_dma source(%dma_start3A_47 : memref<6272x16xf32, #tpu.memory_space<hbm>>) target(%dma_start3A_45 : memref<6272x16xf32, #tpu.memory_space<vmem_shared>>) target_semaphore(%run_scoped3A : memref<!tpu.dma_semaphore, #tpu.memory_space<semaphore_mem>>)
        %dma_wait3A = arith.constant 0 : i32
        %dma_wait3A_48 = tpu.memref_slice %arg7[%mul3A_2, %dma_wait3A] : memref<100352x16xf32, #tpu.memory_space<vmem_shared>> -> memref<6272x16xf32, #tpu.memory_space<vmem_shared>>
        %dma_wait3A_49 = arith.constant 0 : i32
        %dma_wait3A_50 = tpu.memref_slice %arg3[%mul3A_2, %dma_wait3A_49] : memref<100352x16xf32, #tpu.memory_space<hbm>> -> memref<6272x16xf32, #tpu.memory_space<hbm>>
        tpu.wait_dma2 semaphore(%run_scoped3A : memref<!tpu.dma_semaphore, #tpu.memory_space<semaphore_mem>>) src(%dma_wait3A_50 : memref<6272x16xf32, #tpu.memory_space<hbm>>) dst(%dma_wait3A_48 : memref<6272x16xf32, #tpu.memory_space<vmem_shared>>)
        tpu.yield
      }) : () -> ()
      %barrier3A = arith.constant 0 : index
      tpu.barrier barrier_id(%barrier3A)
      %mul3A_10 = arith.constant 392 : i32
      %mul3A_11 = arith.muli %add3A, %mul3A_10 : i32
      %jit3A = arith.constant 4 : i32
      %div3A = arith.divsi %mul3A_11, %jit3A : i32
      %sign3A = arith.constant 0 : i32
      %sign3A_12 = arith.cmpi sgt, %mul3A_11, %sign3A : i32
      %sign3A_13 = arith.extui %sign3A_12 : i1 to i32
      %sign3A_14 = arith.constant 0 : i32
      %sign3A_15 = arith.cmpi slt, %mul3A_11, %sign3A_14 : i32
      %sign3A_16 = arith.extui %sign3A_15 : i1 to i32
      %sign3A_17 = arith.subi %sign3A_13, %sign3A_16 : i32
      %sign3A_18 = arith.constant 0 : i32
      %sign3A_19 = arith.cmpi sgt, %jit3A, %sign3A_18 : i32
      %sign3A_20 = arith.extui %sign3A_19 : i1 to i32
      %sign3A_21 = arith.constant 0 : i32
      %sign3A_22 = arith.cmpi slt, %jit3A, %sign3A_21 : i32
      %sign3A_23 = arith.extui %sign3A_22 : i1 to i32
      %sign3A_24 = arith.subi %sign3A_20, %sign3A_23 : i32
      %ne3A = arith.cmpi ne, %sign3A_17, %sign3A_24 : i32
      %rem3A = arith.remsi %mul3A_11, %jit3A : i32
      %ne3A_25 = arith.constant 0 : i32
      %ne3A_26 = arith.cmpi ne, %rem3A, %ne3A_25 : i32
      %and3A = arith.andi %ne3A, %ne3A_26 : i1
      %sub3A = arith.constant 1 : i32
      %sub3A_27 = arith.subi %div3A, %sub3A : i32
      %select_n3A = arith.select %and3A, %sub3A_27, %div3A : i32
      %add3A_28 = arith.constant 0 : i32
      %add3A_29 = arith.addi %select_n3A, %add3A_28 : i32
      %mul3A_30 = arith.constant 2 : i32
      %mul3A_31 = arith.muli %add3A_29, %mul3A_30 : i32
      "tpu.region"() ({
        %run_scoped3A = tpu.sem_alloc : memref<!tpu.dma_semaphore, #tpu.memory_space<semaphore_mem>>
        %dma_start3A_44 = arith.constant 0 : i32
        %dma_start3A_45 = tpu.memref_slice %arg4[%mul3A_31, %dma_start3A_44] : memref<6272x512xi32, #tpu.memory_space<hbm>> -> memref<2x512xi32, #tpu.memory_space<hbm>>
        %dma_start3A_46 = arith.constant 0 : i32
        %dma_start3A_47 = tpu.memref_slice %arg4[%mul3A_31, %dma_start3A_46] : memref<6272x512xi32, #tpu.memory_space<hbm>> -> memref<2x512xi32, #tpu.memory_space<hbm>>
        tpu.enqueue_dma source(%dma_start3A_47 : memref<2x512xi32, #tpu.memory_space<hbm>>) target(%arg8 : memref<2x512xi32, #tpu.memory_space<vmem>>) target_semaphore(%run_scoped3A : memref<!tpu.dma_semaphore, #tpu.memory_space<semaphore_mem>>)
        %dma_wait3A = arith.constant 0 : i32
        %dma_wait3A_48 = tpu.memref_slice %arg4[%mul3A_31, %dma_wait3A] : memref<6272x512xi32, #tpu.memory_space<hbm>> -> memref<2x512xi32, #tpu.memory_space<hbm>>
        %dma_wait3A_49 = arith.constant 0 : i32
        %dma_wait3A_50 = tpu.memref_slice %arg4[%mul3A_31, %dma_wait3A_49] : memref<6272x512xi32, #tpu.memory_space<hbm>> -> memref<2x512xi32, #tpu.memory_space<hbm>>
        tpu.wait_dma2 semaphore(%run_scoped3A : memref<!tpu.dma_semaphore, #tpu.memory_space<semaphore_mem>>) src(%dma_wait3A_50 : memref<2x512xi32, #tpu.memory_space<hbm>>) dst(%arg8 : memref<2x512xi32, #tpu.memory_space<vmem>>)
        tpu.yield
      }) : () -> ()
      %dma_start3A = arith.constant 0 : i32
      %dma_start3A_32 = arith.constant 0 : i32
      %dma_start3A_33 = tpu.memref_slice %arg8[%dma_start3A, %dma_start3A_32] : memref<2x512xi32, #tpu.memory_space<vmem>> -> memref<1x512xi32, #tpu.memory_space<vmem>>
      %dma_start3A_34 = tpu.memref_squeeze %dma_start3A_33 : memref<1x512xi32, #tpu.memory_space<vmem>> -> memref<512xi32, #tpu.memory_space<vmem>>
      %dma_start3A_35 = arith.constant 0 : i32
      %dma_start3A_36 = arith.constant 0 : i32
      %dma_start3A_37 = tpu.memref_slice %arg3[%dma_start3A_35, %dma_start3A_36] : memref<100352x16xf32, #tpu.memory_space<hbm>> -> memref<100352x16xf32, #tpu.memory_space<hbm>>
      tpu.enqueue_indirect_dma source(%dma_start3A_37 : memref<100352x16xf32, #tpu.memory_space<hbm>>) target(%arg9 : memref<512x16xf32, #tpu.memory_space<vmem>>) offsets(%dma_start3A_34 : memref<512xi32, #tpu.memory_space<vmem>>) semaphore(%arg12 : memref<!tpu.dma_semaphore, #tpu.memory_space<semaphore_mem>>)
      %scan3A = arith.constant 0 : i32
      %scan3A_38 = arith.constant 0 : i32
      %scan3A_39 = arith.constant 49 : i32
      %scan3A_40 = arith.addi %scan3A_38, %scan3A_39 : i32
      %scan3A_41 = arith.constant 1 : i32
      scf.for %scan3A_44 = %scan3A_38 to %scan3A_40 step %scan3A_41  : i32 {
        %mul3A_45 = arith.constant 2 : i32
        %mul3A_46 = arith.muli %mul3A_45, %scan3A_44 : i32
        %add3A_47 = arith.constant 1 : i32
        %add3A_48 = arith.addi %mul3A_46, %add3A_47 : i32
        %add3A_49 = arith.addi %select_n3A, %add3A_48 : i32
        %mul3A_50 = arith.constant 2 : i32
        %mul3A_51 = arith.muli %add3A_49, %mul3A_50 : i32
        "tpu.region"() ({
          %run_scoped3A = tpu.sem_alloc : memref<!tpu.dma_semaphore, #tpu.memory_space<semaphore_mem>>
          %dma_start3A_106 = arith.constant 0 : i32
          %dma_start3A_107 = tpu.memref_slice %arg4[%mul3A_51, %dma_start3A_106] : memref<6272x512xi32, #tpu.memory_space<hbm>> -> memref<2x512xi32, #tpu.memory_space<hbm>>
          %dma_start3A_108 = arith.constant 0 : i32
          %dma_start3A_109 = tpu.memref_slice %arg4[%mul3A_51, %dma_start3A_108] : memref<6272x512xi32, #tpu.memory_space<hbm>> -> memref<2x512xi32, #tpu.memory_space<hbm>>
          tpu.enqueue_dma source(%dma_start3A_109 : memref<2x512xi32, #tpu.memory_space<hbm>>) target(%arg10 : memref<2x512xi32, #tpu.memory_space<vmem>>) target_semaphore(%run_scoped3A : memref<!tpu.dma_semaphore, #tpu.memory_space<semaphore_mem>>)
          %dma_wait3A_110 = arith.constant 0 : i32
          %dma_wait3A_111 = tpu.memref_slice %arg4[%mul3A_51, %dma_wait3A_110] : memref<6272x512xi32, #tpu.memory_space<hbm>> -> memref<2x512xi32, #tpu.memory_space<hbm>>
          %dma_wait3A_112 = arith.constant 0 : i32
          %dma_wait3A_113 = tpu.memref_slice %arg4[%mul3A_51, %dma_wait3A_112] : memref<6272x512xi32, #tpu.memory_space<hbm>> -> memref<2x512xi32, #tpu.memory_space<hbm>>
          tpu.wait_dma2 semaphore(%run_scoped3A : memref<!tpu.dma_semaphore, #tpu.memory_space<semaphore_mem>>) src(%dma_wait3A_113 : memref<2x512xi32, #tpu.memory_space<hbm>>) dst(%arg10 : memref<2x512xi32, #tpu.memory_space<vmem>>)
          tpu.yield
        }) : () -> ()
        %dma_start3A_52 = arith.constant 0 : i32
        %dma_start3A_53 = arith.constant 0 : i32
        %dma_start3A_54 = tpu.memref_slice %arg10[%dma_start3A_52, %dma_start3A_53] : memref<2x512xi32, #tpu.memory_space<vmem>> -> memref<1x512xi32, #tpu.memory_space<vmem>>
        %dma_start3A_55 = tpu.memref_squeeze %dma_start3A_54 : memref<1x512xi32, #tpu.memory_space<vmem>> -> memref<512xi32, #tpu.memory_space<vmem>>
        %dma_start3A_56 = arith.constant 0 : i32
        %dma_start3A_57 = arith.constant 0 : i32
        %dma_start3A_58 = tpu.memref_slice %arg3[%dma_start3A_56, %dma_start3A_57] : memref<100352x16xf32, #tpu.memory_space<hbm>> -> memref<100352x16xf32, #tpu.memory_space<hbm>>
        tpu.enqueue_indirect_dma source(%dma_start3A_58 : memref<100352x16xf32, #tpu.memory_space<hbm>>) target(%arg11 : memref<512x16xf32, #tpu.memory_space<vmem>>) offsets(%dma_start3A_55 : memref<512xi32, #tpu.memory_space<vmem>>) semaphore(%arg13 : memref<!tpu.dma_semaphore, #tpu.memory_space<semaphore_mem>>)
        %dma_wait3A = arith.constant 0 : i32
        %dma_wait3A_59 = arith.constant 0 : i32
        %dma_wait3A_60 = tpu.memref_slice %arg8[%dma_wait3A, %dma_wait3A_59] : memref<2x512xi32, #tpu.memory_space<vmem>> -> memref<1x512xi32, #tpu.memory_space<vmem>>
        %dma_wait3A_61 = tpu.memref_squeeze %dma_wait3A_60 : memref<1x512xi32, #tpu.memory_space<vmem>> -> memref<512xi32, #tpu.memory_space<vmem>>
        %dma_wait3A_62 = arith.constant 0 : i32
        %dma_wait3A_63 = arith.constant 0 : i32
        %dma_wait3A_64 = tpu.memref_slice %arg3[%dma_wait3A_62, %dma_wait3A_63] : memref<100352x16xf32, #tpu.memory_space<hbm>> -> memref<100352x16xf32, #tpu.memory_space<hbm>>
        tpu.wait_indirect_dma semaphore(%arg12 : memref<!tpu.dma_semaphore, #tpu.memory_space<semaphore_mem>>) src(%dma_wait3A_64 : memref<100352x16xf32, #tpu.memory_space<hbm>>) dst(%arg9 : memref<512x16xf32, #tpu.memory_space<vmem>>)
        %dma_start3A_65 = arith.constant 1 : i32
        %dma_start3A_66 = arith.constant 0 : i32
        %dma_start3A_67 = tpu.memref_slice %arg8[%dma_start3A_65, %dma_start3A_66] : memref<2x512xi32, #tpu.memory_space<vmem>> -> memref<1x512xi32, #tpu.memory_space<vmem>>
        %dma_start3A_68 = tpu.memref_squeeze %dma_start3A_67 : memref<1x512xi32, #tpu.memory_space<vmem>> -> memref<512xi32, #tpu.memory_space<vmem>>
        %dma_start3A_69 = arith.constant 0 : i32
        %dma_start3A_70 = arith.constant 0 : i32
        %dma_start3A_71 = tpu.memref_slice %arg7[%dma_start3A_69, %dma_start3A_70] : memref<100352x16xf32, #tpu.memory_space<vmem_shared>> -> memref<100352x16xf32, #tpu.memory_space<vmem_shared>>
        tpu.enqueue_indirect_dma source(%arg9 : memref<512x16xf32, #tpu.memory_space<vmem>>) target(%dma_start3A_71 : memref<100352x16xf32, #tpu.memory_space<vmem_shared>>) offsets(%dma_start3A_68 : memref<512xi32, #tpu.memory_space<vmem>>) semaphore(%arg14 : memref<!tpu.dma_semaphore, #tpu.memory_space<semaphore_mem>>) {add = true}
        %dma_wait3A_72 = arith.constant 1 : i32
        %dma_wait3A_73 = arith.constant 0 : i32
        %dma_wait3A_74 = tpu.memref_slice %arg8[%dma_wait3A_72, %dma_wait3A_73] : memref<2x512xi32, #tpu.memory_space<vmem>> -> memref<1x512xi32, #tpu.memory_space<vmem>>
        %dma_wait3A_75 = tpu.memref_squeeze %dma_wait3A_74 : memref<1x512xi32, #tpu.memory_space<vmem>> -> memref<512xi32, #tpu.memory_space<vmem>>
        %dma_wait3A_76 = arith.constant 0 : i32
        %dma_wait3A_77 = arith.constant 0 : i32
        %dma_wait3A_78 = tpu.memref_slice %arg7[%dma_wait3A_76, %dma_wait3A_77] : memref<100352x16xf32, #tpu.memory_space<vmem_shared>> -> memref<100352x16xf32, #tpu.memory_space<vmem_shared>>
        tpu.wait_indirect_dma semaphore(%arg14 : memref<!tpu.dma_semaphore, #tpu.memory_space<semaphore_mem>>) src(%arg9 : memref<512x16xf32, #tpu.memory_space<vmem>>) dst(%dma_wait3A_78 : memref<100352x16xf32, #tpu.memory_space<vmem_shared>>)
        %add3A_79 = arith.constant 1 : i32
        %add3A_80 = arith.addi %scan3A_44, %add3A_79 : i32
        %lt3A = arith.constant 49 : i32
        %lt3A_81 = arith.cmpi slt, %add3A_80, %lt3A : i32
        %convert_element_type3A_82 = arith.extui %lt3A_81 : i1 to i32
        %cond3A_83 = arith.constant 0 : i32
        %cond3A_84 = arith.cmpi ne, %convert_element_type3A_82, %cond3A_83 : i32
        scf.if %cond3A_84 {
          %add3A_106 = arith.constant 2 : i32
          %add3A_107 = arith.addi %mul3A_46, %add3A_106 : i32
          %add3A_108 = arith.addi %select_n3A, %add3A_107 : i32
          %mul3A_109 = arith.constant 2 : i32
          %mul3A_110 = arith.muli %add3A_108, %mul3A_109 : i32
          "tpu.region"() ({
            %run_scoped3A = tpu.sem_alloc : memref<!tpu.dma_semaphore, #tpu.memory_space<semaphore_mem>>
            %dma_start3A_118 = arith.constant 0 : i32
            %dma_start3A_119 = tpu.memref_slice %arg4[%mul3A_110, %dma_start3A_118] : memref<6272x512xi32, #tpu.memory_space<hbm>> -> memref<2x512xi32, #tpu.memory_space<hbm>>
            %dma_start3A_120 = arith.constant 0 : i32
            %dma_start3A_121 = tpu.memref_slice %arg4[%mul3A_110, %dma_start3A_120] : memref<6272x512xi32, #tpu.memory_space<hbm>> -> memref<2x512xi32, #tpu.memory_space<hbm>>
            tpu.enqueue_dma source(%dma_start3A_121 : memref<2x512xi32, #tpu.memory_space<hbm>>) target(%arg8 : memref<2x512xi32, #tpu.memory_space<vmem>>) target_semaphore(%run_scoped3A : memref<!tpu.dma_semaphore, #tpu.memory_space<semaphore_mem>>)
            %dma_wait3A_122 = arith.constant 0 : i32
            %dma_wait3A_123 = tpu.memref_slice %arg4[%mul3A_110, %dma_wait3A_122] : memref<6272x512xi32, #tpu.memory_space<hbm>> -> memref<2x512xi32, #tpu.memory_space<hbm>>
            %dma_wait3A_124 = arith.constant 0 : i32
            %dma_wait3A_125 = tpu.memref_slice %arg4[%mul3A_110, %dma_wait3A_124] : memref<6272x512xi32, #tpu.memory_space<hbm>> -> memref<2x512xi32, #tpu.memory_space<hbm>>
            tpu.wait_dma2 semaphore(%run_scoped3A : memref<!tpu.dma_semaphore, #tpu.memory_space<semaphore_mem>>) src(%dma_wait3A_125 : memref<2x512xi32, #tpu.memory_space<hbm>>) dst(%arg8 : memref<2x512xi32, #tpu.memory_space<vmem>>)
            tpu.yield
          }) : () -> ()
          %dma_start3A_111 = arith.constant 0 : i32
          %dma_start3A_112 = arith.constant 0 : i32
          %dma_start3A_113 = tpu.memref_slice %arg8[%dma_start3A_111, %dma_start3A_112] : memref<2x512xi32, #tpu.memory_space<vmem>> -> memref<1x512xi32, #tpu.memory_space<vmem>>
          %dma_start3A_114 = tpu.memref_squeeze %dma_start3A_113 : memref<1x512xi32, #tpu.memory_space<vmem>> -> memref<512xi32, #tpu.memory_space<vmem>>
          %dma_start3A_115 = arith.constant 0 : i32
          %dma_start3A_116 = arith.constant 0 : i32
          %dma_start3A_117 = tpu.memref_slice %arg3[%dma_start3A_115, %dma_start3A_116] : memref<100352x16xf32, #tpu.memory_space<hbm>> -> memref<100352x16xf32, #tpu.memory_space<hbm>>
          tpu.enqueue_indirect_dma source(%dma_start3A_117 : memref<100352x16xf32, #tpu.memory_space<hbm>>) target(%arg9 : memref<512x16xf32, #tpu.memory_space<vmem>>) offsets(%dma_start3A_114 : memref<512xi32, #tpu.memory_space<vmem>>) semaphore(%arg12 : memref<!tpu.dma_semaphore, #tpu.memory_space<semaphore_mem>>)
        } else {
        }
        %dma_wait3A_85 = arith.constant 0 : i32
        %dma_wait3A_86 = arith.constant 0 : i32
        %dma_wait3A_87 = tpu.memref_slice %arg10[%dma_wait3A_85, %dma_wait3A_86] : memref<2x512xi32, #tpu.memory_space<vmem>> -> memref<1x512xi32, #tpu.memory_space<vmem>>
        %dma_wait3A_88 = tpu.memref_squeeze %dma_wait3A_87 : memref<1x512xi32, #tpu.memory_space<vmem>> -> memref<512xi32, #tpu.memory_space<vmem>>
        %dma_wait3A_89 = arith.constant 0 : i32
        %dma_wait3A_90 = arith.constant 0 : i32
        %dma_wait3A_91 = tpu.memref_slice %arg3[%dma_wait3A_89, %dma_wait3A_90] : memref<100352x16xf32, #tpu.memory_space<hbm>> -> memref<100352x16xf32, #tpu.memory_space<hbm>>
        tpu.wait_indirect_dma semaphore(%arg13 : memref<!tpu.dma_semaphore, #tpu.memory_space<semaphore_mem>>) src(%dma_wait3A_91 : memref<100352x16xf32, #tpu.memory_space<hbm>>) dst(%arg11 : memref<512x16xf32, #tpu.memory_space<vmem>>)
        %dma_start3A_92 = arith.constant 1 : i32
        %dma_start3A_93 = arith.constant 0 : i32
        %dma_start3A_94 = tpu.memref_slice %arg10[%dma_start3A_92, %dma_start3A_93] : memref<2x512xi32, #tpu.memory_space<vmem>> -> memref<1x512xi32, #tpu.memory_space<vmem>>
        %dma_start3A_95 = tpu.memref_squeeze %dma_start3A_94 : memref<1x512xi32, #tpu.memory_space<vmem>> -> memref<512xi32, #tpu.memory_space<vmem>>
        %dma_start3A_96 = arith.constant 0 : i32
        %dma_start3A_97 = arith.constant 0 : i32
        %dma_start3A_98 = tpu.memref_slice %arg7[%dma_start3A_96, %dma_start3A_97] : memref<100352x16xf32, #tpu.memory_space<vmem_shared>> -> memref<100352x16xf32, #tpu.memory_space<vmem_shared>>
        tpu.enqueue_indirect_dma source(%arg11 : memref<512x16xf32, #tpu.memory_space<vmem>>) target(%dma_start3A_98 : memref<100352x16xf32, #tpu.memory_space<vmem_shared>>) offsets(%dma_start3A_95 : memref<512xi32, #tpu.memory_space<vmem>>) semaphore(%arg15 : memref<!tpu.dma_semaphore, #tpu.memory_space<semaphore_mem>>) {add = true}
        %dma_wait3A_99 = arith.constant 1 : i32
        %dma_wait3A_100 = arith.constant 0 : i32
        %dma_wait3A_101 = tpu.memref_slice %arg10[%dma_wait3A_99, %dma_wait3A_100] : memref<2x512xi32, #tpu.memory_space<vmem>> -> memref<1x512xi32, #tpu.memory_space<vmem>>
        %dma_wait3A_102 = tpu.memref_squeeze %dma_wait3A_101 : memref<1x512xi32, #tpu.memory_space<vmem>> -> memref<512xi32, #tpu.memory_space<vmem>>
        %dma_wait3A_103 = arith.constant 0 : i32
        %dma_wait3A_104 = arith.constant 0 : i32
        %dma_wait3A_105 = tpu.memref_slice %arg7[%dma_wait3A_103, %dma_wait3A_104] : memref<100352x16xf32, #tpu.memory_space<vmem_shared>> -> memref<100352x16xf32, #tpu.memory_space<vmem_shared>>
        tpu.wait_indirect_dma semaphore(%arg15 : memref<!tpu.dma_semaphore, #tpu.memory_space<semaphore_mem>>) src(%arg11 : memref<512x16xf32, #tpu.memory_space<vmem>>) dst(%dma_wait3A_105 : memref<100352x16xf32, #tpu.memory_space<vmem_shared>>)
      }
      %scan3A_42 = arith.constant 49 : i32
      %barrier3A_43 = arith.constant 0 : index
      tpu.barrier barrier_id(%barrier3A_43)
      "tpu.region"() ({
        %run_scoped3A = tpu.sem_alloc : memref<!tpu.dma_semaphore, #tpu.memory_space<semaphore_mem>>
        %dma_start3A_44 = arith.constant 0 : i32
        %dma_start3A_45 = tpu.memref_slice %arg6[%mul3A_2, %dma_start3A_44] : memref<100352x16xf32, #tpu.memory_space<hbm>> -> memref<6272x16xf32, #tpu.memory_space<hbm>>
        %dma_start3A_46 = arith.constant 0 : i32
        %dma_start3A_47 = tpu.memref_slice %arg7[%mul3A_2, %dma_start3A_46] : memref<100352x16xf32, #tpu.memory_space<vmem_shared>> -> memref<6272x16xf32, #tpu.memory_space<vmem_shared>>
        tpu.enqueue_dma source(%dma_start3A_47 : memref<6272x16xf32, #tpu.memory_space<vmem_shared>>) target(%dma_start3A_45 : memref<6272x16xf32, #tpu.memory_space<hbm>>) target_semaphore(%run_scoped3A : memref<!tpu.dma_semaphore, #tpu.memory_space<semaphore_mem>>)
        %dma_wait3A = arith.constant 0 : i32
        %dma_wait3A_48 = tpu.memref_slice %arg6[%mul3A_2, %dma_wait3A] : memref<100352x16xf32, #tpu.memory_space<hbm>> -> memref<6272x16xf32, #tpu.memory_space<hbm>>
        %dma_wait3A_49 = arith.constant 0 : i32
        %dma_wait3A_50 = tpu.memref_slice %arg7[%mul3A_2, %dma_wait3A_49] : memref<100352x16xf32, #tpu.memory_space<vmem_shared>> -> memref<6272x16xf32, #tpu.memory_space<vmem_shared>>
        tpu.wait_dma2 semaphore(%run_scoped3A : memref<!tpu.dma_semaphore, #tpu.memory_space<semaphore_mem>>) src(%dma_wait3A_50 : memref<6272x16xf32, #tpu.memory_space<vmem_shared>>) dst(%dma_wait3A_48 : memref<6272x16xf32, #tpu.memory_space<hbm>>)
        tpu.yield
      }) : () -> ()
    } else {
    }
    return
  }
}

#map = affine_map<(d0, d1) -> (0, 0)>
module attributes {stable_mosaic.version = 14 : i64} {
  func.func @body(%arg0: i32, %arg1: i32, %arg2: memref<100352x16xf32, #tpu.memory_space<hbm>>, %arg3: memref<100352x16xf32, #tpu.memory_space<hbm>>, %arg4: memref<6272x512xi32, #tpu.memory_space<hbm>>, %arg5: memref<100352x16xf32, #tpu.memory_space<hbm>>, %arg6: memref<100352x16xf32, #tpu.memory_space<hbm>>, %arg7: memref<100352x16xf32, #tpu.memory_space<vmem_shared>>, %arg8: memref<2x512xi32, #tpu.memory_space<vmem>>, %arg9: memref<512x16xf32, #tpu.memory_space<vmem>>, %arg10: memref<2x512xi32, #tpu.memory_space<vmem>>, %arg11: memref<512x16xf32, #tpu.memory_space<vmem>>, %arg12: memref<!tpu.dma_semaphore, #tpu.memory_space<semaphore_mem>>, %arg13: memref<!tpu.dma_semaphore, #tpu.memory_space<semaphore_mem>>, %arg14: memref<!tpu.dma_semaphore, #tpu.memory_space<semaphore_mem>>, %arg15: memref<!tpu.dma_semaphore, #tpu.memory_space<semaphore_mem>>) attributes {dimension_semantics = [#tpu.dimension_semantics<core_parallel>, #tpu.dimension_semantics<subcore_parallel>], iteration_bounds = array<i64: 2, 16>, scalar_prefetch = 0 : i64, scratch_operands = 9 : i64, tpu.core_type = #tpu.core_type<sc_vector_subcore>, window_params = [{transform_indices = #map}, {transform_indices = #map}, {transform_indices = #map}, {transform_indices = #map}, {transform_indices = #map}]} {
    %mul3A = arith.constant 2 : i32
    %mul3A_0 = arith.muli %arg1, %mul3A : i32
    %add3A = arith.addi %mul3A_0, %arg0 : i32
    %mul3A_1 = arith.constant 6272 : i32
    %mul3A_2 = arith.muli %arg1, %mul3A_1 : i32
    %eq3A = arith.constant 0 : i32
    %eq3A_3 = arith.cmpi eq, %arg0, %eq3A : i32
    %convert_element_type3A = arith.extui %eq3A_3 : i1 to i32
    %cond3A = arith.constant 0 : i32
    %cond3A_4 = arith.cmpi ne, %convert_element_type3A, %cond3A : i32
    scf.if %cond3A_4 {
      "tpu.region"() ({
        %run_scoped3A = tpu.sem_alloc : memref<!tpu.dma_semaphore, #tpu.memory_space<semaphore_mem>>
        %dma_start3A_44 = arith.constant 0 : i32
        %dma_start3A_45 = tpu.memref_slice %arg7[%mul3A_2, %dma_start3A_44] : memref<100352x16xf32, #tpu.memory_space<vmem_shared>> -> memref<6272x16xf32, #tpu.memory_space<vmem_shared>>
        %dma_start3A_46 = arith.constant 0 : i32
        %dma_start3A_47 = tpu.memref_slice %arg2[%mul3A_2, %dma_start3A_46] : memref<100352x16xf32, #tpu.memory_space<hbm>> -> memref<6272x16xf32, #tpu.memory_space<hbm>>
        tpu.enqueue_dma source(%dma_start3A_47 : memref<6272x16xf32, #tpu.memory_space<hbm>>) target(%dma_start3A_45 : memref<6272x16xf32, #tpu.memory_space<vmem_shared>>) target_semaphore(%run_scoped3A : memref<!tpu.dma_semaphore, #tpu.memory_space<semaphore_mem>>)
        %dma_wait3A = arith.constant 0 : i32
        %dma_wait3A_48 = tpu.memref_slice %arg7[%mul3A_2, %dma_wait3A] : memref<100352x16xf32, #tpu.memory_space<vmem_shared>> -> memref<6272x16xf32, #tpu.memory_space<vmem_shared>>
        %dma_wait3A_49 = arith.constant 0 : i32
        %dma_wait3A_50 = tpu.memref_slice %arg2[%mul3A_2, %dma_wait3A_49] : memref<100352x16xf32, #tpu.memory_space<hbm>> -> memref<6272x16xf32, #tpu.memory_space<hbm>>
        tpu.wait_dma2 semaphore(%run_scoped3A : memref<!tpu.dma_semaphore, #tpu.memory_space<semaphore_mem>>) src(%dma_wait3A_50 : memref<6272x16xf32, #tpu.memory_space<hbm>>) dst(%dma_wait3A_48 : memref<6272x16xf32, #tpu.memory_space<vmem_shared>>)
        tpu.yield
      }) : () -> ()
      %barrier3A = arith.constant 0 : index
      tpu.barrier barrier_id(%barrier3A)
      %mul3A_10 = arith.constant 392 : i32
      %mul3A_11 = arith.muli %add3A, %mul3A_10 : i32
      %jit3A = arith.constant 4 : i32
      %div3A = arith.divsi %mul3A_11, %jit3A : i32
      %sign3A = arith.constant 0 : i32
      %sign3A_12 = arith.cmpi sgt, %mul3A_11, %sign3A : i32
      %sign3A_13 = arith.extui %sign3A_12 : i1 to i32
      %sign3A_14 = arith.constant 0 : i32
      %sign3A_15 = arith.cmpi slt, %mul3A_11, %sign3A_14 : i32
      %sign3A_16 = arith.extui %sign3A_15 : i1 to i32
      %sign3A_17 = arith.subi %sign3A_13, %sign3A_16 : i32
      %sign3A_18 = arith.constant 0 : i32
      %sign3A_19 = arith.cmpi sgt, %jit3A, %sign3A_18 : i32
      %sign3A_20 = arith.extui %sign3A_19 : i1 to i32
      %sign3A_21 = arith.constant 0 : i32
      %sign3A_22 = arith.cmpi slt, %jit3A, %sign3A_21 : i32
      %sign3A_23 = arith.extui %sign3A_22 : i1 to i32
      %sign3A_24 = arith.subi %sign3A_20, %sign3A_23 : i32
      %ne3A = arith.cmpi ne, %sign3A_17, %sign3A_24 : i32
      %rem3A = arith.remsi %mul3A_11, %jit3A : i32
      %ne3A_25 = arith.constant 0 : i32
      %ne3A_26 = arith.cmpi ne, %rem3A, %ne3A_25 : i32
      %and3A = arith.andi %ne3A, %ne3A_26 : i1
      %sub3A = arith.constant 1 : i32
      %sub3A_27 = arith.subi %div3A, %sub3A : i32
      %select_n3A = arith.select %and3A, %sub3A_27, %div3A : i32
      %add3A_28 = arith.constant 0 : i32
      %add3A_29 = arith.addi %select_n3A, %add3A_28 : i32
      %mul3A_30 = arith.constant 2 : i32
      %mul3A_31 = arith.muli %add3A_29, %mul3A_30 : i32
      "tpu.region"() ({
        %run_scoped3A = tpu.sem_alloc : memref<!tpu.dma_semaphore, #tpu.memory_space<semaphore_mem>>
        %dma_start3A_44 = arith.constant 0 : i32
        %dma_start3A_45 = tpu.memref_slice %arg4[%mul3A_31, %dma_start3A_44] : memref<6272x512xi32, #tpu.memory_space<hbm>> -> memref<2x512xi32, #tpu.memory_space<hbm>>
        %dma_start3A_46 = arith.constant 0 : i32
        %dma_start3A_47 = tpu.memref_slice %arg4[%mul3A_31, %dma_start3A_46] : memref<6272x512xi32, #tpu.memory_space<hbm>> -> memref<2x512xi32, #tpu.memory_space<hbm>>
        tpu.enqueue_dma source(%dma_start3A_47 : memref<2x512xi32, #tpu.memory_space<hbm>>) target(%arg8 : memref<2x512xi32, #tpu.memory_space<vmem>>) target_semaphore(%run_scoped3A : memref<!tpu.dma_semaphore, #tpu.memory_space<semaphore_mem>>)
        %dma_wait3A = arith.constant 0 : i32
        %dma_wait3A_48 = tpu.memref_slice %arg4[%mul3A_31, %dma_wait3A] : memref<6272x512xi32, #tpu.memory_space<hbm>> -> memref<2x512xi32, #tpu.memory_space<hbm>>
        %dma_wait3A_49 = arith.constant 0 : i32
        %dma_wait3A_50 = tpu.memref_slice %arg4[%mul3A_31, %dma_wait3A_49] : memref<6272x512xi32, #tpu.memory_space<hbm>> -> memref<2x512xi32, #tpu.memory_space<hbm>>
        tpu.wait_dma2 semaphore(%run_scoped3A : memref<!tpu.dma_semaphore, #tpu.memory_space<semaphore_mem>>) src(%dma_wait3A_50 : memref<2x512xi32, #tpu.memory_space<hbm>>) dst(%arg8 : memref<2x512xi32, #tpu.memory_space<vmem>>)
        tpu.yield
      }) : () -> ()
      %dma_start3A = arith.constant 0 : i32
      %dma_start3A_32 = arith.constant 0 : i32
      %dma_start3A_33 = tpu.memref_slice %arg8[%dma_start3A, %dma_start3A_32] : memref<2x512xi32, #tpu.memory_space<vmem>> -> memref<1x512xi32, #tpu.memory_space<vmem>>
      %dma_start3A_34 = tpu.memref_squeeze %dma_start3A_33 : memref<1x512xi32, #tpu.memory_space<vmem>> -> memref<512xi32, #tpu.memory_space<vmem>>
      %dma_start3A_35 = arith.constant 0 : i32
      %dma_start3A_36 = arith.constant 0 : i32
      %dma_start3A_37 = tpu.memref_slice %arg2[%dma_start3A_35, %dma_start3A_36] : memref<100352x16xf32, #tpu.memory_space<hbm>> -> memref<100352x16xf32, #tpu.memory_space<hbm>>
      tpu.enqueue_indirect_dma source(%dma_start3A_37 : memref<100352x16xf32, #tpu.memory_space<hbm>>) target(%arg9 : memref<512x16xf32, #tpu.memory_space<vmem>>) offsets(%dma_start3A_34 : memref<512xi32, #tpu.memory_space<vmem>>) semaphore(%arg12 : memref<!tpu.dma_semaphore, #tpu.memory_space<semaphore_mem>>)
      %scan3A = arith.constant 0 : i32
      %scan3A_38 = arith.constant 0 : i32
      %scan3A_39 = arith.constant 49 : i32
      %scan3A_40 = arith.addi %scan3A_38, %scan3A_39 : i32
      %scan3A_41 = arith.constant 1 : i32
      scf.for %scan3A_44 = %scan3A_38 to %scan3A_40 step %scan3A_41  : i32 {
        %mul3A_45 = arith.constant 2 : i32
        %mul3A_46 = arith.muli %mul3A_45, %scan3A_44 : i32
        %add3A_47 = arith.constant 1 : i32
        %add3A_48 = arith.addi %mul3A_46, %add3A_47 : i32
        %add3A_49 = arith.addi %select_n3A, %add3A_48 : i32
        %mul3A_50 = arith.constant 2 : i32
        %mul3A_51 = arith.muli %add3A_49, %mul3A_50 : i32
        "tpu.region"() ({
          %run_scoped3A = tpu.sem_alloc : memref<!tpu.dma_semaphore, #tpu.memory_space<semaphore_mem>>
          %dma_start3A_106 = arith.constant 0 : i32
          %dma_start3A_107 = tpu.memref_slice %arg4[%mul3A_51, %dma_start3A_106] : memref<6272x512xi32, #tpu.memory_space<hbm>> -> memref<2x512xi32, #tpu.memory_space<hbm>>
          %dma_start3A_108 = arith.constant 0 : i32
          %dma_start3A_109 = tpu.memref_slice %arg4[%mul3A_51, %dma_start3A_108] : memref<6272x512xi32, #tpu.memory_space<hbm>> -> memref<2x512xi32, #tpu.memory_space<hbm>>
          tpu.enqueue_dma source(%dma_start3A_109 : memref<2x512xi32, #tpu.memory_space<hbm>>) target(%arg10 : memref<2x512xi32, #tpu.memory_space<vmem>>) target_semaphore(%run_scoped3A : memref<!tpu.dma_semaphore, #tpu.memory_space<semaphore_mem>>)
          %dma_wait3A_110 = arith.constant 0 : i32
          %dma_wait3A_111 = tpu.memref_slice %arg4[%mul3A_51, %dma_wait3A_110] : memref<6272x512xi32, #tpu.memory_space<hbm>> -> memref<2x512xi32, #tpu.memory_space<hbm>>
          %dma_wait3A_112 = arith.constant 0 : i32
          %dma_wait3A_113 = tpu.memref_slice %arg4[%mul3A_51, %dma_wait3A_112] : memref<6272x512xi32, #tpu.memory_space<hbm>> -> memref<2x512xi32, #tpu.memory_space<hbm>>
          tpu.wait_dma2 semaphore(%run_scoped3A : memref<!tpu.dma_semaphore, #tpu.memory_space<semaphore_mem>>) src(%dma_wait3A_113 : memref<2x512xi32, #tpu.memory_space<hbm>>) dst(%arg10 : memref<2x512xi32, #tpu.memory_space<vmem>>)
          tpu.yield
        }) : () -> ()
        %dma_start3A_52 = arith.constant 0 : i32
        %dma_start3A_53 = arith.constant 0 : i32
        %dma_start3A_54 = tpu.memref_slice %arg10[%dma_start3A_52, %dma_start3A_53] : memref<2x512xi32, #tpu.memory_space<vmem>> -> memref<1x512xi32, #tpu.memory_space<vmem>>
        %dma_start3A_55 = tpu.memref_squeeze %dma_start3A_54 : memref<1x512xi32, #tpu.memory_space<vmem>> -> memref<512xi32, #tpu.memory_space<vmem>>
        %dma_start3A_56 = arith.constant 0 : i32
        %dma_start3A_57 = arith.constant 0 : i32
        %dma_start3A_58 = tpu.memref_slice %arg2[%dma_start3A_56, %dma_start3A_57] : memref<100352x16xf32, #tpu.memory_space<hbm>> -> memref<100352x16xf32, #tpu.memory_space<hbm>>
        tpu.enqueue_indirect_dma source(%dma_start3A_58 : memref<100352x16xf32, #tpu.memory_space<hbm>>) target(%arg11 : memref<512x16xf32, #tpu.memory_space<vmem>>) offsets(%dma_start3A_55 : memref<512xi32, #tpu.memory_space<vmem>>) semaphore(%arg13 : memref<!tpu.dma_semaphore, #tpu.memory_space<semaphore_mem>>)
        %dma_wait3A = arith.constant 0 : i32
        %dma_wait3A_59 = arith.constant 0 : i32
        %dma_wait3A_60 = tpu.memref_slice %arg8[%dma_wait3A, %dma_wait3A_59] : memref<2x512xi32, #tpu.memory_space<vmem>> -> memref<1x512xi32, #tpu.memory_space<vmem>>
        %dma_wait3A_61 = tpu.memref_squeeze %dma_wait3A_60 : memref<1x512xi32, #tpu.memory_space<vmem>> -> memref<512xi32, #tpu.memory_space<vmem>>
        %dma_wait3A_62 = arith.constant 0 : i32
        %dma_wait3A_63 = arith.constant 0 : i32
        %dma_wait3A_64 = tpu.memref_slice %arg2[%dma_wait3A_62, %dma_wait3A_63] : memref<100352x16xf32, #tpu.memory_space<hbm>> -> memref<100352x16xf32, #tpu.memory_space<hbm>>
        tpu.wait_indirect_dma semaphore(%arg12 : memref<!tpu.dma_semaphore, #tpu.memory_space<semaphore_mem>>) src(%dma_wait3A_64 : memref<100352x16xf32, #tpu.memory_space<hbm>>) dst(%arg9 : memref<512x16xf32, #tpu.memory_space<vmem>>)
        %dma_start3A_65 = arith.constant 1 : i32
        %dma_start3A_66 = arith.constant 0 : i32
        %dma_start3A_67 = tpu.memref_slice %arg8[%dma_start3A_65, %dma_start3A_66] : memref<2x512xi32, #tpu.memory_space<vmem>> -> memref<1x512xi32, #tpu.memory_space<vmem>>
        %dma_start3A_68 = tpu.memref_squeeze %dma_start3A_67 : memref<1x512xi32, #tpu.memory_space<vmem>> -> memref<512xi32, #tpu.memory_space<vmem>>
        %dma_start3A_69 = arith.constant 0 : i32
        %dma_start3A_70 = arith.constant 0 : i32
        %dma_start3A_71 = tpu.memref_slice %arg7[%dma_start3A_69, %dma_start3A_70] : memref<100352x16xf32, #tpu.memory_space<vmem_shared>> -> memref<100352x16xf32, #tpu.memory_space<vmem_shared>>
        tpu.enqueue_indirect_dma source(%arg9 : memref<512x16xf32, #tpu.memory_space<vmem>>) target(%dma_start3A_71 : memref<100352x16xf32, #tpu.memory_space<vmem_shared>>) offsets(%dma_start3A_68 : memref<512xi32, #tpu.memory_space<vmem>>) semaphore(%arg14 : memref<!tpu.dma_semaphore, #tpu.memory_space<semaphore_mem>>) {add = true}
        %dma_wait3A_72 = arith.constant 1 : i32
        %dma_wait3A_73 = arith.constant 0 : i32
        %dma_wait3A_74 = tpu.memref_slice %arg8[%dma_wait3A_72, %dma_wait3A_73] : memref<2x512xi32, #tpu.memory_space<vmem>> -> memref<1x512xi32, #tpu.memory_space<vmem>>
        %dma_wait3A_75 = tpu.memref_squeeze %dma_wait3A_74 : memref<1x512xi32, #tpu.memory_space<vmem>> -> memref<512xi32, #tpu.memory_space<vmem>>
        %dma_wait3A_76 = arith.constant 0 : i32
        %dma_wait3A_77 = arith.constant 0 : i32
        %dma_wait3A_78 = tpu.memref_slice %arg7[%dma_wait3A_76, %dma_wait3A_77] : memref<100352x16xf32, #tpu.memory_space<vmem_shared>> -> memref<100352x16xf32, #tpu.memory_space<vmem_shared>>
        tpu.wait_indirect_dma semaphore(%arg14 : memref<!tpu.dma_semaphore, #tpu.memory_space<semaphore_mem>>) src(%arg9 : memref<512x16xf32, #tpu.memory_space<vmem>>) dst(%dma_wait3A_78 : memref<100352x16xf32, #tpu.memory_space<vmem_shared>>)
        %add3A_79 = arith.constant 1 : i32
        %add3A_80 = arith.addi %scan3A_44, %add3A_79 : i32
        %lt3A = arith.constant 49 : i32
        %lt3A_81 = arith.cmpi slt, %add3A_80, %lt3A : i32
        %convert_element_type3A_82 = arith.extui %lt3A_81 : i1 to i32
        %cond3A_83 = arith.constant 0 : i32
        %cond3A_84 = arith.cmpi ne, %convert_element_type3A_82, %cond3A_83 : i32
        scf.if %cond3A_84 {
          %add3A_106 = arith.constant 2 : i32
          %add3A_107 = arith.addi %mul3A_46, %add3A_106 : i32
          %add3A_108 = arith.addi %select_n3A, %add3A_107 : i32
          %mul3A_109 = arith.constant 2 : i32
          %mul3A_110 = arith.muli %add3A_108, %mul3A_109 : i32
          "tpu.region"() ({
            %run_scoped3A = tpu.sem_alloc : memref<!tpu.dma_semaphore, #tpu.memory_space<semaphore_mem>>
            %dma_start3A_118 = arith.constant 0 : i32
            %dma_start3A_119 = tpu.memref_slice %arg4[%mul3A_110, %dma_start3A_118] : memref<6272x512xi32, #tpu.memory_space<hbm>> -> memref<2x512xi32, #tpu.memory_space<hbm>>
            %dma_start3A_120 = arith.constant 0 : i32
            %dma_start3A_121 = tpu.memref_slice %arg4[%mul3A_110, %dma_start3A_120] : memref<6272x512xi32, #tpu.memory_space<hbm>> -> memref<2x512xi32, #tpu.memory_space<hbm>>
            tpu.enqueue_dma source(%dma_start3A_121 : memref<2x512xi32, #tpu.memory_space<hbm>>) target(%arg8 : memref<2x512xi32, #tpu.memory_space<vmem>>) target_semaphore(%run_scoped3A : memref<!tpu.dma_semaphore, #tpu.memory_space<semaphore_mem>>)
            %dma_wait3A_122 = arith.constant 0 : i32
            %dma_wait3A_123 = tpu.memref_slice %arg4[%mul3A_110, %dma_wait3A_122] : memref<6272x512xi32, #tpu.memory_space<hbm>> -> memref<2x512xi32, #tpu.memory_space<hbm>>
            %dma_wait3A_124 = arith.constant 0 : i32
            %dma_wait3A_125 = tpu.memref_slice %arg4[%mul3A_110, %dma_wait3A_124] : memref<6272x512xi32, #tpu.memory_space<hbm>> -> memref<2x512xi32, #tpu.memory_space<hbm>>
            tpu.wait_dma2 semaphore(%run_scoped3A : memref<!tpu.dma_semaphore, #tpu.memory_space<semaphore_mem>>) src(%dma_wait3A_125 : memref<2x512xi32, #tpu.memory_space<hbm>>) dst(%arg8 : memref<2x512xi32, #tpu.memory_space<vmem>>)
            tpu.yield
          }) : () -> ()
          %dma_start3A_111 = arith.constant 0 : i32
          %dma_start3A_112 = arith.constant 0 : i32
          %dma_start3A_113 = tpu.memref_slice %arg8[%dma_start3A_111, %dma_start3A_112] : memref<2x512xi32, #tpu.memory_space<vmem>> -> memref<1x512xi32, #tpu.memory_space<vmem>>
          %dma_start3A_114 = tpu.memref_squeeze %dma_start3A_113 : memref<1x512xi32, #tpu.memory_space<vmem>> -> memref<512xi32, #tpu.memory_space<vmem>>
          %dma_start3A_115 = arith.constant 0 : i32
          %dma_start3A_116 = arith.constant 0 : i32
          %dma_start3A_117 = tpu.memref_slice %arg2[%dma_start3A_115, %dma_start3A_116] : memref<100352x16xf32, #tpu.memory_space<hbm>> -> memref<100352x16xf32, #tpu.memory_space<hbm>>
          tpu.enqueue_indirect_dma source(%dma_start3A_117 : memref<100352x16xf32, #tpu.memory_space<hbm>>) target(%arg9 : memref<512x16xf32, #tpu.memory_space<vmem>>) offsets(%dma_start3A_114 : memref<512xi32, #tpu.memory_space<vmem>>) semaphore(%arg12 : memref<!tpu.dma_semaphore, #tpu.memory_space<semaphore_mem>>)
        } else {
        }
        %dma_wait3A_85 = arith.constant 0 : i32
        %dma_wait3A_86 = arith.constant 0 : i32
        %dma_wait3A_87 = tpu.memref_slice %arg10[%dma_wait3A_85, %dma_wait3A_86] : memref<2x512xi32, #tpu.memory_space<vmem>> -> memref<1x512xi32, #tpu.memory_space<vmem>>
        %dma_wait3A_88 = tpu.memref_squeeze %dma_wait3A_87 : memref<1x512xi32, #tpu.memory_space<vmem>> -> memref<512xi32, #tpu.memory_space<vmem>>
        %dma_wait3A_89 = arith.constant 0 : i32
        %dma_wait3A_90 = arith.constant 0 : i32
        %dma_wait3A_91 = tpu.memref_slice %arg2[%dma_wait3A_89, %dma_wait3A_90] : memref<100352x16xf32, #tpu.memory_space<hbm>> -> memref<100352x16xf32, #tpu.memory_space<hbm>>
        tpu.wait_indirect_dma semaphore(%arg13 : memref<!tpu.dma_semaphore, #tpu.memory_space<semaphore_mem>>) src(%dma_wait3A_91 : memref<100352x16xf32, #tpu.memory_space<hbm>>) dst(%arg11 : memref<512x16xf32, #tpu.memory_space<vmem>>)
        %dma_start3A_92 = arith.constant 1 : i32
        %dma_start3A_93 = arith.constant 0 : i32
        %dma_start3A_94 = tpu.memref_slice %arg10[%dma_start3A_92, %dma_start3A_93] : memref<2x512xi32, #tpu.memory_space<vmem>> -> memref<1x512xi32, #tpu.memory_space<vmem>>
        %dma_start3A_95 = tpu.memref_squeeze %dma_start3A_94 : memref<1x512xi32, #tpu.memory_space<vmem>> -> memref<512xi32, #tpu.memory_space<vmem>>
        %dma_start3A_96 = arith.constant 0 : i32
        %dma_start3A_97 = arith.constant 0 : i32
        %dma_start3A_98 = tpu.memref_slice %arg7[%dma_start3A_96, %dma_start3A_97] : memref<100352x16xf32, #tpu.memory_space<vmem_shared>> -> memref<100352x16xf32, #tpu.memory_space<vmem_shared>>
        tpu.enqueue_indirect_dma source(%arg11 : memref<512x16xf32, #tpu.memory_space<vmem>>) target(%dma_start3A_98 : memref<100352x16xf32, #tpu.memory_space<vmem_shared>>) offsets(%dma_start3A_95 : memref<512xi32, #tpu.memory_space<vmem>>) semaphore(%arg15 : memref<!tpu.dma_semaphore, #tpu.memory_space<semaphore_mem>>) {add = true}
        %dma_wait3A_99 = arith.constant 1 : i32
        %dma_wait3A_100 = arith.constant 0 : i32
        %dma_wait3A_101 = tpu.memref_slice %arg10[%dma_wait3A_99, %dma_wait3A_100] : memref<2x512xi32, #tpu.memory_space<vmem>> -> memref<1x512xi32, #tpu.memory_space<vmem>>
        %dma_wait3A_102 = tpu.memref_squeeze %dma_wait3A_101 : memref<1x512xi32, #tpu.memory_space<vmem>> -> memref<512xi32, #tpu.memory_space<vmem>>
        %dma_wait3A_103 = arith.constant 0 : i32
        %dma_wait3A_104 = arith.constant 0 : i32
        %dma_wait3A_105 = tpu.memref_slice %arg7[%dma_wait3A_103, %dma_wait3A_104] : memref<100352x16xf32, #tpu.memory_space<vmem_shared>> -> memref<100352x16xf32, #tpu.memory_space<vmem_shared>>
        tpu.wait_indirect_dma semaphore(%arg15 : memref<!tpu.dma_semaphore, #tpu.memory_space<semaphore_mem>>) src(%arg11 : memref<512x16xf32, #tpu.memory_space<vmem>>) dst(%dma_wait3A_105 : memref<100352x16xf32, #tpu.memory_space<vmem_shared>>)
      }
      %scan3A_42 = arith.constant 49 : i32
      %barrier3A_43 = arith.constant 0 : index
      tpu.barrier barrier_id(%barrier3A_43)
      "tpu.region"() ({
        %run_scoped3A = tpu.sem_alloc : memref<!tpu.dma_semaphore, #tpu.memory_space<semaphore_mem>>
        %dma_start3A_44 = arith.constant 0 : i32
        %dma_start3A_45 = tpu.memref_slice %arg5[%mul3A_2, %dma_start3A_44] : memref<100352x16xf32, #tpu.memory_space<hbm>> -> memref<6272x16xf32, #tpu.memory_space<hbm>>
        %dma_start3A_46 = arith.constant 0 : i32
        %dma_start3A_47 = tpu.memref_slice %arg7[%mul3A_2, %dma_start3A_46] : memref<100352x16xf32, #tpu.memory_space<vmem_shared>> -> memref<6272x16xf32, #tpu.memory_space<vmem_shared>>
        tpu.enqueue_dma source(%dma_start3A_47 : memref<6272x16xf32, #tpu.memory_space<vmem_shared>>) target(%dma_start3A_45 : memref<6272x16xf32, #tpu.memory_space<hbm>>) target_semaphore(%run_scoped3A : memref<!tpu.dma_semaphore, #tpu.memory_space<semaphore_mem>>)
        %dma_wait3A = arith.constant 0 : i32
        %dma_wait3A_48 = tpu.memref_slice %arg5[%mul3A_2, %dma_wait3A] : memref<100352x16xf32, #tpu.memory_space<hbm>> -> memref<6272x16xf32, #tpu.memory_space<hbm>>
        %dma_wait3A_49 = arith.constant 0 : i32
        %dma_wait3A_50 = tpu.memref_slice %arg7[%mul3A_2, %dma_wait3A_49] : memref<100352x16xf32, #tpu.memory_space<vmem_shared>> -> memref<6272x16xf32, #tpu.memory_space<vmem_shared>>
        tpu.wait_dma2 semaphore(%run_scoped3A : memref<!tpu.dma_semaphore, #tpu.memory_space<semaphore_mem>>) src(%dma_wait3A_50 : memref<6272x16xf32, #tpu.memory_space<vmem_shared>>) dst(%dma_wait3A_48 : memref<6272x16xf32, #tpu.memory_space<hbm>>)
        tpu.yield
      }) : () -> ()
    } else {
    }
    %eq3A_5 = arith.constant 1 : i32
    %eq3A_6 = arith.cmpi eq, %arg0, %eq3A_5 : i32
    %convert_element_type3A_7 = arith.extui %eq3A_6 : i1 to i32
    %cond3A_8 = arith.constant 0 : i32
    %cond3A_9 = arith.cmpi ne, %convert_element_type3A_7, %cond3A_8 : i32
    scf.if %cond3A_9 {
      "tpu.region"() ({
        %run_scoped3A = tpu.sem_alloc : memref<!tpu.dma_semaphore, #tpu.memory_space<semaphore_mem>>
        %dma_start3A_44 = arith.constant 0 : i32
        %dma_start3A_45 = tpu.memref_slice %arg7[%mul3A_2, %dma_start3A_44] : memref<100352x16xf32, #tpu.memory_space<vmem_shared>> -> memref<6272x16xf32, #tpu.memory_space<vmem_shared>>
        %dma_start3A_46 = arith.constant 0 : i32
        %dma_start3A_47 = tpu.memref_slice %arg3[%mul3A_2, %dma_start3A_46] : memref<100352x16xf32, #tpu.memory_space<hbm>> -> memref<6272x16xf32, #tpu.memory_space<hbm>>
        tpu.enqueue_dma source(%dma_start3A_47 : memref<6272x16xf32, #tpu.memory_space<hbm>>) target(%dma_start3A_45 : memref<6272x16xf32, #tpu.memory_space<vmem_shared>>) target_semaphore(%run_scoped3A : memref<!tpu.dma_semaphore, #tpu.memory_space<semaphore_mem>>)
        %dma_wait3A = arith.constant 0 : i32
        %dma_wait3A_48 = tpu.memref_slice %arg7[%mul3A_2, %dma_wait3A] : memref<100352x16xf32, #tpu.memory_space<vmem_shared>> -> memref<6272x16xf32, #tpu.memory_space<vmem_shared>>
        %dma_wait3A_49 = arith.constant 0 : i32
        %dma_wait3A_50 = tpu.memref_slice %arg3[%mul3A_2, %dma_wait3A_49] : memref<100352x16xf32, #tpu.memory_space<hbm>> -> memref<6272x16xf32, #tpu.memory_space<hbm>>
        tpu.wait_dma2 semaphore(%run_scoped3A : memref<!tpu.dma_semaphore, #tpu.memory_space<semaphore_mem>>) src(%dma_wait3A_50 : memref<6272x16xf32, #tpu.memory_space<hbm>>) dst(%dma_wait3A_48 : memref<6272x16xf32, #tpu.memory_space<vmem_shared>>)
        tpu.yield
      }) : () -> ()
      %barrier3A = arith.constant 0 : index
      tpu.barrier barrier_id(%barrier3A)
      %mul3A_10 = arith.constant 392 : i32
      %mul3A_11 = arith.muli %add3A, %mul3A_10 : i32
      %jit3A = arith.constant 4 : i32
      %div3A = arith.divsi %mul3A_11, %jit3A : i32
      %sign3A = arith.constant 0 : i32
      %sign3A_12 = arith.cmpi sgt, %mul3A_11, %sign3A : i32
      %sign3A_13 = arith.extui %sign3A_12 : i1 to i32
      %sign3A_14 = arith.constant 0 : i32
      %sign3A_15 = arith.cmpi slt, %mul3A_11, %sign3A_14 : i32
      %sign3A_16 = arith.extui %sign3A_15 : i1 to i32
      %sign3A_17 = arith.subi %sign3A_13, %sign3A_16 : i32
      %sign3A_18 = arith.constant 0 : i32
      %sign3A_19 = arith.cmpi sgt, %jit3A, %sign3A_18 : i32
      %sign3A_20 = arith.extui %sign3A_19 : i1 to i32
      %sign3A_21 = arith.constant 0 : i32
      %sign3A_22 = arith.cmpi slt, %jit3A, %sign3A_21 : i32
      %sign3A_23 = arith.extui %sign3A_22 : i1 to i32
      %sign3A_24 = arith.subi %sign3A_20, %sign3A_23 : i32
      %ne3A = arith.cmpi ne, %sign3A_17, %sign3A_24 : i32
      %rem3A = arith.remsi %mul3A_11, %jit3A : i32
      %ne3A_25 = arith.constant 0 : i32
      %ne3A_26 = arith.cmpi ne, %rem3A, %ne3A_25 : i32
      %and3A = arith.andi %ne3A, %ne3A_26 : i1
      %sub3A = arith.constant 1 : i32
      %sub3A_27 = arith.subi %div3A, %sub3A : i32
      %select_n3A = arith.select %and3A, %sub3A_27, %div3A : i32
      %add3A_28 = arith.constant 0 : i32
      %add3A_29 = arith.addi %select_n3A, %add3A_28 : i32
      %mul3A_30 = arith.constant 2 : i32
      %mul3A_31 = arith.muli %add3A_29, %mul3A_30 : i32
      "tpu.region"() ({
        %run_scoped3A = tpu.sem_alloc : memref<!tpu.dma_semaphore, #tpu.memory_space<semaphore_mem>>
        %dma_start3A_44 = arith.constant 0 : i32
        %dma_start3A_45 = tpu.memref_slice %arg4[%mul3A_31, %dma_start3A_44] : memref<6272x512xi32, #tpu.memory_space<hbm>> -> memref<2x512xi32, #tpu.memory_space<hbm>>
        %dma_start3A_46 = arith.constant 0 : i32
        %dma_start3A_47 = tpu.memref_slice %arg4[%mul3A_31, %dma_start3A_46] : memref<6272x512xi32, #tpu.memory_space<hbm>> -> memref<2x512xi32, #tpu.memory_space<hbm>>
        tpu.enqueue_dma source(%dma_start3A_47 : memref<2x512xi32, #tpu.memory_space<hbm>>) target(%arg8 : memref<2x512xi32, #tpu.memory_space<vmem>>) target_semaphore(%run_scoped3A : memref<!tpu.dma_semaphore, #tpu.memory_space<semaphore_mem>>)
        %dma_wait3A = arith.constant 0 : i32
        %dma_wait3A_48 = tpu.memref_slice %arg4[%mul3A_31, %dma_wait3A] : memref<6272x512xi32, #tpu.memory_space<hbm>> -> memref<2x512xi32, #tpu.memory_space<hbm>>
        %dma_wait3A_49 = arith.constant 0 : i32
        %dma_wait3A_50 = tpu.memref_slice %arg4[%mul3A_31, %dma_wait3A_49] : memref<6272x512xi32, #tpu.memory_space<hbm>> -> memref<2x512xi32, #tpu.memory_space<hbm>>
        tpu.wait_dma2 semaphore(%run_scoped3A : memref<!tpu.dma_semaphore, #tpu.memory_space<semaphore_mem>>) src(%dma_wait3A_50 : memref<2x512xi32, #tpu.memory_space<hbm>>) dst(%arg8 : memref<2x512xi32, #tpu.memory_space<vmem>>)
        tpu.yield
      }) : () -> ()
      %dma_start3A = arith.constant 0 : i32
      %dma_start3A_32 = arith.constant 0 : i32
      %dma_start3A_33 = tpu.memref_slice %arg8[%dma_start3A, %dma_start3A_32] : memref<2x512xi32, #tpu.memory_space<vmem>> -> memref<1x512xi32, #tpu.memory_space<vmem>>
      %dma_start3A_34 = tpu.memref_squeeze %dma_start3A_33 : memref<1x512xi32, #tpu.memory_space<vmem>> -> memref<512xi32, #tpu.memory_space<vmem>>
      %dma_start3A_35 = arith.constant 0 : i32
      %dma_start3A_36 = arith.constant 0 : i32
      %dma_start3A_37 = tpu.memref_slice %arg3[%dma_start3A_35, %dma_start3A_36] : memref<100352x16xf32, #tpu.memory_space<hbm>> -> memref<100352x16xf32, #tpu.memory_space<hbm>>
      tpu.enqueue_indirect_dma source(%dma_start3A_37 : memref<100352x16xf32, #tpu.memory_space<hbm>>) target(%arg9 : memref<512x16xf32, #tpu.memory_space<vmem>>) offsets(%dma_start3A_34 : memref<512xi32, #tpu.memory_space<vmem>>) semaphore(%arg12 : memref<!tpu.dma_semaphore, #tpu.memory_space<semaphore_mem>>)
      %scan3A = arith.constant 0 : i32
      %scan3A_38 = arith.constant 0 : i32
      %scan3A_39 = arith.constant 49 : i32
      %scan3A_40 = arith.addi %scan3A_38, %scan3A_39 : i32
      %scan3A_41 = arith.constant 1 : i32
      scf.for %scan3A_44 = %scan3A_38 to %scan3A_40 step %scan3A_41  : i32 {
        %mul3A_45 = arith.constant 2 : i32
        %mul3A_46 = arith.muli %mul3A_45, %scan3A_44 : i32
        %add3A_47 = arith.constant 1 : i32
        %add3A_48 = arith.addi %mul3A_46, %add3A_47 : i32
        %add3A_49 = arith.addi %select_n3A, %add3A_48 : i32
        %mul3A_50 = arith.constant 2 : i32
        %mul3A_51 = arith.muli %add3A_49, %mul3A_50 : i32
        "tpu.region"() ({
          %run_scoped3A = tpu.sem_alloc : memref<!tpu.dma_semaphore, #tpu.memory_space<semaphore_mem>>
          %dma_start3A_106 = arith.constant 0 : i32
          %dma_start3A_107 = tpu.memref_slice %arg4[%mul3A_51, %dma_start3A_106] : memref<6272x512xi32, #tpu.memory_space<hbm>> -> memref<2x512xi32, #tpu.memory_space<hbm>>
          %dma_start3A_108 = arith.constant 0 : i32
          %dma_start3A_109 = tpu.memref_slice %arg4[%mul3A_51, %dma_start3A_108] : memref<6272x512xi32, #tpu.memory_space<hbm>> -> memref<2x512xi32, #tpu.memory_space<hbm>>
          tpu.enqueue_dma source(%dma_start3A_109 : memref<2x512xi32, #tpu.memory_space<hbm>>) target(%arg10 : memref<2x512xi32, #tpu.memory_space<vmem>>) target_semaphore(%run_scoped3A : memref<!tpu.dma_semaphore, #tpu.memory_space<semaphore_mem>>)
          %dma_wait3A_110 = arith.constant 0 : i32
          %dma_wait3A_111 = tpu.memref_slice %arg4[%mul3A_51, %dma_wait3A_110] : memref<6272x512xi32, #tpu.memory_space<hbm>> -> memref<2x512xi32, #tpu.memory_space<hbm>>
          %dma_wait3A_112 = arith.constant 0 : i32
          %dma_wait3A_113 = tpu.memref_slice %arg4[%mul3A_51, %dma_wait3A_112] : memref<6272x512xi32, #tpu.memory_space<hbm>> -> memref<2x512xi32, #tpu.memory_space<hbm>>
          tpu.wait_dma2 semaphore(%run_scoped3A : memref<!tpu.dma_semaphore, #tpu.memory_space<semaphore_mem>>) src(%dma_wait3A_113 : memref<2x512xi32, #tpu.memory_space<hbm>>) dst(%arg10 : memref<2x512xi32, #tpu.memory_space<vmem>>)
          tpu.yield
        }) : () -> ()
        %dma_start3A_52 = arith.constant 0 : i32
        %dma_start3A_53 = arith.constant 0 : i32
        %dma_start3A_54 = tpu.memref_slice %arg10[%dma_start3A_52, %dma_start3A_53] : memref<2x512xi32, #tpu.memory_space<vmem>> -> memref<1x512xi32, #tpu.memory_space<vmem>>
        %dma_start3A_55 = tpu.memref_squeeze %dma_start3A_54 : memref<1x512xi32, #tpu.memory_space<vmem>> -> memref<512xi32, #tpu.memory_space<vmem>>
        %dma_start3A_56 = arith.constant 0 : i32
        %dma_start3A_57 = arith.constant 0 : i32
        %dma_start3A_58 = tpu.memref_slice %arg3[%dma_start3A_56, %dma_start3A_57] : memref<100352x16xf32, #tpu.memory_space<hbm>> -> memref<100352x16xf32, #tpu.memory_space<hbm>>
        tpu.enqueue_indirect_dma source(%dma_start3A_58 : memref<100352x16xf32, #tpu.memory_space<hbm>>) target(%arg11 : memref<512x16xf32, #tpu.memory_space<vmem>>) offsets(%dma_start3A_55 : memref<512xi32, #tpu.memory_space<vmem>>) semaphore(%arg13 : memref<!tpu.dma_semaphore, #tpu.memory_space<semaphore_mem>>)
        %dma_wait3A = arith.constant 0 : i32
        %dma_wait3A_59 = arith.constant 0 : i32
        %dma_wait3A_60 = tpu.memref_slice %arg8[%dma_wait3A, %dma_wait3A_59] : memref<2x512xi32, #tpu.memory_space<vmem>> -> memref<1x512xi32, #tpu.memory_space<vmem>>
        %dma_wait3A_61 = tpu.memref_squeeze %dma_wait3A_60 : memref<1x512xi32, #tpu.memory_space<vmem>> -> memref<512xi32, #tpu.memory_space<vmem>>
        %dma_wait3A_62 = arith.constant 0 : i32
        %dma_wait3A_63 = arith.constant 0 : i32
        %dma_wait3A_64 = tpu.memref_slice %arg3[%dma_wait3A_62, %dma_wait3A_63] : memref<100352x16xf32, #tpu.memory_space<hbm>> -> memref<100352x16xf32, #tpu.memory_space<hbm>>
        tpu.wait_indirect_dma semaphore(%arg12 : memref<!tpu.dma_semaphore, #tpu.memory_space<semaphore_mem>>) src(%dma_wait3A_64 : memref<100352x16xf32, #tpu.memory_space<hbm>>) dst(%arg9 : memref<512x16xf32, #tpu.memory_space<vmem>>)
        %dma_start3A_65 = arith.constant 1 : i32
        %dma_start3A_66 = arith.constant 0 : i32
        %dma_start3A_67 = tpu.memref_slice %arg8[%dma_start3A_65, %dma_start3A_66] : memref<2x512xi32, #tpu.memory_space<vmem>> -> memref<1x512xi32, #tpu.memory_space<vmem>>
        %dma_start3A_68 = tpu.memref_squeeze %dma_start3A_67 : memref<1x512xi32, #tpu.memory_space<vmem>> -> memref<512xi32, #tpu.memory_space<vmem>>
        %dma_start3A_69 = arith.constant 0 : i32
        %dma_start3A_70 = arith.constant 0 : i32
        %dma_start3A_71 = tpu.memref_slice %arg7[%dma_start3A_69, %dma_start3A_70] : memref<100352x16xf32, #tpu.memory_space<vmem_shared>> -> memref<100352x16xf32, #tpu.memory_space<vmem_shared>>
        tpu.enqueue_indirect_dma source(%arg9 : memref<512x16xf32, #tpu.memory_space<vmem>>) target(%dma_start3A_71 : memref<100352x16xf32, #tpu.memory_space<vmem_shared>>) offsets(%dma_start3A_68 : memref<512xi32, #tpu.memory_space<vmem>>) semaphore(%arg14 : memref<!tpu.dma_semaphore, #tpu.memory_space<semaphore_mem>>) {add = true}
        %dma_wait3A_72 = arith.constant 1 : i32
        %dma_wait3A_73 = arith.constant 0 : i32
        %dma_wait3A_74 = tpu.memref_slice %arg8[%dma_wait3A_72, %dma_wait3A_73] : memref<2x512xi32, #tpu.memory_space<vmem>> -> memref<1x512xi32, #tpu.memory_space<vmem>>
        %dma_wait3A_75 = tpu.memref_squeeze %dma_wait3A_74 : memref<1x512xi32, #tpu.memory_space<vmem>> -> memref<512xi32, #tpu.memory_space<vmem>>
        %dma_wait3A_76 = arith.constant 0 : i32
        %dma_wait3A_77 = arith.constant 0 : i32
        %dma_wait3A_78 = tpu.memref_slice %arg7[%dma_wait3A_76, %dma_wait3A_77] : memref<100352x16xf32, #tpu.memory_space<vmem_shared>> -> memref<100352x16xf32, #tpu.memory_space<vmem_shared>>
        tpu.wait_indirect_dma semaphore(%arg14 : memref<!tpu.dma_semaphore, #tpu.memory_space<semaphore_mem>>) src(%arg9 : memref<512x16xf32, #tpu.memory_space<vmem>>) dst(%dma_wait3A_78 : memref<100352x16xf32, #tpu.memory_space<vmem_shared>>)
        %add3A_79 = arith.constant 1 : i32
        %add3A_80 = arith.addi %scan3A_44, %add3A_79 : i32
        %lt3A = arith.constant 49 : i32
        %lt3A_81 = arith.cmpi slt, %add3A_80, %lt3A : i32
        %convert_element_type3A_82 = arith.extui %lt3A_81 : i1 to i32
        %cond3A_83 = arith.constant 0 : i32
        %cond3A_84 = arith.cmpi ne, %convert_element_type3A_82, %cond3A_83 : i32
        scf.if %cond3A_84 {
          %add3A_106 = arith.constant 2 : i32
          %add3A_107 = arith.addi %mul3A_46, %add3A_106 : i32
          %add3A_108 = arith.addi %select_n3A, %add3A_107 : i32
          %mul3A_109 = arith.constant 2 : i32
          %mul3A_110 = arith.muli %add3A_108, %mul3A_109 : i32
          "tpu.region"() ({
            %run_scoped3A = tpu.sem_alloc : memref<!tpu.dma_semaphore, #tpu.memory_space<semaphore_mem>>
            %dma_start3A_118 = arith.constant 0 : i32
            %dma_start3A_119 = tpu.memref_slice %arg4[%mul3A_110, %dma_start3A_118] : memref<6272x512xi32, #tpu.memory_space<hbm>> -> memref<2x512xi32, #tpu.memory_space<hbm>>
            %dma_start3A_120 = arith.constant 0 : i32
            %dma_start3A_121 = tpu.memref_slice %arg4[%mul3A_110, %dma_start3A_120] : memref<6272x512xi32, #tpu.memory_space<hbm>> -> memref<2x512xi32, #tpu.memory_space<hbm>>
            tpu.enqueue_dma source(%dma_start3A_121 : memref<2x512xi32, #tpu.memory_space<hbm>>) target(%arg8 : memref<2x512xi32, #tpu.memory_space<vmem>>) target_semaphore(%run_scoped3A : memref<!tpu.dma_semaphore, #tpu.memory_space<semaphore_mem>>)
            %dma_wait3A_122 = arith.constant 0 : i32
            %dma_wait3A_123 = tpu.memref_slice %arg4[%mul3A_110, %dma_wait3A_122] : memref<6272x512xi32, #tpu.memory_space<hbm>> -> memref<2x512xi32, #tpu.memory_space<hbm>>
            %dma_wait3A_124 = arith.constant 0 : i32
            %dma_wait3A_125 = tpu.memref_slice %arg4[%mul3A_110, %dma_wait3A_124] : memref<6272x512xi32, #tpu.memory_space<hbm>> -> memref<2x512xi32, #tpu.memory_space<hbm>>
            tpu.wait_dma2 semaphore(%run_scoped3A : memref<!tpu.dma_semaphore, #tpu.memory_space<semaphore_mem>>) src(%dma_wait3A_125 : memref<2x512xi32, #tpu.memory_space<hbm>>) dst(%arg8 : memref<2x512xi32, #tpu.memory_space<vmem>>)
            tpu.yield
          }) : () -> ()
          %dma_start3A_111 = arith.constant 0 : i32
          %dma_start3A_112 = arith.constant 0 : i32
          %dma_start3A_113 = tpu.memref_slice %arg8[%dma_start3A_111, %dma_start3A_112] : memref<2x512xi32, #tpu.memory_space<vmem>> -> memref<1x512xi32, #tpu.memory_space<vmem>>
          %dma_start3A_114 = tpu.memref_squeeze %dma_start3A_113 : memref<1x512xi32, #tpu.memory_space<vmem>> -> memref<512xi32, #tpu.memory_space<vmem>>
          %dma_start3A_115 = arith.constant 0 : i32
          %dma_start3A_116 = arith.constant 0 : i32
          %dma_start3A_117 = tpu.memref_slice %arg3[%dma_start3A_115, %dma_start3A_116] : memref<100352x16xf32, #tpu.memory_space<hbm>> -> memref<100352x16xf32, #tpu.memory_space<hbm>>
          tpu.enqueue_indirect_dma source(%dma_start3A_117 : memref<100352x16xf32, #tpu.memory_space<hbm>>) target(%arg9 : memref<512x16xf32, #tpu.memory_space<vmem>>) offsets(%dma_start3A_114 : memref<512xi32, #tpu.memory_space<vmem>>) semaphore(%arg12 : memref<!tpu.dma_semaphore, #tpu.memory_space<semaphore_mem>>)
        } else {
        }
        %dma_wait3A_85 = arith.constant 0 : i32
        %dma_wait3A_86 = arith.constant 0 : i32
        %dma_wait3A_87 = tpu.memref_slice %arg10[%dma_wait3A_85, %dma_wait3A_86] : memref<2x512xi32, #tpu.memory_space<vmem>> -> memref<1x512xi32, #tpu.memory_space<vmem>>
        %dma_wait3A_88 = tpu.memref_squeeze %dma_wait3A_87 : memref<1x512xi32, #tpu.memory_space<vmem>> -> memref<512xi32, #tpu.memory_space<vmem>>
        %dma_wait3A_89 = arith.constant 0 : i32
        %dma_wait3A_90 = arith.constant 0 : i32
        %dma_wait3A_91 = tpu.memref_slice %arg3[%dma_wait3A_89, %dma_wait3A_90] : memref<100352x16xf32, #tpu.memory_space<hbm>> -> memref<100352x16xf32, #tpu.memory_space<hbm>>
        tpu.wait_indirect_dma semaphore(%arg13 : memref<!tpu.dma_semaphore, #tpu.memory_space<semaphore_mem>>) src(%dma_wait3A_91 : memref<100352x16xf32, #tpu.memory_space<hbm>>) dst(%arg11 : memref<512x16xf32, #tpu.memory_space<vmem>>)
        %dma_start3A_92 = arith.constant 1 : i32
        %dma_start3A_93 = arith.constant 0 : i32
        %dma_start3A_94 = tpu.memref_slice %arg10[%dma_start3A_92, %dma_start3A_93] : memref<2x512xi32, #tpu.memory_space<vmem>> -> memref<1x512xi32, #tpu.memory_space<vmem>>
        %dma_start3A_95 = tpu.memref_squeeze %dma_start3A_94 : memref<1x512xi32, #tpu.memory_space<vmem>> -> memref<512xi32, #tpu.memory_space<vmem>>
        %dma_start3A_96 = arith.constant 0 : i32
        %dma_start3A_97 = arith.constant 0 : i32
        %dma_start3A_98 = tpu.memref_slice %arg7[%dma_start3A_96, %dma_start3A_97] : memref<100352x16xf32, #tpu.memory_space<vmem_shared>> -> memref<100352x16xf32, #tpu.memory_space<vmem_shared>>
        tpu.enqueue_indirect_dma source(%arg11 : memref<512x16xf32, #tpu.memory_space<vmem>>) target(%dma_start3A_98 : memref<100352x16xf32, #tpu.memory_space<vmem_shared>>) offsets(%dma_start3A_95 : memref<512xi32, #tpu.memory_space<vmem>>) semaphore(%arg15 : memref<!tpu.dma_semaphore, #tpu.memory_space<semaphore_mem>>) {add = true}
        %dma_wait3A_99 = arith.constant 1 : i32
        %dma_wait3A_100 = arith.constant 0 : i32
        %dma_wait3A_101 = tpu.memref_slice %arg10[%dma_wait3A_99, %dma_wait3A_100] : memref<2x512xi32, #tpu.memory_space<vmem>> -> memref<1x512xi32, #tpu.memory_space<vmem>>
        %dma_wait3A_102 = tpu.memref_squeeze %dma_wait3A_101 : memref<1x512xi32, #tpu.memory_space<vmem>> -> memref<512xi32, #tpu.memory_space<vmem>>
        %dma_wait3A_103 = arith.constant 0 : i32
        %dma_wait3A_104 = arith.constant 0 : i32
        %dma_wait3A_105 = tpu.memref_slice %arg7[%dma_wait3A_103, %dma_wait3A_104] : memref<100352x16xf32, #tpu.memory_space<vmem_shared>> -> memref<100352x16xf32, #tpu.memory_space<vmem_shared>>
        tpu.wait_indirect_dma semaphore(%arg15 : memref<!tpu.dma_semaphore, #tpu.memory_space<semaphore_mem>>) src(%arg11 : memref<512x16xf32, #tpu.memory_space<vmem>>) dst(%dma_wait3A_105 : memref<100352x16xf32, #tpu.memory_space<vmem_shared>>)
      }
      %scan3A_42 = arith.constant 49 : i32
      %barrier3A_43 = arith.constant 0 : index
      tpu.barrier barrier_id(%barrier3A_43)
      "tpu.region"() ({
        %run_scoped3A = tpu.sem_alloc : memref<!tpu.dma_semaphore, #tpu.memory_space<semaphore_mem>>
        %dma_start3A_44 = arith.constant 0 : i32
        %dma_start3A_45 = tpu.memref_slice %arg6[%mul3A_2, %dma_start3A_44] : memref<100352x16xf32, #tpu.memory_space<hbm>> -> memref<6272x16xf32, #tpu.memory_space<hbm>>
        %dma_start3A_46 = arith.constant 0 : i32
        %dma_start3A_47 = tpu.memref_slice %arg7[%mul3A_2, %dma_start3A_46] : memref<100352x16xf32, #tpu.memory_space<vmem_shared>> -> memref<6272x16xf32, #tpu.memory_space<vmem_shared>>
        tpu.enqueue_dma source(%dma_start3A_47 : memref<6272x16xf32, #tpu.memory_space<vmem_shared>>) target(%dma_start3A_45 : memref<6272x16xf32, #tpu.memory_space<hbm>>) target_semaphore(%run_scoped3A : memref<!tpu.dma_semaphore, #tpu.memory_space<semaphore_mem>>)
        %dma_wait3A = arith.constant 0 : i32
        %dma_wait3A_48 = tpu.memref_slice %arg6[%mul3A_2, %dma_wait3A] : memref<100352x16xf32, #tpu.memory_space<hbm>> -> memref<6272x16xf32, #tpu.memory_space<hbm>>
        %dma_wait3A_49 = arith.constant 0 : i32
        %dma_wait3A_50 = tpu.memref_slice %arg7[%mul3A_2, %dma_wait3A_49] : memref<100352x16xf32, #tpu.memory_space<vmem_shared>> -> memref<6272x16xf32, #tpu.memory_space<vmem_shared>>
        tpu.wait_dma2 semaphore(%run_scoped3A : memref<!tpu.dma_semaphore, #tpu.memory_space<semaphore_mem>>) src(%dma_wait3A_50 : memref<6272x16xf32, #tpu.memory_space<vmem_shared>>) dst(%dma_wait3A_48 : memref<6272x16xf32, #tpu.memory_space<hbm>>)
        tpu.yield
      }) : () -> ()
    } else {
    }
    return
  }
}

#map = affine_map<(d0, d1) -> (0, 0)>
module attributes {stable_mosaic.version = 14 : i64} {
  func.func @body(%arg0: i32, %arg1: i32, %arg2: memref<100352x16xf32, #tpu.memory_space<hbm>>, %arg3: memref<100352x16xf32, #tpu.memory_space<hbm>>, %arg4: memref<6272x512xi32, #tpu.memory_space<hbm>>, %arg5: memref<100352x16xf32, #tpu.memory_space<hbm>>, %arg6: memref<100352x16xf32, #tpu.memory_space<hbm>>, %arg7: memref<100352x16xf32, #tpu.memory_space<vmem_shared>>, %arg8: memref<2x512xi32, #tpu.memory_space<vmem>>, %arg9: memref<512x16xf32, #tpu.memory_space<vmem>>, %arg10: memref<2x512xi32, #tpu.memory_space<vmem>>, %arg11: memref<512x16xf32, #tpu.memory_space<vmem>>, %arg12: memref<!tpu.dma_semaphore, #tpu.memory_space<semaphore_mem>>, %arg13: memref<!tpu.dma_semaphore, #tpu.memory_space<semaphore_mem>>, %arg14: memref<!tpu.dma_semaphore, #tpu.memory_space<semaphore_mem>>, %arg15: memref<!tpu.dma_semaphore, #tpu.memory_space<semaphore_mem>>) attributes {dimension_semantics = [#tpu.dimension_semantics<core_parallel>, #tpu.dimension_semantics<subcore_parallel>], iteration_bounds = array<i64: 2, 16>, scalar_prefetch = 0 : i64, scratch_operands = 9 : i64, tpu.core_type = #tpu.core_type<sc_vector_subcore>, window_params = [{transform_indices = #map}, {transform_indices = #map}, {transform_indices = #map}, {transform_indices = #map}, {transform_indices = #map}]} {
    %mul3A = arith.constant 2 : i32
    %mul3A_0 = arith.muli %arg1, %mul3A : i32
    %add3A = arith.addi %mul3A_0, %arg0 : i32
    %mul3A_1 = arith.constant 6272 : i32
    %mul3A_2 = arith.muli %arg1, %mul3A_1 : i32
    %eq3A = arith.constant 0 : i32
    %eq3A_3 = arith.cmpi eq, %arg0, %eq3A : i32
    %convert_element_type3A = arith.extui %eq3A_3 : i1 to i32
    %cond3A = arith.constant 0 : i32
    %cond3A_4 = arith.cmpi ne, %convert_element_type3A, %cond3A : i32
    scf.if %cond3A_4 {
      "tpu.region"() ({
        %run_scoped3A = tpu.sem_alloc : memref<!tpu.dma_semaphore, #tpu.memory_space<semaphore_mem>>
        %dma_start3A_44 = arith.constant 0 : i32
        %dma_start3A_45 = tpu.memref_slice %arg7[%mul3A_2, %dma_start3A_44] : memref<100352x16xf32, #tpu.memory_space<vmem_shared>> -> memref<6272x16xf32, #tpu.memory_space<vmem_shared>>
        %dma_start3A_46 = arith.constant 0 : i32
        %dma_start3A_47 = tpu.memref_slice %arg2[%mul3A_2, %dma_start3A_46] : memref<100352x16xf32, #tpu.memory_space<hbm>> -> memref<6272x16xf32, #tpu.memory_space<hbm>>
        tpu.enqueue_dma source(%dma_start3A_47 : memref<6272x16xf32, #tpu.memory_space<hbm>>) target(%dma_start3A_45 : memref<6272x16xf32, #tpu.memory_space<vmem_shared>>) target_semaphore(%run_scoped3A : memref<!tpu.dma_semaphore, #tpu.memory_space<semaphore_mem>>)
        %dma_wait3A = arith.constant 0 : i32
        %dma_wait3A_48 = tpu.memref_slice %arg7[%mul3A_2, %dma_wait3A] : memref<100352x16xf32, #tpu.memory_space<vmem_shared>> -> memref<6272x16xf32, #tpu.memory_space<vmem_shared>>
        %dma_wait3A_49 = arith.constant 0 : i32
        %dma_wait3A_50 = tpu.memref_slice %arg2[%mul3A_2, %dma_wait3A_49] : memref<100352x16xf32, #tpu.memory_space<hbm>> -> memref<6272x16xf32, #tpu.memory_space<hbm>>
        tpu.wait_dma2 semaphore(%run_scoped3A : memref<!tpu.dma_semaphore, #tpu.memory_space<semaphore_mem>>) src(%dma_wait3A_50 : memref<6272x16xf32, #tpu.memory_space<hbm>>) dst(%dma_wait3A_48 : memref<6272x16xf32, #tpu.memory_space<vmem_shared>>)
        tpu.yield
      }) : () -> ()
      %barrier3A = arith.constant 0 : index
      tpu.barrier barrier_id(%barrier3A)
      %mul3A_10 = arith.constant 784 : i32
      %mul3A_11 = arith.muli %arg1, %mul3A_10 : i32
      %jit3A = arith.constant 4 : i32
      %div3A = arith.divsi %mul3A_11, %jit3A : i32
      %sign3A = arith.constant 0 : i32
      %sign3A_12 = arith.cmpi sgt, %mul3A_11, %sign3A : i32
      %sign3A_13 = arith.extui %sign3A_12 : i1 to i32
      %sign3A_14 = arith.constant 0 : i32
      %sign3A_15 = arith.cmpi slt, %mul3A_11, %sign3A_14 : i32
      %sign3A_16 = arith.extui %sign3A_15 : i1 to i32
      %sign3A_17 = arith.subi %sign3A_13, %sign3A_16 : i32
      %sign3A_18 = arith.constant 0 : i32
      %sign3A_19 = arith.cmpi sgt, %jit3A, %sign3A_18 : i32
      %sign3A_20 = arith.extui %sign3A_19 : i1 to i32
      %sign3A_21 = arith.constant 0 : i32
      %sign3A_22 = arith.cmpi slt, %jit3A, %sign3A_21 : i32
      %sign3A_23 = arith.extui %sign3A_22 : i1 to i32
      %sign3A_24 = arith.subi %sign3A_20, %sign3A_23 : i32
      %ne3A = arith.cmpi ne, %sign3A_17, %sign3A_24 : i32
      %rem3A = arith.remsi %mul3A_11, %jit3A : i32
      %ne3A_25 = arith.constant 0 : i32
      %ne3A_26 = arith.cmpi ne, %rem3A, %ne3A_25 : i32
      %and3A = arith.andi %ne3A, %ne3A_26 : i1
      %sub3A = arith.constant 1 : i32
      %sub3A_27 = arith.subi %div3A, %sub3A : i32
      %select_n3A = arith.select %and3A, %sub3A_27, %div3A : i32
      %add3A_28 = arith.constant 0 : i32
      %add3A_29 = arith.addi %select_n3A, %add3A_28 : i32
      %mul3A_30 = arith.constant 2 : i32
      %mul3A_31 = arith.muli %add3A_29, %mul3A_30 : i32
      "tpu.region"() ({
        %run_scoped3A = tpu.sem_alloc : memref<!tpu.dma_semaphore, #tpu.memory_space<semaphore_mem>>
        %dma_start3A_44 = arith.constant 0 : i32
        %dma_start3A_45 = tpu.memref_slice %arg4[%mul3A_31, %dma_start3A_44] : memref<6272x512xi32, #tpu.memory_space<hbm>> -> memref<2x512xi32, #tpu.memory_space<hbm>>
        %dma_start3A_46 = arith.constant 0 : i32
        %dma_start3A_47 = tpu.memref_slice %arg4[%mul3A_31, %dma_start3A_46] : memref<6272x512xi32, #tpu.memory_space<hbm>> -> memref<2x512xi32, #tpu.memory_space<hbm>>
        tpu.enqueue_dma source(%dma_start3A_47 : memref<2x512xi32, #tpu.memory_space<hbm>>) target(%arg8 : memref<2x512xi32, #tpu.memory_space<vmem>>) target_semaphore(%run_scoped3A : memref<!tpu.dma_semaphore, #tpu.memory_space<semaphore_mem>>)
        %dma_wait3A = arith.constant 0 : i32
        %dma_wait3A_48 = tpu.memref_slice %arg4[%mul3A_31, %dma_wait3A] : memref<6272x512xi32, #tpu.memory_space<hbm>> -> memref<2x512xi32, #tpu.memory_space<hbm>>
        %dma_wait3A_49 = arith.constant 0 : i32
        %dma_wait3A_50 = tpu.memref_slice %arg4[%mul3A_31, %dma_wait3A_49] : memref<6272x512xi32, #tpu.memory_space<hbm>> -> memref<2x512xi32, #tpu.memory_space<hbm>>
        tpu.wait_dma2 semaphore(%run_scoped3A : memref<!tpu.dma_semaphore, #tpu.memory_space<semaphore_mem>>) src(%dma_wait3A_50 : memref<2x512xi32, #tpu.memory_space<hbm>>) dst(%arg8 : memref<2x512xi32, #tpu.memory_space<vmem>>)
        tpu.yield
      }) : () -> ()
      %dma_start3A = arith.constant 0 : i32
      %dma_start3A_32 = arith.constant 0 : i32
      %dma_start3A_33 = tpu.memref_slice %arg8[%dma_start3A, %dma_start3A_32] : memref<2x512xi32, #tpu.memory_space<vmem>> -> memref<1x512xi32, #tpu.memory_space<vmem>>
      %dma_start3A_34 = tpu.memref_squeeze %dma_start3A_33 : memref<1x512xi32, #tpu.memory_space<vmem>> -> memref<512xi32, #tpu.memory_space<vmem>>
      %dma_start3A_35 = arith.constant 0 : i32
      %dma_start3A_36 = arith.constant 0 : i32
      %dma_start3A_37 = tpu.memref_slice %arg2[%dma_start3A_35, %dma_start3A_36] : memref<100352x16xf32, #tpu.memory_space<hbm>> -> memref<100352x16xf32, #tpu.memory_space<hbm>>
      tpu.enqueue_indirect_dma source(%dma_start3A_37 : memref<100352x16xf32, #tpu.memory_space<hbm>>) target(%arg9 : memref<512x16xf32, #tpu.memory_space<vmem>>) offsets(%dma_start3A_34 : memref<512xi32, #tpu.memory_space<vmem>>) semaphore(%arg12 : memref<!tpu.dma_semaphore, #tpu.memory_space<semaphore_mem>>)
      %scan3A = arith.constant 0 : i32
      %scan3A_38 = arith.constant 0 : i32
      %scan3A_39 = arith.constant 98 : i32
      %scan3A_40 = arith.addi %scan3A_38, %scan3A_39 : i32
      %scan3A_41 = arith.constant 1 : i32
      scf.for %scan3A_44 = %scan3A_38 to %scan3A_40 step %scan3A_41  : i32 {
        %mul3A_45 = arith.constant 2 : i32
        %mul3A_46 = arith.muli %mul3A_45, %scan3A_44 : i32
        %add3A_47 = arith.constant 1 : i32
        %add3A_48 = arith.addi %mul3A_46, %add3A_47 : i32
        %add3A_49 = arith.addi %select_n3A, %add3A_48 : i32
        %mul3A_50 = arith.constant 2 : i32
        %mul3A_51 = arith.muli %add3A_49, %mul3A_50 : i32
        "tpu.region"() ({
          %run_scoped3A = tpu.sem_alloc : memref<!tpu.dma_semaphore, #tpu.memory_space<semaphore_mem>>
          %dma_start3A_106 = arith.constant 0 : i32
          %dma_start3A_107 = tpu.memref_slice %arg4[%mul3A_51, %dma_start3A_106] : memref<6272x512xi32, #tpu.memory_space<hbm>> -> memref<2x512xi32, #tpu.memory_space<hbm>>
          %dma_start3A_108 = arith.constant 0 : i32
          %dma_start3A_109 = tpu.memref_slice %arg4[%mul3A_51, %dma_start3A_108] : memref<6272x512xi32, #tpu.memory_space<hbm>> -> memref<2x512xi32, #tpu.memory_space<hbm>>
          tpu.enqueue_dma source(%dma_start3A_109 : memref<2x512xi32, #tpu.memory_space<hbm>>) target(%arg10 : memref<2x512xi32, #tpu.memory_space<vmem>>) target_semaphore(%run_scoped3A : memref<!tpu.dma_semaphore, #tpu.memory_space<semaphore_mem>>)
          %dma_wait3A_110 = arith.constant 0 : i32
          %dma_wait3A_111 = tpu.memref_slice %arg4[%mul3A_51, %dma_wait3A_110] : memref<6272x512xi32, #tpu.memory_space<hbm>> -> memref<2x512xi32, #tpu.memory_space<hbm>>
          %dma_wait3A_112 = arith.constant 0 : i32
          %dma_wait3A_113 = tpu.memref_slice %arg4[%mul3A_51, %dma_wait3A_112] : memref<6272x512xi32, #tpu.memory_space<hbm>> -> memref<2x512xi32, #tpu.memory_space<hbm>>
          tpu.wait_dma2 semaphore(%run_scoped3A : memref<!tpu.dma_semaphore, #tpu.memory_space<semaphore_mem>>) src(%dma_wait3A_113 : memref<2x512xi32, #tpu.memory_space<hbm>>) dst(%arg10 : memref<2x512xi32, #tpu.memory_space<vmem>>)
          tpu.yield
        }) : () -> ()
        %dma_start3A_52 = arith.constant 0 : i32
        %dma_start3A_53 = arith.constant 0 : i32
        %dma_start3A_54 = tpu.memref_slice %arg10[%dma_start3A_52, %dma_start3A_53] : memref<2x512xi32, #tpu.memory_space<vmem>> -> memref<1x512xi32, #tpu.memory_space<vmem>>
        %dma_start3A_55 = tpu.memref_squeeze %dma_start3A_54 : memref<1x512xi32, #tpu.memory_space<vmem>> -> memref<512xi32, #tpu.memory_space<vmem>>
        %dma_start3A_56 = arith.constant 0 : i32
        %dma_start3A_57 = arith.constant 0 : i32
        %dma_start3A_58 = tpu.memref_slice %arg2[%dma_start3A_56, %dma_start3A_57] : memref<100352x16xf32, #tpu.memory_space<hbm>> -> memref<100352x16xf32, #tpu.memory_space<hbm>>
        tpu.enqueue_indirect_dma source(%dma_start3A_58 : memref<100352x16xf32, #tpu.memory_space<hbm>>) target(%arg11 : memref<512x16xf32, #tpu.memory_space<vmem>>) offsets(%dma_start3A_55 : memref<512xi32, #tpu.memory_space<vmem>>) semaphore(%arg13 : memref<!tpu.dma_semaphore, #tpu.memory_space<semaphore_mem>>)
        %dma_wait3A = arith.constant 0 : i32
        %dma_wait3A_59 = arith.constant 0 : i32
        %dma_wait3A_60 = tpu.memref_slice %arg8[%dma_wait3A, %dma_wait3A_59] : memref<2x512xi32, #tpu.memory_space<vmem>> -> memref<1x512xi32, #tpu.memory_space<vmem>>
        %dma_wait3A_61 = tpu.memref_squeeze %dma_wait3A_60 : memref<1x512xi32, #tpu.memory_space<vmem>> -> memref<512xi32, #tpu.memory_space<vmem>>
        %dma_wait3A_62 = arith.constant 0 : i32
        %dma_wait3A_63 = arith.constant 0 : i32
        %dma_wait3A_64 = tpu.memref_slice %arg2[%dma_wait3A_62, %dma_wait3A_63] : memref<100352x16xf32, #tpu.memory_space<hbm>> -> memref<100352x16xf32, #tpu.memory_space<hbm>>
        tpu.wait_indirect_dma semaphore(%arg12 : memref<!tpu.dma_semaphore, #tpu.memory_space<semaphore_mem>>) src(%dma_wait3A_64 : memref<100352x16xf32, #tpu.memory_space<hbm>>) dst(%arg9 : memref<512x16xf32, #tpu.memory_space<vmem>>)
        %dma_start3A_65 = arith.constant 1 : i32
        %dma_start3A_66 = arith.constant 0 : i32
        %dma_start3A_67 = tpu.memref_slice %arg8[%dma_start3A_65, %dma_start3A_66] : memref<2x512xi32, #tpu.memory_space<vmem>> -> memref<1x512xi32, #tpu.memory_space<vmem>>
        %dma_start3A_68 = tpu.memref_squeeze %dma_start3A_67 : memref<1x512xi32, #tpu.memory_space<vmem>> -> memref<512xi32, #tpu.memory_space<vmem>>
        %dma_start3A_69 = arith.constant 0 : i32
        %dma_start3A_70 = arith.constant 0 : i32
        %dma_start3A_71 = tpu.memref_slice %arg7[%dma_start3A_69, %dma_start3A_70] : memref<100352x16xf32, #tpu.memory_space<vmem_shared>> -> memref<100352x16xf32, #tpu.memory_space<vmem_shared>>
        tpu.enqueue_indirect_dma source(%arg9 : memref<512x16xf32, #tpu.memory_space<vmem>>) target(%dma_start3A_71 : memref<100352x16xf32, #tpu.memory_space<vmem_shared>>) offsets(%dma_start3A_68 : memref<512xi32, #tpu.memory_space<vmem>>) semaphore(%arg14 : memref<!tpu.dma_semaphore, #tpu.memory_space<semaphore_mem>>) {add = true}
        %dma_wait3A_72 = arith.constant 1 : i32
        %dma_wait3A_73 = arith.constant 0 : i32
        %dma_wait3A_74 = tpu.memref_slice %arg8[%dma_wait3A_72, %dma_wait3A_73] : memref<2x512xi32, #tpu.memory_space<vmem>> -> memref<1x512xi32, #tpu.memory_space<vmem>>
        %dma_wait3A_75 = tpu.memref_squeeze %dma_wait3A_74 : memref<1x512xi32, #tpu.memory_space<vmem>> -> memref<512xi32, #tpu.memory_space<vmem>>
        %dma_wait3A_76 = arith.constant 0 : i32
        %dma_wait3A_77 = arith.constant 0 : i32
        %dma_wait3A_78 = tpu.memref_slice %arg7[%dma_wait3A_76, %dma_wait3A_77] : memref<100352x16xf32, #tpu.memory_space<vmem_shared>> -> memref<100352x16xf32, #tpu.memory_space<vmem_shared>>
        tpu.wait_indirect_dma semaphore(%arg14 : memref<!tpu.dma_semaphore, #tpu.memory_space<semaphore_mem>>) src(%arg9 : memref<512x16xf32, #tpu.memory_space<vmem>>) dst(%dma_wait3A_78 : memref<100352x16xf32, #tpu.memory_space<vmem_shared>>)
        %add3A_79 = arith.constant 1 : i32
        %add3A_80 = arith.addi %scan3A_44, %add3A_79 : i32
        %lt3A = arith.constant 98 : i32
        %lt3A_81 = arith.cmpi slt, %add3A_80, %lt3A : i32
        %convert_element_type3A_82 = arith.extui %lt3A_81 : i1 to i32
        %cond3A_83 = arith.constant 0 : i32
        %cond3A_84 = arith.cmpi ne, %convert_element_type3A_82, %cond3A_83 : i32
        scf.if %cond3A_84 {
          %add3A_106 = arith.constant 2 : i32
          %add3A_107 = arith.addi %mul3A_46, %add3A_106 : i32
          %add3A_108 = arith.addi %select_n3A, %add3A_107 : i32
          %mul3A_109 = arith.constant 2 : i32
          %mul3A_110 = arith.muli %add3A_108, %mul3A_109 : i32
          "tpu.region"() ({
            %run_scoped3A = tpu.sem_alloc : memref<!tpu.dma_semaphore, #tpu.memory_space<semaphore_mem>>
            %dma_start3A_118 = arith.constant 0 : i32
            %dma_start3A_119 = tpu.memref_slice %arg4[%mul3A_110, %dma_start3A_118] : memref<6272x512xi32, #tpu.memory_space<hbm>> -> memref<2x512xi32, #tpu.memory_space<hbm>>
            %dma_start3A_120 = arith.constant 0 : i32
            %dma_start3A_121 = tpu.memref_slice %arg4[%mul3A_110, %dma_start3A_120] : memref<6272x512xi32, #tpu.memory_space<hbm>> -> memref<2x512xi32, #tpu.memory_space<hbm>>
            tpu.enqueue_dma source(%dma_start3A_121 : memref<2x512xi32, #tpu.memory_space<hbm>>) target(%arg8 : memref<2x512xi32, #tpu.memory_space<vmem>>) target_semaphore(%run_scoped3A : memref<!tpu.dma_semaphore, #tpu.memory_space<semaphore_mem>>)
            %dma_wait3A_122 = arith.constant 0 : i32
            %dma_wait3A_123 = tpu.memref_slice %arg4[%mul3A_110, %dma_wait3A_122] : memref<6272x512xi32, #tpu.memory_space<hbm>> -> memref<2x512xi32, #tpu.memory_space<hbm>>
            %dma_wait3A_124 = arith.constant 0 : i32
            %dma_wait3A_125 = tpu.memref_slice %arg4[%mul3A_110, %dma_wait3A_124] : memref<6272x512xi32, #tpu.memory_space<hbm>> -> memref<2x512xi32, #tpu.memory_space<hbm>>
            tpu.wait_dma2 semaphore(%run_scoped3A : memref<!tpu.dma_semaphore, #tpu.memory_space<semaphore_mem>>) src(%dma_wait3A_125 : memref<2x512xi32, #tpu.memory_space<hbm>>) dst(%arg8 : memref<2x512xi32, #tpu.memory_space<vmem>>)
            tpu.yield
          }) : () -> ()
          %dma_start3A_111 = arith.constant 0 : i32
          %dma_start3A_112 = arith.constant 0 : i32
          %dma_start3A_113 = tpu.memref_slice %arg8[%dma_start3A_111, %dma_start3A_112] : memref<2x512xi32, #tpu.memory_space<vmem>> -> memref<1x512xi32, #tpu.memory_space<vmem>>
          %dma_start3A_114 = tpu.memref_squeeze %dma_start3A_113 : memref<1x512xi32, #tpu.memory_space<vmem>> -> memref<512xi32, #tpu.memory_space<vmem>>
          %dma_start3A_115 = arith.constant 0 : i32
          %dma_start3A_116 = arith.constant 0 : i32
          %dma_start3A_117 = tpu.memref_slice %arg2[%dma_start3A_115, %dma_start3A_116] : memref<100352x16xf32, #tpu.memory_space<hbm>> -> memref<100352x16xf32, #tpu.memory_space<hbm>>
          tpu.enqueue_indirect_dma source(%dma_start3A_117 : memref<100352x16xf32, #tpu.memory_space<hbm>>) target(%arg9 : memref<512x16xf32, #tpu.memory_space<vmem>>) offsets(%dma_start3A_114 : memref<512xi32, #tpu.memory_space<vmem>>) semaphore(%arg12 : memref<!tpu.dma_semaphore, #tpu.memory_space<semaphore_mem>>)
        } else {
        }
        %dma_wait3A_85 = arith.constant 0 : i32
        %dma_wait3A_86 = arith.constant 0 : i32
        %dma_wait3A_87 = tpu.memref_slice %arg10[%dma_wait3A_85, %dma_wait3A_86] : memref<2x512xi32, #tpu.memory_space<vmem>> -> memref<1x512xi32, #tpu.memory_space<vmem>>
        %dma_wait3A_88 = tpu.memref_squeeze %dma_wait3A_87 : memref<1x512xi32, #tpu.memory_space<vmem>> -> memref<512xi32, #tpu.memory_space<vmem>>
        %dma_wait3A_89 = arith.constant 0 : i32
        %dma_wait3A_90 = arith.constant 0 : i32
        %dma_wait3A_91 = tpu.memref_slice %arg2[%dma_wait3A_89, %dma_wait3A_90] : memref<100352x16xf32, #tpu.memory_space<hbm>> -> memref<100352x16xf32, #tpu.memory_space<hbm>>
        tpu.wait_indirect_dma semaphore(%arg13 : memref<!tpu.dma_semaphore, #tpu.memory_space<semaphore_mem>>) src(%dma_wait3A_91 : memref<100352x16xf32, #tpu.memory_space<hbm>>) dst(%arg11 : memref<512x16xf32, #tpu.memory_space<vmem>>)
        %dma_start3A_92 = arith.constant 1 : i32
        %dma_start3A_93 = arith.constant 0 : i32
        %dma_start3A_94 = tpu.memref_slice %arg10[%dma_start3A_92, %dma_start3A_93] : memref<2x512xi32, #tpu.memory_space<vmem>> -> memref<1x512xi32, #tpu.memory_space<vmem>>
        %dma_start3A_95 = tpu.memref_squeeze %dma_start3A_94 : memref<1x512xi32, #tpu.memory_space<vmem>> -> memref<512xi32, #tpu.memory_space<vmem>>
        %dma_start3A_96 = arith.constant 0 : i32
        %dma_start3A_97 = arith.constant 0 : i32
        %dma_start3A_98 = tpu.memref_slice %arg7[%dma_start3A_96, %dma_start3A_97] : memref<100352x16xf32, #tpu.memory_space<vmem_shared>> -> memref<100352x16xf32, #tpu.memory_space<vmem_shared>>
        tpu.enqueue_indirect_dma source(%arg11 : memref<512x16xf32, #tpu.memory_space<vmem>>) target(%dma_start3A_98 : memref<100352x16xf32, #tpu.memory_space<vmem_shared>>) offsets(%dma_start3A_95 : memref<512xi32, #tpu.memory_space<vmem>>) semaphore(%arg15 : memref<!tpu.dma_semaphore, #tpu.memory_space<semaphore_mem>>) {add = true}
        %dma_wait3A_99 = arith.constant 1 : i32
        %dma_wait3A_100 = arith.constant 0 : i32
        %dma_wait3A_101 = tpu.memref_slice %arg10[%dma_wait3A_99, %dma_wait3A_100] : memref<2x512xi32, #tpu.memory_space<vmem>> -> memref<1x512xi32, #tpu.memory_space<vmem>>
        %dma_wait3A_102 = tpu.memref_squeeze %dma_wait3A_101 : memref<1x512xi32, #tpu.memory_space<vmem>> -> memref<512xi32, #tpu.memory_space<vmem>>
        %dma_wait3A_103 = arith.constant 0 : i32
        %dma_wait3A_104 = arith.constant 0 : i32
        %dma_wait3A_105 = tpu.memref_slice %arg7[%dma_wait3A_103, %dma_wait3A_104] : memref<100352x16xf32, #tpu.memory_space<vmem_shared>> -> memref<100352x16xf32, #tpu.memory_space<vmem_shared>>
        tpu.wait_indirect_dma semaphore(%arg15 : memref<!tpu.dma_semaphore, #tpu.memory_space<semaphore_mem>>) src(%arg11 : memref<512x16xf32, #tpu.memory_space<vmem>>) dst(%dma_wait3A_105 : memref<100352x16xf32, #tpu.memory_space<vmem_shared>>)
      }
      %scan3A_42 = arith.constant 98 : i32
      %barrier3A_43 = arith.constant 0 : index
      tpu.barrier barrier_id(%barrier3A_43)
      "tpu.region"() ({
        %run_scoped3A = tpu.sem_alloc : memref<!tpu.dma_semaphore, #tpu.memory_space<semaphore_mem>>
        %dma_start3A_44 = arith.constant 0 : i32
        %dma_start3A_45 = tpu.memref_slice %arg5[%mul3A_2, %dma_start3A_44] : memref<100352x16xf32, #tpu.memory_space<hbm>> -> memref<6272x16xf32, #tpu.memory_space<hbm>>
        %dma_start3A_46 = arith.constant 0 : i32
        %dma_start3A_47 = tpu.memref_slice %arg7[%mul3A_2, %dma_start3A_46] : memref<100352x16xf32, #tpu.memory_space<vmem_shared>> -> memref<6272x16xf32, #tpu.memory_space<vmem_shared>>
        tpu.enqueue_dma source(%dma_start3A_47 : memref<6272x16xf32, #tpu.memory_space<vmem_shared>>) target(%dma_start3A_45 : memref<6272x16xf32, #tpu.memory_space<hbm>>) target_semaphore(%run_scoped3A : memref<!tpu.dma_semaphore, #tpu.memory_space<semaphore_mem>>)
        %dma_wait3A = arith.constant 0 : i32
        %dma_wait3A_48 = tpu.memref_slice %arg5[%mul3A_2, %dma_wait3A] : memref<100352x16xf32, #tpu.memory_space<hbm>> -> memref<6272x16xf32, #tpu.memory_space<hbm>>
        %dma_wait3A_49 = arith.constant 0 : i32
        %dma_wait3A_50 = tpu.memref_slice %arg7[%mul3A_2, %dma_wait3A_49] : memref<100352x16xf32, #tpu.memory_space<vmem_shared>> -> memref<6272x16xf32, #tpu.memory_space<vmem_shared>>
        tpu.wait_dma2 semaphore(%run_scoped3A : memref<!tpu.dma_semaphore, #tpu.memory_space<semaphore_mem>>) src(%dma_wait3A_50 : memref<6272x16xf32, #tpu.memory_space<vmem_shared>>) dst(%dma_wait3A_48 : memref<6272x16xf32, #tpu.memory_space<hbm>>)
        tpu.yield
      }) : () -> ()
    } else {
    }
    %eq3A_5 = arith.constant 1 : i32
    %eq3A_6 = arith.cmpi eq, %arg0, %eq3A_5 : i32
    %convert_element_type3A_7 = arith.extui %eq3A_6 : i1 to i32
    %cond3A_8 = arith.constant 0 : i32
    %cond3A_9 = arith.cmpi ne, %convert_element_type3A_7, %cond3A_8 : i32
    scf.if %cond3A_9 {
      "tpu.region"() ({
        %run_scoped3A = tpu.sem_alloc : memref<!tpu.dma_semaphore, #tpu.memory_space<semaphore_mem>>
        %dma_start3A_44 = arith.constant 0 : i32
        %dma_start3A_45 = tpu.memref_slice %arg7[%mul3A_2, %dma_start3A_44] : memref<100352x16xf32, #tpu.memory_space<vmem_shared>> -> memref<6272x16xf32, #tpu.memory_space<vmem_shared>>
        %dma_start3A_46 = arith.constant 0 : i32
        %dma_start3A_47 = tpu.memref_slice %arg3[%mul3A_2, %dma_start3A_46] : memref<100352x16xf32, #tpu.memory_space<hbm>> -> memref<6272x16xf32, #tpu.memory_space<hbm>>
        tpu.enqueue_dma source(%dma_start3A_47 : memref<6272x16xf32, #tpu.memory_space<hbm>>) target(%dma_start3A_45 : memref<6272x16xf32, #tpu.memory_space<vmem_shared>>) target_semaphore(%run_scoped3A : memref<!tpu.dma_semaphore, #tpu.memory_space<semaphore_mem>>)
        %dma_wait3A = arith.constant 0 : i32
        %dma_wait3A_48 = tpu.memref_slice %arg7[%mul3A_2, %dma_wait3A] : memref<100352x16xf32, #tpu.memory_space<vmem_shared>> -> memref<6272x16xf32, #tpu.memory_space<vmem_shared>>
        %dma_wait3A_49 = arith.constant 0 : i32
        %dma_wait3A_50 = tpu.memref_slice %arg3[%mul3A_2, %dma_wait3A_49] : memref<100352x16xf32, #tpu.memory_space<hbm>> -> memref<6272x16xf32, #tpu.memory_space<hbm>>
        tpu.wait_dma2 semaphore(%run_scoped3A : memref<!tpu.dma_semaphore, #tpu.memory_space<semaphore_mem>>) src(%dma_wait3A_50 : memref<6272x16xf32, #tpu.memory_space<hbm>>) dst(%dma_wait3A_48 : memref<6272x16xf32, #tpu.memory_space<vmem_shared>>)
        tpu.yield
      }) : () -> ()
      %barrier3A = arith.constant 0 : index
      tpu.barrier barrier_id(%barrier3A)
      %mul3A_10 = arith.constant 784 : i32
      %mul3A_11 = arith.muli %arg1, %mul3A_10 : i32
      %jit3A = arith.constant 4 : i32
      %div3A = arith.divsi %mul3A_11, %jit3A : i32
      %sign3A = arith.constant 0 : i32
      %sign3A_12 = arith.cmpi sgt, %mul3A_11, %sign3A : i32
      %sign3A_13 = arith.extui %sign3A_12 : i1 to i32
      %sign3A_14 = arith.constant 0 : i32
      %sign3A_15 = arith.cmpi slt, %mul3A_11, %sign3A_14 : i32
      %sign3A_16 = arith.extui %sign3A_15 : i1 to i32
      %sign3A_17 = arith.subi %sign3A_13, %sign3A_16 : i32
      %sign3A_18 = arith.constant 0 : i32
      %sign3A_19 = arith.cmpi sgt, %jit3A, %sign3A_18 : i32
      %sign3A_20 = arith.extui %sign3A_19 : i1 to i32
      %sign3A_21 = arith.constant 0 : i32
      %sign3A_22 = arith.cmpi slt, %jit3A, %sign3A_21 : i32
      %sign3A_23 = arith.extui %sign3A_22 : i1 to i32
      %sign3A_24 = arith.subi %sign3A_20, %sign3A_23 : i32
      %ne3A = arith.cmpi ne, %sign3A_17, %sign3A_24 : i32
      %rem3A = arith.remsi %mul3A_11, %jit3A : i32
      %ne3A_25 = arith.constant 0 : i32
      %ne3A_26 = arith.cmpi ne, %rem3A, %ne3A_25 : i32
      %and3A = arith.andi %ne3A, %ne3A_26 : i1
      %sub3A = arith.constant 1 : i32
      %sub3A_27 = arith.subi %div3A, %sub3A : i32
      %select_n3A = arith.select %and3A, %sub3A_27, %div3A : i32
      %add3A_28 = arith.constant 0 : i32
      %add3A_29 = arith.addi %select_n3A, %add3A_28 : i32
      %mul3A_30 = arith.constant 2 : i32
      %mul3A_31 = arith.muli %add3A_29, %mul3A_30 : i32
      "tpu.region"() ({
        %run_scoped3A = tpu.sem_alloc : memref<!tpu.dma_semaphore, #tpu.memory_space<semaphore_mem>>
        %dma_start3A_44 = arith.constant 0 : i32
        %dma_start3A_45 = tpu.memref_slice %arg4[%mul3A_31, %dma_start3A_44] : memref<6272x512xi32, #tpu.memory_space<hbm>> -> memref<2x512xi32, #tpu.memory_space<hbm>>
        %dma_start3A_46 = arith.constant 0 : i32
        %dma_start3A_47 = tpu.memref_slice %arg4[%mul3A_31, %dma_start3A_46] : memref<6272x512xi32, #tpu.memory_space<hbm>> -> memref<2x512xi32, #tpu.memory_space<hbm>>
        tpu.enqueue_dma source(%dma_start3A_47 : memref<2x512xi32, #tpu.memory_space<hbm>>) target(%arg8 : memref<2x512xi32, #tpu.memory_space<vmem>>) target_semaphore(%run_scoped3A : memref<!tpu.dma_semaphore, #tpu.memory_space<semaphore_mem>>)
        %dma_wait3A = arith.constant 0 : i32
        %dma_wait3A_48 = tpu.memref_slice %arg4[%mul3A_31, %dma_wait3A] : memref<6272x512xi32, #tpu.memory_space<hbm>> -> memref<2x512xi32, #tpu.memory_space<hbm>>
        %dma_wait3A_49 = arith.constant 0 : i32
        %dma_wait3A_50 = tpu.memref_slice %arg4[%mul3A_31, %dma_wait3A_49] : memref<6272x512xi32, #tpu.memory_space<hbm>> -> memref<2x512xi32, #tpu.memory_space<hbm>>
        tpu.wait_dma2 semaphore(%run_scoped3A : memref<!tpu.dma_semaphore, #tpu.memory_space<semaphore_mem>>) src(%dma_wait3A_50 : memref<2x512xi32, #tpu.memory_space<hbm>>) dst(%arg8 : memref<2x512xi32, #tpu.memory_space<vmem>>)
        tpu.yield
      }) : () -> ()
      %dma_start3A = arith.constant 0 : i32
      %dma_start3A_32 = arith.constant 0 : i32
      %dma_start3A_33 = tpu.memref_slice %arg8[%dma_start3A, %dma_start3A_32] : memref<2x512xi32, #tpu.memory_space<vmem>> -> memref<1x512xi32, #tpu.memory_space<vmem>>
      %dma_start3A_34 = tpu.memref_squeeze %dma_start3A_33 : memref<1x512xi32, #tpu.memory_space<vmem>> -> memref<512xi32, #tpu.memory_space<vmem>>
      %dma_start3A_35 = arith.constant 0 : i32
      %dma_start3A_36 = arith.constant 0 : i32
      %dma_start3A_37 = tpu.memref_slice %arg3[%dma_start3A_35, %dma_start3A_36] : memref<100352x16xf32, #tpu.memory_space<hbm>> -> memref<100352x16xf32, #tpu.memory_space<hbm>>
      tpu.enqueue_indirect_dma source(%dma_start3A_37 : memref<100352x16xf32, #tpu.memory_space<hbm>>) target(%arg9 : memref<512x16xf32, #tpu.memory_space<vmem>>) offsets(%dma_start3A_34 : memref<512xi32, #tpu.memory_space<vmem>>) semaphore(%arg12 : memref<!tpu.dma_semaphore, #tpu.memory_space<semaphore_mem>>)
      %scan3A = arith.constant 0 : i32
      %scan3A_38 = arith.constant 0 : i32
      %scan3A_39 = arith.constant 98 : i32
      %scan3A_40 = arith.addi %scan3A_38, %scan3A_39 : i32
      %scan3A_41 = arith.constant 1 : i32
      scf.for %scan3A_44 = %scan3A_38 to %scan3A_40 step %scan3A_41  : i32 {
        %mul3A_45 = arith.constant 2 : i32
        %mul3A_46 = arith.muli %mul3A_45, %scan3A_44 : i32
        %add3A_47 = arith.constant 1 : i32
        %add3A_48 = arith.addi %mul3A_46, %add3A_47 : i32
        %add3A_49 = arith.addi %select_n3A, %add3A_48 : i32
        %mul3A_50 = arith.constant 2 : i32
        %mul3A_51 = arith.muli %add3A_49, %mul3A_50 : i32
        "tpu.region"() ({
          %run_scoped3A = tpu.sem_alloc : memref<!tpu.dma_semaphore, #tpu.memory_space<semaphore_mem>>
          %dma_start3A_106 = arith.constant 0 : i32
          %dma_start3A_107 = tpu.memref_slice %arg4[%mul3A_51, %dma_start3A_106] : memref<6272x512xi32, #tpu.memory_space<hbm>> -> memref<2x512xi32, #tpu.memory_space<hbm>>
          %dma_start3A_108 = arith.constant 0 : i32
          %dma_start3A_109 = tpu.memref_slice %arg4[%mul3A_51, %dma_start3A_108] : memref<6272x512xi32, #tpu.memory_space<hbm>> -> memref<2x512xi32, #tpu.memory_space<hbm>>
          tpu.enqueue_dma source(%dma_start3A_109 : memref<2x512xi32, #tpu.memory_space<hbm>>) target(%arg10 : memref<2x512xi32, #tpu.memory_space<vmem>>) target_semaphore(%run_scoped3A : memref<!tpu.dma_semaphore, #tpu.memory_space<semaphore_mem>>)
          %dma_wait3A_110 = arith.constant 0 : i32
          %dma_wait3A_111 = tpu.memref_slice %arg4[%mul3A_51, %dma_wait3A_110] : memref<6272x512xi32, #tpu.memory_space<hbm>> -> memref<2x512xi32, #tpu.memory_space<hbm>>
          %dma_wait3A_112 = arith.constant 0 : i32
          %dma_wait3A_113 = tpu.memref_slice %arg4[%mul3A_51, %dma_wait3A_112] : memref<6272x512xi32, #tpu.memory_space<hbm>> -> memref<2x512xi32, #tpu.memory_space<hbm>>
          tpu.wait_dma2 semaphore(%run_scoped3A : memref<!tpu.dma_semaphore, #tpu.memory_space<semaphore_mem>>) src(%dma_wait3A_113 : memref<2x512xi32, #tpu.memory_space<hbm>>) dst(%arg10 : memref<2x512xi32, #tpu.memory_space<vmem>>)
          tpu.yield
        }) : () -> ()
        %dma_start3A_52 = arith.constant 0 : i32
        %dma_start3A_53 = arith.constant 0 : i32
        %dma_start3A_54 = tpu.memref_slice %arg10[%dma_start3A_52, %dma_start3A_53] : memref<2x512xi32, #tpu.memory_space<vmem>> -> memref<1x512xi32, #tpu.memory_space<vmem>>
        %dma_start3A_55 = tpu.memref_squeeze %dma_start3A_54 : memref<1x512xi32, #tpu.memory_space<vmem>> -> memref<512xi32, #tpu.memory_space<vmem>>
        %dma_start3A_56 = arith.constant 0 : i32
        %dma_start3A_57 = arith.constant 0 : i32
        %dma_start3A_58 = tpu.memref_slice %arg3[%dma_start3A_56, %dma_start3A_57] : memref<100352x16xf32, #tpu.memory_space<hbm>> -> memref<100352x16xf32, #tpu.memory_space<hbm>>
        tpu.enqueue_indirect_dma source(%dma_start3A_58 : memref<100352x16xf32, #tpu.memory_space<hbm>>) target(%arg11 : memref<512x16xf32, #tpu.memory_space<vmem>>) offsets(%dma_start3A_55 : memref<512xi32, #tpu.memory_space<vmem>>) semaphore(%arg13 : memref<!tpu.dma_semaphore, #tpu.memory_space<semaphore_mem>>)
        %dma_wait3A = arith.constant 0 : i32
        %dma_wait3A_59 = arith.constant 0 : i32
        %dma_wait3A_60 = tpu.memref_slice %arg8[%dma_wait3A, %dma_wait3A_59] : memref<2x512xi32, #tpu.memory_space<vmem>> -> memref<1x512xi32, #tpu.memory_space<vmem>>
        %dma_wait3A_61 = tpu.memref_squeeze %dma_wait3A_60 : memref<1x512xi32, #tpu.memory_space<vmem>> -> memref<512xi32, #tpu.memory_space<vmem>>
        %dma_wait3A_62 = arith.constant 0 : i32
        %dma_wait3A_63 = arith.constant 0 : i32
        %dma_wait3A_64 = tpu.memref_slice %arg3[%dma_wait3A_62, %dma_wait3A_63] : memref<100352x16xf32, #tpu.memory_space<hbm>> -> memref<100352x16xf32, #tpu.memory_space<hbm>>
        tpu.wait_indirect_dma semaphore(%arg12 : memref<!tpu.dma_semaphore, #tpu.memory_space<semaphore_mem>>) src(%dma_wait3A_64 : memref<100352x16xf32, #tpu.memory_space<hbm>>) dst(%arg9 : memref<512x16xf32, #tpu.memory_space<vmem>>)
        %dma_start3A_65 = arith.constant 1 : i32
        %dma_start3A_66 = arith.constant 0 : i32
        %dma_start3A_67 = tpu.memref_slice %arg8[%dma_start3A_65, %dma_start3A_66] : memref<2x512xi32, #tpu.memory_space<vmem>> -> memref<1x512xi32, #tpu.memory_space<vmem>>
        %dma_start3A_68 = tpu.memref_squeeze %dma_start3A_67 : memref<1x512xi32, #tpu.memory_space<vmem>> -> memref<512xi32, #tpu.memory_space<vmem>>
        %dma_start3A_69 = arith.constant 0 : i32
        %dma_start3A_70 = arith.constant 0 : i32
        %dma_start3A_71 = tpu.memref_slice %arg7[%dma_start3A_69, %dma_start3A_70] : memref<100352x16xf32, #tpu.memory_space<vmem_shared>> -> memref<100352x16xf32, #tpu.memory_space<vmem_shared>>
        tpu.enqueue_indirect_dma source(%arg9 : memref<512x16xf32, #tpu.memory_space<vmem>>) target(%dma_start3A_71 : memref<100352x16xf32, #tpu.memory_space<vmem_shared>>) offsets(%dma_start3A_68 : memref<512xi32, #tpu.memory_space<vmem>>) semaphore(%arg14 : memref<!tpu.dma_semaphore, #tpu.memory_space<semaphore_mem>>) {add = true}
        %dma_wait3A_72 = arith.constant 1 : i32
        %dma_wait3A_73 = arith.constant 0 : i32
        %dma_wait3A_74 = tpu.memref_slice %arg8[%dma_wait3A_72, %dma_wait3A_73] : memref<2x512xi32, #tpu.memory_space<vmem>> -> memref<1x512xi32, #tpu.memory_space<vmem>>
        %dma_wait3A_75 = tpu.memref_squeeze %dma_wait3A_74 : memref<1x512xi32, #tpu.memory_space<vmem>> -> memref<512xi32, #tpu.memory_space<vmem>>
        %dma_wait3A_76 = arith.constant 0 : i32
        %dma_wait3A_77 = arith.constant 0 : i32
        %dma_wait3A_78 = tpu.memref_slice %arg7[%dma_wait3A_76, %dma_wait3A_77] : memref<100352x16xf32, #tpu.memory_space<vmem_shared>> -> memref<100352x16xf32, #tpu.memory_space<vmem_shared>>
        tpu.wait_indirect_dma semaphore(%arg14 : memref<!tpu.dma_semaphore, #tpu.memory_space<semaphore_mem>>) src(%arg9 : memref<512x16xf32, #tpu.memory_space<vmem>>) dst(%dma_wait3A_78 : memref<100352x16xf32, #tpu.memory_space<vmem_shared>>)
        %add3A_79 = arith.constant 1 : i32
        %add3A_80 = arith.addi %scan3A_44, %add3A_79 : i32
        %lt3A = arith.constant 98 : i32
        %lt3A_81 = arith.cmpi slt, %add3A_80, %lt3A : i32
        %convert_element_type3A_82 = arith.extui %lt3A_81 : i1 to i32
        %cond3A_83 = arith.constant 0 : i32
        %cond3A_84 = arith.cmpi ne, %convert_element_type3A_82, %cond3A_83 : i32
        scf.if %cond3A_84 {
          %add3A_106 = arith.constant 2 : i32
          %add3A_107 = arith.addi %mul3A_46, %add3A_106 : i32
          %add3A_108 = arith.addi %select_n3A, %add3A_107 : i32
          %mul3A_109 = arith.constant 2 : i32
          %mul3A_110 = arith.muli %add3A_108, %mul3A_109 : i32
          "tpu.region"() ({
            %run_scoped3A = tpu.sem_alloc : memref<!tpu.dma_semaphore, #tpu.memory_space<semaphore_mem>>
            %dma_start3A_118 = arith.constant 0 : i32
            %dma_start3A_119 = tpu.memref_slice %arg4[%mul3A_110, %dma_start3A_118] : memref<6272x512xi32, #tpu.memory_space<hbm>> -> memref<2x512xi32, #tpu.memory_space<hbm>>
            %dma_start3A_120 = arith.constant 0 : i32
            %dma_start3A_121 = tpu.memref_slice %arg4[%mul3A_110, %dma_start3A_120] : memref<6272x512xi32, #tpu.memory_space<hbm>> -> memref<2x512xi32, #tpu.memory_space<hbm>>
            tpu.enqueue_dma source(%dma_start3A_121 : memref<2x512xi32, #tpu.memory_space<hbm>>) target(%arg8 : memref<2x512xi32, #tpu.memory_space<vmem>>) target_semaphore(%run_scoped3A : memref<!tpu.dma_semaphore, #tpu.memory_space<semaphore_mem>>)
            %dma_wait3A_122 = arith.constant 0 : i32
            %dma_wait3A_123 = tpu.memref_slice %arg4[%mul3A_110, %dma_wait3A_122] : memref<6272x512xi32, #tpu.memory_space<hbm>> -> memref<2x512xi32, #tpu.memory_space<hbm>>
            %dma_wait3A_124 = arith.constant 0 : i32
            %dma_wait3A_125 = tpu.memref_slice %arg4[%mul3A_110, %dma_wait3A_124] : memref<6272x512xi32, #tpu.memory_space<hbm>> -> memref<2x512xi32, #tpu.memory_space<hbm>>
            tpu.wait_dma2 semaphore(%run_scoped3A : memref<!tpu.dma_semaphore, #tpu.memory_space<semaphore_mem>>) src(%dma_wait3A_125 : memref<2x512xi32, #tpu.memory_space<hbm>>) dst(%arg8 : memref<2x512xi32, #tpu.memory_space<vmem>>)
            tpu.yield
          }) : () -> ()
          %dma_start3A_111 = arith.constant 0 : i32
          %dma_start3A_112 = arith.constant 0 : i32
          %dma_start3A_113 = tpu.memref_slice %arg8[%dma_start3A_111, %dma_start3A_112] : memref<2x512xi32, #tpu.memory_space<vmem>> -> memref<1x512xi32, #tpu.memory_space<vmem>>
          %dma_start3A_114 = tpu.memref_squeeze %dma_start3A_113 : memref<1x512xi32, #tpu.memory_space<vmem>> -> memref<512xi32, #tpu.memory_space<vmem>>
          %dma_start3A_115 = arith.constant 0 : i32
          %dma_start3A_116 = arith.constant 0 : i32
          %dma_start3A_117 = tpu.memref_slice %arg3[%dma_start3A_115, %dma_start3A_116] : memref<100352x16xf32, #tpu.memory_space<hbm>> -> memref<100352x16xf32, #tpu.memory_space<hbm>>
          tpu.enqueue_indirect_dma source(%dma_start3A_117 : memref<100352x16xf32, #tpu.memory_space<hbm>>) target(%arg9 : memref<512x16xf32, #tpu.memory_space<vmem>>) offsets(%dma_start3A_114 : memref<512xi32, #tpu.memory_space<vmem>>) semaphore(%arg12 : memref<!tpu.dma_semaphore, #tpu.memory_space<semaphore_mem>>)
        } else {
        }
        %dma_wait3A_85 = arith.constant 0 : i32
        %dma_wait3A_86 = arith.constant 0 : i32
        %dma_wait3A_87 = tpu.memref_slice %arg10[%dma_wait3A_85, %dma_wait3A_86] : memref<2x512xi32, #tpu.memory_space<vmem>> -> memref<1x512xi32, #tpu.memory_space<vmem>>
        %dma_wait3A_88 = tpu.memref_squeeze %dma_wait3A_87 : memref<1x512xi32, #tpu.memory_space<vmem>> -> memref<512xi32, #tpu.memory_space<vmem>>
        %dma_wait3A_89 = arith.constant 0 : i32
        %dma_wait3A_90 = arith.constant 0 : i32
        %dma_wait3A_91 = tpu.memref_slice %arg3[%dma_wait3A_89, %dma_wait3A_90] : memref<100352x16xf32, #tpu.memory_space<hbm>> -> memref<100352x16xf32, #tpu.memory_space<hbm>>
        tpu.wait_indirect_dma semaphore(%arg13 : memref<!tpu.dma_semaphore, #tpu.memory_space<semaphore_mem>>) src(%dma_wait3A_91 : memref<100352x16xf32, #tpu.memory_space<hbm>>) dst(%arg11 : memref<512x16xf32, #tpu.memory_space<vmem>>)
        %dma_start3A_92 = arith.constant 1 : i32
        %dma_start3A_93 = arith.constant 0 : i32
        %dma_start3A_94 = tpu.memref_slice %arg10[%dma_start3A_92, %dma_start3A_93] : memref<2x512xi32, #tpu.memory_space<vmem>> -> memref<1x512xi32, #tpu.memory_space<vmem>>
        %dma_start3A_95 = tpu.memref_squeeze %dma_start3A_94 : memref<1x512xi32, #tpu.memory_space<vmem>> -> memref<512xi32, #tpu.memory_space<vmem>>
        %dma_start3A_96 = arith.constant 0 : i32
        %dma_start3A_97 = arith.constant 0 : i32
        %dma_start3A_98 = tpu.memref_slice %arg7[%dma_start3A_96, %dma_start3A_97] : memref<100352x16xf32, #tpu.memory_space<vmem_shared>> -> memref<100352x16xf32, #tpu.memory_space<vmem_shared>>
        tpu.enqueue_indirect_dma source(%arg11 : memref<512x16xf32, #tpu.memory_space<vmem>>) target(%dma_start3A_98 : memref<100352x16xf32, #tpu.memory_space<vmem_shared>>) offsets(%dma_start3A_95 : memref<512xi32, #tpu.memory_space<vmem>>) semaphore(%arg15 : memref<!tpu.dma_semaphore, #tpu.memory_space<semaphore_mem>>) {add = true}
        %dma_wait3A_99 = arith.constant 1 : i32
        %dma_wait3A_100 = arith.constant 0 : i32
        %dma_wait3A_101 = tpu.memref_slice %arg10[%dma_wait3A_99, %dma_wait3A_100] : memref<2x512xi32, #tpu.memory_space<vmem>> -> memref<1x512xi32, #tpu.memory_space<vmem>>
        %dma_wait3A_102 = tpu.memref_squeeze %dma_wait3A_101 : memref<1x512xi32, #tpu.memory_space<vmem>> -> memref<512xi32, #tpu.memory_space<vmem>>
        %dma_wait3A_103 = arith.constant 0 : i32
        %dma_wait3A_104 = arith.constant 0 : i32
        %dma_wait3A_105 = tpu.memref_slice %arg7[%dma_wait3A_103, %dma_wait3A_104] : memref<100352x16xf32, #tpu.memory_space<vmem_shared>> -> memref<100352x16xf32, #tpu.memory_space<vmem_shared>>
        tpu.wait_indirect_dma semaphore(%arg15 : memref<!tpu.dma_semaphore, #tpu.memory_space<semaphore_mem>>) src(%arg11 : memref<512x16xf32, #tpu.memory_space<vmem>>) dst(%dma_wait3A_105 : memref<100352x16xf32, #tpu.memory_space<vmem_shared>>)
      }
      %scan3A_42 = arith.constant 98 : i32
      %barrier3A_43 = arith.constant 0 : index
      tpu.barrier barrier_id(%barrier3A_43)
      "tpu.region"() ({
        %run_scoped3A = tpu.sem_alloc : memref<!tpu.dma_semaphore, #tpu.memory_space<semaphore_mem>>
        %dma_start3A_44 = arith.constant 0 : i32
        %dma_start3A_45 = tpu.memref_slice %arg6[%mul3A_2, %dma_start3A_44] : memref<100352x16xf32, #tpu.memory_space<hbm>> -> memref<6272x16xf32, #tpu.memory_space<hbm>>
        %dma_start3A_46 = arith.constant 0 : i32
        %dma_start3A_47 = tpu.memref_slice %arg7[%mul3A_2, %dma_start3A_46] : memref<100352x16xf32, #tpu.memory_space<vmem_shared>> -> memref<6272x16xf32, #tpu.memory_space<vmem_shared>>
        tpu.enqueue_dma source(%dma_start3A_47 : memref<6272x16xf32, #tpu.memory_space<vmem_shared>>) target(%dma_start3A_45 : memref<6272x16xf32, #tpu.memory_space<hbm>>) target_semaphore(%run_scoped3A : memref<!tpu.dma_semaphore, #tpu.memory_space<semaphore_mem>>)
        %dma_wait3A = arith.constant 0 : i32
        %dma_wait3A_48 = tpu.memref_slice %arg6[%mul3A_2, %dma_wait3A] : memref<100352x16xf32, #tpu.memory_space<hbm>> -> memref<6272x16xf32, #tpu.memory_space<hbm>>
        %dma_wait3A_49 = arith.constant 0 : i32
        %dma_wait3A_50 = tpu.memref_slice %arg7[%mul3A_2, %dma_wait3A_49] : memref<100352x16xf32, #tpu.memory_space<vmem_shared>> -> memref<6272x16xf32, #tpu.memory_space<vmem_shared>>
        tpu.wait_dma2 semaphore(%run_scoped3A : memref<!tpu.dma_semaphore, #tpu.memory_space<semaphore_mem>>) src(%dma_wait3A_50 : memref<6272x16xf32, #tpu.memory_space<vmem_shared>>) dst(%dma_wait3A_48 : memref<6272x16xf32, #tpu.memory_space<hbm>>)
        tpu.yield
      }) : () -> ()
    } else {
    }
    return
  }
}

#map = affine_map<(d0, d1) -> (0, 0)>
#map1 = affine_map<(d0, d1) -> (0)>
#map2 = affine_map<(d0, d1) -> (0, 0, 0)>
module attributes {stable_mosaic.version = 14 : i64} {
  func.func @_pool_body(%arg0: i32, %arg1: i32, %arg2: memref<100352x16xf32, #tpu.memory_space<hbm>>, %arg3: memref<100352x16xf32, #tpu.memory_space<hbm>>, %arg4: memref<100352xf32, #tpu.memory_space<hbm>>, %arg5: memref<100352xf32, #tpu.memory_space<hbm>>, %arg6: memref<100352xi32, #tpu.memory_space<hbm>>, %arg7: memref<32x3264x32xf32, #tpu.memory_space<hbm>>, %arg8: memref<3264x32xf32, #tpu.memory_space<vmem>>, %arg9: memref<224x16xf32, #tpu.memory_space<vmem>>, %arg10: memref<224x16xf32, #tpu.memory_space<vmem>>, %arg11: memref<224xf32, #tpu.memory_space<vmem>>, %arg12: memref<224xf32, #tpu.memory_space<vmem>>, %arg13: memref<224xi32, #tpu.memory_space<vmem>>) attributes {dimension_semantics = [#tpu.dimension_semantics<core_parallel>, #tpu.dimension_semantics<subcore_parallel>], iteration_bounds = array<i64: 2, 16>, scalar_prefetch = 0 : i64, scratch_operands = 6 : i64, tpu.core_type = #tpu.core_type<sc_vector_subcore>, window_params = [{transform_indices = #map}, {transform_indices = #map}, {transform_indices = #map1}, {transform_indices = #map1}, {transform_indices = #map1}, {transform_indices = #map2}]} {
    %mul3A = arith.constant 2 : i32
    %mul3A_0 = arith.muli %arg1, %mul3A : i32
    %add3A = arith.addi %mul3A_0, %arg0 : i32
    %mul3A_1 = arith.constant 3136 : i32
    %mul3A_2 = arith.muli %add3A, %mul3A_1 : i32
    %broadcast_in_dim3A = arith.constant 0xFF800000 : f32
    %broadcast_in_dim3A_3 = vector.broadcast %broadcast_in_dim3A : f32 to vector<16xf32>
    %scan3A = arith.constant 0 : i32
    %scan3A_4 = arith.constant 0 : i32
    %scan3A_5 = arith.constant 3264 : i32
    %scan3A_6 = arith.addi %scan3A_4, %scan3A_5 : i32
    %scan3A_7 = arith.constant 1 : i32
    scf.for %scan3A_15 = %scan3A_4 to %scan3A_6 step %scan3A_7  : i32 {
      %swap3A = arith.index_cast %scan3A_15 : i32 to index
      %swap3A_16 = arith.constant 0 : index
      %swap3A_17 = tpu.vector_load %arg8[%swap3A, %swap3A_16] {strides = array<i32>} : memref<3264x32xf32, #tpu.memory_space<vmem>>, vector<1x16xf32>,
      %swap3A_18 = vector.shape_cast %swap3A_17 : vector<1x16xf32> to vector<16xf32>
      %swap3A_19 = vector.shape_cast %broadcast_in_dim3A_3 : vector<16xf32> to vector<1x16xf32>
      tpu.vector_store %arg8[%swap3A, %swap3A_16], %swap3A_19 {strides = array<i32>} : memref<3264x32xf32, #tpu.memory_space<vmem>>, vector<1x16xf32>,
      %swap3A_20 = arith.index_cast %scan3A_15 : i32 to index
      %swap3A_21 = arith.constant 16 : index
      %swap3A_22 = tpu.vector_load %arg8[%swap3A_20, %swap3A_21] {strides = array<i32>} : memref<3264x32xf32, #tpu.memory_space<vmem>>, vector<1x16xf32>,
      %swap3A_23 = vector.shape_cast %swap3A_22 : vector<1x16xf32> to vector<16xf32>
      %swap3A_24 = vector.shape_cast %broadcast_in_dim3A_3 : vector<16xf32> to vector<1x16xf32>
      tpu.vector_store %arg8[%swap3A_20, %swap3A_21], %swap3A_24 {strides = array<i32>} : memref<3264x32xf32, #tpu.memory_space<vmem>>, vector<1x16xf32>,
    }
    %scan3A_8 = arith.constant 3264 : i32
    %scan3A_9 = arith.constant 0 : i32
    %scan3A_10 = arith.constant 0 : i32
    %scan3A_11 = arith.constant 14 : i32
    %scan3A_12 = arith.addi %scan3A_10, %scan3A_11 : i32
    %scan3A_13 = arith.constant 1 : i32
    scf.for %scan3A_15 = %scan3A_10 to %scan3A_12 step %scan3A_13  : i32 {
      %mul3A_16 = arith.constant 224 : i32
      %mul3A_17 = arith.muli %scan3A_15, %mul3A_16 : i32
      %add3A_18 = arith.addi %mul3A_2, %mul3A_17 : i32
      "tpu.region"() ({
        %run_scoped3A = tpu.sem_alloc : memref<!tpu.dma_semaphore, #tpu.memory_space<semaphore_mem>>
        %dma_start3A = arith.constant 0 : i32
        %dma_start3A_25 = tpu.memref_slice %arg2[%add3A_18, %dma_start3A] : memref<100352x16xf32, #tpu.memory_space<hbm>> -> memref<224x16xf32, #tpu.memory_space<hbm>>
        %dma_start3A_26 = arith.constant 0 : i32
        %dma_start3A_27 = tpu.memref_slice %arg2[%add3A_18, %dma_start3A_26] : memref<100352x16xf32, #tpu.memory_space<hbm>> -> memref<224x16xf32, #tpu.memory_space<hbm>>
        tpu.enqueue_dma source(%dma_start3A_27 : memref<224x16xf32, #tpu.memory_space<hbm>>) target(%arg9 : memref<224x16xf32, #tpu.memory_space<vmem>>) target_semaphore(%run_scoped3A : memref<!tpu.dma_semaphore, #tpu.memory_space<semaphore_mem>>)
        %dma_wait3A = arith.constant 0 : i32
        %dma_wait3A_28 = tpu.memref_slice %arg2[%add3A_18, %dma_wait3A] : memref<100352x16xf32, #tpu.memory_space<hbm>> -> memref<224x16xf32, #tpu.memory_space<hbm>>
        %dma_wait3A_29 = arith.constant 0 : i32
        %dma_wait3A_30 = tpu.memref_slice %arg2[%add3A_18, %dma_wait3A_29] : memref<100352x16xf32, #tpu.memory_space<hbm>> -> memref<224x16xf32, #tpu.memory_space<hbm>>
        tpu.wait_dma2 semaphore(%run_scoped3A : memref<!tpu.dma_semaphore, #tpu.memory_space<semaphore_mem>>) src(%dma_wait3A_30 : memref<224x16xf32, #tpu.memory_space<hbm>>) dst(%arg9 : memref<224x16xf32, #tpu.memory_space<vmem>>)
        tpu.yield
      }) : () -> ()
      "tpu.region"() ({
        %run_scoped3A = tpu.sem_alloc : memref<!tpu.dma_semaphore, #tpu.memory_space<semaphore_mem>>
        %dma_start3A = arith.constant 0 : i32
        %dma_start3A_25 = tpu.memref_slice %arg3[%add3A_18, %dma_start3A] : memref<100352x16xf32, #tpu.memory_space<hbm>> -> memref<224x16xf32, #tpu.memory_space<hbm>>
        %dma_start3A_26 = arith.constant 0 : i32
        %dma_start3A_27 = tpu.memref_slice %arg3[%add3A_18, %dma_start3A_26] : memref<100352x16xf32, #tpu.memory_space<hbm>> -> memref<224x16xf32, #tpu.memory_space<hbm>>
        tpu.enqueue_dma source(%dma_start3A_27 : memref<224x16xf32, #tpu.memory_space<hbm>>) target(%arg10 : memref<224x16xf32, #tpu.memory_space<vmem>>) target_semaphore(%run_scoped3A : memref<!tpu.dma_semaphore, #tpu.memory_space<semaphore_mem>>)
        %dma_wait3A = arith.constant 0 : i32
        %dma_wait3A_28 = tpu.memref_slice %arg3[%add3A_18, %dma_wait3A] : memref<100352x16xf32, #tpu.memory_space<hbm>> -> memref<224x16xf32, #tpu.memory_space<hbm>>
        %dma_wait3A_29 = arith.constant 0 : i32
        %dma_wait3A_30 = tpu.memref_slice %arg3[%add3A_18, %dma_wait3A_29] : memref<100352x16xf32, #tpu.memory_space<hbm>> -> memref<224x16xf32, #tpu.memory_space<hbm>>
        tpu.wait_dma2 semaphore(%run_scoped3A : memref<!tpu.dma_semaphore, #tpu.memory_space<semaphore_mem>>) src(%dma_wait3A_30 : memref<224x16xf32, #tpu.memory_space<hbm>>) dst(%arg10 : memref<224x16xf32, #tpu.memory_space<vmem>>)
        tpu.yield
      }) : () -> ()
      "tpu.region"() ({
        %run_scoped3A = tpu.sem_alloc : memref<!tpu.dma_semaphore, #tpu.memory_space<semaphore_mem>>
        %dma_start3A = tpu.memref_slice %arg4[%add3A_18] : memref<100352xf32, #tpu.memory_space<hbm>> -> memref<224xf32, #tpu.memory_space<hbm>>
        %dma_start3A_25 = tpu.memref_slice %arg4[%add3A_18] : memref<100352xf32, #tpu.memory_space<hbm>> -> memref<224xf32, #tpu.memory_space<hbm>>
        tpu.enqueue_dma source(%dma_start3A_25 : memref<224xf32, #tpu.memory_space<hbm>>) target(%arg11 : memref<224xf32, #tpu.memory_space<vmem>>) target_semaphore(%run_scoped3A : memref<!tpu.dma_semaphore, #tpu.memory_space<semaphore_mem>>)
        %dma_wait3A = tpu.memref_slice %arg4[%add3A_18] : memref<100352xf32, #tpu.memory_space<hbm>> -> memref<224xf32, #tpu.memory_space<hbm>>
        %dma_wait3A_26 = tpu.memref_slice %arg4[%add3A_18] : memref<100352xf32, #tpu.memory_space<hbm>> -> memref<224xf32, #tpu.memory_space<hbm>>
        tpu.wait_dma2 semaphore(%run_scoped3A : memref<!tpu.dma_semaphore, #tpu.memory_space<semaphore_mem>>) src(%dma_wait3A_26 : memref<224xf32, #tpu.memory_space<hbm>>) dst(%arg11 : memref<224xf32, #tpu.memory_space<vmem>>)
        tpu.yield
      }) : () -> ()
      "tpu.region"() ({
        %run_scoped3A = tpu.sem_alloc : memref<!tpu.dma_semaphore, #tpu.memory_space<semaphore_mem>>
        %dma_start3A = tpu.memref_slice %arg5[%add3A_18] : memref<100352xf32, #tpu.memory_space<hbm>> -> memref<224xf32, #tpu.memory_space<hbm>>
        %dma_start3A_25 = tpu.memref_slice %arg5[%add3A_18] : memref<100352xf32, #tpu.memory_space<hbm>> -> memref<224xf32, #tpu.memory_space<hbm>>
        tpu.enqueue_dma source(%dma_start3A_25 : memref<224xf32, #tpu.memory_space<hbm>>) target(%arg12 : memref<224xf32, #tpu.memory_space<vmem>>) target_semaphore(%run_scoped3A : memref<!tpu.dma_semaphore, #tpu.memory_space<semaphore_mem>>)
        %dma_wait3A = tpu.memref_slice %arg5[%add3A_18] : memref<100352xf32, #tpu.memory_space<hbm>> -> memref<224xf32, #tpu.memory_space<hbm>>
        %dma_wait3A_26 = tpu.memref_slice %arg5[%add3A_18] : memref<100352xf32, #tpu.memory_space<hbm>> -> memref<224xf32, #tpu.memory_space<hbm>>
        tpu.wait_dma2 semaphore(%run_scoped3A : memref<!tpu.dma_semaphore, #tpu.memory_space<semaphore_mem>>) src(%dma_wait3A_26 : memref<224xf32, #tpu.memory_space<hbm>>) dst(%arg12 : memref<224xf32, #tpu.memory_space<vmem>>)
        tpu.yield
      }) : () -> ()
      "tpu.region"() ({
        %run_scoped3A = tpu.sem_alloc : memref<!tpu.dma_semaphore, #tpu.memory_space<semaphore_mem>>
        %dma_start3A = tpu.memref_slice %arg6[%add3A_18] : memref<100352xi32, #tpu.memory_space<hbm>> -> memref<224xi32, #tpu.memory_space<hbm>>
        %dma_start3A_25 = tpu.memref_slice %arg6[%add3A_18] : memref<100352xi32, #tpu.memory_space<hbm>> -> memref<224xi32, #tpu.memory_space<hbm>>
        tpu.enqueue_dma source(%dma_start3A_25 : memref<224xi32, #tpu.memory_space<hbm>>) target(%arg13 : memref<224xi32, #tpu.memory_space<vmem>>) target_semaphore(%run_scoped3A : memref<!tpu.dma_semaphore, #tpu.memory_space<semaphore_mem>>)
        %dma_wait3A = tpu.memref_slice %arg6[%add3A_18] : memref<100352xi32, #tpu.memory_space<hbm>> -> memref<224xi32, #tpu.memory_space<hbm>>
        %dma_wait3A_26 = tpu.memref_slice %arg6[%add3A_18] : memref<100352xi32, #tpu.memory_space<hbm>> -> memref<224xi32, #tpu.memory_space<hbm>>
        tpu.wait_dma2 semaphore(%run_scoped3A : memref<!tpu.dma_semaphore, #tpu.memory_space<semaphore_mem>>) src(%dma_wait3A_26 : memref<224xi32, #tpu.memory_space<hbm>>) dst(%arg13 : memref<224xi32, #tpu.memory_space<vmem>>)
        tpu.yield
      }) : () -> ()
      %scan3A_19 = arith.constant 0 : i32
      %scan3A_20 = arith.constant 0 : i32
      %scan3A_21 = arith.constant 14 : i32
      %scan3A_22 = arith.addi %scan3A_20, %scan3A_21 : i32
      %scan3A_23 = arith.constant 1 : i32
      scf.for %scan3A_25 = %scan3A_20 to %scan3A_22 step %scan3A_23  : i32 {
        %mul3A_26 = arith.constant 16 : i32
        %mul3A_27 = arith.muli %scan3A_25, %mul3A_26 : i32
        %get3A = arith.index_cast %mul3A_27 : i32 to index
        %get3A_28 = tpu.vector_load %arg11[%get3A] {strides = array<i32>} : memref<224xf32, #tpu.memory_space<vmem>>, vector<16xf32>,
        %get3A_29 = vector.shape_cast %get3A_28 : vector<16xf32> to vector<16xf32>
        %mul3A_30 = arith.constant 1.600000e+01 : f32
        %mul3A_31 = vector.broadcast %mul3A_30 : f32 to vector<16xf32>
        %mul3A_32 = arith.mulf %get3A_29, %mul3A_31 : vector<16xf32>
        %convert_element_type3A = arith.fptosi %mul3A_32 : vector<16xf32> to vector<16xi32>
        %jit3A = arith.constant 0 : i32
        %jit3A_33 = arith.constant 15 : i32
        %max3A = vector.broadcast %jit3A : i32 to vector<16xi32>
        %max3A_34 = arith.maxsi %max3A, %convert_element_type3A : vector<16xi32>
        %min3A = vector.broadcast %jit3A_33 : i32 to vector<16xi32>
        %min3A_35 = arith.minsi %min3A, %max3A_34 : vector<16xi32>
        %get3A_36 = arith.index_cast %mul3A_27 : i32 to index
        %get3A_37 = tpu.vector_load %arg12[%get3A_36] {strides = array<i32>} : memref<224xf32, #tpu.memory_space<vmem>>, vector<16xf32>,
        %get3A_38 = vector.shape_cast %get3A_37 : vector<16xf32> to vector<16xf32>
        %mul3A_39 = arith.constant 1.200000e+01 : f32
        %mul3A_40 = vector.broadcast %mul3A_39 : f32 to vector<16xf32>
        %mul3A_41 = arith.mulf %get3A_38, %mul3A_40 : vector<16xf32>
        %convert_element_type3A_42 = arith.fptosi %mul3A_41 : vector<16xf32> to vector<16xi32>
        %jit3A_43 = arith.constant 0 : i32
        %jit3A_44 = arith.constant 11 : i32
        %max3A_45 = vector.broadcast %jit3A_43 : i32 to vector<16xi32>
        %max3A_46 = arith.maxsi %max3A_45, %convert_element_type3A_42 : vector<16xi32>
        %min3A_47 = vector.broadcast %jit3A_44 : i32 to vector<16xi32>
        %min3A_48 = arith.minsi %min3A_47, %max3A_46 : vector<16xi32>
        %get3A_49 = arith.index_cast %mul3A_27 : i32 to index
        %get3A_50 = tpu.vector_load %arg13[%get3A_49] {strides = array<i32>} : memref<224xi32, #tpu.memory_space<vmem>>, vector<16xi32>,
        %get3A_51 = vector.shape_cast %get3A_50 : vector<16xi32> to vector<16xi32>
        %mul3A_52 = arith.constant 192 : i32
        %mul3A_53 = vector.broadcast %mul3A_52 : i32 to vector<16xi32>
        %mul3A_54 = arith.muli %get3A_51, %mul3A_53 : vector<16xi32>
        %mul3A_55 = arith.constant 12 : i32
        %mul3A_56 = vector.broadcast %mul3A_55 : i32 to vector<16xi32>
        %mul3A_57 = arith.muli %min3A_35, %mul3A_56 : vector<16xi32>
        %add3A_58 = arith.addi %mul3A_54, %mul3A_57 : vector<16xi32>
        %add3A_59 = arith.addi %add3A_58, %min3A_48 : vector<16xi32>
        %slice3A = vector.extract_strided_slice %add3A_59 {offsets = [0], sizes = [1], strides = [1]} : vector<16xi32> to vector<1xi32>
        %squeeze3A = vector.extract %slice3A[0] : i32 from vector<1xi32>
        %mul3A_60 = arith.constant 16 : i32
        %mul3A_61 = arith.muli %scan3A_25, %mul3A_60 : i32
        %add3A_62 = arith.constant 0 : i32
        %add3A_63 = arith.addi %mul3A_61, %add3A_62 : i32
        %get3A_64 = arith.index_cast %squeeze3A : i32 to index
        %get3A_65 = arith.constant 0 : index
        %get3A_66 = tpu.vector_load %arg8[%get3A_64, %get3A_65] {strides = array<i32>} : memref<3264x32xf32, #tpu.memory_space<vmem>>, vector<1x16xf32>,
        %get3A_67 = vector.shape_cast %get3A_66 : vector<1x16xf32> to vector<16xf32>
        %get3A_68 = arith.index_cast %add3A_63 : i32 to index
        %get3A_69 = arith.constant 0 : index
        %get3A_70 = tpu.vector_load %arg9[%get3A_68, %get3A_69] {strides = array<i32>} : memref<224x16xf32, #tpu.memory_space<vmem>>, vector<1x16xf32>,
        %get3A_71 = vector.shape_cast %get3A_70 : vector<1x16xf32> to vector<16xf32>
        %max3A_72 = arith.maximumf %get3A_67, %get3A_71 : vector<16xf32>
        %swap3A = arith.index_cast %squeeze3A : i32 to index
        %swap3A_73 = arith.constant 0 : index
        %swap3A_74 = tpu.vector_load %arg8[%swap3A, %swap3A_73] {strides = array<i32>} : memref<3264x32xf32, #tpu.memory_space<vmem>>, vector<1x16xf32>,
        %swap3A_75 = vector.shape_cast %swap3A_74 : vector<1x16xf32> to vector<16xf32>
        %swap3A_76 = vector.shape_cast %max3A_72 : vector<16xf32> to vector<1x16xf32>
        tpu.vector_store %arg8[%swap3A, %swap3A_73], %swap3A_76 {strides = array<i32>} : memref<3264x32xf32, #tpu.memory_space<vmem>>, vector<1x16xf32>,
        %get3A_77 = arith.index_cast %squeeze3A : i32 to index
        %get3A_78 = arith.constant 16 : index
        %get3A_79 = tpu.vector_load %arg8[%get3A_77, %get3A_78] {strides = array<i32>} : memref<3264x32xf32, #tpu.memory_space<vmem>>, vector<1x16xf32>,
        %get3A_80 = vector.shape_cast %get3A_79 : vector<1x16xf32> to vector<16xf32>
        %get3A_81 = arith.index_cast %add3A_63 : i32 to index
        %get3A_82 = arith.constant 0 : index
        %get3A_83 = tpu.vector_load %arg10[%get3A_81, %get3A_82] {strides = array<i32>} : memref<224x16xf32, #tpu.memory_space<vmem>>, vector<1x16xf32>,
        %get3A_84 = vector.shape_cast %get3A_83 : vector<1x16xf32> to vector<16xf32>
        %max3A_85 = arith.maximumf %get3A_80, %get3A_84 : vector<16xf32>
        %swap3A_86 = arith.index_cast %squeeze3A : i32 to index
        %swap3A_87 = arith.constant 16 : index
        %swap3A_88 = tpu.vector_load %arg8[%swap3A_86, %swap3A_87] {strides = array<i32>} : memref<3264x32xf32, #tpu.memory_space<vmem>>, vector<1x16xf32>,
        %swap3A_89 = vector.shape_cast %swap3A_88 : vector<1x16xf32> to vector<16xf32>
        %swap3A_90 = vector.shape_cast %max3A_85 : vector<16xf32> to vector<1x16xf32>
        tpu.vector_store %arg8[%swap3A_86, %swap3A_87], %swap3A_90 {strides = array<i32>} : memref<3264x32xf32, #tpu.memory_space<vmem>>, vector<1x16xf32>,
        %slice3A_91 = vector.extract_strided_slice %add3A_59 {offsets = [1], sizes = [1], strides = [1]} : vector<16xi32> to vector<1xi32>
        %squeeze3A_92 = vector.extract %slice3A_91[0] : i32 from vector<1xi32>
        %mul3A_93 = arith.constant 16 : i32
        %mul3A_94 = arith.muli %scan3A_25, %mul3A_93 : i32
        %add3A_95 = arith.constant 1 : i32
        %add3A_96 = arith.addi %mul3A_94, %add3A_95 : i32
        %get3A_97 = arith.index_cast %squeeze3A_92 : i32 to index
        %get3A_98 = arith.constant 0 : index
        %get3A_99 = tpu.vector_load %arg8[%get3A_97, %get3A_98] {strides = array<i32>} : memref<3264x32xf32, #tpu.memory_space<vmem>>, vector<1x16xf32>,
        %get3A_100 = vector.shape_cast %get3A_99 : vector<1x16xf32> to vector<16xf32>
        %get3A_101 = arith.index_cast %add3A_96 : i32 to index
        %get3A_102 = arith.constant 0 : index
        %get3A_103 = tpu.vector_load %arg9[%get3A_101, %get3A_102] {strides = array<i32>} : memref<224x16xf32, #tpu.memory_space<vmem>>, vector<1x16xf32>,
        %get3A_104 = vector.shape_cast %get3A_103 : vector<1x16xf32> to vector<16xf32>
        %max3A_105 = arith.maximumf %get3A_100, %get3A_104 : vector<16xf32>
        %swap3A_106 = arith.index_cast %squeeze3A_92 : i32 to index
        %swap3A_107 = arith.constant 0 : index
        %swap3A_108 = tpu.vector_load %arg8[%swap3A_106, %swap3A_107] {strides = array<i32>} : memref<3264x32xf32, #tpu.memory_space<vmem>>, vector<1x16xf32>,
        %swap3A_109 = vector.shape_cast %swap3A_108 : vector<1x16xf32> to vector<16xf32>
        %swap3A_110 = vector.shape_cast %max3A_105 : vector<16xf32> to vector<1x16xf32>
        tpu.vector_store %arg8[%swap3A_106, %swap3A_107], %swap3A_110 {strides = array<i32>} : memref<3264x32xf32, #tpu.memory_space<vmem>>, vector<1x16xf32>,
        %get3A_111 = arith.index_cast %squeeze3A_92 : i32 to index
        %get3A_112 = arith.constant 16 : index
        %get3A_113 = tpu.vector_load %arg8[%get3A_111, %get3A_112] {strides = array<i32>} : memref<3264x32xf32, #tpu.memory_space<vmem>>, vector<1x16xf32>,
        %get3A_114 = vector.shape_cast %get3A_113 : vector<1x16xf32> to vector<16xf32>
        %get3A_115 = arith.index_cast %add3A_96 : i32 to index
        %get3A_116 = arith.constant 0 : index
        %get3A_117 = tpu.vector_load %arg10[%get3A_115, %get3A_116] {strides = array<i32>} : memref<224x16xf32, #tpu.memory_space<vmem>>, vector<1x16xf32>,
        %get3A_118 = vector.shape_cast %get3A_117 : vector<1x16xf32> to vector<16xf32>
        %max3A_119 = arith.maximumf %get3A_114, %get3A_118 : vector<16xf32>
        %swap3A_120 = arith.index_cast %squeeze3A_92 : i32 to index
        %swap3A_121 = arith.constant 16 : index
        %swap3A_122 = tpu.vector_load %arg8[%swap3A_120, %swap3A_121] {strides = array<i32>} : memref<3264x32xf32, #tpu.memory_space<vmem>>, vector<1x16xf32>,
        %swap3A_123 = vector.shape_cast %swap3A_122 : vector<1x16xf32> to vector<16xf32>
        %swap3A_124 = vector.shape_cast %max3A_119 : vector<16xf32> to vector<1x16xf32>
        tpu.vector_store %arg8[%swap3A_120, %swap3A_121], %swap3A_124 {strides = array<i32>} : memref<3264x32xf32, #tpu.memory_space<vmem>>, vector<1x16xf32>,
        %slice3A_125 = vector.extract_strided_slice %add3A_59 {offsets = [2], sizes = [1], strides = [1]} : vector<16xi32> to vector<1xi32>
        %squeeze3A_126 = vector.extract %slice3A_125[0] : i32 from vector<1xi32>
        %mul3A_127 = arith.constant 16 : i32
        %mul3A_128 = arith.muli %scan3A_25, %mul3A_127 : i32
        %add3A_129 = arith.constant 2 : i32
        %add3A_130 = arith.addi %mul3A_128, %add3A_129 : i32
        %get3A_131 = arith.index_cast %squeeze3A_126 : i32 to index
        %get3A_132 = arith.constant 0 : index
        %get3A_133 = tpu.vector_load %arg8[%get3A_131, %get3A_132] {strides = array<i32>} : memref<3264x32xf32, #tpu.memory_space<vmem>>, vector<1x16xf32>,
        %get3A_134 = vector.shape_cast %get3A_133 : vector<1x16xf32> to vector<16xf32>
        %get3A_135 = arith.index_cast %add3A_130 : i32 to index
        %get3A_136 = arith.constant 0 : index
        %get3A_137 = tpu.vector_load %arg9[%get3A_135, %get3A_136] {strides = array<i32>} : memref<224x16xf32, #tpu.memory_space<vmem>>, vector<1x16xf32>,
        %get3A_138 = vector.shape_cast %get3A_137 : vector<1x16xf32> to vector<16xf32>
        %max3A_139 = arith.maximumf %get3A_134, %get3A_138 : vector<16xf32>
        %swap3A_140 = arith.index_cast %squeeze3A_126 : i32 to index
        %swap3A_141 = arith.constant 0 : index
        %swap3A_142 = tpu.vector_load %arg8[%swap3A_140, %swap3A_141] {strides = array<i32>} : memref<3264x32xf32, #tpu.memory_space<vmem>>, vector<1x16xf32>,
        %swap3A_143 = vector.shape_cast %swap3A_142 : vector<1x16xf32> to vector<16xf32>
        %swap3A_144 = vector.shape_cast %max3A_139 : vector<16xf32> to vector<1x16xf32>
        tpu.vector_store %arg8[%swap3A_140, %swap3A_141], %swap3A_144 {strides = array<i32>} : memref<3264x32xf32, #tpu.memory_space<vmem>>, vector<1x16xf32>,
        %get3A_145 = arith.index_cast %squeeze3A_126 : i32 to index
        %get3A_146 = arith.constant 16 : index
        %get3A_147 = tpu.vector_load %arg8[%get3A_145, %get3A_146] {strides = array<i32>} : memref<3264x32xf32, #tpu.memory_space<vmem>>, vector<1x16xf32>,
        %get3A_148 = vector.shape_cast %get3A_147 : vector<1x16xf32> to vector<16xf32>
        %get3A_149 = arith.index_cast %add3A_130 : i32 to index
        %get3A_150 = arith.constant 0 : index
        %get3A_151 = tpu.vector_load %arg10[%get3A_149, %get3A_150] {strides = array<i32>} : memref<224x16xf32, #tpu.memory_space<vmem>>, vector<1x16xf32>,
        %get3A_152 = vector.shape_cast %get3A_151 : vector<1x16xf32> to vector<16xf32>
        %max3A_153 = arith.maximumf %get3A_148, %get3A_152 : vector<16xf32>
        %swap3A_154 = arith.index_cast %squeeze3A_126 : i32 to index
        %swap3A_155 = arith.constant 16 : index
        %swap3A_156 = tpu.vector_load %arg8[%swap3A_154, %swap3A_155] {strides = array<i32>} : memref<3264x32xf32, #tpu.memory_space<vmem>>, vector<1x16xf32>,
        %swap3A_157 = vector.shape_cast %swap3A_156 : vector<1x16xf32> to vector<16xf32>
        %swap3A_158 = vector.shape_cast %max3A_153 : vector<16xf32> to vector<1x16xf32>
        tpu.vector_store %arg8[%swap3A_154, %swap3A_155], %swap3A_158 {strides = array<i32>} : memref<3264x32xf32, #tpu.memory_space<vmem>>, vector<1x16xf32>,
        %slice3A_159 = vector.extract_strided_slice %add3A_59 {offsets = [3], sizes = [1], strides = [1]} : vector<16xi32> to vector<1xi32>
        %squeeze3A_160 = vector.extract %slice3A_159[0] : i32 from vector<1xi32>
        %mul3A_161 = arith.constant 16 : i32
        %mul3A_162 = arith.muli %scan3A_25, %mul3A_161 : i32
        %add3A_163 = arith.constant 3 : i32
        %add3A_164 = arith.addi %mul3A_162, %add3A_163 : i32
        %get3A_165 = arith.index_cast %squeeze3A_160 : i32 to index
        %get3A_166 = arith.constant 0 : index
        %get3A_167 = tpu.vector_load %arg8[%get3A_165, %get3A_166] {strides = array<i32>} : memref<3264x32xf32, #tpu.memory_space<vmem>>, vector<1x16xf32>,
        %get3A_168 = vector.shape_cast %get3A_167 : vector<1x16xf32> to vector<16xf32>
        %get3A_169 = arith.index_cast %add3A_164 : i32 to index
        %get3A_170 = arith.constant 0 : index
        %get3A_171 = tpu.vector_load %arg9[%get3A_169, %get3A_170] {strides = array<i32>} : memref<224x16xf32, #tpu.memory_space<vmem>>, vector<1x16xf32>,
        %get3A_172 = vector.shape_cast %get3A_171 : vector<1x16xf32> to vector<16xf32>
        %max3A_173 = arith.maximumf %get3A_168, %get3A_172 : vector<16xf32>
        %swap3A_174 = arith.index_cast %squeeze3A_160 : i32 to index
        %swap3A_175 = arith.constant 0 : index
        %swap3A_176 = tpu.vector_load %arg8[%swap3A_174, %swap3A_175] {strides = array<i32>} : memref<3264x32xf32, #tpu.memory_space<vmem>>, vector<1x16xf32>,
        %swap3A_177 = vector.shape_cast %swap3A_176 : vector<1x16xf32> to vector<16xf32>
        %swap3A_178 = vector.shape_cast %max3A_173 : vector<16xf32> to vector<1x16xf32>
        tpu.vector_store %arg8[%swap3A_174, %swap3A_175], %swap3A_178 {strides = array<i32>} : memref<3264x32xf32, #tpu.memory_space<vmem>>, vector<1x16xf32>,
        %get3A_179 = arith.index_cast %squeeze3A_160 : i32 to index
        %get3A_180 = arith.constant 16 : index
        %get3A_181 = tpu.vector_load %arg8[%get3A_179, %get3A_180] {strides = array<i32>} : memref<3264x32xf32, #tpu.memory_space<vmem>>, vector<1x16xf32>,
        %get3A_182 = vector.shape_cast %get3A_181 : vector<1x16xf32> to vector<16xf32>
        %get3A_183 = arith.index_cast %add3A_164 : i32 to index
        %get3A_184 = arith.constant 0 : index
        %get3A_185 = tpu.vector_load %arg10[%get3A_183, %get3A_184] {strides = array<i32>} : memref<224x16xf32, #tpu.memory_space<vmem>>, vector<1x16xf32>,
        %get3A_186 = vector.shape_cast %get3A_185 : vector<1x16xf32> to vector<16xf32>
        %max3A_187 = arith.maximumf %get3A_182, %get3A_186 : vector<16xf32>
        %swap3A_188 = arith.index_cast %squeeze3A_160 : i32 to index
        %swap3A_189 = arith.constant 16 : index
        %swap3A_190 = tpu.vector_load %arg8[%swap3A_188, %swap3A_189] {strides = array<i32>} : memref<3264x32xf32, #tpu.memory_space<vmem>>, vector<1x16xf32>,
        %swap3A_191 = vector.shape_cast %swap3A_190 : vector<1x16xf32> to vector<16xf32>
        %swap3A_192 = vector.shape_cast %max3A_187 : vector<16xf32> to vector<1x16xf32>
        tpu.vector_store %arg8[%swap3A_188, %swap3A_189], %swap3A_192 {strides = array<i32>} : memref<3264x32xf32, #tpu.memory_space<vmem>>, vector<1x16xf32>,
        %slice3A_193 = vector.extract_strided_slice %add3A_59 {offsets = [4], sizes = [1], strides = [1]} : vector<16xi32> to vector<1xi32>
        %squeeze3A_194 = vector.extract %slice3A_193[0] : i32 from vector<1xi32>
        %mul3A_195 = arith.constant 16 : i32
        %mul3A_196 = arith.muli %scan3A_25, %mul3A_195 : i32
        %add3A_197 = arith.constant 4 : i32
        %add3A_198 = arith.addi %mul3A_196, %add3A_197 : i32
        %get3A_199 = arith.index_cast %squeeze3A_194 : i32 to index
        %get3A_200 = arith.constant 0 : index
        %get3A_201 = tpu.vector_load %arg8[%get3A_199, %get3A_200] {strides = array<i32>} : memref<3264x32xf32, #tpu.memory_space<vmem>>, vector<1x16xf32>,
        %get3A_202 = vector.shape_cast %get3A_201 : vector<1x16xf32> to vector<16xf32>
        %get3A_203 = arith.index_cast %add3A_198 : i32 to index
        %get3A_204 = arith.constant 0 : index
        %get3A_205 = tpu.vector_load %arg9[%get3A_203, %get3A_204] {strides = array<i32>} : memref<224x16xf32, #tpu.memory_space<vmem>>, vector<1x16xf32>,
        %get3A_206 = vector.shape_cast %get3A_205 : vector<1x16xf32> to vector<16xf32>
        %max3A_207 = arith.maximumf %get3A_202, %get3A_206 : vector<16xf32>
        %swap3A_208 = arith.index_cast %squeeze3A_194 : i32 to index
        %swap3A_209 = arith.constant 0 : index
        %swap3A_210 = tpu.vector_load %arg8[%swap3A_208, %swap3A_209] {strides = array<i32>} : memref<3264x32xf32, #tpu.memory_space<vmem>>, vector<1x16xf32>,
        %swap3A_211 = vector.shape_cast %swap3A_210 : vector<1x16xf32> to vector<16xf32>
        %swap3A_212 = vector.shape_cast %max3A_207 : vector<16xf32> to vector<1x16xf32>
        tpu.vector_store %arg8[%swap3A_208, %swap3A_209], %swap3A_212 {strides = array<i32>} : memref<3264x32xf32, #tpu.memory_space<vmem>>, vector<1x16xf32>,
        %get3A_213 = arith.index_cast %squeeze3A_194 : i32 to index
        %get3A_214 = arith.constant 16 : index
        %get3A_215 = tpu.vector_load %arg8[%get3A_213, %get3A_214] {strides = array<i32>} : memref<3264x32xf32, #tpu.memory_space<vmem>>, vector<1x16xf32>,
        %get3A_216 = vector.shape_cast %get3A_215 : vector<1x16xf32> to vector<16xf32>
        %get3A_217 = arith.index_cast %add3A_198 : i32 to index
        %get3A_218 = arith.constant 0 : index
        %get3A_219 = tpu.vector_load %arg10[%get3A_217, %get3A_218] {strides = array<i32>} : memref<224x16xf32, #tpu.memory_space<vmem>>, vector<1x16xf32>,
        %get3A_220 = vector.shape_cast %get3A_219 : vector<1x16xf32> to vector<16xf32>
        %max3A_221 = arith.maximumf %get3A_216, %get3A_220 : vector<16xf32>
        %swap3A_222 = arith.index_cast %squeeze3A_194 : i32 to index
        %swap3A_223 = arith.constant 16 : index
        %swap3A_224 = tpu.vector_load %arg8[%swap3A_222, %swap3A_223] {strides = array<i32>} : memref<3264x32xf32, #tpu.memory_space<vmem>>, vector<1x16xf32>,
        %swap3A_225 = vector.shape_cast %swap3A_224 : vector<1x16xf32> to vector<16xf32>
        %swap3A_226 = vector.shape_cast %max3A_221 : vector<16xf32> to vector<1x16xf32>
        tpu.vector_store %arg8[%swap3A_222, %swap3A_223], %swap3A_226 {strides = array<i32>} : memref<3264x32xf32, #tpu.memory_space<vmem>>, vector<1x16xf32>,
        %slice3A_227 = vector.extract_strided_slice %add3A_59 {offsets = [5], sizes = [1], strides = [1]} : vector<16xi32> to vector<1xi32>
        %squeeze3A_228 = vector.extract %slice3A_227[0] : i32 from vector<1xi32>
        %mul3A_229 = arith.constant 16 : i32
        %mul3A_230 = arith.muli %scan3A_25, %mul3A_229 : i32
        %add3A_231 = arith.constant 5 : i32
        %add3A_232 = arith.addi %mul3A_230, %add3A_231 : i32
        %get3A_233 = arith.index_cast %squeeze3A_228 : i32 to index
        %get3A_234 = arith.constant 0 : index
        %get3A_235 = tpu.vector_load %arg8[%get3A_233, %get3A_234] {strides = array<i32>} : memref<3264x32xf32, #tpu.memory_space<vmem>>, vector<1x16xf32>,
        %get3A_236 = vector.shape_cast %get3A_235 : vector<1x16xf32> to vector<16xf32>
        %get3A_237 = arith.index_cast %add3A_232 : i32 to index
        %get3A_238 = arith.constant 0 : index
        %get3A_239 = tpu.vector_load %arg9[%get3A_237, %get3A_238] {strides = array<i32>} : memref<224x16xf32, #tpu.memory_space<vmem>>, vector<1x16xf32>,
        %get3A_240 = vector.shape_cast %get3A_239 : vector<1x16xf32> to vector<16xf32>
        %max3A_241 = arith.maximumf %get3A_236, %get3A_240 : vector<16xf32>
        %swap3A_242 = arith.index_cast %squeeze3A_228 : i32 to index
        %swap3A_243 = arith.constant 0 : index
        %swap3A_244 = tpu.vector_load %arg8[%swap3A_242, %swap3A_243] {strides = array<i32>} : memref<3264x32xf32, #tpu.memory_space<vmem>>, vector<1x16xf32>,
        %swap3A_245 = vector.shape_cast %swap3A_244 : vector<1x16xf32> to vector<16xf32>
        %swap3A_246 = vector.shape_cast %max3A_241 : vector<16xf32> to vector<1x16xf32>
        tpu.vector_store %arg8[%swap3A_242, %swap3A_243], %swap3A_246 {strides = array<i32>} : memref<3264x32xf32, #tpu.memory_space<vmem>>, vector<1x16xf32>,
        %get3A_247 = arith.index_cast %squeeze3A_228 : i32 to index
        %get3A_248 = arith.constant 16 : index
        %get3A_249 = tpu.vector_load %arg8[%get3A_247, %get3A_248] {strides = array<i32>} : memref<3264x32xf32, #tpu.memory_space<vmem>>, vector<1x16xf32>,
        %get3A_250 = vector.shape_cast %get3A_249 : vector<1x16xf32> to vector<16xf32>
        %get3A_251 = arith.index_cast %add3A_232 : i32 to index
        %get3A_252 = arith.constant 0 : index
        %get3A_253 = tpu.vector_load %arg10[%get3A_251, %get3A_252] {strides = array<i32>} : memref<224x16xf32, #tpu.memory_space<vmem>>, vector<1x16xf32>,
        %get3A_254 = vector.shape_cast %get3A_253 : vector<1x16xf32> to vector<16xf32>
        %max3A_255 = arith.maximumf %get3A_250, %get3A_254 : vector<16xf32>
        %swap3A_256 = arith.index_cast %squeeze3A_228 : i32 to index
        %swap3A_257 = arith.constant 16 : index
        %swap3A_258 = tpu.vector_load %arg8[%swap3A_256, %swap3A_257] {strides = array<i32>} : memref<3264x32xf32, #tpu.memory_space<vmem>>, vector<1x16xf32>,
        %swap3A_259 = vector.shape_cast %swap3A_258 : vector<1x16xf32> to vector<16xf32>
        %swap3A_260 = vector.shape_cast %max3A_255 : vector<16xf32> to vector<1x16xf32>
        tpu.vector_store %arg8[%swap3A_256, %swap3A_257], %swap3A_260 {strides = array<i32>} : memref<3264x32xf32, #tpu.memory_space<vmem>>, vector<1x16xf32>,
        %slice3A_261 = vector.extract_strided_slice %add3A_59 {offsets = [6], sizes = [1], strides = [1]} : vector<16xi32> to vector<1xi32>
        %squeeze3A_262 = vector.extract %slice3A_261[0] : i32 from vector<1xi32>
        %mul3A_263 = arith.constant 16 : i32
        %mul3A_264 = arith.muli %scan3A_25, %mul3A_263 : i32
        %add3A_265 = arith.constant 6 : i32
        %add3A_266 = arith.addi %mul3A_264, %add3A_265 : i32
        %get3A_267 = arith.index_cast %squeeze3A_262 : i32 to index
        %get3A_268 = arith.constant 0 : index
        %get3A_269 = tpu.vector_load %arg8[%get3A_267, %get3A_268] {strides = array<i32>} : memref<3264x32xf32, #tpu.memory_space<vmem>>, vector<1x16xf32>,
        %get3A_270 = vector.shape_cast %get3A_269 : vector<1x16xf32> to vector<16xf32>
        %get3A_271 = arith.index_cast %add3A_266 : i32 to index
        %get3A_272 = arith.constant 0 : index
        %get3A_273 = tpu.vector_load %arg9[%get3A_271, %get3A_272] {strides = array<i32>} : memref<224x16xf32, #tpu.memory_space<vmem>>, vector<1x16xf32>,
        %get3A_274 = vector.shape_cast %get3A_273 : vector<1x16xf32> to vector<16xf32>
        %max3A_275 = arith.maximumf %get3A_270, %get3A_274 : vector<16xf32>
        %swap3A_276 = arith.index_cast %squeeze3A_262 : i32 to index
        %swap3A_277 = arith.constant 0 : index
        %swap3A_278 = tpu.vector_load %arg8[%swap3A_276, %swap3A_277] {strides = array<i32>} : memref<3264x32xf32, #tpu.memory_space<vmem>>, vector<1x16xf32>,
        %swap3A_279 = vector.shape_cast %swap3A_278 : vector<1x16xf32> to vector<16xf32>
        %swap3A_280 = vector.shape_cast %max3A_275 : vector<16xf32> to vector<1x16xf32>
        tpu.vector_store %arg8[%swap3A_276, %swap3A_277], %swap3A_280 {strides = array<i32>} : memref<3264x32xf32, #tpu.memory_space<vmem>>, vector<1x16xf32>,
        %get3A_281 = arith.index_cast %squeeze3A_262 : i32 to index
        %get3A_282 = arith.constant 16 : index
        %get3A_283 = tpu.vector_load %arg8[%get3A_281, %get3A_282] {strides = array<i32>} : memref<3264x32xf32, #tpu.memory_space<vmem>>, vector<1x16xf32>,
        %get3A_284 = vector.shape_cast %get3A_283 : vector<1x16xf32> to vector<16xf32>
        %get3A_285 = arith.index_cast %add3A_266 : i32 to index
        %get3A_286 = arith.constant 0 : index
        %get3A_287 = tpu.vector_load %arg10[%get3A_285, %get3A_286] {strides = array<i32>} : memref<224x16xf32, #tpu.memory_space<vmem>>, vector<1x16xf32>,
        %get3A_288 = vector.shape_cast %get3A_287 : vector<1x16xf32> to vector<16xf32>
        %max3A_289 = arith.maximumf %get3A_284, %get3A_288 : vector<16xf32>
        %swap3A_290 = arith.index_cast %squeeze3A_262 : i32 to index
        %swap3A_291 = arith.constant 16 : index
        %swap3A_292 = tpu.vector_load %arg8[%swap3A_290, %swap3A_291] {strides = array<i32>} : memref<3264x32xf32, #tpu.memory_space<vmem>>, vector<1x16xf32>,
        %swap3A_293 = vector.shape_cast %swap3A_292 : vector<1x16xf32> to vector<16xf32>
        %swap3A_294 = vector.shape_cast %max3A_289 : vector<16xf32> to vector<1x16xf32>
        tpu.vector_store %arg8[%swap3A_290, %swap3A_291], %swap3A_294 {strides = array<i32>} : memref<3264x32xf32, #tpu.memory_space<vmem>>, vector<1x16xf32>,
        %slice3A_295 = vector.extract_strided_slice %add3A_59 {offsets = [7], sizes = [1], strides = [1]} : vector<16xi32> to vector<1xi32>
        %squeeze3A_296 = vector.extract %slice3A_295[0] : i32 from vector<1xi32>
        %mul3A_297 = arith.constant 16 : i32
        %mul3A_298 = arith.muli %scan3A_25, %mul3A_297 : i32
        %add3A_299 = arith.constant 7 : i32
        %add3A_300 = arith.addi %mul3A_298, %add3A_299 : i32
        %get3A_301 = arith.index_cast %squeeze3A_296 : i32 to index
        %get3A_302 = arith.constant 0 : index
        %get3A_303 = tpu.vector_load %arg8[%get3A_301, %get3A_302] {strides = array<i32>} : memref<3264x32xf32, #tpu.memory_space<vmem>>, vector<1x16xf32>,
        %get3A_304 = vector.shape_cast %get3A_303 : vector<1x16xf32> to vector<16xf32>
        %get3A_305 = arith.index_cast %add3A_300 : i32 to index
        %get3A_306 = arith.constant 0 : index
        %get3A_307 = tpu.vector_load %arg9[%get3A_305, %get3A_306] {strides = array<i32>} : memref<224x16xf32, #tpu.memory_space<vmem>>, vector<1x16xf32>,
        %get3A_308 = vector.shape_cast %get3A_307 : vector<1x16xf32> to vector<16xf32>
        %max3A_309 = arith.maximumf %get3A_304, %get3A_308 : vector<16xf32>
        %swap3A_310 = arith.index_cast %squeeze3A_296 : i32 to index
        %swap3A_311 = arith.constant 0 : index
        %swap3A_312 = tpu.vector_load %arg8[%swap3A_310, %swap3A_311] {strides = array<i32>} : memref<3264x32xf32, #tpu.memory_space<vmem>>, vector<1x16xf32>,
        %swap3A_313 = vector.shape_cast %swap3A_312 : vector<1x16xf32> to vector<16xf32>
        %swap3A_314 = vector.shape_cast %max3A_309 : vector<16xf32> to vector<1x16xf32>
        tpu.vector_store %arg8[%swap3A_310, %swap3A_311], %swap3A_314 {strides = array<i32>} : memref<3264x32xf32, #tpu.memory_space<vmem>>, vector<1x16xf32>,
        %get3A_315 = arith.index_cast %squeeze3A_296 : i32 to index
        %get3A_316 = arith.constant 16 : index
        %get3A_317 = tpu.vector_load %arg8[%get3A_315, %get3A_316] {strides = array<i32>} : memref<3264x32xf32, #tpu.memory_space<vmem>>, vector<1x16xf32>,
        %get3A_318 = vector.shape_cast %get3A_317 : vector<1x16xf32> to vector<16xf32>
        %get3A_319 = arith.index_cast %add3A_300 : i32 to index
        %get3A_320 = arith.constant 0 : index
        %get3A_321 = tpu.vector_load %arg10[%get3A_319, %get3A_320] {strides = array<i32>} : memref<224x16xf32, #tpu.memory_space<vmem>>, vector<1x16xf32>,
        %get3A_322 = vector.shape_cast %get3A_321 : vector<1x16xf32> to vector<16xf32>
        %max3A_323 = arith.maximumf %get3A_318, %get3A_322 : vector<16xf32>
        %swap3A_324 = arith.index_cast %squeeze3A_296 : i32 to index
        %swap3A_325 = arith.constant 16 : index
        %swap3A_326 = tpu.vector_load %arg8[%swap3A_324, %swap3A_325] {strides = array<i32>} : memref<3264x32xf32, #tpu.memory_space<vmem>>, vector<1x16xf32>,
        %swap3A_327 = vector.shape_cast %swap3A_326 : vector<1x16xf32> to vector<16xf32>
        %swap3A_328 = vector.shape_cast %max3A_323 : vector<16xf32> to vector<1x16xf32>
        tpu.vector_store %arg8[%swap3A_324, %swap3A_325], %swap3A_328 {strides = array<i32>} : memref<3264x32xf32, #tpu.memory_space<vmem>>, vector<1x16xf32>,
        %slice3A_329 = vector.extract_strided_slice %add3A_59 {offsets = [8], sizes = [1], strides = [1]} : vector<16xi32> to vector<1xi32>
        %squeeze3A_330 = vector.extract %slice3A_329[0] : i32 from vector<1xi32>
        %mul3A_331 = arith.constant 16 : i32
        %mul3A_332 = arith.muli %scan3A_25, %mul3A_331 : i32
        %add3A_333 = arith.constant 8 : i32
        %add3A_334 = arith.addi %mul3A_332, %add3A_333 : i32
        %get3A_335 = arith.index_cast %squeeze3A_330 : i32 to index
        %get3A_336 = arith.constant 0 : index
        %get3A_337 = tpu.vector_load %arg8[%get3A_335, %get3A_336] {strides = array<i32>} : memref<3264x32xf32, #tpu.memory_space<vmem>>, vector<1x16xf32>,
        %get3A_338 = vector.shape_cast %get3A_337 : vector<1x16xf32> to vector<16xf32>
        %get3A_339 = arith.index_cast %add3A_334 : i32 to index
        %get3A_340 = arith.constant 0 : index
        %get3A_341 = tpu.vector_load %arg9[%get3A_339, %get3A_340] {strides = array<i32>} : memref<224x16xf32, #tpu.memory_space<vmem>>, vector<1x16xf32>,
        %get3A_342 = vector.shape_cast %get3A_341 : vector<1x16xf32> to vector<16xf32>
        %max3A_343 = arith.maximumf %get3A_338, %get3A_342 : vector<16xf32>
        %swap3A_344 = arith.index_cast %squeeze3A_330 : i32 to index
        %swap3A_345 = arith.constant 0 : index
        %swap3A_346 = tpu.vector_load %arg8[%swap3A_344, %swap3A_345] {strides = array<i32>} : memref<3264x32xf32, #tpu.memory_space<vmem>>, vector<1x16xf32>,
        %swap3A_347 = vector.shape_cast %swap3A_346 : vector<1x16xf32> to vector<16xf32>
        %swap3A_348 = vector.shape_cast %max3A_343 : vector<16xf32> to vector<1x16xf32>
        tpu.vector_store %arg8[%swap3A_344, %swap3A_345], %swap3A_348 {strides = array<i32>} : memref<3264x32xf32, #tpu.memory_space<vmem>>, vector<1x16xf32>,
        %get3A_349 = arith.index_cast %squeeze3A_330 : i32 to index
        %get3A_350 = arith.constant 16 : index
        %get3A_351 = tpu.vector_load %arg8[%get3A_349, %get3A_350] {strides = array<i32>} : memref<3264x32xf32, #tpu.memory_space<vmem>>, vector<1x16xf32>,
        %get3A_352 = vector.shape_cast %get3A_351 : vector<1x16xf32> to vector<16xf32>
        %get3A_353 = arith.index_cast %add3A_334 : i32 to index
        %get3A_354 = arith.constant 0 : index
        %get3A_355 = tpu.vector_load %arg10[%get3A_353, %get3A_354] {strides = array<i32>} : memref<224x16xf32, #tpu.memory_space<vmem>>, vector<1x16xf32>,
        %get3A_356 = vector.shape_cast %get3A_355 : vector<1x16xf32> to vector<16xf32>
        %max3A_357 = arith.maximumf %get3A_352, %get3A_356 : vector<16xf32>
        %swap3A_358 = arith.index_cast %squeeze3A_330 : i32 to index
        %swap3A_359 = arith.constant 16 : index
        %swap3A_360 = tpu.vector_load %arg8[%swap3A_358, %swap3A_359] {strides = array<i32>} : memref<3264x32xf32, #tpu.memory_space<vmem>>, vector<1x16xf32>,
        %swap3A_361 = vector.shape_cast %swap3A_360 : vector<1x16xf32> to vector<16xf32>
        %swap3A_362 = vector.shape_cast %max3A_357 : vector<16xf32> to vector<1x16xf32>
        tpu.vector_store %arg8[%swap3A_358, %swap3A_359], %swap3A_362 {strides = array<i32>} : memref<3264x32xf32, #tpu.memory_space<vmem>>, vector<1x16xf32>,
        %slice3A_363 = vector.extract_strided_slice %add3A_59 {offsets = [9], sizes = [1], strides = [1]} : vector<16xi32> to vector<1xi32>
        %squeeze3A_364 = vector.extract %slice3A_363[0] : i32 from vector<1xi32>
        %mul3A_365 = arith.constant 16 : i32
        %mul3A_366 = arith.muli %scan3A_25, %mul3A_365 : i32
        %add3A_367 = arith.constant 9 : i32
        %add3A_368 = arith.addi %mul3A_366, %add3A_367 : i32
        %get3A_369 = arith.index_cast %squeeze3A_364 : i32 to index
        %get3A_370 = arith.constant 0 : index
        %get3A_371 = tpu.vector_load %arg8[%get3A_369, %get3A_370] {strides = array<i32>} : memref<3264x32xf32, #tpu.memory_space<vmem>>, vector<1x16xf32>,
        %get3A_372 = vector.shape_cast %get3A_371 : vector<1x16xf32> to vector<16xf32>
        %get3A_373 = arith.index_cast %add3A_368 : i32 to index
        %get3A_374 = arith.constant 0 : index
        %get3A_375 = tpu.vector_load %arg9[%get3A_373, %get3A_374] {strides = array<i32>} : memref<224x16xf32, #tpu.memory_space<vmem>>, vector<1x16xf32>,
        %get3A_376 = vector.shape_cast %get3A_375 : vector<1x16xf32> to vector<16xf32>
        %max3A_377 = arith.maximumf %get3A_372, %get3A_376 : vector<16xf32>
        %swap3A_378 = arith.index_cast %squeeze3A_364 : i32 to index
        %swap3A_379 = arith.constant 0 : index
        %swap3A_380 = tpu.vector_load %arg8[%swap3A_378, %swap3A_379] {strides = array<i32>} : memref<3264x32xf32, #tpu.memory_space<vmem>>, vector<1x16xf32>,
        %swap3A_381 = vector.shape_cast %swap3A_380 : vector<1x16xf32> to vector<16xf32>
        %swap3A_382 = vector.shape_cast %max3A_377 : vector<16xf32> to vector<1x16xf32>
        tpu.vector_store %arg8[%swap3A_378, %swap3A_379], %swap3A_382 {strides = array<i32>} : memref<3264x32xf32, #tpu.memory_space<vmem>>, vector<1x16xf32>,
        %get3A_383 = arith.index_cast %squeeze3A_364 : i32 to index
        %get3A_384 = arith.constant 16 : index
        %get3A_385 = tpu.vector_load %arg8[%get3A_383, %get3A_384] {strides = array<i32>} : memref<3264x32xf32, #tpu.memory_space<vmem>>, vector<1x16xf32>,
        %get3A_386 = vector.shape_cast %get3A_385 : vector<1x16xf32> to vector<16xf32>
        %get3A_387 = arith.index_cast %add3A_368 : i32 to index
        %get3A_388 = arith.constant 0 : index
        %get3A_389 = tpu.vector_load %arg10[%get3A_387, %get3A_388] {strides = array<i32>} : memref<224x16xf32, #tpu.memory_space<vmem>>, vector<1x16xf32>,
        %get3A_390 = vector.shape_cast %get3A_389 : vector<1x16xf32> to vector<16xf32>
        %max3A_391 = arith.maximumf %get3A_386, %get3A_390 : vector<16xf32>
        %swap3A_392 = arith.index_cast %squeeze3A_364 : i32 to index
        %swap3A_393 = arith.constant 16 : index
        %swap3A_394 = tpu.vector_load %arg8[%swap3A_392, %swap3A_393] {strides = array<i32>} : memref<3264x32xf32, #tpu.memory_space<vmem>>, vector<1x16xf32>,
        %swap3A_395 = vector.shape_cast %swap3A_394 : vector<1x16xf32> to vector<16xf32>
        %swap3A_396 = vector.shape_cast %max3A_391 : vector<16xf32> to vector<1x16xf32>
        tpu.vector_store %arg8[%swap3A_392, %swap3A_393], %swap3A_396 {strides = array<i32>} : memref<3264x32xf32, #tpu.memory_space<vmem>>, vector<1x16xf32>,
        %slice3A_397 = vector.extract_strided_slice %add3A_59 {offsets = [10], sizes = [1], strides = [1]} : vector<16xi32> to vector<1xi32>
        %squeeze3A_398 = vector.extract %slice3A_397[0] : i32 from vector<1xi32>
        %mul3A_399 = arith.constant 16 : i32
        %mul3A_400 = arith.muli %scan3A_25, %mul3A_399 : i32
        %add3A_401 = arith.constant 10 : i32
        %add3A_402 = arith.addi %mul3A_400, %add3A_401 : i32
        %get3A_403 = arith.index_cast %squeeze3A_398 : i32 to index
        %get3A_404 = arith.constant 0 : index
        %get3A_405 = tpu.vector_load %arg8[%get3A_403, %get3A_404] {strides = array<i32>} : memref<3264x32xf32, #tpu.memory_space<vmem>>, vector<1x16xf32>,
        %get3A_406 = vector.shape_cast %get3A_405 : vector<1x16xf32> to vector<16xf32>
        %get3A_407 = arith.index_cast %add3A_402 : i32 to index
        %get3A_408 = arith.constant 0 : index
        %get3A_409 = tpu.vector_load %arg9[%get3A_407, %get3A_408] {strides = array<i32>} : memref<224x16xf32, #tpu.memory_space<vmem>>, vector<1x16xf32>,
        %get3A_410 = vector.shape_cast %get3A_409 : vector<1x16xf32> to vector<16xf32>
        %max3A_411 = arith.maximumf %get3A_406, %get3A_410 : vector<16xf32>
        %swap3A_412 = arith.index_cast %squeeze3A_398 : i32 to index
        %swap3A_413 = arith.constant 0 : index
        %swap3A_414 = tpu.vector_load %arg8[%swap3A_412, %swap3A_413] {strides = array<i32>} : memref<3264x32xf32, #tpu.memory_space<vmem>>, vector<1x16xf32>,
        %swap3A_415 = vector.shape_cast %swap3A_414 : vector<1x16xf32> to vector<16xf32>
        %swap3A_416 = vector.shape_cast %max3A_411 : vector<16xf32> to vector<1x16xf32>
        tpu.vector_store %arg8[%swap3A_412, %swap3A_413], %swap3A_416 {strides = array<i32>} : memref<3264x32xf32, #tpu.memory_space<vmem>>, vector<1x16xf32>,
        %get3A_417 = arith.index_cast %squeeze3A_398 : i32 to index
        %get3A_418 = arith.constant 16 : index
        %get3A_419 = tpu.vector_load %arg8[%get3A_417, %get3A_418] {strides = array<i32>} : memref<3264x32xf32, #tpu.memory_space<vmem>>, vector<1x16xf32>,
        %get3A_420 = vector.shape_cast %get3A_419 : vector<1x16xf32> to vector<16xf32>
        %get3A_421 = arith.index_cast %add3A_402 : i32 to index
        %get3A_422 = arith.constant 0 : index
        %get3A_423 = tpu.vector_load %arg10[%get3A_421, %get3A_422] {strides = array<i32>} : memref<224x16xf32, #tpu.memory_space<vmem>>, vector<1x16xf32>,
        %get3A_424 = vector.shape_cast %get3A_423 : vector<1x16xf32> to vector<16xf32>
        %max3A_425 = arith.maximumf %get3A_420, %get3A_424 : vector<16xf32>
        %swap3A_426 = arith.index_cast %squeeze3A_398 : i32 to index
        %swap3A_427 = arith.constant 16 : index
        %swap3A_428 = tpu.vector_load %arg8[%swap3A_426, %swap3A_427] {strides = array<i32>} : memref<3264x32xf32, #tpu.memory_space<vmem>>, vector<1x16xf32>,
        %swap3A_429 = vector.shape_cast %swap3A_428 : vector<1x16xf32> to vector<16xf32>
        %swap3A_430 = vector.shape_cast %max3A_425 : vector<16xf32> to vector<1x16xf32>
        tpu.vector_store %arg8[%swap3A_426, %swap3A_427], %swap3A_430 {strides = array<i32>} : memref<3264x32xf32, #tpu.memory_space<vmem>>, vector<1x16xf32>,
        %slice3A_431 = vector.extract_strided_slice %add3A_59 {offsets = [11], sizes = [1], strides = [1]} : vector<16xi32> to vector<1xi32>
        %squeeze3A_432 = vector.extract %slice3A_431[0] : i32 from vector<1xi32>
        %mul3A_433 = arith.constant 16 : i32
        %mul3A_434 = arith.muli %scan3A_25, %mul3A_433 : i32
        %add3A_435 = arith.constant 11 : i32
        %add3A_436 = arith.addi %mul3A_434, %add3A_435 : i32
        %get3A_437 = arith.index_cast %squeeze3A_432 : i32 to index
        %get3A_438 = arith.constant 0 : index
        %get3A_439 = tpu.vector_load %arg8[%get3A_437, %get3A_438] {strides = array<i32>} : memref<3264x32xf32, #tpu.memory_space<vmem>>, vector<1x16xf32>,
        %get3A_440 = vector.shape_cast %get3A_439 : vector<1x16xf32> to vector<16xf32>
        %get3A_441 = arith.index_cast %add3A_436 : i32 to index
        %get3A_442 = arith.constant 0 : index
        %get3A_443 = tpu.vector_load %arg9[%get3A_441, %get3A_442] {strides = array<i32>} : memref<224x16xf32, #tpu.memory_space<vmem>>, vector<1x16xf32>,
        %get3A_444 = vector.shape_cast %get3A_443 : vector<1x16xf32> to vector<16xf32>
        %max3A_445 = arith.maximumf %get3A_440, %get3A_444 : vector<16xf32>
        %swap3A_446 = arith.index_cast %squeeze3A_432 : i32 to index
        %swap3A_447 = arith.constant 0 : index
        %swap3A_448 = tpu.vector_load %arg8[%swap3A_446, %swap3A_447] {strides = array<i32>} : memref<3264x32xf32, #tpu.memory_space<vmem>>, vector<1x16xf32>,
        %swap3A_449 = vector.shape_cast %swap3A_448 : vector<1x16xf32> to vector<16xf32>
        %swap3A_450 = vector.shape_cast %max3A_445 : vector<16xf32> to vector<1x16xf32>
        tpu.vector_store %arg8[%swap3A_446, %swap3A_447], %swap3A_450 {strides = array<i32>} : memref<3264x32xf32, #tpu.memory_space<vmem>>, vector<1x16xf32>,
        %get3A_451 = arith.index_cast %squeeze3A_432 : i32 to index
        %get3A_452 = arith.constant 16 : index
        %get3A_453 = tpu.vector_load %arg8[%get3A_451, %get3A_452] {strides = array<i32>} : memref<3264x32xf32, #tpu.memory_space<vmem>>, vector<1x16xf32>,
        %get3A_454 = vector.shape_cast %get3A_453 : vector<1x16xf32> to vector<16xf32>
        %get3A_455 = arith.index_cast %add3A_436 : i32 to index
        %get3A_456 = arith.constant 0 : index
        %get3A_457 = tpu.vector_load %arg10[%get3A_455, %get3A_456] {strides = array<i32>} : memref<224x16xf32, #tpu.memory_space<vmem>>, vector<1x16xf32>,
        %get3A_458 = vector.shape_cast %get3A_457 : vector<1x16xf32> to vector<16xf32>
        %max3A_459 = arith.maximumf %get3A_454, %get3A_458 : vector<16xf32>
        %swap3A_460 = arith.index_cast %squeeze3A_432 : i32 to index
        %swap3A_461 = arith.constant 16 : index
        %swap3A_462 = tpu.vector_load %arg8[%swap3A_460, %swap3A_461] {strides = array<i32>} : memref<3264x32xf32, #tpu.memory_space<vmem>>, vector<1x16xf32>,
        %swap3A_463 = vector.shape_cast %swap3A_462 : vector<1x16xf32> to vector<16xf32>
        %swap3A_464 = vector.shape_cast %max3A_459 : vector<16xf32> to vector<1x16xf32>
        tpu.vector_store %arg8[%swap3A_460, %swap3A_461], %swap3A_464 {strides = array<i32>} : memref<3264x32xf32, #tpu.memory_space<vmem>>, vector<1x16xf32>,
        %slice3A_465 = vector.extract_strided_slice %add3A_59 {offsets = [12], sizes = [1], strides = [1]} : vector<16xi32> to vector<1xi32>
        %squeeze3A_466 = vector.extract %slice3A_465[0] : i32 from vector<1xi32>
        %mul3A_467 = arith.constant 16 : i32
        %mul3A_468 = arith.muli %scan3A_25, %mul3A_467 : i32
        %add3A_469 = arith.constant 12 : i32
        %add3A_470 = arith.addi %mul3A_468, %add3A_469 : i32
        %get3A_471 = arith.index_cast %squeeze3A_466 : i32 to index
        %get3A_472 = arith.constant 0 : index
        %get3A_473 = tpu.vector_load %arg8[%get3A_471, %get3A_472] {strides = array<i32>} : memref<3264x32xf32, #tpu.memory_space<vmem>>, vector<1x16xf32>,
        %get3A_474 = vector.shape_cast %get3A_473 : vector<1x16xf32> to vector<16xf32>
        %get3A_475 = arith.index_cast %add3A_470 : i32 to index
        %get3A_476 = arith.constant 0 : index
        %get3A_477 = tpu.vector_load %arg9[%get3A_475, %get3A_476] {strides = array<i32>} : memref<224x16xf32, #tpu.memory_space<vmem>>, vector<1x16xf32>,
        %get3A_478 = vector.shape_cast %get3A_477 : vector<1x16xf32> to vector<16xf32>
        %max3A_479 = arith.maximumf %get3A_474, %get3A_478 : vector<16xf32>
        %swap3A_480 = arith.index_cast %squeeze3A_466 : i32 to index
        %swap3A_481 = arith.constant 0 : index
        %swap3A_482 = tpu.vector_load %arg8[%swap3A_480, %swap3A_481] {strides = array<i32>} : memref<3264x32xf32, #tpu.memory_space<vmem>>, vector<1x16xf32>,
        %swap3A_483 = vector.shape_cast %swap3A_482 : vector<1x16xf32> to vector<16xf32>
        %swap3A_484 = vector.shape_cast %max3A_479 : vector<16xf32> to vector<1x16xf32>
        tpu.vector_store %arg8[%swap3A_480, %swap3A_481], %swap3A_484 {strides = array<i32>} : memref<3264x32xf32, #tpu.memory_space<vmem>>, vector<1x16xf32>,
        %get3A_485 = arith.index_cast %squeeze3A_466 : i32 to index
        %get3A_486 = arith.constant 16 : index
        %get3A_487 = tpu.vector_load %arg8[%get3A_485, %get3A_486] {strides = array<i32>} : memref<3264x32xf32, #tpu.memory_space<vmem>>, vector<1x16xf32>,
        %get3A_488 = vector.shape_cast %get3A_487 : vector<1x16xf32> to vector<16xf32>
        %get3A_489 = arith.index_cast %add3A_470 : i32 to index
        %get3A_490 = arith.constant 0 : index
        %get3A_491 = tpu.vector_load %arg10[%get3A_489, %get3A_490] {strides = array<i32>} : memref<224x16xf32, #tpu.memory_space<vmem>>, vector<1x16xf32>,
        %get3A_492 = vector.shape_cast %get3A_491 : vector<1x16xf32> to vector<16xf32>
        %max3A_493 = arith.maximumf %get3A_488, %get3A_492 : vector<16xf32>
        %swap3A_494 = arith.index_cast %squeeze3A_466 : i32 to index
        %swap3A_495 = arith.constant 16 : index
        %swap3A_496 = tpu.vector_load %arg8[%swap3A_494, %swap3A_495] {strides = array<i32>} : memref<3264x32xf32, #tpu.memory_space<vmem>>, vector<1x16xf32>,
        %swap3A_497 = vector.shape_cast %swap3A_496 : vector<1x16xf32> to vector<16xf32>
        %swap3A_498 = vector.shape_cast %max3A_493 : vector<16xf32> to vector<1x16xf32>
        tpu.vector_store %arg8[%swap3A_494, %swap3A_495], %swap3A_498 {strides = array<i32>} : memref<3264x32xf32, #tpu.memory_space<vmem>>, vector<1x16xf32>,
        %slice3A_499 = vector.extract_strided_slice %add3A_59 {offsets = [13], sizes = [1], strides = [1]} : vector<16xi32> to vector<1xi32>
        %squeeze3A_500 = vector.extract %slice3A_499[0] : i32 from vector<1xi32>
        %mul3A_501 = arith.constant 16 : i32
        %mul3A_502 = arith.muli %scan3A_25, %mul3A_501 : i32
        %add3A_503 = arith.constant 13 : i32
        %add3A_504 = arith.addi %mul3A_502, %add3A_503 : i32
        %get3A_505 = arith.index_cast %squeeze3A_500 : i32 to index
        %get3A_506 = arith.constant 0 : index
        %get3A_507 = tpu.vector_load %arg8[%get3A_505, %get3A_506] {strides = array<i32>} : memref<3264x32xf32, #tpu.memory_space<vmem>>, vector<1x16xf32>,
        %get3A_508 = vector.shape_cast %get3A_507 : vector<1x16xf32> to vector<16xf32>
        %get3A_509 = arith.index_cast %add3A_504 : i32 to index
        %get3A_510 = arith.constant 0 : index
        %get3A_511 = tpu.vector_load %arg9[%get3A_509, %get3A_510] {strides = array<i32>} : memref<224x16xf32, #tpu.memory_space<vmem>>, vector<1x16xf32>,
        %get3A_512 = vector.shape_cast %get3A_511 : vector<1x16xf32> to vector<16xf32>
        %max3A_513 = arith.maximumf %get3A_508, %get3A_512 : vector<16xf32>
        %swap3A_514 = arith.index_cast %squeeze3A_500 : i32 to index
        %swap3A_515 = arith.constant 0 : index
        %swap3A_516 = tpu.vector_load %arg8[%swap3A_514, %swap3A_515] {strides = array<i32>} : memref<3264x32xf32, #tpu.memory_space<vmem>>, vector<1x16xf32>,
        %swap3A_517 = vector.shape_cast %swap3A_516 : vector<1x16xf32> to vector<16xf32>
        %swap3A_518 = vector.shape_cast %max3A_513 : vector<16xf32> to vector<1x16xf32>
        tpu.vector_store %arg8[%swap3A_514, %swap3A_515], %swap3A_518 {strides = array<i32>} : memref<3264x32xf32, #tpu.memory_space<vmem>>, vector<1x16xf32>,
        %get3A_519 = arith.index_cast %squeeze3A_500 : i32 to index
        %get3A_520 = arith.constant 16 : index
        %get3A_521 = tpu.vector_load %arg8[%get3A_519, %get3A_520] {strides = array<i32>} : memref<3264x32xf32, #tpu.memory_space<vmem>>, vector<1x16xf32>,
        %get3A_522 = vector.shape_cast %get3A_521 : vector<1x16xf32> to vector<16xf32>
        %get3A_523 = arith.index_cast %add3A_504 : i32 to index
        %get3A_524 = arith.constant 0 : index
        %get3A_525 = tpu.vector_load %arg10[%get3A_523, %get3A_524] {strides = array<i32>} : memref<224x16xf32, #tpu.memory_space<vmem>>, vector<1x16xf32>,
        %get3A_526 = vector.shape_cast %get3A_525 : vector<1x16xf32> to vector<16xf32>
        %max3A_527 = arith.maximumf %get3A_522, %get3A_526 : vector<16xf32>
        %swap3A_528 = arith.index_cast %squeeze3A_500 : i32 to index
        %swap3A_529 = arith.constant 16 : index
        %swap3A_530 = tpu.vector_load %arg8[%swap3A_528, %swap3A_529] {strides = array<i32>} : memref<3264x32xf32, #tpu.memory_space<vmem>>, vector<1x16xf32>,
        %swap3A_531 = vector.shape_cast %swap3A_530 : vector<1x16xf32> to vector<16xf32>
        %swap3A_532 = vector.shape_cast %max3A_527 : vector<16xf32> to vector<1x16xf32>
        tpu.vector_store %arg8[%swap3A_528, %swap3A_529], %swap3A_532 {strides = array<i32>} : memref<3264x32xf32, #tpu.memory_space<vmem>>, vector<1x16xf32>,
        %slice3A_533 = vector.extract_strided_slice %add3A_59 {offsets = [14], sizes = [1], strides = [1]} : vector<16xi32> to vector<1xi32>
        %squeeze3A_534 = vector.extract %slice3A_533[0] : i32 from vector<1xi32>
        %mul3A_535 = arith.constant 16 : i32
        %mul3A_536 = arith.muli %scan3A_25, %mul3A_535 : i32
        %add3A_537 = arith.constant 14 : i32
        %add3A_538 = arith.addi %mul3A_536, %add3A_537 : i32
        %get3A_539 = arith.index_cast %squeeze3A_534 : i32 to index
        %get3A_540 = arith.constant 0 : index
        %get3A_541 = tpu.vector_load %arg8[%get3A_539, %get3A_540] {strides = array<i32>} : memref<3264x32xf32, #tpu.memory_space<vmem>>, vector<1x16xf32>,
        %get3A_542 = vector.shape_cast %get3A_541 : vector<1x16xf32> to vector<16xf32>
        %get3A_543 = arith.index_cast %add3A_538 : i32 to index
        %get3A_544 = arith.constant 0 : index
        %get3A_545 = tpu.vector_load %arg9[%get3A_543, %get3A_544] {strides = array<i32>} : memref<224x16xf32, #tpu.memory_space<vmem>>, vector<1x16xf32>,
        %get3A_546 = vector.shape_cast %get3A_545 : vector<1x16xf32> to vector<16xf32>
        %max3A_547 = arith.maximumf %get3A_542, %get3A_546 : vector<16xf32>
        %swap3A_548 = arith.index_cast %squeeze3A_534 : i32 to index
        %swap3A_549 = arith.constant 0 : index
        %swap3A_550 = tpu.vector_load %arg8[%swap3A_548, %swap3A_549] {strides = array<i32>} : memref<3264x32xf32, #tpu.memory_space<vmem>>, vector<1x16xf32>,
        %swap3A_551 = vector.shape_cast %swap3A_550 : vector<1x16xf32> to vector<16xf32>
        %swap3A_552 = vector.shape_cast %max3A_547 : vector<16xf32> to vector<1x16xf32>
        tpu.vector_store %arg8[%swap3A_548, %swap3A_549], %swap3A_552 {strides = array<i32>} : memref<3264x32xf32, #tpu.memory_space<vmem>>, vector<1x16xf32>,
        %get3A_553 = arith.index_cast %squeeze3A_534 : i32 to index
        %get3A_554 = arith.constant 16 : index
        %get3A_555 = tpu.vector_load %arg8[%get3A_553, %get3A_554] {strides = array<i32>} : memref<3264x32xf32, #tpu.memory_space<vmem>>, vector<1x16xf32>,
        %get3A_556 = vector.shape_cast %get3A_555 : vector<1x16xf32> to vector<16xf32>
        %get3A_557 = arith.index_cast %add3A_538 : i32 to index
        %get3A_558 = arith.constant 0 : index
        %get3A_559 = tpu.vector_load %arg10[%get3A_557, %get3A_558] {strides = array<i32>} : memref<224x16xf32, #tpu.memory_space<vmem>>, vector<1x16xf32>,
        %get3A_560 = vector.shape_cast %get3A_559 : vector<1x16xf32> to vector<16xf32>
        %max3A_561 = arith.maximumf %get3A_556, %get3A_560 : vector<16xf32>
        %swap3A_562 = arith.index_cast %squeeze3A_534 : i32 to index
        %swap3A_563 = arith.constant 16 : index
        %swap3A_564 = tpu.vector_load %arg8[%swap3A_562, %swap3A_563] {strides = array<i32>} : memref<3264x32xf32, #tpu.memory_space<vmem>>, vector<1x16xf32>,
        %swap3A_565 = vector.shape_cast %swap3A_564 : vector<1x16xf32> to vector<16xf32>
        %swap3A_566 = vector.shape_cast %max3A_561 : vector<16xf32> to vector<1x16xf32>
        tpu.vector_store %arg8[%swap3A_562, %swap3A_563], %swap3A_566 {strides = array<i32>} : memref<3264x32xf32, #tpu.memory_space<vmem>>, vector<1x16xf32>,
        %slice3A_567 = vector.extract_strided_slice %add3A_59 {offsets = [15], sizes = [1], strides = [1]} : vector<16xi32> to vector<1xi32>
        %squeeze3A_568 = vector.extract %slice3A_567[0] : i32 from vector<1xi32>
        %mul3A_569 = arith.constant 16 : i32
        %mul3A_570 = arith.muli %scan3A_25, %mul3A_569 : i32
        %add3A_571 = arith.constant 15 : i32
        %add3A_572 = arith.addi %mul3A_570, %add3A_571 : i32
        %get3A_573 = arith.index_cast %squeeze3A_568 : i32 to index
        %get3A_574 = arith.constant 0 : index
        %get3A_575 = tpu.vector_load %arg8[%get3A_573, %get3A_574] {strides = array<i32>} : memref<3264x32xf32, #tpu.memory_space<vmem>>, vector<1x16xf32>,
        %get3A_576 = vector.shape_cast %get3A_575 : vector<1x16xf32> to vector<16xf32>
        %get3A_577 = arith.index_cast %add3A_572 : i32 to index
        %get3A_578 = arith.constant 0 : index
        %get3A_579 = tpu.vector_load %arg9[%get3A_577, %get3A_578] {strides = array<i32>} : memref<224x16xf32, #tpu.memory_space<vmem>>, vector<1x16xf32>,
        %get3A_580 = vector.shape_cast %get3A_579 : vector<1x16xf32> to vector<16xf32>
        %max3A_581 = arith.maximumf %get3A_576, %get3A_580 : vector<16xf32>
        %swap3A_582 = arith.index_cast %squeeze3A_568 : i32 to index
        %swap3A_583 = arith.constant 0 : index
        %swap3A_584 = tpu.vector_load %arg8[%swap3A_582, %swap3A_583] {strides = array<i32>} : memref<3264x32xf32, #tpu.memory_space<vmem>>, vector<1x16xf32>,
        %swap3A_585 = vector.shape_cast %swap3A_584 : vector<1x16xf32> to vector<16xf32>
        %swap3A_586 = vector.shape_cast %max3A_581 : vector<16xf32> to vector<1x16xf32>
        tpu.vector_store %arg8[%swap3A_582, %swap3A_583], %swap3A_586 {strides = array<i32>} : memref<3264x32xf32, #tpu.memory_space<vmem>>, vector<1x16xf32>,
        %get3A_587 = arith.index_cast %squeeze3A_568 : i32 to index
        %get3A_588 = arith.constant 16 : index
        %get3A_589 = tpu.vector_load %arg8[%get3A_587, %get3A_588] {strides = array<i32>} : memref<3264x32xf32, #tpu.memory_space<vmem>>, vector<1x16xf32>,
        %get3A_590 = vector.shape_cast %get3A_589 : vector<1x16xf32> to vector<16xf32>
        %get3A_591 = arith.index_cast %add3A_572 : i32 to index
        %get3A_592 = arith.constant 0 : index
        %get3A_593 = tpu.vector_load %arg10[%get3A_591, %get3A_592] {strides = array<i32>} : memref<224x16xf32, #tpu.memory_space<vmem>>, vector<1x16xf32>,
        %get3A_594 = vector.shape_cast %get3A_593 : vector<1x16xf32> to vector<16xf32>
        %max3A_595 = arith.maximumf %get3A_590, %get3A_594 : vector<16xf32>
        %swap3A_596 = arith.index_cast %squeeze3A_568 : i32 to index
        %swap3A_597 = arith.constant 16 : index
        %swap3A_598 = tpu.vector_load %arg8[%swap3A_596, %swap3A_597] {strides = array<i32>} : memref<3264x32xf32, #tpu.memory_space<vmem>>, vector<1x16xf32>,
        %swap3A_599 = vector.shape_cast %swap3A_598 : vector<1x16xf32> to vector<16xf32>
        %swap3A_600 = vector.shape_cast %max3A_595 : vector<16xf32> to vector<1x16xf32>
        tpu.vector_store %arg8[%swap3A_596, %swap3A_597], %swap3A_600 {strides = array<i32>} : memref<3264x32xf32, #tpu.memory_space<vmem>>, vector<1x16xf32>,
      }
      %scan3A_24 = arith.constant 14 : i32
    }
    %scan3A_14 = arith.constant 14 : i32
    "tpu.region"() ({
      %run_scoped3A = tpu.sem_alloc : memref<!tpu.dma_semaphore, #tpu.memory_space<semaphore_mem>>
      %dma_start3A = arith.constant 0 : i32
      %dma_start3A_15 = arith.constant 0 : i32
      %dma_start3A_16 = tpu.memref_slice %arg7[%add3A, %dma_start3A, %dma_start3A_15] : memref<32x3264x32xf32, #tpu.memory_space<hbm>> -> memref<1x3264x32xf32, #tpu.memory_space<hbm>>
      %dma_start3A_17 = tpu.memref_squeeze %dma_start3A_16 : memref<1x3264x32xf32, #tpu.memory_space<hbm>> -> memref<3264x32xf32, #tpu.memory_space<hbm>>
      %dma_start3A_18 = arith.constant 0 : i32
      %dma_start3A_19 = arith.constant 0 : i32
      %dma_start3A_20 = tpu.memref_slice %arg7[%add3A, %dma_start3A_18, %dma_start3A_19] : memref<32x3264x32xf32, #tpu.memory_space<hbm>> -> memref<1x3264x32xf32, #tpu.memory_space<hbm>>
      %dma_start3A_21 = tpu.memref_squeeze %dma_start3A_20 : memref<1x3264x32xf32, #tpu.memory_space<hbm>> -> memref<3264x32xf32, #tpu.memory_space<hbm>>
      tpu.enqueue_dma source(%arg8 : memref<3264x32xf32, #tpu.memory_space<vmem>>) target(%dma_start3A_21 : memref<3264x32xf32, #tpu.memory_space<hbm>>) target_semaphore(%run_scoped3A : memref<!tpu.dma_semaphore, #tpu.memory_space<semaphore_mem>>)
      %dma_wait3A = arith.constant 0 : i32
      %dma_wait3A_22 = arith.constant 0 : i32
      %dma_wait3A_23 = tpu.memref_slice %arg7[%add3A, %dma_wait3A, %dma_wait3A_22] : memref<32x3264x32xf32, #tpu.memory_space<hbm>> -> memref<1x3264x32xf32, #tpu.memory_space<hbm>>
      %dma_wait3A_24 = tpu.memref_squeeze %dma_wait3A_23 : memref<1x3264x32xf32, #tpu.memory_space<hbm>> -> memref<3264x32xf32, #tpu.memory_space<hbm>>
      %dma_wait3A_25 = arith.constant 0 : i32
      %dma_wait3A_26 = arith.constant 0 : i32
      %dma_wait3A_27 = tpu.memref_slice %arg7[%add3A, %dma_wait3A_25, %dma_wait3A_26] : memref<32x3264x32xf32, #tpu.memory_space<hbm>> -> memref<1x3264x32xf32, #tpu.memory_space<hbm>>
      %dma_wait3A_28 = tpu.memref_squeeze %dma_wait3A_27 : memref<1x3264x32xf32, #tpu.memory_space<hbm>> -> memref<3264x32xf32, #tpu.memory_space<hbm>>
      tpu.wait_dma2 semaphore(%run_scoped3A : memref<!tpu.dma_semaphore, #tpu.memory_space<semaphore_mem>>) src(%arg8 : memref<3264x32xf32, #tpu.memory_space<vmem>>) dst(%dma_wait3A_28 : memref<3264x32xf32, #tpu.memory_space<hbm>>)
      tpu.yield
    }) : () -> ()
    return
  }
}

module attributes {stable_mosaic.version = 14 : i64} {
  func.func @body(%arg0: i32, %arg1: memref<1568x128xf32, #tpu.memory_space<vmem>>, %arg2: memref<1568x128xf32, #tpu.memory_space<vmem>>, %arg3: memref<1568x128xf32, #tpu.memory_space<vmem>>, %arg4: memref<1x128xf32, #tpu.memory_space<vmem>>, %arg5: memref<1568x128xf32, #tpu.memory_space<vmem>>) attributes {dimension_semantics = [#tpu.dimension_semantics<arbitrary>], iteration_bounds = array<i64: 8>, scalar_prefetch = 0 : i64, scratch_operands = 0 : i64, tpu.core_type = #tpu.core_type<tc>, window_params = [{transform_indices = @transform_0, window_bounds = array<i64: 1568, 128>}, {transform_indices = @transform_1, window_bounds = array<i64: 1568, 128>}, {transform_indices = @transform_2, window_bounds = array<i64: 1568, 128>}, {pipeline_mode = #tpu.pipeline_mode<synchronous>, transform_indices = @transform_3, window_bounds = array<i64: 1, 128>}, {transform_indices = @transform_4, window_bounds = array<i64: 1568, 128>}]} {
    %get3A = arith.constant 0 : index
    %get3A_0 = arith.constant 0 : index
    %get3A_1 = vector.load %arg1[%get3A, %get3A_0] : memref<1568x128xf32, #tpu.memory_space<vmem>>, vector<1568x128xf32>
    %get3A_2 = arith.constant 0 : index
    %get3A_3 = arith.constant 0 : index
    %get3A_4 = vector.load %arg2[%get3A_2, %get3A_3] : memref<1568x128xf32, #tpu.memory_space<vmem>>, vector<1568x128xf32>
    %add3A = arith.addf %get3A_1, %get3A_4 : vector<1568x128xf32>
    %get3A_5 = arith.constant 0 : index
    %get3A_6 = arith.constant 0 : index
    %get3A_7 = vector.load %arg3[%get3A_5, %get3A_6] : memref<1568x128xf32, #tpu.memory_space<vmem>>, vector<1568x128xf32>
    %sub3A = arith.subf %add3A, %get3A_7 : vector<1568x128xf32>
    %get3A_8 = arith.constant 0 : index
    %get3A_9 = arith.constant 0 : index
    %get3A_10 = vector.load %arg4[%get3A_8, %get3A_9] : memref<1x128xf32, #tpu.memory_space<vmem>>, vector<1x128xf32>
    %mul3A = vector.broadcast %get3A_10 : vector<1x128xf32> to vector<1568x128xf32>
    %mul3A_11 = arith.mulf %sub3A, %mul3A : vector<1568x128xf32>
    %gt3A = arith.constant 0.000000e+00 : f32
    %gt3A_12 = vector.broadcast %gt3A : f32 to vector<1568x128xf32>
    %gt3A_13 = arith.cmpf ogt, %mul3A_11, %gt3A_12 : vector<1568x128xf32>
    %exp3A = math.exp %mul3A_11 : vector<1568x128xf32>
    %sub3A_14 = arith.constant 1.000000e+00 : f32
    %sub3A_15 = vector.broadcast %sub3A_14 : f32 to vector<1568x128xf32>
    %sub3A_16 = arith.subf %exp3A, %sub3A_15 : vector<1568x128xf32>
    %select_n3A = arith.select %gt3A_13, %mul3A_11, %sub3A_16 : vector<1568x128xi1>, vector<1568x128xf32>
    %swap3A = arith.constant 0 : index
    %swap3A_17 = arith.constant 0 : index
    %swap3A_18 = vector.load %arg5[%swap3A, %swap3A_17] : memref<1568x128xf32, #tpu.memory_space<vmem>>, vector<1568x128xf32>
    tpu.vector_store %arg5[%swap3A, %swap3A_17], %select_n3A {strides = array<i32>} : memref<1568x128xf32, #tpu.memory_space<vmem>>, vector<1568x128xf32>,
    return
  }
  func.func @transform_0(%arg0: i32) -> (i32, i32) {
    %c0_i32 = arith.constant 0 : i32
    %c0_i32_0 = arith.constant 0 : i32
    return %arg0, %c0_i32 : i32, i32
  }
  func.func @transform_1(%arg0: i32) -> (i32, i32) {
    %c0_i32 = arith.constant 0 : i32
    %c0_i32_0 = arith.constant 0 : i32
    return %arg0, %c0_i32 : i32, i32
  }
  func.func @transform_2(%arg0: i32) -> (i32, i32) {
    %c0_i32 = arith.constant 0 : i32
    %c0_i32_0 = arith.constant 0 : i32
    return %arg0, %c0_i32 : i32, i32
  }
  func.func @transform_3(%arg0: i32) -> (i32, i32) {
    %c0_i32 = arith.constant 0 : i32
    %c0_i32_0 = arith.constant 0 : i32
    %c0_i32_1 = arith.constant 0 : i32
    return %c0_i32, %c0_i32_0 : i32, i32
  }
  func.func @transform_4(%arg0: i32) -> (i32, i32) {
    %c0_i32 = arith.constant 0 : i32
    %c0_i32_0 = arith.constant 0 : i32
    return %arg0, %c0_i32 : i32, i32
  }
}

module attributes {stable_mosaic.version = 14 : i64} {
  func.func @body(%arg0: i32, %arg1: memref<1568x128xf32, #tpu.memory_space<vmem>>, %arg2: memref<1568x128xf32, #tpu.memory_space<vmem>>, %arg3: memref<1568x128xf32, #tpu.memory_space<vmem>>, %arg4: memref<128x128xf32, #tpu.memory_space<vmem>>, %arg5: memref<128x128xf32, #tpu.memory_space<vmem>>, %arg6: memref<1568x128xf32, #tpu.memory_space<vmem>>, %arg7: memref<1568x128xf32, #tpu.memory_space<vmem>>) attributes {dimension_semantics = [#tpu.dimension_semantics<arbitrary>], iteration_bounds = array<i64: 8>, scalar_prefetch = 0 : i64, scratch_operands = 0 : i64, tpu.core_type = #tpu.core_type<tc>, window_params = [{transform_indices = @transform_0, window_bounds = array<i64: 1568, 128>}, {transform_indices = @transform_1, window_bounds = array<i64: 1568, 128>}, {transform_indices = @transform_2, window_bounds = array<i64: 1568, 128>}, {pipeline_mode = #tpu.pipeline_mode<synchronous>, transform_indices = @transform_3, window_bounds = array<i64: 128, 128>}, {pipeline_mode = #tpu.pipeline_mode<synchronous>, transform_indices = @transform_4, window_bounds = array<i64: 128, 128>}, {transform_indices = @transform_5, window_bounds = array<i64: 1568, 128>}, {transform_indices = @transform_6, window_bounds = array<i64: 1568, 128>}]} {
    %get3A = arith.constant 0 : index
    %get3A_0 = arith.constant 0 : index
    %get3A_1 = vector.load %arg1[%get3A, %get3A_0] : memref<1568x128xf32, #tpu.memory_space<vmem>>, vector<1568x128xf32>
    %get3A_2 = arith.constant 0 : index
    %get3A_3 = arith.constant 0 : index
    %get3A_4 = vector.load %arg2[%get3A_2, %get3A_3] : memref<1568x128xf32, #tpu.memory_space<vmem>>, vector<1568x128xf32>
    %add3A = arith.addf %get3A_1, %get3A_4 : vector<1568x128xf32>
    %get3A_5 = arith.constant 0 : index
    %get3A_6 = arith.constant 0 : index
    %get3A_7 = vector.load %arg3[%get3A_5, %get3A_6] : memref<1568x128xf32, #tpu.memory_space<vmem>>, vector<1568x128xf32>
    %sub3A = arith.subf %add3A, %get3A_7 : vector<1568x128xf32>
    %get3A_8 = arith.constant 0 : index
    %get3A_9 = arith.constant 0 : index
    %get3A_10 = vector.load %arg4[%get3A_8, %get3A_9] : memref<128x128xf32, #tpu.memory_space<vmem>>, vector<128x128xf32>
    %dot_general3A = arith.constant dense<0.000000e+00> : vector<1568x128xf32>
    %dot_general3A_11 = tpu.matmul %sub3A, %get3A_10, %dot_general3A {dimension_numbers = #tpu.dot_dimension_numbers<[1], [0], [0], [1], [0, 0, 1, 1], [], []>, transpose_lhs_hint = false} : vector<1568x128xf32>, vector<128x128xf32>, vector<1568x128xf32> -> vector<1568x128xf32>
    %gt3A = arith.constant 0.000000e+00 : f32
    %gt3A_12 = vector.broadcast %gt3A : f32 to vector<1568x128xf32>
    %gt3A_13 = arith.cmpf ogt, %dot_general3A_11, %gt3A_12 : vector<1568x128xf32>
    %exp3A = math.exp %dot_general3A_11 : vector<1568x128xf32>
    %sub3A_14 = arith.constant 1.000000e+00 : f32
    %sub3A_15 = vector.broadcast %sub3A_14 : f32 to vector<1568x128xf32>
    %sub3A_16 = arith.subf %exp3A, %sub3A_15 : vector<1568x128xf32>
    %select_n3A = arith.select %gt3A_13, %dot_general3A_11, %sub3A_16 : vector<1568x128xi1>, vector<1568x128xf32>
    %swap3A = arith.constant 0 : index
    %swap3A_17 = arith.constant 0 : index
    %swap3A_18 = vector.load %arg6[%swap3A, %swap3A_17] : memref<1568x128xf32, #tpu.memory_space<vmem>>, vector<1568x128xf32>
    tpu.vector_store %arg6[%swap3A, %swap3A_17], %select_n3A {strides = array<i32>} : memref<1568x128xf32, #tpu.memory_space<vmem>>, vector<1568x128xf32>,
    %get3A_19 = arith.constant 0 : index
    %get3A_20 = arith.constant 0 : index
    %get3A_21 = vector.load %arg5[%get3A_19, %get3A_20] : memref<128x128xf32, #tpu.memory_space<vmem>>, vector<128x128xf32>
    %dot_general3A_22 = arith.constant dense<0.000000e+00> : vector<1568x128xf32>
    %dot_general3A_23 = tpu.matmul %sub3A, %get3A_21, %dot_general3A_22 {dimension_numbers = #tpu.dot_dimension_numbers<[1], [0], [0], [1], [0, 0, 1, 1], [], []>, transpose_lhs_hint = false} : vector<1568x128xf32>, vector<128x128xf32>, vector<1568x128xf32> -> vector<1568x128xf32>
    %gt3A_24 = arith.constant 0.000000e+00 : f32
    %gt3A_25 = vector.broadcast %gt3A_24 : f32 to vector<1568x128xf32>
    %gt3A_26 = arith.cmpf ogt, %dot_general3A_23, %gt3A_25 : vector<1568x128xf32>
    %exp3A_27 = math.exp %dot_general3A_23 : vector<1568x128xf32>
    %sub3A_28 = arith.constant 1.000000e+00 : f32
    %sub3A_29 = vector.broadcast %sub3A_28 : f32 to vector<1568x128xf32>
    %sub3A_30 = arith.subf %exp3A_27, %sub3A_29 : vector<1568x128xf32>
    %select_n3A_31 = arith.select %gt3A_26, %dot_general3A_23, %sub3A_30 : vector<1568x128xi1>, vector<1568x128xf32>
    %swap3A_32 = arith.constant 0 : index
    %swap3A_33 = arith.constant 0 : index
    %swap3A_34 = vector.load %arg7[%swap3A_32, %swap3A_33] : memref<1568x128xf32, #tpu.memory_space<vmem>>, vector<1568x128xf32>
    tpu.vector_store %arg7[%swap3A_32, %swap3A_33], %select_n3A_31 {strides = array<i32>} : memref<1568x128xf32, #tpu.memory_space<vmem>>, vector<1568x128xf32>,
    return
  }
  func.func @transform_0(%arg0: i32) -> (i32, i32) {
    %c0_i32 = arith.constant 0 : i32
    %c0_i32_0 = arith.constant 0 : i32
    return %arg0, %c0_i32 : i32, i32
  }
  func.func @transform_1(%arg0: i32) -> (i32, i32) {
    %c0_i32 = arith.constant 0 : i32
    %c0_i32_0 = arith.constant 0 : i32
    return %arg0, %c0_i32 : i32, i32
  }
  func.func @transform_2(%arg0: i32) -> (i32, i32) {
    %c0_i32 = arith.constant 0 : i32
    %c0_i32_0 = arith.constant 0 : i32
    return %arg0, %c0_i32 : i32, i32
  }
  func.func @transform_3(%arg0: i32) -> (i32, i32) {
    %c0_i32 = arith.constant 0 : i32
    %c0_i32_0 = arith.constant 0 : i32
    %c0_i32_1 = arith.constant 0 : i32
    return %c0_i32, %c0_i32_0 : i32, i32
  }
  func.func @transform_4(%arg0: i32) -> (i32, i32) {
    %c0_i32 = arith.constant 0 : i32
    %c0_i32_0 = arith.constant 0 : i32
    %c0_i32_1 = arith.constant 0 : i32
    return %c0_i32, %c0_i32_0 : i32, i32
  }
  func.func @transform_5(%arg0: i32) -> (i32, i32) {
    %c0_i32 = arith.constant 0 : i32
    %c0_i32_0 = arith.constant 0 : i32
    return %arg0, %c0_i32 : i32, i32
  }
  func.func @transform_6(%arg0: i32) -> (i32, i32) {
    %c0_i32 = arith.constant 0 : i32
    %c0_i32_0 = arith.constant 0 : i32
    return %arg0, %c0_i32 : i32, i32
  }
}

module attributes {stable_mosaic.version = 14 : i64} {
  func.func @body(%arg0: i32, %arg1: memref<1568x128xf32, #tpu.memory_space<vmem>>, %arg2: memref<1568x128xf32, #tpu.memory_space<vmem>>, %arg3: memref<128x128xf32, #tpu.memory_space<vmem>>, %arg4: memref<128x128xf32, #tpu.memory_space<vmem>>, %arg5: memref<128x128xf32, #tpu.memory_space<vmem>>, %arg6: memref<128x128xf32, #tpu.memory_space<vmem>>, %arg7: memref<1568x128xf32, #tpu.memory_space<vmem>>, %arg8: memref<1568x128xf32, #tpu.memory_space<vmem>>) attributes {dimension_semantics = [#tpu.dimension_semantics<arbitrary>], iteration_bounds = array<i64: 8>, scalar_prefetch = 0 : i64, scratch_operands = 0 : i64, tpu.core_type = #tpu.core_type<tc>, window_params = [{transform_indices = @transform_0, window_bounds = array<i64: 1568, 128>}, {transform_indices = @transform_1, window_bounds = array<i64: 1568, 128>}, {pipeline_mode = #tpu.pipeline_mode<synchronous>, transform_indices = @transform_2, window_bounds = array<i64: 128, 128>}, {pipeline_mode = #tpu.pipeline_mode<synchronous>, transform_indices = @transform_3, window_bounds = array<i64: 128, 128>}, {pipeline_mode = #tpu.pipeline_mode<synchronous>, transform_indices = @transform_4, window_bounds = array<i64: 128, 128>}, {pipeline_mode = #tpu.pipeline_mode<synchronous>, transform_indices = @transform_5, window_bounds = array<i64: 128, 128>}, {transform_indices = @transform_6, window_bounds = array<i64: 1568, 128>}, {transform_indices = @transform_7, window_bounds = array<i64: 1568, 128>}]} {
    %get3A = arith.constant 0 : index
    %get3A_0 = arith.constant 0 : index
    %get3A_1 = vector.load %arg1[%get3A, %get3A_0] : memref<1568x128xf32, #tpu.memory_space<vmem>>, vector<1568x128xf32>
    %get3A_2 = arith.constant 0 : index
    %get3A_3 = arith.constant 0 : index
    %get3A_4 = vector.load %arg2[%get3A_2, %get3A_3] : memref<1568x128xf32, #tpu.memory_space<vmem>>, vector<1568x128xf32>
    %get3A_5 = arith.constant 0 : index
    %get3A_6 = arith.constant 0 : index
    %get3A_7 = vector.load %arg3[%get3A_5, %get3A_6] : memref<128x128xf32, #tpu.memory_space<vmem>>, vector<128x128xf32>
    %dot_general3A = arith.constant dense<0.000000e+00> : vector<1568x128xf32>
    %dot_general3A_8 = tpu.matmul %get3A_1, %get3A_7, %dot_general3A {dimension_numbers = #tpu.dot_dimension_numbers<[1], [0], [0], [1], [0, 0, 1, 1], [], []>, transpose_lhs_hint = false} : vector<1568x128xf32>, vector<128x128xf32>, vector<1568x128xf32> -> vector<1568x128xf32>
    %get3A_9 = arith.constant 0 : index
    %get3A_10 = arith.constant 0 : index
    %get3A_11 = vector.load %arg4[%get3A_9, %get3A_10] : memref<128x128xf32, #tpu.memory_space<vmem>>, vector<128x128xf32>
    %dot_general3A_12 = arith.constant dense<0.000000e+00> : vector<1568x128xf32>
    %dot_general3A_13 = tpu.matmul %get3A_4, %get3A_11, %dot_general3A_12 {dimension_numbers = #tpu.dot_dimension_numbers<[1], [0], [0], [1], [0, 0, 1, 1], [], []>, transpose_lhs_hint = false} : vector<1568x128xf32>, vector<128x128xf32>, vector<1568x128xf32> -> vector<1568x128xf32>
    %add3A = arith.addf %dot_general3A_8, %dot_general3A_13 : vector<1568x128xf32>
    %gt3A = arith.constant 0.000000e+00 : f32
    %gt3A_14 = vector.broadcast %gt3A : f32 to vector<1568x128xf32>
    %gt3A_15 = arith.cmpf ogt, %add3A, %gt3A_14 : vector<1568x128xf32>
    %exp3A = math.exp %add3A : vector<1568x128xf32>
    %sub3A = arith.constant 1.000000e+00 : f32
    %sub3A_16 = vector.broadcast %sub3A : f32 to vector<1568x128xf32>
    %sub3A_17 = arith.subf %exp3A, %sub3A_16 : vector<1568x128xf32>
    %select_n3A = arith.select %gt3A_15, %add3A, %sub3A_17 : vector<1568x128xi1>, vector<1568x128xf32>
    %get3A_18 = arith.constant 0 : index
    %get3A_19 = arith.constant 0 : index
    %get3A_20 = vector.load %arg5[%get3A_18, %get3A_19] : memref<128x128xf32, #tpu.memory_space<vmem>>, vector<128x128xf32>
    %dot_general3A_21 = arith.constant dense<0.000000e+00> : vector<1568x128xf32>
    %dot_general3A_22 = tpu.matmul %get3A_1, %get3A_20, %dot_general3A_21 {dimension_numbers = #tpu.dot_dimension_numbers<[1], [0], [0], [1], [0, 0, 1, 1], [], []>, transpose_lhs_hint = false} : vector<1568x128xf32>, vector<128x128xf32>, vector<1568x128xf32> -> vector<1568x128xf32>
    %get3A_23 = arith.constant 0 : index
    %get3A_24 = arith.constant 0 : index
    %get3A_25 = vector.load %arg6[%get3A_23, %get3A_24] : memref<128x128xf32, #tpu.memory_space<vmem>>, vector<128x128xf32>
    %dot_general3A_26 = arith.constant dense<0.000000e+00> : vector<1568x128xf32>
    %dot_general3A_27 = tpu.matmul %get3A_4, %get3A_25, %dot_general3A_26 {dimension_numbers = #tpu.dot_dimension_numbers<[1], [0], [0], [1], [0, 0, 1, 1], [], []>, transpose_lhs_hint = false} : vector<1568x128xf32>, vector<128x128xf32>, vector<1568x128xf32> -> vector<1568x128xf32>
    %add3A_28 = arith.addf %dot_general3A_22, %dot_general3A_27 : vector<1568x128xf32>
    %gt3A_29 = arith.constant 0.000000e+00 : f32
    %gt3A_30 = vector.broadcast %gt3A_29 : f32 to vector<1568x128xf32>
    %gt3A_31 = arith.cmpf ogt, %add3A_28, %gt3A_30 : vector<1568x128xf32>
    %exp3A_32 = math.exp %add3A_28 : vector<1568x128xf32>
    %sub3A_33 = arith.constant 1.000000e+00 : f32
    %sub3A_34 = vector.broadcast %sub3A_33 : f32 to vector<1568x128xf32>
    %sub3A_35 = arith.subf %exp3A_32, %sub3A_34 : vector<1568x128xf32>
    %select_n3A_36 = arith.select %gt3A_31, %add3A_28, %sub3A_35 : vector<1568x128xi1>, vector<1568x128xf32>
    %swap3A = arith.constant 0 : index
    %swap3A_37 = arith.constant 0 : index
    %swap3A_38 = vector.load %arg7[%swap3A, %swap3A_37] : memref<1568x128xf32, #tpu.memory_space<vmem>>, vector<1568x128xf32>
    tpu.vector_store %arg7[%swap3A, %swap3A_37], %select_n3A {strides = array<i32>} : memref<1568x128xf32, #tpu.memory_space<vmem>>, vector<1568x128xf32>,
    %swap3A_39 = arith.constant 0 : index
    %swap3A_40 = arith.constant 0 : index
    %swap3A_41 = vector.load %arg8[%swap3A_39, %swap3A_40] : memref<1568x128xf32, #tpu.memory_space<vmem>>, vector<1568x128xf32>
    tpu.vector_store %arg8[%swap3A_39, %swap3A_40], %select_n3A_36 {strides = array<i32>} : memref<1568x128xf32, #tpu.memory_space<vmem>>, vector<1568x128xf32>,
    return
  }
  func.func @transform_0(%arg0: i32) -> (i32, i32) {
    %c0_i32 = arith.constant 0 : i32
    %c0_i32_0 = arith.constant 0 : i32
    return %arg0, %c0_i32 : i32, i32
  }
  func.func @transform_1(%arg0: i32) -> (i32, i32) {
    %c0_i32 = arith.constant 0 : i32
    %c0_i32_0 = arith.constant 0 : i32
    return %arg0, %c0_i32 : i32, i32
  }
  func.func @transform_2(%arg0: i32) -> (i32, i32) {
    %c0_i32 = arith.constant 0 : i32
    %c0_i32_0 = arith.constant 0 : i32
    %c0_i32_1 = arith.constant 0 : i32
    return %c0_i32, %c0_i32_0 : i32, i32
  }
  func.func @transform_3(%arg0: i32) -> (i32, i32) {
    %c0_i32 = arith.constant 0 : i32
    %c0_i32_0 = arith.constant 0 : i32
    %c0_i32_1 = arith.constant 0 : i32
    return %c0_i32, %c0_i32_0 : i32, i32
  }
  func.func @transform_4(%arg0: i32) -> (i32, i32) {
    %c0_i32 = arith.constant 0 : i32
    %c0_i32_0 = arith.constant 0 : i32
    %c0_i32_1 = arith.constant 0 : i32
    return %c0_i32, %c0_i32_0 : i32, i32
  }
  func.func @transform_5(%arg0: i32) -> (i32, i32) {
    %c0_i32 = arith.constant 0 : i32
    %c0_i32_0 = arith.constant 0 : i32
    %c0_i32_1 = arith.constant 0 : i32
    return %c0_i32, %c0_i32_0 : i32, i32
  }
  func.func @transform_6(%arg0: i32) -> (i32, i32) {
    %c0_i32 = arith.constant 0 : i32
    %c0_i32_0 = arith.constant 0 : i32
    return %arg0, %c0_i32 : i32, i32
  }
  func.func @transform_7(%arg0: i32) -> (i32, i32) {
    %c0_i32 = arith.constant 0 : i32
    %c0_i32_0 = arith.constant 0 : i32
    return %arg0, %c0_i32 : i32, i32
  }
}

module attributes {stable_mosaic.version = 14 : i64} {
  func.func @body(%arg0: i32, %arg1: memref<1568x128xf32, #tpu.memory_space<vmem>>, %arg2: memref<1568x128xf32, #tpu.memory_space<vmem>>, %arg3: memref<128x128xf32, #tpu.memory_space<vmem>>, %arg4: memref<128x128xf32, #tpu.memory_space<vmem>>, %arg5: memref<128x128xf32, #tpu.memory_space<vmem>>, %arg6: memref<128x128xf32, #tpu.memory_space<vmem>>, %arg7: memref<1568x128xf32, #tpu.memory_space<vmem>>, %arg8: memref<1568x128xf32, #tpu.memory_space<vmem>>, %arg9: memref<1568x128xf32, #tpu.memory_space<vmem>>, %arg10: memref<1568x128xf32, #tpu.memory_space<vmem>>) attributes {dimension_semantics = [#tpu.dimension_semantics<arbitrary>], iteration_bounds = array<i64: 8>, scalar_prefetch = 0 : i64, scratch_operands = 0 : i64, tpu.core_type = #tpu.core_type<tc>, window_params = [{transform_indices = @transform_0, window_bounds = array<i64: 1568, 128>}, {transform_indices = @transform_1, window_bounds = array<i64: 1568, 128>}, {pipeline_mode = #tpu.pipeline_mode<synchronous>, transform_indices = @transform_2, window_bounds = array<i64: 128, 128>}, {pipeline_mode = #tpu.pipeline_mode<synchronous>, transform_indices = @transform_3, window_bounds = array<i64: 128, 128>}, {pipeline_mode = #tpu.pipeline_mode<synchronous>, transform_indices = @transform_4, window_bounds = array<i64: 128, 128>}, {pipeline_mode = #tpu.pipeline_mode<synchronous>, transform_indices = @transform_5, window_bounds = array<i64: 128, 128>}, {transform_indices = @transform_6, window_bounds = array<i64: 1568, 128>}, {transform_indices = @transform_7, window_bounds = array<i64: 1568, 128>}, {transform_indices = @transform_8, window_bounds = array<i64: 1568, 128>}, {transform_indices = @transform_9, window_bounds = array<i64: 1568, 128>}]} {
    %get3A = arith.constant 0 : index
    %get3A_0 = arith.constant 0 : index
    %get3A_1 = vector.load %arg1[%get3A, %get3A_0] : memref<1568x128xf32, #tpu.memory_space<vmem>>, vector<1568x128xf32>
    %get3A_2 = arith.constant 0 : index
    %get3A_3 = arith.constant 0 : index
    %get3A_4 = vector.load %arg2[%get3A_2, %get3A_3] : memref<1568x128xf32, #tpu.memory_space<vmem>>, vector<1568x128xf32>
    %get3A_5 = arith.constant 0 : index
    %get3A_6 = arith.constant 0 : index
    %get3A_7 = vector.load %arg3[%get3A_5, %get3A_6] : memref<128x128xf32, #tpu.memory_space<vmem>>, vector<128x128xf32>
    %dot_general3A = arith.constant dense<0.000000e+00> : vector<1568x128xf32>
    %dot_general3A_8 = tpu.matmul %get3A_1, %get3A_7, %dot_general3A {dimension_numbers = #tpu.dot_dimension_numbers<[1], [0], [0], [1], [0, 0, 1, 1], [], []>, transpose_lhs_hint = false} : vector<1568x128xf32>, vector<128x128xf32>, vector<1568x128xf32> -> vector<1568x128xf32>
    %get3A_9 = arith.constant 0 : index
    %get3A_10 = arith.constant 0 : index
    %get3A_11 = vector.load %arg4[%get3A_9, %get3A_10] : memref<128x128xf32, #tpu.memory_space<vmem>>, vector<128x128xf32>
    %dot_general3A_12 = arith.constant dense<0.000000e+00> : vector<1568x128xf32>
    %dot_general3A_13 = tpu.matmul %get3A_4, %get3A_11, %dot_general3A_12 {dimension_numbers = #tpu.dot_dimension_numbers<[1], [0], [0], [1], [0, 0, 1, 1], [], []>, transpose_lhs_hint = false} : vector<1568x128xf32>, vector<128x128xf32>, vector<1568x128xf32> -> vector<1568x128xf32>
    %add3A = arith.addf %dot_general3A_8, %dot_general3A_13 : vector<1568x128xf32>
    %gt3A = arith.constant 0.000000e+00 : f32
    %gt3A_14 = vector.broadcast %gt3A : f32 to vector<1568x128xf32>
    %gt3A_15 = arith.cmpf ogt, %add3A, %gt3A_14 : vector<1568x128xf32>
    %exp3A = math.exp %add3A : vector<1568x128xf32>
    %sub3A = arith.constant 1.000000e+00 : f32
    %sub3A_16 = vector.broadcast %sub3A : f32 to vector<1568x128xf32>
    %sub3A_17 = arith.subf %exp3A, %sub3A_16 : vector<1568x128xf32>
    %select_n3A = arith.select %gt3A_15, %add3A, %sub3A_17 : vector<1568x128xi1>, vector<1568x128xf32>
    %get3A_18 = arith.constant 0 : index
    %get3A_19 = arith.constant 0 : index
    %get3A_20 = vector.load %arg5[%get3A_18, %get3A_19] : memref<128x128xf32, #tpu.memory_space<vmem>>, vector<128x128xf32>
    %dot_general3A_21 = arith.constant dense<0.000000e+00> : vector<1568x128xf32>
    %dot_general3A_22 = tpu.matmul %get3A_1, %get3A_20, %dot_general3A_21 {dimension_numbers = #tpu.dot_dimension_numbers<[1], [0], [0], [1], [0, 0, 1, 1], [], []>, transpose_lhs_hint = false} : vector<1568x128xf32>, vector<128x128xf32>, vector<1568x128xf32> -> vector<1568x128xf32>
    %get3A_23 = arith.constant 0 : index
    %get3A_24 = arith.constant 0 : index
    %get3A_25 = vector.load %arg6[%get3A_23, %get3A_24] : memref<128x128xf32, #tpu.memory_space<vmem>>, vector<128x128xf32>
    %dot_general3A_26 = arith.constant dense<0.000000e+00> : vector<1568x128xf32>
    %dot_general3A_27 = tpu.matmul %get3A_4, %get3A_25, %dot_general3A_26 {dimension_numbers = #tpu.dot_dimension_numbers<[1], [0], [0], [1], [0, 0, 1, 1], [], []>, transpose_lhs_hint = false} : vector<1568x128xf32>, vector<128x128xf32>, vector<1568x128xf32> -> vector<1568x128xf32>
    %add3A_28 = arith.addf %dot_general3A_22, %dot_general3A_27 : vector<1568x128xf32>
    %gt3A_29 = arith.constant 0.000000e+00 : f32
    %gt3A_30 = vector.broadcast %gt3A_29 : f32 to vector<1568x128xf32>
    %gt3A_31 = arith.cmpf ogt, %add3A_28, %gt3A_30 : vector<1568x128xf32>
    %exp3A_32 = math.exp %add3A_28 : vector<1568x128xf32>
    %sub3A_33 = arith.constant 1.000000e+00 : f32
    %sub3A_34 = vector.broadcast %sub3A_33 : f32 to vector<1568x128xf32>
    %sub3A_35 = arith.subf %exp3A_32, %sub3A_34 : vector<1568x128xf32>
    %select_n3A_36 = arith.select %gt3A_31, %add3A_28, %sub3A_35 : vector<1568x128xi1>, vector<1568x128xf32>
    %get3A_37 = arith.constant 0 : index
    %get3A_38 = arith.constant 0 : index
    %get3A_39 = vector.load %arg7[%get3A_37, %get3A_38] : memref<1568x128xf32, #tpu.memory_space<vmem>>, vector<1568x128xf32>
    %add3A_40 = arith.addf %select_n3A, %get3A_39 : vector<1568x128xf32>
    %get3A_41 = arith.constant 0 : index
    %get3A_42 = arith.constant 0 : index
    %get3A_43 = vector.load %arg8[%get3A_41, %get3A_42] : memref<1568x128xf32, #tpu.memory_space<vmem>>, vector<1568x128xf32>
    %add3A_44 = arith.addf %select_n3A_36, %get3A_43 : vector<1568x128xf32>
    %swap3A = arith.constant 0 : index
    %swap3A_45 = arith.constant 0 : index
    %swap3A_46 = vector.load %arg9[%swap3A, %swap3A_45] : memref<1568x128xf32, #tpu.memory_space<vmem>>, vector<1568x128xf32>
    tpu.vector_store %arg9[%swap3A, %swap3A_45], %add3A_40 {strides = array<i32>} : memref<1568x128xf32, #tpu.memory_space<vmem>>, vector<1568x128xf32>,
    %swap3A_47 = arith.constant 0 : index
    %swap3A_48 = arith.constant 0 : index
    %swap3A_49 = vector.load %arg10[%swap3A_47, %swap3A_48] : memref<1568x128xf32, #tpu.memory_space<vmem>>, vector<1568x128xf32>
    tpu.vector_store %arg10[%swap3A_47, %swap3A_48], %add3A_44 {strides = array<i32>} : memref<1568x128xf32, #tpu.memory_space<vmem>>, vector<1568x128xf32>,
    return
  }
  func.func @transform_0(%arg0: i32) -> (i32, i32) {
    %c0_i32 = arith.constant 0 : i32
    %c0_i32_0 = arith.constant 0 : i32
    return %arg0, %c0_i32 : i32, i32
  }
  func.func @transform_1(%arg0: i32) -> (i32, i32) {
    %c0_i32 = arith.constant 0 : i32
    %c0_i32_0 = arith.constant 0 : i32
    return %arg0, %c0_i32 : i32, i32
  }
  func.func @transform_2(%arg0: i32) -> (i32, i32) {
    %c0_i32 = arith.constant 0 : i32
    %c0_i32_0 = arith.constant 0 : i32
    %c0_i32_1 = arith.constant 0 : i32
    return %c0_i32, %c0_i32_0 : i32, i32
  }
  func.func @transform_3(%arg0: i32) -> (i32, i32) {
    %c0_i32 = arith.constant 0 : i32
    %c0_i32_0 = arith.constant 0 : i32
    %c0_i32_1 = arith.constant 0 : i32
    return %c0_i32, %c0_i32_0 : i32, i32
  }
  func.func @transform_4(%arg0: i32) -> (i32, i32) {
    %c0_i32 = arith.constant 0 : i32
    %c0_i32_0 = arith.constant 0 : i32
    %c0_i32_1 = arith.constant 0 : i32
    return %c0_i32, %c0_i32_0 : i32, i32
  }
  func.func @transform_5(%arg0: i32) -> (i32, i32) {
    %c0_i32 = arith.constant 0 : i32
    %c0_i32_0 = arith.constant 0 : i32
    %c0_i32_1 = arith.constant 0 : i32
    return %c0_i32, %c0_i32_0 : i32, i32
  }
  func.func @transform_6(%arg0: i32) -> (i32, i32) {
    %c0_i32 = arith.constant 0 : i32
    %c0_i32_0 = arith.constant 0 : i32
    return %arg0, %c0_i32 : i32, i32
  }
  func.func @transform_7(%arg0: i32) -> (i32, i32) {
    %c0_i32 = arith.constant 0 : i32
    %c0_i32_0 = arith.constant 0 : i32
    return %arg0, %c0_i32 : i32, i32
  }
  func.func @transform_8(%arg0: i32) -> (i32, i32) {
    %c0_i32 = arith.constant 0 : i32
    %c0_i32_0 = arith.constant 0 : i32
    return %arg0, %c0_i32 : i32, i32
  }
  func.func @transform_9(%arg0: i32) -> (i32, i32) {
    %c0_i32 = arith.constant 0 : i32
    %c0_i32_0 = arith.constant 0 : i32
    return %arg0, %c0_i32 : i32, i32
  }
}

module attributes {stable_mosaic.version = 14 : i64} {
  func.func @body(%arg0: i32, %arg1: memref<32x128x128xf32, #tpu.memory_space<vmem>>, %arg2: memref<128x128xf32, #tpu.memory_space<vmem>>) attributes {dimension_semantics = [#tpu.dimension_semantics<arbitrary>], iteration_bounds = array<i64: 6>, scalar_prefetch = 0 : i64, scratch_operands = 0 : i64, tpu.core_type = #tpu.core_type<tc>, window_params = [{transform_indices = @transform_0, window_bounds = array<i64: 32, 128, 128>}, {transform_indices = @transform_1, window_bounds = array<i64: 128, 128>}]} {
    %get3A = arith.constant 0 : index
    %get3A_0 = arith.constant 0 : index
    %get3A_1 = arith.constant 0 : index
    %get3A_2 = vector.load %arg1[%get3A, %get3A_0, %get3A_1] : memref<32x128x128xf32, #tpu.memory_space<vmem>>, vector<1x128x128xf32>
    %get3A_3 = vector.shape_cast %get3A_2 : vector<1x128x128xf32> to vector<128x128xf32>
    %get3A_4 = arith.constant 1 : index
    %get3A_5 = arith.constant 0 : index
    %get3A_6 = arith.constant 0 : index
    %get3A_7 = vector.load %arg1[%get3A_4, %get3A_5, %get3A_6] : memref<32x128x128xf32, #tpu.memory_space<vmem>>, vector<1x128x128xf32>
    %get3A_8 = vector.shape_cast %get3A_7 : vector<1x128x128xf32> to vector<128x128xf32>
    %max3A = arith.maximumf %get3A_3, %get3A_8 : vector<128x128xf32>
    %get3A_9 = arith.constant 2 : index
    %get3A_10 = arith.constant 0 : index
    %get3A_11 = arith.constant 0 : index
    %get3A_12 = vector.load %arg1[%get3A_9, %get3A_10, %get3A_11] : memref<32x128x128xf32, #tpu.memory_space<vmem>>, vector<1x128x128xf32>
    %get3A_13 = vector.shape_cast %get3A_12 : vector<1x128x128xf32> to vector<128x128xf32>
    %max3A_14 = arith.maximumf %max3A, %get3A_13 : vector<128x128xf32>
    %get3A_15 = arith.constant 3 : index
    %get3A_16 = arith.constant 0 : index
    %get3A_17 = arith.constant 0 : index
    %get3A_18 = vector.load %arg1[%get3A_15, %get3A_16, %get3A_17] : memref<32x128x128xf32, #tpu.memory_space<vmem>>, vector<1x128x128xf32>
    %get3A_19 = vector.shape_cast %get3A_18 : vector<1x128x128xf32> to vector<128x128xf32>
    %max3A_20 = arith.maximumf %max3A_14, %get3A_19 : vector<128x128xf32>
    %get3A_21 = arith.constant 4 : index
    %get3A_22 = arith.constant 0 : index
    %get3A_23 = arith.constant 0 : index
    %get3A_24 = vector.load %arg1[%get3A_21, %get3A_22, %get3A_23] : memref<32x128x128xf32, #tpu.memory_space<vmem>>, vector<1x128x128xf32>
    %get3A_25 = vector.shape_cast %get3A_24 : vector<1x128x128xf32> to vector<128x128xf32>
    %max3A_26 = arith.maximumf %max3A_20, %get3A_25 : vector<128x128xf32>
    %get3A_27 = arith.constant 5 : index
    %get3A_28 = arith.constant 0 : index
    %get3A_29 = arith.constant 0 : index
    %get3A_30 = vector.load %arg1[%get3A_27, %get3A_28, %get3A_29] : memref<32x128x128xf32, #tpu.memory_space<vmem>>, vector<1x128x128xf32>
    %get3A_31 = vector.shape_cast %get3A_30 : vector<1x128x128xf32> to vector<128x128xf32>
    %max3A_32 = arith.maximumf %max3A_26, %get3A_31 : vector<128x128xf32>
    %get3A_33 = arith.constant 6 : index
    %get3A_34 = arith.constant 0 : index
    %get3A_35 = arith.constant 0 : index
    %get3A_36 = vector.load %arg1[%get3A_33, %get3A_34, %get3A_35] : memref<32x128x128xf32, #tpu.memory_space<vmem>>, vector<1x128x128xf32>
    %get3A_37 = vector.shape_cast %get3A_36 : vector<1x128x128xf32> to vector<128x128xf32>
    %max3A_38 = arith.maximumf %max3A_32, %get3A_37 : vector<128x128xf32>
    %get3A_39 = arith.constant 7 : index
    %get3A_40 = arith.constant 0 : index
    %get3A_41 = arith.constant 0 : index
    %get3A_42 = vector.load %arg1[%get3A_39, %get3A_40, %get3A_41] : memref<32x128x128xf32, #tpu.memory_space<vmem>>, vector<1x128x128xf32>
    %get3A_43 = vector.shape_cast %get3A_42 : vector<1x128x128xf32> to vector<128x128xf32>
    %max3A_44 = arith.maximumf %max3A_38, %get3A_43 : vector<128x128xf32>
    %get3A_45 = arith.constant 8 : index
    %get3A_46 = arith.constant 0 : index
    %get3A_47 = arith.constant 0 : index
    %get3A_48 = vector.load %arg1[%get3A_45, %get3A_46, %get3A_47] : memref<32x128x128xf32, #tpu.memory_space<vmem>>, vector<1x128x128xf32>
    %get3A_49 = vector.shape_cast %get3A_48 : vector<1x128x128xf32> to vector<128x128xf32>
    %max3A_50 = arith.maximumf %max3A_44, %get3A_49 : vector<128x128xf32>
    %get3A_51 = arith.constant 9 : index
    %get3A_52 = arith.constant 0 : index
    %get3A_53 = arith.constant 0 : index
    %get3A_54 = vector.load %arg1[%get3A_51, %get3A_52, %get3A_53] : memref<32x128x128xf32, #tpu.memory_space<vmem>>, vector<1x128x128xf32>
    %get3A_55 = vector.shape_cast %get3A_54 : vector<1x128x128xf32> to vector<128x128xf32>
    %max3A_56 = arith.maximumf %max3A_50, %get3A_55 : vector<128x128xf32>
    %get3A_57 = arith.constant 10 : index
    %get3A_58 = arith.constant 0 : index
    %get3A_59 = arith.constant 0 : index
    %get3A_60 = vector.load %arg1[%get3A_57, %get3A_58, %get3A_59] : memref<32x128x128xf32, #tpu.memory_space<vmem>>, vector<1x128x128xf32>
    %get3A_61 = vector.shape_cast %get3A_60 : vector<1x128x128xf32> to vector<128x128xf32>
    %max3A_62 = arith.maximumf %max3A_56, %get3A_61 : vector<128x128xf32>
    %get3A_63 = arith.constant 11 : index
    %get3A_64 = arith.constant 0 : index
    %get3A_65 = arith.constant 0 : index
    %get3A_66 = vector.load %arg1[%get3A_63, %get3A_64, %get3A_65] : memref<32x128x128xf32, #tpu.memory_space<vmem>>, vector<1x128x128xf32>
    %get3A_67 = vector.shape_cast %get3A_66 : vector<1x128x128xf32> to vector<128x128xf32>
    %max3A_68 = arith.maximumf %max3A_62, %get3A_67 : vector<128x128xf32>
    %get3A_69 = arith.constant 12 : index
    %get3A_70 = arith.constant 0 : index
    %get3A_71 = arith.constant 0 : index
    %get3A_72 = vector.load %arg1[%get3A_69, %get3A_70, %get3A_71] : memref<32x128x128xf32, #tpu.memory_space<vmem>>, vector<1x128x128xf32>
    %get3A_73 = vector.shape_cast %get3A_72 : vector<1x128x128xf32> to vector<128x128xf32>
    %max3A_74 = arith.maximumf %max3A_68, %get3A_73 : vector<128x128xf32>
    %get3A_75 = arith.constant 13 : index
    %get3A_76 = arith.constant 0 : index
    %get3A_77 = arith.constant 0 : index
    %get3A_78 = vector.load %arg1[%get3A_75, %get3A_76, %get3A_77] : memref<32x128x128xf32, #tpu.memory_space<vmem>>, vector<1x128x128xf32>
    %get3A_79 = vector.shape_cast %get3A_78 : vector<1x128x128xf32> to vector<128x128xf32>
    %max3A_80 = arith.maximumf %max3A_74, %get3A_79 : vector<128x128xf32>
    %get3A_81 = arith.constant 14 : index
    %get3A_82 = arith.constant 0 : index
    %get3A_83 = arith.constant 0 : index
    %get3A_84 = vector.load %arg1[%get3A_81, %get3A_82, %get3A_83] : memref<32x128x128xf32, #tpu.memory_space<vmem>>, vector<1x128x128xf32>
    %get3A_85 = vector.shape_cast %get3A_84 : vector<1x128x128xf32> to vector<128x128xf32>
    %max3A_86 = arith.maximumf %max3A_80, %get3A_85 : vector<128x128xf32>
    %get3A_87 = arith.constant 15 : index
    %get3A_88 = arith.constant 0 : index
    %get3A_89 = arith.constant 0 : index
    %get3A_90 = vector.load %arg1[%get3A_87, %get3A_88, %get3A_89] : memref<32x128x128xf32, #tpu.memory_space<vmem>>, vector<1x128x128xf32>
    %get3A_91 = vector.shape_cast %get3A_90 : vector<1x128x128xf32> to vector<128x128xf32>
    %max3A_92 = arith.maximumf %max3A_86, %get3A_91 : vector<128x128xf32>
    %get3A_93 = arith.constant 16 : index
    %get3A_94 = arith.constant 0 : index
    %get3A_95 = arith.constant 0 : index
    %get3A_96 = vector.load %arg1[%get3A_93, %get3A_94, %get3A_95] : memref<32x128x128xf32, #tpu.memory_space<vmem>>, vector<1x128x128xf32>
    %get3A_97 = vector.shape_cast %get3A_96 : vector<1x128x128xf32> to vector<128x128xf32>
    %max3A_98 = arith.maximumf %max3A_92, %get3A_97 : vector<128x128xf32>
    %get3A_99 = arith.constant 17 : index
    %get3A_100 = arith.constant 0 : index
    %get3A_101 = arith.constant 0 : index
    %get3A_102 = vector.load %arg1[%get3A_99, %get3A_100, %get3A_101] : memref<32x128x128xf32, #tpu.memory_space<vmem>>, vector<1x128x128xf32>
    %get3A_103 = vector.shape_cast %get3A_102 : vector<1x128x128xf32> to vector<128x128xf32>
    %max3A_104 = arith.maximumf %max3A_98, %get3A_103 : vector<128x128xf32>
    %get3A_105 = arith.constant 18 : index
    %get3A_106 = arith.constant 0 : index
    %get3A_107 = arith.constant 0 : index
    %get3A_108 = vector.load %arg1[%get3A_105, %get3A_106, %get3A_107] : memref<32x128x128xf32, #tpu.memory_space<vmem>>, vector<1x128x128xf32>
    %get3A_109 = vector.shape_cast %get3A_108 : vector<1x128x128xf32> to vector<128x128xf32>
    %max3A_110 = arith.maximumf %max3A_104, %get3A_109 : vector<128x128xf32>
    %get3A_111 = arith.constant 19 : index
    %get3A_112 = arith.constant 0 : index
    %get3A_113 = arith.constant 0 : index
    %get3A_114 = vector.load %arg1[%get3A_111, %get3A_112, %get3A_113] : memref<32x128x128xf32, #tpu.memory_space<vmem>>, vector<1x128x128xf32>
    %get3A_115 = vector.shape_cast %get3A_114 : vector<1x128x128xf32> to vector<128x128xf32>
    %max3A_116 = arith.maximumf %max3A_110, %get3A_115 : vector<128x128xf32>
    %get3A_117 = arith.constant 20 : index
    %get3A_118 = arith.constant 0 : index
    %get3A_119 = arith.constant 0 : index
    %get3A_120 = vector.load %arg1[%get3A_117, %get3A_118, %get3A_119] : memref<32x128x128xf32, #tpu.memory_space<vmem>>, vector<1x128x128xf32>
    %get3A_121 = vector.shape_cast %get3A_120 : vector<1x128x128xf32> to vector<128x128xf32>
    %max3A_122 = arith.maximumf %max3A_116, %get3A_121 : vector<128x128xf32>
    %get3A_123 = arith.constant 21 : index
    %get3A_124 = arith.constant 0 : index
    %get3A_125 = arith.constant 0 : index
    %get3A_126 = vector.load %arg1[%get3A_123, %get3A_124, %get3A_125] : memref<32x128x128xf32, #tpu.memory_space<vmem>>, vector<1x128x128xf32>
    %get3A_127 = vector.shape_cast %get3A_126 : vector<1x128x128xf32> to vector<128x128xf32>
    %max3A_128 = arith.maximumf %max3A_122, %get3A_127 : vector<128x128xf32>
    %get3A_129 = arith.constant 22 : index
    %get3A_130 = arith.constant 0 : index
    %get3A_131 = arith.constant 0 : index
    %get3A_132 = vector.load %arg1[%get3A_129, %get3A_130, %get3A_131] : memref<32x128x128xf32, #tpu.memory_space<vmem>>, vector<1x128x128xf32>
    %get3A_133 = vector.shape_cast %get3A_132 : vector<1x128x128xf32> to vector<128x128xf32>
    %max3A_134 = arith.maximumf %max3A_128, %get3A_133 : vector<128x128xf32>
    %get3A_135 = arith.constant 23 : index
    %get3A_136 = arith.constant 0 : index
    %get3A_137 = arith.constant 0 : index
    %get3A_138 = vector.load %arg1[%get3A_135, %get3A_136, %get3A_137] : memref<32x128x128xf32, #tpu.memory_space<vmem>>, vector<1x128x128xf32>
    %get3A_139 = vector.shape_cast %get3A_138 : vector<1x128x128xf32> to vector<128x128xf32>
    %max3A_140 = arith.maximumf %max3A_134, %get3A_139 : vector<128x128xf32>
    %get3A_141 = arith.constant 24 : index
    %get3A_142 = arith.constant 0 : index
    %get3A_143 = arith.constant 0 : index
    %get3A_144 = vector.load %arg1[%get3A_141, %get3A_142, %get3A_143] : memref<32x128x128xf32, #tpu.memory_space<vmem>>, vector<1x128x128xf32>
    %get3A_145 = vector.shape_cast %get3A_144 : vector<1x128x128xf32> to vector<128x128xf32>
    %max3A_146 = arith.maximumf %max3A_140, %get3A_145 : vector<128x128xf32>
    %get3A_147 = arith.constant 25 : index
    %get3A_148 = arith.constant 0 : index
    %get3A_149 = arith.constant 0 : index
    %get3A_150 = vector.load %arg1[%get3A_147, %get3A_148, %get3A_149] : memref<32x128x128xf32, #tpu.memory_space<vmem>>, vector<1x128x128xf32>
    %get3A_151 = vector.shape_cast %get3A_150 : vector<1x128x128xf32> to vector<128x128xf32>
    %max3A_152 = arith.maximumf %max3A_146, %get3A_151 : vector<128x128xf32>
    %get3A_153 = arith.constant 26 : index
    %get3A_154 = arith.constant 0 : index
    %get3A_155 = arith.constant 0 : index
    %get3A_156 = vector.load %arg1[%get3A_153, %get3A_154, %get3A_155] : memref<32x128x128xf32, #tpu.memory_space<vmem>>, vector<1x128x128xf32>
    %get3A_157 = vector.shape_cast %get3A_156 : vector<1x128x128xf32> to vector<128x128xf32>
    %max3A_158 = arith.maximumf %max3A_152, %get3A_157 : vector<128x128xf32>
    %get3A_159 = arith.constant 27 : index
    %get3A_160 = arith.constant 0 : index
    %get3A_161 = arith.constant 0 : index
    %get3A_162 = vector.load %arg1[%get3A_159, %get3A_160, %get3A_161] : memref<32x128x128xf32, #tpu.memory_space<vmem>>, vector<1x128x128xf32>
    %get3A_163 = vector.shape_cast %get3A_162 : vector<1x128x128xf32> to vector<128x128xf32>
    %max3A_164 = arith.maximumf %max3A_158, %get3A_163 : vector<128x128xf32>
    %get3A_165 = arith.constant 28 : index
    %get3A_166 = arith.constant 0 : index
    %get3A_167 = arith.constant 0 : index
    %get3A_168 = vector.load %arg1[%get3A_165, %get3A_166, %get3A_167] : memref<32x128x128xf32, #tpu.memory_space<vmem>>, vector<1x128x128xf32>
    %get3A_169 = vector.shape_cast %get3A_168 : vector<1x128x128xf32> to vector<128x128xf32>
    %max3A_170 = arith.maximumf %max3A_164, %get3A_169 : vector<128x128xf32>
    %get3A_171 = arith.constant 29 : index
    %get3A_172 = arith.constant 0 : index
    %get3A_173 = arith.constant 0 : index
    %get3A_174 = vector.load %arg1[%get3A_171, %get3A_172, %get3A_173] : memref<32x128x128xf32, #tpu.memory_space<vmem>>, vector<1x128x128xf32>
    %get3A_175 = vector.shape_cast %get3A_174 : vector<1x128x128xf32> to vector<128x128xf32>
    %max3A_176 = arith.maximumf %max3A_170, %get3A_175 : vector<128x128xf32>
    %get3A_177 = arith.constant 30 : index
    %get3A_178 = arith.constant 0 : index
    %get3A_179 = arith.constant 0 : index
    %get3A_180 = vector.load %arg1[%get3A_177, %get3A_178, %get3A_179] : memref<32x128x128xf32, #tpu.memory_space<vmem>>, vector<1x128x128xf32>
    %get3A_181 = vector.shape_cast %get3A_180 : vector<1x128x128xf32> to vector<128x128xf32>
    %max3A_182 = arith.maximumf %max3A_176, %get3A_181 : vector<128x128xf32>
    %get3A_183 = arith.constant 31 : index
    %get3A_184 = arith.constant 0 : index
    %get3A_185 = arith.constant 0 : index
    %get3A_186 = vector.load %arg1[%get3A_183, %get3A_184, %get3A_185] : memref<32x128x128xf32, #tpu.memory_space<vmem>>, vector<1x128x128xf32>
    %get3A_187 = vector.shape_cast %get3A_186 : vector<1x128x128xf32> to vector<128x128xf32>
    %max3A_188 = arith.maximumf %max3A_182, %get3A_187 : vector<128x128xf32>
    %is_finite3A = tpu.weird %max3A_188 : vector<128x128xf32> -> vector<128x128xi1>
    %is_finite3A_189 = arith.constant dense<true> : vector<128x128xi1>
    %is_finite3A_190 = arith.xori %is_finite3A, %is_finite3A_189 : vector<128x128xi1>
    %jit3A = arith.constant 0.000000e+00 : f32
    %broadcast_in_dim3A = vector.broadcast %jit3A : f32 to vector<128x128xf32>
    %select_n3A = arith.select %is_finite3A_190, %max3A_188, %broadcast_in_dim3A : vector<128x128xi1>, vector<128x128xf32>
    %swap3A = arith.constant 0 : index
    %swap3A_191 = arith.constant 0 : index
    %swap3A_192 = vector.load %arg2[%swap3A, %swap3A_191] : memref<128x128xf32, #tpu.memory_space<vmem>>, vector<128x128xf32>
    tpu.vector_store %arg2[%swap3A, %swap3A_191], %select_n3A {strides = array<i32>} : memref<128x128xf32, #tpu.memory_space<vmem>>, vector<128x128xf32>,
    return
  }
  func.func @transform_0(%arg0: i32) -> (i32, i32, i32) {
    %c0_i32 = arith.constant 0 : i32
    %c0_i32_0 = arith.constant 0 : i32
    %c0_i32_1 = arith.constant 0 : i32
    return %c0_i32, %arg0, %c0_i32_0 : i32, i32, i32
  }
  func.func @transform_1(%arg0: i32) -> (i32, i32) {
    %c0_i32 = arith.constant 0 : i32
    %c0_i32_0 = arith.constant 0 : i32
    return %arg0, %c0_i32 : i32, i32
  }
}

module attributes {stable_mosaic.version = 14 : i64} {
  func.func @body(%arg0: memref<16x6144xf32, #tpu.memory_space<vmem>>, %arg1: memref<6144x2xf32, #tpu.memory_space<vmem>>, %arg2: memref<16x2xf32, #tpu.memory_space<vmem>>) attributes {dimension_semantics = [], scalar_prefetch = 0 : i64, scratch_operands = 0 : i64, tpu.core_type = #tpu.core_type<tc>} {
    %get3A = arith.constant 0 : index
    %get3A_0 = arith.constant 0 : index
    %get3A_1 = vector.load %arg0[%get3A, %get3A_0] : memref<16x6144xf32, #tpu.memory_space<vmem>>, vector<16x6144xf32>
    %get3A_2 = arith.constant 0 : index
    %get3A_3 = arith.constant 0 : index
    %get3A_4 = vector.load %arg1[%get3A_2, %get3A_3] : memref<6144x2xf32, #tpu.memory_space<vmem>>, vector<6144x2xf32>
    %dot_general3A = arith.constant dense<0.000000e+00> : vector<16x2xf32>
    %dot_general3A_5 = tpu.matmul %get3A_1, %get3A_4, %dot_general3A {dimension_numbers = #tpu.dot_dimension_numbers<[1], [0], [0], [1], [0, 0, 1, 1], [], []>, transpose_lhs_hint = false} : vector<16x6144xf32>, vector<6144x2xf32>, vector<16x2xf32> -> vector<16x2xf32>
    %swap3A = arith.constant 0 : index
    %swap3A_6 = arith.constant 0 : index
    %swap3A_7 = vector.load %arg2[%swap3A, %swap3A_6] : memref<16x2xf32, #tpu.memory_space<vmem>>, vector<16x2xf32>
    tpu.vector_store %arg2[%swap3A, %swap3A_6], %dot_general3A_5 {strides = array<i32>} : memref<16x2xf32, #tpu.memory_space<vmem>>, vector<16x2xf32>,
    return
  }
}

</mosaic_0001>

<sc_bundles>
// kernel: kernel.13.cloned.1.call-start
scs
__scs_entry_jumppad:
0x0: {  	(pc) =	sbr.rel $0x88, $3  }
0x1: {  	(tag) =	ssettag $0x0;
	lr =	simm.s32 $0x1  }
0x2: {  	[smem:$0x3F98] =	sst lr;
	_ =	strace $0xD0000000  }
0x3: {  	_ = 	snop  }
0x4: {  	_ = 	snop  }
0x5: {  	_ = 	snop  }
0x6: {  	_ = 	snop  }
0x7: {  	_ = 	snop  }
__scs_overlays_trampoline_lowered:
0x8: {  	[smem:$0x3FA7] =	sst s0  }
0x9: {  	[smem:$0x3FA8] =	sst s1  }
0xa: {  	[smem:$0x3FA9] =	sst s2  }
0xb: {  	[smem:$0x3FAA] =	sst s3  }
0xc: {  	[smem:$0x3FAB] =	sst s4  }
0xd: {  	[smem:$0x3FAC] =	sst s5  }
0xe: {  	[smem:$0x3FAD] =	sst s6  }
0xf: {  	[smem:$0x3FAE] =	sst s7  }
0x10: {  	[smem:$0x3FAF] =	sst s8  }
0x11: {  	[smem:$0x3FB0] =	sst s9;
	s0 =	simm.s32 @!p0 $0x0  }
0x12: {  	s1 =	sld [smem:$0x3F96];
	s0 =	simm.s32 @p0 $0x1  }
0x13: {  	[smem:$0x3FB1] =	sst s0;
	s0 =	simm.s32 @!p1 $0x0  }
0x14: {  	s2 =	sld [smem:$0x3F95];
	s0 =	simm.s32 @p1 $0x1  }
0x15: {  	[smem:$0x3FB2] =	sst s0;
	s0 =	simm.s32 @!p2 $0x0  }
0x16: {  	s3 =	sld [smem:$0x3FDB];
	s0 =	simm.s32 @p2 $0x1  }
0x17: {  	s4 =	simm.s32 $0x1BF5;
	[smem:$0x3FB4] =	sst s0  }
0x18: {  	s0 =	sld [smem:$0x3F97];
	_ =	swait.ge [sflag:s4], $0x0  }
0x19: {  	s7 =	sld [smem:$0x3F98]  }
0x1a: {  	s8 =	sadd.s32 $0xFFFFE003, lr  }
0x1b: {  	s9 =	sadd.s32 $0xFFFFFEF7, lr;
	s5 =	simm.s32 $0xFFFFFFFF;
	p2 =	slt.u32 s8, $0xFFFFF086  }
0x1c: {  	p1 =	slt.u32 s9, $0xF7A;
	s5 =	simm.s32 @!p2 $0x0  }
0x1d: {  	s5 =	simm.s32 @p1 $0x1;
	p0 =	seq.s32 s7, s2  }
0x1e: {  	s7 =	smul.u32 @!p0 $0xF7A, s2;
	p2 =	seq.s32 @!p0 s5, $0x0  }
0x1f: {  	s9 =	smul.u32 $0xF7A, s1;
	s8 =	simm.s32 @!p0 $0x1BF5;
	p2 =	por !p2, p0  }
0x20: {  	[sflag:s8] =	ssyncset.s32 @!p0 $0xFFFFF086;
	s6 =	sadd.s32 @!p0 s3, s7;
	s7 =	simm.s32 @!p0 $0x108  }
0x21: {  	s3 =	sadd.s32 s3, s9;
	s6 =	sadd.s32 @!p0 $0x88, s6;
	s7 =	simm.s32 @p2 $0x1082  }
0x22: {  	[simem:s7], [sflag:s8] =	dma.local @!p0 [hbm:s6], $0xF7A  }
0x23: {  	s9 =	sor.u32 $0xD0000000, s2;
	s6 =	simm.s32 $0x108;
	_ =	swait.ge @!p0 [sflag:s8], $0x0  }
0x24: {  	s3 =	sadd.s32 $0x88, s3;
	s6 =	simm.s32 @!p1 $0x1082;
	[sflag:s4] =	ssyncset.s32 $0xFFFFF086  }
0x25: {  	[simem:s6], [sflag:s4] =	dma.local [hbm:s3], $0xF7A  }
0x26: {  	[smem:$0x3F98] =	sst s1;
	(tag) =	ssettag s2;
	_ =	strace s9  }
0x27: {  	s1 =	sld [smem:$0x3FA8]  }
0x28: {  	s2 =	sld [smem:$0x3FA9]  }
0x29: {  	s4 =	sld [smem:$0x3FAB]  }
0x2a: {  	p0 =	seq.s32 s5, $0x0;
	s5 =	sld [smem:$0x3FAC]  }
0x2b: {  	s6 =	sld [smem:$0x3FAD]  }
0x2c: {  	s7 =	sld [smem:$0x3FAE]  }
0x2d: {  	s3 =	simm.s32 $0x108;
	s8 =	sld [smem:$0x3FAF]  }
0x2e: {  	s3 =	simm.s32 @!p0 $0x1082;
	s9 =	sld [smem:$0x3FB0]  }
0x2f: {  	lr =	sadd.s32 s0, s3;
	s0 =	sld [smem:$0x3FA7]  }
0x30: {  	s3 =	sld [smem:$0x3FAA]  }
0x31: {  	[smem:$0x3FB3] =	sst s10  }
0x32: {  	s10 =	sld [smem:$0x3FB1];
	_ =	sdelay $0x3  }
0x33: {  	p0 =	seq.s32 s10, $0x1;
	s10 =	sld [smem:$0x3FB3];
	_ =	sdelay $0x3  }
0x34: {  	[smem:$0x3FB3] =	sst s10  }
0x35: {  	s10 =	sld [smem:$0x3FB2];
	_ =	sdelay $0x3  }
0x36: {  	p1 =	seq.s32 s10, $0x1;
	s10 =	sld [smem:$0x3FB3];
	_ =	sdelay $0x3  }
0x37: {  	[smem:$0x3FB3] =	sst s10  }
0x38: {  	s10 =	sld [smem:$0x3FB4]  }
0x39: {  	_ = 	snop;
	(pc) =	sbr.ind lr, $3  }
0x3a: {  	_ = 	snop  }
0x3b: {  	_ = 	snop  }
0x3c: {  	p2 =	seq.s32 s10, $0x1;
	s10 =	sld [smem:$0x3FB3]  }
0x3d: {  	_ =	shalt  }
0x3e: {  	_ =	shalt  }
0x3f: {  	_ =	shalt  }
0x40: {  	_ =	shalt  }
0x41: {  	_ =	shalt  }
0x42: {  	_ =	shalt  }
0x43: {  	_ =	shalt  }
0x44: {  	_ =	shalt  }
0x45: {  	_ =	shalt  }
0x46: {  	_ =	shalt  }
0x47: {  	_ =	shalt  }
0x48: {  	_ =	shalt  }
0x49: {  	_ =	shalt  }
0x4a: {  	_ =	shalt  }
0x4b: {  	_ =	shalt  }
0x4c: {  	_ =	shalt  }
0x4d: {  	_ =	shalt  }
0x4e: {  	_ =	shalt  }
0x4f: {  	_ =	shalt  }
0x50: {  	_ =	shalt  }
0x51: {  	_ =	shalt  }
0x52: {  	_ =	shalt  }
0x53: {  	_ =	shalt  }
0x54: {  	_ =	shalt  }
0x55: {  	_ =	shalt  }
0x56: {  	_ =	shalt  }
0x57: {  	_ =	shalt  }
0x58: {  	_ =	shalt  }
0x59: {  	_ =	shalt  }
0x5a: {  	_ =	shalt  }
0x5b: {  	_ =	shalt  }
0x5c: {  	_ =	shalt  }
0x5d: {  	_ =	shalt  }
0x5e: {  	_ =	shalt  }
0x5f: {  	_ =	shalt  }
0x60: {  	_ =	shalt  }
0x61: {  	_ =	shalt  }
0x62: {  	_ =	shalt  }
0x63: {  	_ =	shalt  }
0x64: {  	_ =	shalt  }
0x65: {  	_ =	shalt  }
0x66: {  	_ =	shalt  }
0x67: {  	_ =	shalt  }
0x68: {  	_ =	shalt  }
0x69: {  	_ =	shalt  }
0x6a: {  	_ =	shalt  }
0x6b: {  	_ =	shalt  }
0x6c: {  	_ =	shalt  }
0x6d: {  	_ =	shalt  }
0x6e: {  	_ =	shalt  }
0x6f: {  	_ =	shalt  }
0x70: {  	_ =	shalt  }
0x71: {  	_ =	shalt  }
0x72: {  	_ =	shalt  }
0x73: {  	_ =	shalt  }
0x74: {  	_ =	shalt  }
0x75: {  	_ =	shalt  }
0x76: {  	_ =	shalt  }
0x77: {  	_ =	shalt  }
0x78: {  	_ =	shalt  }
0x79: {  	_ =	shalt  }
0x7a: {  	_ =	shalt  }
0x7b: {  	_ =	shalt  }
0x7c: {  	_ =	shalt  }
0x7d: {  	_ =	shalt  }
0x7e: {  	_ =	shalt  }
0x7f: {  	_ =	shalt  }
0x80: {  	_ =	shalt  }
0x81: {  	_ =	shalt  }
0x82: {  	_ =	shalt  }
0x83: {  	_ =	shalt  }
0x84: {  	_ =	shalt  }
0x85: {  	_ =	shalt  }
0x86: {  	_ =	shalt  }
0x87: {  	_ =	shalt  }
.Lfunc_end0:
.L_simem_size_0:
called_computation_lowered:
.L_overlay_start_0:
0x88: {  	s2 =	sld [smem:$0x3FD9]  }
0x89: {  	s3 =	sld [smem:$0x3FFE];
	_ =	sdelay $0x1  }
0x8a: {  	s1 =	srdreg.scid  }
0x8b: {  	s0 =	sand.u32 $0x1, s1  }
0x8c: {  	s16 =	sshll.u32 s0, $0xA;
	s2 =	sadd.s32 s3, s2  }
0x8d: {  	s2 =	sadd.s32 s2, s16  }
0x8e: {  	[smem:$0x3FBF] =	sst s2  }
0x8f: {  	_ = 	snop  }
0x90: {  	(tm) =	ssettm $0x1  }
0x91: {  	s17 =	sld [smem:$0x3FFB];
	_ =	sdelay $0x3  }
0x92: {  	_ =	strace s17  }
0x93: {  	s2 =	sld [smem:$0x3FFC];
	_ =	sdelay $0x3  }
0x94: {  	_ =	strace s2  }
0x95: {  	s2 =	sld [smem:$0x3FFD];
	_ =	sdelay $0x3  }
0x96: {  	_ =	strace s2  }
0x97: {  	_ =	strace $0x8FFFFFFF  }
0x98: {  	s18 =	sld [smem:$0x3FDB];
	_ =	sdelay $0x1  }
0x99: {  	s19 =	simm.s32 $_scs_section_size  }
0x9a: {  	s4 =	simm.s32 $_size__tile_overlayer_lowered;
	s5 =	simm.s32 $_tile_overlayer_lowered  }
0x9b: {  	s22 =	simm.s32 $0x1BFF;
	s21 =	sshll.u32 s5, $0x1;
	s2 =	sadd.s32 s19, s18  }
0x9c: {  	s6 =	simm.s32 $0x0;
	s20 =	sshll.u32 s4, $0x1;
	s4 =	sadd.s32 s21, s2  }
0x9d: {  	[timem:s6], [sflag:s22] =	dma.local [hbm:s4], s20  }
0x9e: {  	_ =	swait.ge [sflag:s22], s20  }
0x9f: {  	s3 =	ssub.s32 $0x0, s20;
	[sflag:s22] =	ssyncset.done $0x0  }
0xa0: {  	[sflag:s22] =	ssyncadd.s32 s3;
	_ =	sdelay $0x1  }
0xa1: {  	s23 =	simm.s32 $0x1B8B  }
0xa2: {  	_ =	swait.ge [sflag:s23], $0x1  }
0xa3: {  	[sflag:s23] =	ssyncset.done $0x0  }
0xa4: {  	s25 =	simm.s32 $0x1B8E;
	s24 =	sld [smem:$0x3FFE];
	[sflag:s23] =	ssyncadd.s32 $0xFFFFFFFF  }
0xa5: {  	s26 =	simm.s32 $execute0_lowered;
	[smem:$0x3FD2] =	sst s25  }
0xa6: {  	s4 =	sshll.u32 s26, $0x1;
	_ =	strace $0x80000046;
	[dreg:$0x1] =	wrdreg $0xFFFFFFFF  }
0xa7: {  	s28 =	simm.s32 $_size_execute0_lowered;
	s2 =	sadd.s32 s2, s4;
	[dreg:$0x0] =	wrdreg $0x0  }
0xa8: {  	s4 =	sshll.u32 s28, $0x1;
	[dreg:$0x2] =	wrdreg s2  }
0xa9: {  	[dreg:$0x3] =	wrdreg s4  }
0xaa: {  	[dreg:$0x4] =	wrdreg $0xC0  }
0xab: {  	_ =	task [dreg:s6], $0x5FFFF  }
0xac: {  	[dreg:$0x1] =	wrdreg $0xFFFFFFFF  }
0xad: {  	[dreg:$0x0] =	wrdreg $0x60  }
0xae: {  	[dreg:$0x2] =	wrdreg s24  }
0xaf: {  	[dreg:$0x3] =	wrdreg $0x0  }
0xb0: {  	[dreg:$0x4] =	wrdreg $0x9  }
0xb1: {  	_ =	task.clear_ibuf [dreg:s6], $0x5FFFF;
	_ =	strace $0x90000046  }
0xb2: {  	s29 =	simm.s32 $0x9;
	_ =	strace $0x80000048  }
0xb3: {  	_ =	swait.ge [sflag:s29], $0x1  }
0xb4: {  	[sflag:s29] =	ssyncadd.s32 $0xFFFFFFFF  }
0xb5: {  	_ =	strace $0x90000048  }
0xb6: {  	_ =	sfence  }
0xb7: {  	s30 =	sld [smem:$0x0];
	_ =	sdelay $0x2  }
0xb8: {  	s31 =	sshll.u32 s1, $0xD;
	s1 =	sshrl.u32 s1, $0x2  }
0xb9: {  	s3 =	sand.u32 $0x4000, s31;
	s1 =	sadd.s32 s1, s30  }
0xba: {  	s0 =	sor.u32 s3, s0;
	s1 =	sshll.u32 s1, $0x11  }
0xbb: {  	s0 =	sor.u32 s1, s0  }
0xbc: {  	s0 =	sadd.s32 $0x8F2B, s0  }
0xbd: {  	[sflag:s0] =	ssyncadd.remote.s32 $0x1  }
0xbe: {  	_ =	sfence.sel $0xFFFF  }
0xbf: {  	[dreg:$0x0] =	wrdreg $0xFFFFFFFF;
	(pc) =	sbr.abs _section_cstart, $3  }
0xc0: {  	[dreg:$0x1] =	wrdreg $0xFFFFFFFF  }
0xc1: {  	_ =	task.clear_ibuf [dreg:s6], $0x2FFFF;
	_ =	strace $0x9FFFFFFF  }
0xc2: {  	(tm) =	ssettm $0x7FFFFFFF  }
0xc3: {  	_ =	shalt  }
tec
execute0_lowered:
.L_overlay_start_1:
0x0: {  	(tag) =	ssettag $0x1  }
0x1: {  	s0 =	rddreg [dreg:$0x0]  }
0x2: {  	s1 =	rddreg [dreg:$0x1];
	s2 =	simm.s32 $0x0  }
0x3: {  	s6 =	srdreg.scid;
	s21 =	stileid.u32;
	s18 =	simm.s32 $0x5  }
0x4: {  	s19 =	simm.s32 $0x18800;
	s20 =	simm.s32 $0x200;
	s28 =	simm.s32 $0x2  }
0x5: {  	s29 =	simm.s32 $0x1AE00;
	s30 =	simm.s32 $0x4;
	s31 =	simm.s32 $0x0  }
0x6: {  	[smem:$0x7FF] =	sst s2;
	s4 =	sadd.s32 $0x18D400, s0;
	s3 =	sadd.s32 $0x5400, s0  }
0x7: {  	s5 =	sadd.s32 $0x67400, s0;
	s7 =	sand.u32 $0x1, s6;
	s9 =	smul.u32 $0x18800, s21  }
0x8: {  	s22 =	sadd.s32 $0x98400, s0;
	s11 =	sshll.u32 s21, $0x1;
	s12 =	smul.u32 $0xC4, s21  }
0x9: {  	s26 =	smul.u32 $0x6200, s21;
	_ =	strace $0x80000047;
	[dreg:$0x3] =	wrdreg s5  }
0xa: {  	s14 =	sshll.u32 s21, $0x6;
	s21 =	simm.s32 $0x18C00;
	[dreg:$0x4] =	wrdreg s22  }
0xb: {  	s8 =	ssub.s32 $0x2, s7;
	s23 =	sor.u32 s7, s11;
	s24 =	smul.u32 $0x62, s7  }
0xc: {  	p0 =	seq.s32 s7, $0x1;
	s22 =	simm.s32 $0x1AC00;
	s10 =	sshrl.u32 s8, $0x1  }
0xd: {  	s7 =	sshrl.u32 s9, $0x3;
	s17 =	sadd.s32 s9, s1;
	[dreg:$0x5] =	wrdreg s26  }
0xe: {  	s26 =	simm.s32 $0x3;
	s13 =	ssub.s32 s8, s10;
	s8 =	smul.u32 $0x3100, s23  }
.Ltmp0:
0xf: {  	s9 =	sadd.s32 s4, s7;
	s12 =	sadd.s32 s24, s12;
	(pc) =	sbr.rel .LBB2_1-.Ltmp0, $4  }
0x10: {  	s17 =	sshrl.u32 s17, $0x3;
	s23 =	simm.s32 $0x1B000;
	s24 =	simm.s32 $0x1  }
0x11: {  	s11 =	smax.u32 s13, $0x1;
	s25 =	sshll.u32 s12, $0x7;
	s13 =	sor.u32 $0x1C05, s14  }
0x12: {  	s14 =	sadd.s32 $0x8480, s0;
	s10 =	sadd.s32 s3, s8;
	s3 =	sadd.s32 s25, s3  }
0x13: {  	s25 =	simm.s32 $0x18A00;
	s15 =	sadd.s32 $0x100, s3;
	s16 =	sadd.s32 $0x80, s3  }
.LBB2_7:
0x14: {  	s3 =	sadd.s32 s0, s16;
	[sflag:s30] =	ssyncadd.s32 $0xFFFFE000  }
0x15: {  	[tilespmem:s22], [sflag:$0x5] =	stream.linear.gather [hbm4b:s3+s2], $0x400, $0x38;
	[tilespmem:$0x1D000] =	vst v63  }
0x16: {  	_ =	swait.ge [sflag:s18], $0x400  }
0x17: {  	[sflag:s18] =	ssyncset.done $0x0  }
0x18: {  	[sflag:s18] =	ssyncadd.s32 $0xFFFFFC00  }
0x19: {  	[tilespmem:s23], [sflag:$0x2] =	stream.indirect.gather [hbm4b:s4+s20], $0x10, s22, s20, $0xb8;
	[tilespmem:$0x1D000] =	vst v63  }
0x1a: {  	_ =	swait.ge [sflag:s24], $0x2000  }
0x1b: {  	[sflag:s24] =	ssyncset.done $0x0  }
0x1c: {  	[sflag:s24] =	ssyncadd.s32 $0xFFFFE000  }
0x1d: {  	[spmem:s1] =	stream.indirect.scatter.add.f32 [tilespmem:s21], [sflag:$0x3], $0x10, s25, s20, $0xb8;
	[tilespmem:$0x1D000] =	vst v63  }
0x1e: {  	_ =	swait.ge [sflag:s26], $0x2000  }
0x1f: {  	[sflag:s26] =	ssyncset.done $0x0  }
0x20: {  	s12 =	sadd.s32 s0, s15;
	[sflag:s26] =	ssyncadd.s32 $0xFFFFE000  }
0x21: {  	[tilespmem:s19], [sflag:$0x5] =	stream.linear.gather [hbm4b:s12+s2], $0x400, $0x38;
	[tilespmem:$0x1D000] =	vst v63  }
0x22: {  	_ =	swait.ge [sflag:s18], $0x400  }
0x23: {  	[sflag:s18] =	ssyncset.done $0x0  }
0x24: {  	[sflag:s18] =	ssyncadd.s32 $0xFFFFFC00  }
0x25: {  	[tilespmem:s21], [sflag:$0x1] =	stream.indirect.gather [hbm4b:s4+s20], $0x10, s19, s20, $0xb8;
	[tilespmem:$0x1D000] =	vst v63  }
0x26: {  	_ =	swait.ge [sflag:s28], $0x2000  }
0x27: {  	[sflag:s28] =	ssyncset.done $0x0  }
0x28: {  	[sflag:s28] =	ssyncadd.s32 $0xFFFFE000  }
0x29: {  	[spmem:s1] =	stream.indirect.scatter.add.f32 [tilespmem:s23], [sflag:$0x4], $0x10, s29, s20, $0xb8;
	[tilespmem:$0x1D000] =	vst v63  }
0x2a: {  	_ =	swait.ge [sflag:s30], $0x2000  }
0x2b: {  	[sflag:s30] =	ssyncset.done $0x0  }
0x2c: {  	s3 =	smov.u32 s8;
	s0 =	rddreg [dreg:$0x4];
	[sflag:s30] =	ssyncadd.s32 $0xFFFFE000  }
.LBB2_8:
0x2d: {  	s3 =	sadd.s32 s14, s3  }
0x2e: {  	[tilespmem:s22], [sflag:$0x5] =	stream.linear.gather [hbm4b:s3+s2], $0x400, $0x38;
	[tilespmem:$0x1D000] =	vst v63  }
0x2f: {  	_ =	swait.ge [sflag:s18], $0x400  }
0x30: {  	[sflag:s18] =	ssyncset.done $0x0  }
0x31: {  	[sflag:s18] =	ssyncadd.s32 $0xFFFFFC00  }
0x32: {  	[tilespmem:s23], [sflag:$0x2] =	stream.indirect.gather [hbm4b:s4+s20], $0x10, s22, s20, $0xb8;
	[tilespmem:$0x1D000] =	vst v63  }
0x33: {  	_ =	swait.ge [sflag:s24], $0x2000  }
0x34: {  	[sflag:s24] =	ssyncset.done $0x0  }
0x35: {  	[sflag:s24] =	ssyncadd.s32 $0xFFFFE000  }
0x36: {  	[spmem:s1] =	stream.indirect.scatter.add.f32 [tilespmem:s21], [sflag:$0x3], $0x10, s25, s20, $0xb8;
	[tilespmem:$0x1D000] =	vst v63  }
0x37: {  	_ =	swait.ge [sflag:s26], $0x2000  }
0x38: {  	[sflag:s26] =	ssyncset.done $0x0  }
0x39: {  	[sflag:s26] =	ssyncadd.s32 $0xFFFFE000  }
0x3a: {  	_ =	swait.ge [sflag:s28], $0x2000  }
0x3b: {  	[sflag:s28] =	ssyncset.done $0x0  }
0x3c: {  	[sflag:s28] =	ssyncadd.s32 $0xFFFFE000  }
0x3d: {  	[spmem:s1] =	stream.indirect.scatter.add.f32 [tilespmem:s23], [sflag:$0x4], $0x10, s29, s20, $0xb8;
	[tilespmem:$0x1D000] =	vst v63  }
0x3e: {  	_ =	swait.ge [sflag:s30], $0x2000  }
0x3f: {  	s31 =	sadd.s32 $0x1, s31;
	[sflag:s30] =	ssyncset.done $0x0  }
0x40: {  	p1 =	sne.s32 s31, s11;
	[sflag:s30] =	ssyncadd.s32 $0xFFFFE000  }
.Ltmp1:
0x41: {  	s0 =	sadd.s32 s0, s7;
	[bflag:$0x0] =	sbarrier.arrive $0xFFFF;
	(pc) =	sbr.rel @!p1 .LBB2_9-.Ltmp1, $4  }
0x42: {  	[hbm:s0], [sflag:s13] =	dma.local [spmem:s17], $0x3100  }
0x43: {  	_ =	swait.ge [sflag:s18], $0x3100  }
0x44: {  	[sflag:s18] =	ssyncset.done $0x0  }
0x45: {  	[sflag:s18] =	ssyncadd.s32 $0xFFFFCF00  }
.LBB2_1:
0x46: {  	[spmem:s17], [sflag:s13] =	dma.local [hbm:s9], $0x3100  }
0x47: {  	_ =	swait.ge [sflag:s18], $0x3100  }
0x48: {  	[sflag:s18] =	ssyncset.done $0x0  }
0x49: {  	[sflag:s18] =	ssyncadd.s32 $0xFFFFCF00  }
0x4a: {  	[bflag:$0x0] =	sbarrier.arrive $0xFFFF  }
0x4b: {  	[tilespmem:s19], [sflag:$0x5] =	stream.linear.gather [hbm4b:s10+s2], $0x400, $0x38;
	[tilespmem:$0x1D000] =	vst v63  }
.Ltmp2:
0x4c: {  	_ = 	snop;
	(pc) =	sbr.rel @!p0 .LBB2_2-.Ltmp2, $4  }
0x4d: {  	_ =	swait.ge [sflag:s18], $0x400  }
0x4e: {  	[sflag:s18] =	ssyncset.done $0x0  }
0x4f: {  	s0 =	sadd.s32 $0x0, s16;
	[sflag:s18] =	ssyncadd.s32 $0xFFFFFC00  }
0x50: {  	[tilespmem:s21], [sflag:$0x1] =	stream.indirect.gather [hbm4b:s4+s20], $0x10, s19, s20, $0xb8;
	[tilespmem:$0x1D000] =	vst v63  }
0x51: {  	[tilespmem:s22], [sflag:$0x5] =	stream.linear.gather [hbm4b:s0+s2], $0x400, $0x38;
	[tilespmem:$0x1D000] =	vst v63  }
0x52: {  	_ =	swait.ge [sflag:s18], $0x400  }
0x53: {  	[sflag:s18] =	ssyncset.done $0x0  }
0x54: {  	[sflag:s18] =	ssyncadd.s32 $0xFFFFFC00  }
0x55: {  	[tilespmem:s23], [sflag:$0x2] =	stream.indirect.gather [hbm4b:s4+s20], $0x10, s22, s20, $0xb8;
	[tilespmem:$0x1D000] =	vst v63  }
0x56: {  	_ =	swait.ge [sflag:s24], $0x2000  }
0x57: {  	[sflag:s24] =	ssyncset.done $0x0  }
0x58: {  	[sflag:s24] =	ssyncadd.s32 $0xFFFFE000  }
0x59: {  	[spmem:s1] =	stream.indirect.scatter.add.f32 [tilespmem:s21], [sflag:$0x3], $0x10, s25, s20, $0xb8;
	[tilespmem:$0x1D000] =	vst v63  }
0x5a: {  	_ =	swait.ge [sflag:s26], $0x2000  }
0x5b: {  	[sflag:s26] =	ssyncset.done $0x0  }
0x5c: {  	s12 =	sadd.s32 $0x0, s15;
	[sflag:s26] =	ssyncadd.s32 $0xFFFFE000  }
0x5d: {  	[tilespmem:s19], [sflag:$0x5] =	stream.linear.gather [hbm4b:s12+s2], $0x400, $0x38;
	[tilespmem:$0x1D000] =	vst v63  }
0x5e: {  	_ =	swait.ge [sflag:s18], $0x400  }
0x5f: {  	[sflag:s18] =	ssyncset.done $0x0  }
0x60: {  	[sflag:s18] =	ssyncadd.s32 $0xFFFFFC00  }
0x61: {  	[tilespmem:s21], [sflag:$0x1] =	stream.indirect.gather [hbm4b:s4+s20], $0x10, s19, s20, $0xb8;
	[tilespmem:$0x1D000] =	vst v63  }
0x62: {  	_ =	swait.ge [sflag:s28], $0x2000  }
0x63: {  	[sflag:s28] =	ssyncset.done $0x0  }
0x64: {  	[sflag:s28] =	ssyncadd.s32 $0xFFFFE000  }
0x65: {  	[spmem:s1] =	stream.indirect.scatter.add.f32 [tilespmem:s23], [sflag:$0x4], $0x10, s29, s20, $0xb8;
	[tilespmem:$0x1D000] =	vst v63  }
0x66: {  	_ =	swait.ge [sflag:s30], $0x2000  }
0x67: {  	s0 =	simm.s32 $0x100;
	s3 =	simm.s32 $0x200;
	[sflag:s30] =	ssyncset.done $0x0  }
.LBB2_6:
0x68: {  	s5 =	sadd.s32 s0, s16  }
0x69: {  	[sflag:s30] =	ssyncadd.s32 $0xFFFFE000;
	s6 =	smov.u32 s3;
	s12 =	sadd.s32 $0x100, s3  }
0x6a: {  	[tilespmem:s22], [sflag:$0x5] =	stream.linear.gather [hbm4b:s5+s2], $0x400, $0x38;
	[tilespmem:$0x1D000] =	vst v63  }
0x6b: {  	p1 =	sne.s32 s3, $0x2F00;
	_ =	swait.ge [sflag:s18], $0x400  }
0x6c: {  	[sflag:s18] =	ssyncset.done $0x0  }
0x6d: {  	[sflag:s18] =	ssyncadd.s32 $0xFFFFFC00  }
0x6e: {  	[tilespmem:s23], [sflag:$0x2] =	stream.indirect.gather [hbm4b:s4+s20], $0x10, s22, s20, $0xb8;
	[tilespmem:$0x1D000] =	vst v63  }
0x6f: {  	_ =	swait.ge [sflag:s24], $0x2000  }
0x70: {  	[sflag:s24] =	ssyncset.done $0x0  }
0x71: {  	[sflag:s24] =	ssyncadd.s32 $0xFFFFE000  }
0x72: {  	[spmem:s1] =	stream.indirect.scatter.add.f32 [tilespmem:s21], [sflag:$0x3], $0x10, s25, s20, $0xb8;
	[tilespmem:$0x1D000] =	vst v63  }
0x73: {  	_ =	swait.ge [sflag:s26], $0x2000  }
0x74: {  	[sflag:s26] =	ssyncset.done $0x0  }
0x75: {  	s3 =	sadd.s32 s0, s15;
	s0 =	smov.u32 s6;
	[sflag:s26] =	ssyncadd.s32 $0xFFFFE000  }
0x76: {  	[tilespmem:s19], [sflag:$0x5] =	stream.linear.gather [hbm4b:s3+s2], $0x400, $0x38;
	[tilespmem:$0x1D000] =	vst v63  }
0x77: {  	_ =	swait.ge [sflag:s18], $0x400  }
0x78: {  	[sflag:s18] =	ssyncset.done $0x0  }
0x79: {  	[sflag:s18] =	ssyncadd.s32 $0xFFFFFC00  }
0x7a: {  	[tilespmem:s21], [sflag:$0x1] =	stream.indirect.gather [hbm4b:s4+s20], $0x10, s19, s20, $0xb8;
	[tilespmem:$0x1D000] =	vst v63  }
0x7b: {  	_ =	swait.ge [sflag:s28], $0x2000  }
.Ltmp3:
0x7c: {  	[sflag:s28] =	ssyncset.done $0x0;
	(pc) =	sbr.rel @p1 .LBB2_6-.Ltmp3, $4  }
0x7d: {  	[sflag:s28] =	ssyncadd.s32 $0xFFFFE000  }
0x7e: {  	[spmem:s1] =	stream.indirect.scatter.add.f32 [tilespmem:s23], [sflag:$0x4], $0x10, s29, s20, $0xb8;
	[tilespmem:$0x1D000] =	vst v63  }
0x7f: {  	_ =	swait.ge [sflag:s30], $0x2000  }
0x80: {  	s3 =	smov.u32 s12;
	[sflag:s30] =	ssyncset.done $0x0  }
.Ltmp4:
0x81: {  	_ = 	snop;
	(pc) =	sbr.rel .LBB2_7-.Ltmp4, $1  }
0x82: {  	_ =	sdelay $0x3  }
.LBB2_2:
0x83: {  	[tilespmem:s22], [sflag:$0x5] =	stream.linear.gather [hbm4b:s0+s2], $0x400, $0x38;
	[tilespmem:$0x1D000] =	vst v63  }
0x84: {  	_ =	swait.ge [sflag:s18], $0x400  }
0x85: {  	[sflag:s18] =	ssyncset.done $0x0  }
0x86: {  	[sflag:s18] =	ssyncadd.s32 $0xFFFFFC00  }
0x87: {  	[tilespmem:s23], [sflag:$0x2] =	stream.indirect.gather [hbm4b:s4+s20], $0x10, s22, s20, $0xb8;
	[tilespmem:$0x1D000] =	vst v63  }
0x88: {  	_ =	swait.ge [sflag:s24], $0x2000  }
0x89: {  	[sflag:s24] =	ssyncset.done $0x0  }
0x8a: {  	[sflag:s24] =	ssyncadd.s32 $0xFFFFE000  }
0x8b: {  	[spmem:s1] =	stream.indirect.scatter.add.f32 [tilespmem:s21], [sflag:$0x3], $0x10, s25, s20, $0xb8;
	[tilespmem:$0x1D000] =	vst v63  }
0x8c: {  	_ =	swait.ge [sflag:s26], $0x2000  }
0x8d: {  	[sflag:s26] =	ssyncset.done $0x0  }
0x8e: {  	s12 =	sadd.s32 $0x0, s15;
	[sflag:s26] =	ssyncadd.s32 $0xFFFFE000  }
0x8f: {  	[tilespmem:s19], [sflag:$0x5] =	stream.linear.gather [hbm4b:s12+s2], $0x400, $0x38;
	[tilespmem:$0x1D000] =	vst v63  }
0x90: {  	_ =	swait.ge [sflag:s18], $0x400  }
0x91: {  	[sflag:s18] =	ssyncset.done $0x0  }
0x92: {  	[sflag:s18] =	ssyncadd.s32 $0xFFFFFC00  }
0x93: {  	[tilespmem:s21], [sflag:$0x1] =	stream.indirect.gather [hbm4b:s4+s20], $0x10, s19, s20, $0xb8;
	[tilespmem:$0x1D000] =	vst v63  }
0x94: {  	_ =	swait.ge [sflag:s28], $0x2000  }
0x95: {  	[sflag:s28] =	ssyncset.done $0x0  }
0x96: {  	[sflag:s28] =	ssyncadd.s32 $0xFFFFE000  }
0x97: {  	[spmem:s1] =	stream.indirect.scatter.add.f32 [tilespmem:s23], [sflag:$0x4], $0x10, s29, s20, $0xb8;
	[tilespmem:$0x1D000] =	vst v63  }
0x98: {  	_ =	swait.ge [sflag:s30], $0x2000  }
0x99: {  	s0 =	simm.s32 $0x100;
	s3 =	simm.s32 $0x200;
	[sflag:s30] =	ssyncset.done $0x0  }
.LBB2_3:
0x9a: {  	s5 =	sadd.s32 s0, s16  }
0x9b: {  	[sflag:s30] =	ssyncadd.s32 $0xFFFFE000;
	s6 =	smov.u32 s3;
	s12 =	sadd.s32 $0x100, s3  }
0x9c: {  	[tilespmem:s22], [sflag:$0x5] =	stream.linear.gather [hbm4b:s5+s2], $0x400, $0x38;
	[tilespmem:$0x1D000] =	vst v63  }
0x9d: {  	p1 =	seq.s32 s3, $0x2F00;
	_ =	swait.ge [sflag:s18], $0x400  }
0x9e: {  	[sflag:s18] =	ssyncset.done $0x0  }
0x9f: {  	[sflag:s18] =	ssyncadd.s32 $0xFFFFFC00  }
0xa0: {  	[tilespmem:s23], [sflag:$0x2] =	stream.indirect.gather [hbm4b:s4+s20], $0x10, s22, s20, $0xb8;
	[tilespmem:$0x1D000] =	vst v63  }
0xa1: {  	_ =	swait.ge [sflag:s24], $0x2000  }
0xa2: {  	[sflag:s24] =	ssyncset.done $0x0  }
0xa3: {  	[sflag:s24] =	ssyncadd.s32 $0xFFFFE000  }
0xa4: {  	[spmem:s1] =	stream.indirect.scatter.add.f32 [tilespmem:s21], [sflag:$0x3], $0x10, s25, s20, $0xb8;
	[tilespmem:$0x1D000] =	vst v63  }
0xa5: {  	_ =	swait.ge [sflag:s26], $0x2000  }
0xa6: {  	[sflag:s26] =	ssyncset.done $0x0  }
0xa7: {  	s3 =	sadd.s32 s0, s15;
	s0 =	smov.u32 s6;
	[sflag:s26] =	ssyncadd.s32 $0xFFFFE000  }
0xa8: {  	[tilespmem:s19], [sflag:$0x5] =	stream.linear.gather [hbm4b:s3+s2], $0x400, $0x38;
	[tilespmem:$0x1D000] =	vst v63  }
0xa9: {  	_ =	swait.ge [sflag:s18], $0x400  }
0xaa: {  	[sflag:s18] =	ssyncset.done $0x0  }
0xab: {  	[sflag:s18] =	ssyncadd.s32 $0xFFFFFC00  }
0xac: {  	[tilespmem:s21], [sflag:$0x1] =	stream.indirect.gather [hbm4b:s4+s20], $0x10, s19, s20, $0xb8;
	[tilespmem:$0x1D000] =	vst v63  }
0xad: {  	_ =	swait.ge [sflag:s28], $0x2000  }
.Ltmp5:
0xae: {  	[sflag:s28] =	ssyncset.done $0x0;
	(pc) =	sbr.rel @!p1 .LBB2_3-.Ltmp5, $4  }
0xaf: {  	[sflag:s28] =	ssyncadd.s32 $0xFFFFE000  }
0xb0: {  	[spmem:s1] =	stream.indirect.scatter.add.f32 [tilespmem:s23], [sflag:$0x4], $0x10, s29, s20, $0xb8;
	[tilespmem:$0x1D000] =	vst v63  }
0xb1: {  	_ =	swait.ge [sflag:s30], $0x2000  }
0xb2: {  	s3 =	smov.u32 s12;
	[sflag:s30] =	ssyncset.done $0x0  }
0xb3: {  	s3 =	sadd.s32 s0, s16;
	[sflag:s30] =	ssyncadd.s32 $0xFFFFE000  }
0xb4: {  	[tilespmem:s22], [sflag:$0x5] =	stream.linear.gather [hbm4b:s3+s2], $0x400, $0x38;
	[tilespmem:$0x1D000] =	vst v63  }
0xb5: {  	_ =	swait.ge [sflag:s18], $0x400  }
0xb6: {  	[sflag:s18] =	ssyncset.done $0x0  }
0xb7: {  	[sflag:s18] =	ssyncadd.s32 $0xFFFFFC00  }
0xb8: {  	[tilespmem:s23], [sflag:$0x2] =	stream.indirect.gather [hbm4b:s4+s20], $0x10, s22, s20, $0xb8;
	[tilespmem:$0x1D000] =	vst v63  }
0xb9: {  	_ =	swait.ge [sflag:s24], $0x2000  }
0xba: {  	[sflag:s24] =	ssyncset.done $0x0  }
0xbb: {  	[sflag:s24] =	ssyncadd.s32 $0xFFFFE000  }
0xbc: {  	[spmem:s1] =	stream.indirect.scatter.add.f32 [tilespmem:s21], [sflag:$0x3], $0x10, s25, s20, $0xb8;
	[tilespmem:$0x1D000] =	vst v63  }
0xbd: {  	_ =	swait.ge [sflag:s26], $0x2000  }
0xbe: {  	[sflag:s26] =	ssyncset.done $0x0  }
0xbf: {  	s12 =	sadd.s32 s0, s15;
	[sflag:s26] =	ssyncadd.s32 $0xFFFFE000  }
0xc0: {  	[tilespmem:s19], [sflag:$0x5] =	stream.linear.gather [hbm4b:s12+s2], $0x400, $0x38;
	[tilespmem:$0x1D000] =	vst v63  }
0xc1: {  	_ =	swait.ge [sflag:s18], $0x400  }
0xc2: {  	[sflag:s18] =	ssyncset.done $0x0  }
0xc3: {  	[sflag:s18] =	ssyncadd.s32 $0xFFFFFC00  }
0xc4: {  	[tilespmem:s21], [sflag:$0x1] =	stream.indirect.gather [hbm4b:s4+s20], $0x10, s19, s20, $0xb8;
	[tilespmem:$0x1D000] =	vst v63  }
0xc5: {  	_ =	swait.ge [sflag:s28], $0x2000  }
0xc6: {  	[sflag:s28] =	ssyncset.done $0x0  }
.Ltmp6:
0xc7: {  	[sflag:s28] =	ssyncadd.s32 $0xFFFFE000;
	(pc) =	sbr.rel .LBB2_8-.Ltmp6, $4  }
0xc8: {  	[spmem:s1] =	stream.indirect.scatter.add.f32 [tilespmem:s23], [sflag:$0x4], $0x10, s29, s20, $0xb8;
	[tilespmem:$0x1D000] =	vst v63  }
0xc9: {  	_ =	swait.ge [sflag:s30], $0x2000  }
0xca: {  	[sflag:s30] =	ssyncset.done $0x0;
	s3 =	rddreg [dreg:$0x5]  }
0xcb: {  	s0 =	rddreg [dreg:$0x3];
	[sflag:s30] =	ssyncadd.s32 $0xFFFFE000  }
.LBB2_9:
0xcc: {  	_ =	sfence.sel $0x180000  }
0xcd: {  	[bflag:$0x0] =	sbarrier.arrive $0xFFFF  }
0xce: {  	_ =	strace $0x90000047  }
0xcf: {  	s0 =	stileid.u32;
	[bflag:$0x2] =	sbarrier.arrive $0xFFFF  }
0xd0: {  	p0 =	sne.s32 s0, $0x0;
	s0 =	rddreg [dreg:$0x2]  }
0xd1: {  	s0 =	sadd.s32 @!p0 $0x100000, s0  }
0xd2: {  	[sflag:s0] =	ssyncadd.tile.s32 @!p0 $0x1;
	_ =	shalt  }
.Lfunc_end2:
_tile_overlayer_lowered:
.L_overlay_start_2:
0xd3: {  	(tag) =	ssettag $0x2  }
0xd4: {  	s0 =	rddreg [dreg:$0x0];
	s2 =	stileid.u32  }
0xd5: {  	s1 =	rddreg [dreg:$0x1];
	p0 =	sne.s32 s2, $0x0  }
0xd6: {  	s3 =	rddreg [dreg:$0x2];
	[bflag:$0x3] =	sbarrier.arrive $0xFFFF;
	s2 =	simm.s32 @!p0 $0x1C05  }
0xd7: {  	[timem:s3], [sflag:s2] =	dma.local @!p0 [hbm:s0], s1  }
0xd8: {  	s0 =	simm.s32 @!p0 $0x5  }
0xd9: {  	_ =	swait.ge @!p0 [sflag:s0], s1  }
0xda: {  	s1 =	ssub.s32 @!p0 $0x0, s1;
	[sflag:s0] =	ssyncset.done @!p0 $0x0  }
0xdb: {  	[sflag:s0] =	ssyncadd.s32 @!p0 s1  }
0xdc: {  	[bflag:$0x3] =	sbarrier.arrive $0xFFFF  }
0xdd: {  	_ =	shalt  }

// kernel: kernel.16.cloned.1.call-start
scs
__scs_entry_jumppad:
0x0: {  	(pc) =	sbr.rel $0x88, $3  }
0x1: {  	(tag) =	ssettag $0x0;
	lr =	simm.s32 $0x1  }
0x2: {  	[smem:$0x3F98] =	sst lr;
	_ =	strace $0xD0000000  }
0x3: {  	_ = 	snop  }
0x4: {  	_ = 	snop  }
0x5: {  	_ = 	snop  }
0x6: {  	_ = 	snop  }
0x7: {  	_ = 	snop  }
__scs_overlays_trampoline_lowered:
0x8: {  	[smem:$0x3FA7] =	sst s0  }
0x9: {  	[smem:$0x3FA8] =	sst s1  }
0xa: {  	[smem:$0x3FA9] =	sst s2  }
0xb: {  	[smem:$0x3FAA] =	sst s3  }
0xc: {  	[smem:$0x3FAB] =	sst s4  }
0xd: {  	[smem:$0x3FAC] =	sst s5  }
0xe: {  	[smem:$0x3FAD] =	sst s6  }
0xf: {  	[smem:$0x3FAE] =	sst s7  }
0x10: {  	[smem:$0x3FAF] =	sst s8  }
0x11: {  	[smem:$0x3FB0] =	sst s9;
	s0 =	simm.s32 @!p0 $0x0  }
0x12: {  	s1 =	sld [smem:$0x3F96];
	s0 =	simm.s32 @p0 $0x1  }
0x13: {  	[smem:$0x3FB1] =	sst s0;
	s0 =	simm.s32 @!p1 $0x0  }
0x14: {  	s2 =	sld [smem:$0x3F95];
	s0 =	simm.s32 @p1 $0x1  }
0x15: {  	[smem:$0x3FB2] =	sst s0;
	s0 =	simm.s32 @!p2 $0x0  }
0x16: {  	s3 =	sld [smem:$0x3FDB];
	s0 =	simm.s32 @p2 $0x1  }
0x17: {  	s4 =	simm.s32 $0x1BF5;
	[smem:$0x3FB4] =	sst s0  }
0x18: {  	s0 =	sld [smem:$0x3F97];
	_ =	swait.ge [sflag:s4], $0x0  }
0x19: {  	s7 =	sld [smem:$0x3F98]  }
0x1a: {  	s8 =	sadd.s32 $0xFFFFE003, lr  }
0x1b: {  	s9 =	sadd.s32 $0xFFFFFEF7, lr;
	s5 =	simm.s32 $0xFFFFFFFF;
	p2 =	slt.u32 s8, $0xFFFFF086  }
0x1c: {  	p1 =	slt.u32 s9, $0xF7A;
	s5 =	simm.s32 @!p2 $0x0  }
0x1d: {  	s5 =	simm.s32 @p1 $0x1;
	p0 =	seq.s32 s7, s2  }
0x1e: {  	s7 =	smul.u32 @!p0 $0xF7A, s2;
	p2 =	seq.s32 @!p0 s5, $0x0  }
0x1f: {  	s9 =	smul.u32 $0xF7A, s1;
	s8 =	simm.s32 @!p0 $0x1BF5;
	p2 =	por !p2, p0  }
0x20: {  	[sflag:s8] =	ssyncset.s32 @!p0 $0xFFFFF086;
	s6 =	sadd.s32 @!p0 s3, s7;
	s7 =	simm.s32 @!p0 $0x108  }
0x21: {  	s3 =	sadd.s32 s3, s9;
	s6 =	sadd.s32 @!p0 $0x88, s6;
	s7 =	simm.s32 @p2 $0x1082  }
0x22: {  	[simem:s7], [sflag:s8] =	dma.local @!p0 [hbm:s6], $0xF7A  }
0x23: {  	s9 =	sor.u32 $0xD0000000, s2;
	s6 =	simm.s32 $0x108;
	_ =	swait.ge @!p0 [sflag:s8], $0x0  }
0x24: {  	s3 =	sadd.s32 $0x88, s3;
	s6 =	simm.s32 @!p1 $0x1082;
	[sflag:s4] =	ssyncset.s32 $0xFFFFF086  }
0x25: {  	[simem:s6], [sflag:s4] =	dma.local [hbm:s3], $0xF7A  }
0x26: {  	[smem:$0x3F98] =	sst s1;
	(tag) =	ssettag s2;
	_ =	strace s9  }
0x27: {  	s1 =	sld [smem:$0x3FA8]  }
0x28: {  	s2 =	sld [smem:$0x3FA9]  }
0x29: {  	s4 =	sld [smem:$0x3FAB]  }
0x2a: {  	p0 =	seq.s32 s5, $0x0;
	s5 =	sld [smem:$0x3FAC]  }
0x2b: {  	s6 =	sld [smem:$0x3FAD]  }
0x2c: {  	s7 =	sld [smem:$0x3FAE]  }
0x2d: {  	s3 =	simm.s32 $0x108;
	s8 =	sld [smem:$0x3FAF]  }
0x2e: {  	s3 =	simm.s32 @!p0 $0x1082;
	s9 =	sld [smem:$0x3FB0]  }
0x2f: {  	lr =	sadd.s32 s0, s3;
	s0 =	sld [smem:$0x3FA7]  }
0x30: {  	s3 =	sld [smem:$0x3FAA]  }
0x31: {  	[smem:$0x3FB3] =	sst s10  }
0x32: {  	s10 =	sld [smem:$0x3FB1];
	_ =	sdelay $0x3  }
0x33: {  	p0 =	seq.s32 s10, $0x1;
	s10 =	sld [smem:$0x3FB3];
	_ =	sdelay $0x3  }
0x34: {  	[smem:$0x3FB3] =	sst s10  }
0x35: {  	s10 =	sld [smem:$0x3FB2];
	_ =	sdelay $0x3  }
0x36: {  	p1 =	seq.s32 s10, $0x1;
	s10 =	sld [smem:$0x3FB3];
	_ =	sdelay $0x3  }
0x37: {  	[smem:$0x3FB3] =	sst s10  }
0x38: {  	s10 =	sld [smem:$0x3FB4]  }
0x39: {  	_ = 	snop;
	(pc) =	sbr.ind lr, $3  }
0x3a: {  	_ = 	snop  }
0x3b: {  	_ = 	snop  }
0x3c: {  	p2 =	seq.s32 s10, $0x1;
	s10 =	sld [smem:$0x3FB3]  }
0x3d: {  	_ =	shalt  }
0x3e: {  	_ =	shalt  }
0x3f: {  	_ =	shalt  }
0x40: {  	_ =	shalt  }
0x41: {  	_ =	shalt  }
0x42: {  	_ =	shalt  }
0x43: {  	_ =	shalt  }
0x44: {  	_ =	shalt  }
0x45: {  	_ =	shalt  }
0x46: {  	_ =	shalt  }
0x47: {  	_ =	shalt  }
0x48: {  	_ =	shalt  }
0x49: {  	_ =	shalt  }
0x4a: {  	_ =	shalt  }
0x4b: {  	_ =	shalt  }
0x4c: {  	_ =	shalt  }
0x4d: {  	_ =	shalt  }
0x4e: {  	_ =	shalt  }
0x4f: {  	_ =	shalt  }
0x50: {  	_ =	shalt  }
0x51: {  	_ =	shalt  }
0x52: {  	_ =	shalt  }
0x53: {  	_ =	shalt  }
0x54: {  	_ =	shalt  }
0x55: {  	_ =	shalt  }
0x56: {  	_ =	shalt  }
0x57: {  	_ =	shalt  }
0x58: {  	_ =	shalt  }
0x59: {  	_ =	shalt  }
0x5a: {  	_ =	shalt  }
0x5b: {  	_ =	shalt  }
0x5c: {  	_ =	shalt  }
0x5d: {  	_ =	shalt  }
0x5e: {  	_ =	shalt  }
0x5f: {  	_ =	shalt  }
0x60: {  	_ =	shalt  }
0x61: {  	_ =	shalt  }
0x62: {  	_ =	shalt  }
0x63: {  	_ =	shalt  }
0x64: {  	_ =	shalt  }
0x65: {  	_ =	shalt  }
0x66: {  	_ =	shalt  }
0x67: {  	_ =	shalt  }
0x68: {  	_ =	shalt  }
0x69: {  	_ =	shalt  }
0x6a: {  	_ =	shalt  }
0x6b: {  	_ =	shalt  }
0x6c: {  	_ =	shalt  }
0x6d: {  	_ =	shalt  }
0x6e: {  	_ =	shalt  }
0x6f: {  	_ =	shalt  }
0x70: {  	_ =	shalt  }
0x71: {  	_ =	shalt  }
0x72: {  	_ =	shalt  }
0x73: {  	_ =	shalt  }
0x74: {  	_ =	shalt  }
0x75: {  	_ =	shalt  }
0x76: {  	_ =	shalt  }
0x77: {  	_ =	shalt  }
0x78: {  	_ =	shalt  }
0x79: {  	_ =	shalt  }
0x7a: {  	_ =	shalt  }
0x7b: {  	_ =	shalt  }
0x7c: {  	_ =	shalt  }
0x7d: {  	_ =	shalt  }
0x7e: {  	_ =	shalt  }
0x7f: {  	_ =	shalt  }
0x80: {  	_ =	shalt  }
0x81: {  	_ =	shalt  }
0x82: {  	_ =	shalt  }
0x83: {  	_ =	shalt  }
0x84: {  	_ =	shalt  }
0x85: {  	_ =	shalt  }
0x86: {  	_ =	shalt  }
0x87: {  	_ =	shalt  }
.Lfunc_end0:
.L_simem_size_0:
called_computation.1_lowered:
.L_overlay_start_0:
0x88: {  	s2 =	sld [smem:$0x3FD9]  }
0x89: {  	s3 =	sld [smem:$0x3FFE];
	_ =	sdelay $0x1  }
0x8a: {  	s1 =	srdreg.scid  }
0x8b: {  	s0 =	sand.u32 $0x1, s1  }
0x8c: {  	s16 =	sshll.u32 s0, $0xA;
	s2 =	sadd.s32 s3, s2  }
0x8d: {  	s2 =	sadd.s32 s2, s16  }
0x8e: {  	[smem:$0x3FBF] =	sst s2  }
0x8f: {  	_ = 	snop  }
0x90: {  	(tm) =	ssettm $0x1  }
0x91: {  	s17 =	sld [smem:$0x3FFB];
	_ =	sdelay $0x3  }
0x92: {  	_ =	strace s17  }
0x93: {  	s2 =	sld [smem:$0x3FFC];
	_ =	sdelay $0x3  }
0x94: {  	_ =	strace s2  }
0x95: {  	s2 =	sld [smem:$0x3FFD];
	_ =	sdelay $0x3  }
0x96: {  	_ =	strace s2  }
0x97: {  	_ =	strace $0x8FFFFFFF  }
0x98: {  	s18 =	sld [smem:$0x3FDB];
	_ =	sdelay $0x1  }
0x99: {  	s19 =	simm.s32 $_scs_section_size  }
0x9a: {  	s4 =	simm.s32 $_size__tile_overlayer_lowered;
	s5 =	simm.s32 $_tile_overlayer_lowered  }
0x9b: {  	s22 =	simm.s32 $0x1BFF;
	s21 =	sshll.u32 s5, $0x1;
	s2 =	sadd.s32 s19, s18  }
0x9c: {  	s6 =	simm.s32 $0x0;
	s20 =	sshll.u32 s4, $0x1;
	s4 =	sadd.s32 s21, s2  }
0x9d: {  	[timem:s6], [sflag:s22] =	dma.local [hbm:s4], s20  }
0x9e: {  	_ =	swait.ge [sflag:s22], s20  }
0x9f: {  	s3 =	ssub.s32 $0x0, s20;
	[sflag:s22] =	ssyncset.done $0x0  }
0xa0: {  	[sflag:s22] =	ssyncadd.s32 s3;
	_ =	sdelay $0x1  }
0xa1: {  	s23 =	simm.s32 $0x1B8B  }
0xa2: {  	_ =	swait.ge [sflag:s23], $0x1  }
0xa3: {  	[sflag:s23] =	ssyncset.done $0x0  }
0xa4: {  	s25 =	simm.s32 $0x1B8E;
	s24 =	sld [smem:$0x3FFE];
	[sflag:s23] =	ssyncadd.s32 $0xFFFFFFFF  }
0xa5: {  	s26 =	simm.s32 $execute0_lowered;
	[smem:$0x3FD2] =	sst s25  }
0xa6: {  	s4 =	sshll.u32 s26, $0x1;
	_ =	strace $0x80000049;
	[dreg:$0x1] =	wrdreg $0xFFFFFFFF  }
0xa7: {  	s28 =	simm.s32 $_size_execute0_lowered;
	s2 =	sadd.s32 s2, s4;
	[dreg:$0x0] =	wrdreg $0x0  }
0xa8: {  	s4 =	sshll.u32 s28, $0x1;
	[dreg:$0x2] =	wrdreg s2  }
0xa9: {  	[dreg:$0x3] =	wrdreg s4  }
0xaa: {  	[dreg:$0x4] =	wrdreg $0xC0  }
0xab: {  	_ =	task [dreg:s6], $0x5FFFF  }
0xac: {  	[dreg:$0x1] =	wrdreg $0xFFFFFFFF  }
0xad: {  	[dreg:$0x0] =	wrdreg $0x60  }
0xae: {  	[dreg:$0x2] =	wrdreg s24  }
0xaf: {  	[dreg:$0x3] =	wrdreg $0x0  }
0xb0: {  	[dreg:$0x4] =	wrdreg $0x9  }
0xb1: {  	_ =	task.clear_ibuf [dreg:s6], $0x5FFFF;
	_ =	strace $0x90000049  }
0xb2: {  	s29 =	simm.s32 $0x9;
	_ =	strace $0x8000004B  }
0xb3: {  	_ =	swait.ge [sflag:s29], $0x1  }
0xb4: {  	[sflag:s29] =	ssyncadd.s32 $0xFFFFFFFF  }
0xb5: {  	_ =	strace $0x9000004B  }
0xb6: {  	_ =	sfence  }
0xb7: {  	s30 =	sld [smem:$0x0];
	_ =	sdelay $0x2  }
0xb8: {  	s31 =	sshll.u32 s1, $0xD;
	s1 =	sshrl.u32 s1, $0x2  }
0xb9: {  	s3 =	sand.u32 $0x4000, s31;
	s1 =	sadd.s32 s1, s30  }
0xba: {  	s0 =	sor.u32 s3, s0;
	s1 =	sshll.u32 s1, $0x11  }
0xbb: {  	s0 =	sor.u32 s1, s0  }
0xbc: {  	s0 =	sadd.s32 $0x8F2B, s0  }
0xbd: {  	[sflag:s0] =	ssyncadd.remote.s32 $0x1  }
0xbe: {  	_ =	sfence.sel $0xFFFF  }
0xbf: {  	[dreg:$0x0] =	wrdreg $0xFFFFFFFF;
	(pc) =	sbr.abs _section_cstart, $3  }
0xc0: {  	[dreg:$0x1] =	wrdreg $0xFFFFFFFF  }
0xc1: {  	_ =	task.clear_ibuf [dreg:s6], $0x2FFFF;
	_ =	strace $0x9FFFFFFF  }
0xc2: {  	(tm) =	ssettm $0x7FFFFFFF  }
0xc3: {  	_ =	shalt  }
tec
execute0_lowered:
.L_overlay_start_1:
0x0: {  	(tag) =	ssettag $0x1  }
0x1: {  	s0 =	rddreg [dreg:$0x0]  }
0x2: {  	s1 =	rddreg [dreg:$0x1];
	s2 =	simm.s32 $0x0  }
0x3: {  	s6 =	srdreg.scid;
	s21 =	stileid.u32;
	s18 =	simm.s32 $0x5  }
0x4: {  	s19 =	simm.s32 $0x18800;
	s20 =	simm.s32 $0x200;
	s28 =	simm.s32 $0x2  }
0x5: {  	s29 =	simm.s32 $0x1AE00;
	s30 =	simm.s32 $0x4;
	s31 =	simm.s32 $0x0  }
0x6: {  	[smem:$0x7FF] =	sst s2;
	s4 =	sadd.s32 $0x67400, s0;
	s3 =	sadd.s32 $0x5400, s0  }
0x7: {  	s5 =	sadd.s32 $0x98400, s0;
	s7 =	sand.u32 $0x1, s6;
	s9 =	smul.u32 $0x18800, s21  }
0x8: {  	s22 =	sadd.s32 $0xC9400, s0;
	s11 =	sshll.u32 s21, $0x1;
	s12 =	smul.u32 $0xC4, s21  }
0x9: {  	s26 =	smul.u32 $0x6200, s21;
	_ =	strace $0x8000004A;
	[dreg:$0x3] =	wrdreg s5  }
0xa: {  	s14 =	sshll.u32 s21, $0x6;
	s21 =	simm.s32 $0x18C00;
	[dreg:$0x4] =	wrdreg s22  }
0xb: {  	s8 =	ssub.s32 $0x2, s7;
	s23 =	sor.u32 s7, s11;
	s24 =	smul.u32 $0x62, s7  }
0xc: {  	p0 =	seq.s32 s7, $0x1;
	s22 =	simm.s32 $0x1AC00;
	s10 =	sshrl.u32 s8, $0x1  }
0xd: {  	s7 =	sshrl.u32 s9, $0x3;
	s17 =	sadd.s32 s9, s1;
	[dreg:$0x5] =	wrdreg s26  }
0xe: {  	s26 =	simm.s32 $0x3;
	s13 =	ssub.s32 s8, s10;
	s8 =	smul.u32 $0x3100, s23  }
.Ltmp0:
0xf: {  	s9 =	sadd.s32 s4, s7;
	s12 =	sadd.s32 s24, s12;
	(pc) =	sbr.rel .LBB2_1-.Ltmp0, $4  }
0x10: {  	s17 =	sshrl.u32 s17, $0x3;
	s23 =	simm.s32 $0x1B000;
	s24 =	simm.s32 $0x1  }
0x11: {  	s11 =	smax.u32 s13, $0x1;
	s25 =	sshll.u32 s12, $0x7;
	s13 =	sor.u32 $0x1C05, s14  }
0x12: {  	s14 =	sadd.s32 $0x8480, s0;
	s10 =	sadd.s32 s3, s8;
	s3 =	sadd.s32 s25, s3  }
0x13: {  	s25 =	simm.s32 $0x18A00;
	s15 =	sadd.s32 $0x100, s3;
	s16 =	sadd.s32 $0x80, s3  }
.LBB2_7:
0x14: {  	s3 =	sadd.s32 s0, s16;
	[sflag:s30] =	ssyncadd.s32 $0xFFFFE000  }
0x15: {  	[tilespmem:s22], [sflag:$0x5] =	stream.linear.gather [hbm4b:s3+s2], $0x400, $0x38;
	[tilespmem:$0x1D000] =	vst v63  }
0x16: {  	_ =	swait.ge [sflag:s18], $0x400  }
0x17: {  	[sflag:s18] =	ssyncset.done $0x0  }
0x18: {  	[sflag:s18] =	ssyncadd.s32 $0xFFFFFC00  }
0x19: {  	[tilespmem:s23], [sflag:$0x2] =	stream.indirect.gather [hbm4b:s4+s20], $0x10, s22, s20, $0xb8;
	[tilespmem:$0x1D000] =	vst v63  }
0x1a: {  	_ =	swait.ge [sflag:s24], $0x2000  }
0x1b: {  	[sflag:s24] =	ssyncset.done $0x0  }
0x1c: {  	[sflag:s24] =	ssyncadd.s32 $0xFFFFE000  }
0x1d: {  	[spmem:s1] =	stream.indirect.scatter.add.f32 [tilespmem:s21], [sflag:$0x3], $0x10, s25, s20, $0xb8;
	[tilespmem:$0x1D000] =	vst v63  }
0x1e: {  	_ =	swait.ge [sflag:s26], $0x2000  }
0x1f: {  	[sflag:s26] =	ssyncset.done $0x0  }
0x20: {  	s12 =	sadd.s32 s0, s15;
	[sflag:s26] =	ssyncadd.s32 $0xFFFFE000  }
0x21: {  	[tilespmem:s19], [sflag:$0x5] =	stream.linear.gather [hbm4b:s12+s2], $0x400, $0x38;
	[tilespmem:$0x1D000] =	vst v63  }
0x22: {  	_ =	swait.ge [sflag:s18], $0x400  }
0x23: {  	[sflag:s18] =	ssyncset.done $0x0  }
0x24: {  	[sflag:s18] =	ssyncadd.s32 $0xFFFFFC00  }
0x25: {  	[tilespmem:s21], [sflag:$0x1] =	stream.indirect.gather [hbm4b:s4+s20], $0x10, s19, s20, $0xb8;
	[tilespmem:$0x1D000] =	vst v63  }
0x26: {  	_ =	swait.ge [sflag:s28], $0x2000  }
0x27: {  	[sflag:s28] =	ssyncset.done $0x0  }
0x28: {  	[sflag:s28] =	ssyncadd.s32 $0xFFFFE000  }
0x29: {  	[spmem:s1] =	stream.indirect.scatter.add.f32 [tilespmem:s23], [sflag:$0x4], $0x10, s29, s20, $0xb8;
	[tilespmem:$0x1D000] =	vst v63  }
0x2a: {  	_ =	swait.ge [sflag:s30], $0x2000  }
0x2b: {  	[sflag:s30] =	ssyncset.done $0x0  }
0x2c: {  	s3 =	smov.u32 s8;
	s0 =	rddreg [dreg:$0x4];
	[sflag:s30] =	ssyncadd.s32 $0xFFFFE000  }
.LBB2_8:
0x2d: {  	s3 =	sadd.s32 s14, s3  }
0x2e: {  	[tilespmem:s22], [sflag:$0x5] =	stream.linear.gather [hbm4b:s3+s2], $0x400, $0x38;
	[tilespmem:$0x1D000] =	vst v63  }
0x2f: {  	_ =	swait.ge [sflag:s18], $0x400  }
0x30: {  	[sflag:s18] =	ssyncset.done $0x0  }
0x31: {  	[sflag:s18] =	ssyncadd.s32 $0xFFFFFC00  }
0x32: {  	[tilespmem:s23], [sflag:$0x2] =	stream.indirect.gather [hbm4b:s4+s20], $0x10, s22, s20, $0xb8;
	[tilespmem:$0x1D000] =	vst v63  }
0x33: {  	_ =	swait.ge [sflag:s24], $0x2000  }
0x34: {  	[sflag:s24] =	ssyncset.done $0x0  }
0x35: {  	[sflag:s24] =	ssyncadd.s32 $0xFFFFE000  }
0x36: {  	[spmem:s1] =	stream.indirect.scatter.add.f32 [tilespmem:s21], [sflag:$0x3], $0x10, s25, s20, $0xb8;
	[tilespmem:$0x1D000] =	vst v63  }
0x37: {  	_ =	swait.ge [sflag:s26], $0x2000  }
0x38: {  	[sflag:s26] =	ssyncset.done $0x0  }
0x39: {  	[sflag:s26] =	ssyncadd.s32 $0xFFFFE000  }
0x3a: {  	_ =	swait.ge [sflag:s28], $0x2000  }
0x3b: {  	[sflag:s28] =	ssyncset.done $0x0  }
0x3c: {  	[sflag:s28] =	ssyncadd.s32 $0xFFFFE000  }
0x3d: {  	[spmem:s1] =	stream.indirect.scatter.add.f32 [tilespmem:s23], [sflag:$0x4], $0x10, s29, s20, $0xb8;
	[tilespmem:$0x1D000] =	vst v63  }
0x3e: {  	_ =	swait.ge [sflag:s30], $0x2000  }
0x3f: {  	s31 =	sadd.s32 $0x1, s31;
	[sflag:s30] =	ssyncset.done $0x0  }
0x40: {  	p1 =	sne.s32 s31, s11;
	[sflag:s30] =	ssyncadd.s32 $0xFFFFE000  }
.Ltmp1:
0x41: {  	s0 =	sadd.s32 s0, s7;
	[bflag:$0x0] =	sbarrier.arrive $0xFFFF;
	(pc) =	sbr.rel @!p1 .LBB2_9-.Ltmp1, $4  }
0x42: {  	[hbm:s0], [sflag:s13] =	dma.local [spmem:s17], $0x3100  }
0x43: {  	_ =	swait.ge [sflag:s18], $0x3100  }
0x44: {  	[sflag:s18] =	ssyncset.done $0x0  }
0x45: {  	[sflag:s18] =	ssyncadd.s32 $0xFFFFCF00  }
.LBB2_1:
0x46: {  	[spmem:s17], [sflag:s13] =	dma.local [hbm:s9], $0x3100  }
0x47: {  	_ =	swait.ge [sflag:s18], $0x3100  }
0x48: {  	[sflag:s18] =	ssyncset.done $0x0  }
0x49: {  	[sflag:s18] =	ssyncadd.s32 $0xFFFFCF00  }
0x4a: {  	[bflag:$0x0] =	sbarrier.arrive $0xFFFF  }
0x4b: {  	[tilespmem:s19], [sflag:$0x5] =	stream.linear.gather [hbm4b:s10+s2], $0x400, $0x38;
	[tilespmem:$0x1D000] =	vst v63  }
.Ltmp2:
0x4c: {  	_ = 	snop;
	(pc) =	sbr.rel @!p0 .LBB2_2-.Ltmp2, $4  }
0x4d: {  	_ =	swait.ge [sflag:s18], $0x400  }
0x4e: {  	[sflag:s18] =	ssyncset.done $0x0  }
0x4f: {  	s0 =	sadd.s32 $0x0, s16;
	[sflag:s18] =	ssyncadd.s32 $0xFFFFFC00  }
0x50: {  	[tilespmem:s21], [sflag:$0x1] =	stream.indirect.gather [hbm4b:s4+s20], $0x10, s19, s20, $0xb8;
	[tilespmem:$0x1D000] =	vst v63  }
0x51: {  	[tilespmem:s22], [sflag:$0x5] =	stream.linear.gather [hbm4b:s0+s2], $0x400, $0x38;
	[tilespmem:$0x1D000] =	vst v63  }
0x52: {  	_ =	swait.ge [sflag:s18], $0x400  }
0x53: {  	[sflag:s18] =	ssyncset.done $0x0  }
0x54: {  	[sflag:s18] =	ssyncadd.s32 $0xFFFFFC00  }
0x55: {  	[tilespmem:s23], [sflag:$0x2] =	stream.indirect.gather [hbm4b:s4+s20], $0x10, s22, s20, $0xb8;
	[tilespmem:$0x1D000] =	vst v63  }
0x56: {  	_ =	swait.ge [sflag:s24], $0x2000  }
0x57: {  	[sflag:s24] =	ssyncset.done $0x0  }
0x58: {  	[sflag:s24] =	ssyncadd.s32 $0xFFFFE000  }
0x59: {  	[spmem:s1] =	stream.indirect.scatter.add.f32 [tilespmem:s21], [sflag:$0x3], $0x10, s25, s20, $0xb8;
	[tilespmem:$0x1D000] =	vst v63  }
0x5a: {  	_ =	swait.ge [sflag:s26], $0x2000  }
0x5b: {  	[sflag:s26] =	ssyncset.done $0x0  }
0x5c: {  	s12 =	sadd.s32 $0x0, s15;
	[sflag:s26] =	ssyncadd.s32 $0xFFFFE000  }
0x5d: {  	[tilespmem:s19], [sflag:$0x5] =	stream.linear.gather [hbm4b:s12+s2], $0x400, $0x38;
	[tilespmem:$0x1D000] =	vst v63  }
0x5e: {  	_ =	swait.ge [sflag:s18], $0x400  }
0x5f: {  	[sflag:s18] =	ssyncset.done $0x0  }
0x60: {  	[sflag:s18] =	ssyncadd.s32 $0xFFFFFC00  }
0x61: {  	[tilespmem:s21], [sflag:$0x1] =	stream.indirect.gather [hbm4b:s4+s20], $0x10, s19, s20, $0xb8;
	[tilespmem:$0x1D000] =	vst v63  }
0x62: {  	_ =	swait.ge [sflag:s28], $0x2000  }
0x63: {  	[sflag:s28] =	ssyncset.done $0x0  }
0x64: {  	[sflag:s28] =	ssyncadd.s32 $0xFFFFE000  }
0x65: {  	[spmem:s1] =	stream.indirect.scatter.add.f32 [tilespmem:s23], [sflag:$0x4], $0x10, s29, s20, $0xb8;
	[tilespmem:$0x1D000] =	vst v63  }
0x66: {  	_ =	swait.ge [sflag:s30], $0x2000  }
0x67: {  	s0 =	simm.s32 $0x100;
	s3 =	simm.s32 $0x200;
	[sflag:s30] =	ssyncset.done $0x0  }
.LBB2_6:
0x68: {  	s5 =	sadd.s32 s0, s16  }
0x69: {  	[sflag:s30] =	ssyncadd.s32 $0xFFFFE000;
	s6 =	smov.u32 s3;
	s12 =	sadd.s32 $0x100, s3  }
0x6a: {  	[tilespmem:s22], [sflag:$0x5] =	stream.linear.gather [hbm4b:s5+s2], $0x400, $0x38;
	[tilespmem:$0x1D000] =	vst v63  }
0x6b: {  	p1 =	sne.s32 s3, $0x2F00;
	_ =	swait.ge [sflag:s18], $0x400  }
0x6c: {  	[sflag:s18] =	ssyncset.done $0x0  }
0x6d: {  	[sflag:s18] =	ssyncadd.s32 $0xFFFFFC00  }
0x6e: {  	[tilespmem:s23], [sflag:$0x2] =	stream.indirect.gather [hbm4b:s4+s20], $0x10, s22, s20, $0xb8;
	[tilespmem:$0x1D000] =	vst v63  }
0x6f: {  	_ =	swait.ge [sflag:s24], $0x2000  }
0x70: {  	[sflag:s24] =	ssyncset.done $0x0  }
0x71: {  	[sflag:s24] =	ssyncadd.s32 $0xFFFFE000  }
0x72: {  	[spmem:s1] =	stream.indirect.scatter.add.f32 [tilespmem:s21], [sflag:$0x3], $0x10, s25, s20, $0xb8;
	[tilespmem:$0x1D000] =	vst v63  }
0x73: {  	_ =	swait.ge [sflag:s26], $0x2000  }
0x74: {  	[sflag:s26] =	ssyncset.done $0x0  }
0x75: {  	s3 =	sadd.s32 s0, s15;
	s0 =	smov.u32 s6;
	[sflag:s26] =	ssyncadd.s32 $0xFFFFE000  }
0x76: {  	[tilespmem:s19], [sflag:$0x5] =	stream.linear.gather [hbm4b:s3+s2], $0x400, $0x38;
	[tilespmem:$0x1D000] =	vst v63  }
0x77: {  	_ =	swait.ge [sflag:s18], $0x400  }
0x78: {  	[sflag:s18] =	ssyncset.done $0x0  }
0x79: {  	[sflag:s18] =	ssyncadd.s32 $0xFFFFFC00  }
0x7a: {  	[tilespmem:s21], [sflag:$0x1] =	stream.indirect.gather [hbm4b:s4+s20], $0x10, s19, s20, $0xb8;
	[tilespmem:$0x1D000] =	vst v63  }
0x7b: {  	_ =	swait.ge [sflag:s28], $0x2000  }
.Ltmp3:
0x7c: {  	[sflag:s28] =	ssyncset.done $0x0;
	(pc) =	sbr.rel @p1 .LBB2_6-.Ltmp3, $4  }
0x7d: {  	[sflag:s28] =	ssyncadd.s32 $0xFFFFE000  }
0x7e: {  	[spmem:s1] =	stream.indirect.scatter.add.f32 [tilespmem:s23], [sflag:$0x4], $0x10, s29, s20, $0xb8;
	[tilespmem:$0x1D000] =	vst v63  }
0x7f: {  	_ =	swait.ge [sflag:s30], $0x2000  }
0x80: {  	s3 =	smov.u32 s12;
	[sflag:s30] =	ssyncset.done $0x0  }
.Ltmp4:
0x81: {  	_ = 	snop;
	(pc) =	sbr.rel .LBB2_7-.Ltmp4, $1  }
0x82: {  	_ =	sdelay $0x3  }
.LBB2_2:
0x83: {  	[tilespmem:s22], [sflag:$0x5] =	stream.linear.gather [hbm4b:s0+s2], $0x400, $0x38;
	[tilespmem:$0x1D000] =	vst v63  }
0x84: {  	_ =	swait.ge [sflag:s18], $0x400  }
0x85: {  	[sflag:s18] =	ssyncset.done $0x0  }
0x86: {  	[sflag:s18] =	ssyncadd.s32 $0xFFFFFC00  }
0x87: {  	[tilespmem:s23], [sflag:$0x2] =	stream.indirect.gather [hbm4b:s4+s20], $0x10, s22, s20, $0xb8;
	[tilespmem:$0x1D000] =	vst v63  }
0x88: {  	_ =	swait.ge [sflag:s24], $0x2000  }
0x89: {  	[sflag:s24] =	ssyncset.done $0x0  }
0x8a: {  	[sflag:s24] =	ssyncadd.s32 $0xFFFFE000  }
0x8b: {  	[spmem:s1] =	stream.indirect.scatter.add.f32 [tilespmem:s21], [sflag:$0x3], $0x10, s25, s20, $0xb8;
	[tilespmem:$0x1D000] =	vst v63  }
0x8c: {  	_ =	swait.ge [sflag:s26], $0x2000  }
0x8d: {  	[sflag:s26] =	ssyncset.done $0x0  }
0x8e: {  	s12 =	sadd.s32 $0x0, s15;
	[sflag:s26] =	ssyncadd.s32 $0xFFFFE000  }
0x8f: {  	[tilespmem:s19], [sflag:$0x5] =	stream.linear.gather [hbm4b:s12+s2], $0x400, $0x38;
	[tilespmem:$0x1D000] =	vst v63  }
0x90: {  	_ =	swait.ge [sflag:s18], $0x400  }
0x91: {  	[sflag:s18] =	ssyncset.done $0x0  }
0x92: {  	[sflag:s18] =	ssyncadd.s32 $0xFFFFFC00  }
0x93: {  	[tilespmem:s21], [sflag:$0x1] =	stream.indirect.gather [hbm4b:s4+s20], $0x10, s19, s20, $0xb8;
	[tilespmem:$0x1D000] =	vst v63  }
0x94: {  	_ =	swait.ge [sflag:s28], $0x2000  }
0x95: {  	[sflag:s28] =	ssyncset.done $0x0  }
0x96: {  	[sflag:s28] =	ssyncadd.s32 $0xFFFFE000  }
0x97: {  	[spmem:s1] =	stream.indirect.scatter.add.f32 [tilespmem:s23], [sflag:$0x4], $0x10, s29, s20, $0xb8;
	[tilespmem:$0x1D000] =	vst v63  }
0x98: {  	_ =	swait.ge [sflag:s30], $0x2000  }
0x99: {  	s0 =	simm.s32 $0x100;
	s3 =	simm.s32 $0x200;
	[sflag:s30] =	ssyncset.done $0x0  }
.LBB2_3:
0x9a: {  	s5 =	sadd.s32 s0, s16  }
0x9b: {  	[sflag:s30] =	ssyncadd.s32 $0xFFFFE000;
	s6 =	smov.u32 s3;
	s12 =	sadd.s32 $0x100, s3  }
0x9c: {  	[tilespmem:s22], [sflag:$0x5] =	stream.linear.gather [hbm4b:s5+s2], $0x400, $0x38;
	[tilespmem:$0x1D000] =	vst v63  }
0x9d: {  	p1 =	seq.s32 s3, $0x2F00;
	_ =	swait.ge [sflag:s18], $0x400  }
0x9e: {  	[sflag:s18] =	ssyncset.done $0x0  }
0x9f: {  	[sflag:s18] =	ssyncadd.s32 $0xFFFFFC00  }
0xa0: {  	[tilespmem:s23], [sflag:$0x2] =	stream.indirect.gather [hbm4b:s4+s20], $0x10, s22, s20, $0xb8;
	[tilespmem:$0x1D000] =	vst v63  }
0xa1: {  	_ =	swait.ge [sflag:s24], $0x2000  }
0xa2: {  	[sflag:s24] =	ssyncset.done $0x0  }
0xa3: {  	[sflag:s24] =	ssyncadd.s32 $0xFFFFE000  }
0xa4: {  	[spmem:s1] =	stream.indirect.scatter.add.f32 [tilespmem:s21], [sflag:$0x3], $0x10, s25, s20, $0xb8;
	[tilespmem:$0x1D000] =	vst v63  }
0xa5: {  	_ =	swait.ge [sflag:s26], $0x2000  }
0xa6: {  	[sflag:s26] =	ssyncset.done $0x0  }
0xa7: {  	s3 =	sadd.s32 s0, s15;
	s0 =	smov.u32 s6;
	[sflag:s26] =	ssyncadd.s32 $0xFFFFE000  }
0xa8: {  	[tilespmem:s19], [sflag:$0x5] =	stream.linear.gather [hbm4b:s3+s2], $0x400, $0x38;
	[tilespmem:$0x1D000] =	vst v63  }
0xa9: {  	_ =	swait.ge [sflag:s18], $0x400  }
0xaa: {  	[sflag:s18] =	ssyncset.done $0x0  }
0xab: {  	[sflag:s18] =	ssyncadd.s32 $0xFFFFFC00  }
0xac: {  	[tilespmem:s21], [sflag:$0x1] =	stream.indirect.gather [hbm4b:s4+s20], $0x10, s19, s20, $0xb8;
	[tilespmem:$0x1D000] =	vst v63  }
0xad: {  	_ =	swait.ge [sflag:s28], $0x2000  }
.Ltmp5:
0xae: {  	[sflag:s28] =	ssyncset.done $0x0;
	(pc) =	sbr.rel @!p1 .LBB2_3-.Ltmp5, $4  }
0xaf: {  	[sflag:s28] =	ssyncadd.s32 $0xFFFFE000  }
0xb0: {  	[spmem:s1] =	stream.indirect.scatter.add.f32 [tilespmem:s23], [sflag:$0x4], $0x10, s29, s20, $0xb8;
	[tilespmem:$0x1D000] =	vst v63  }
0xb1: {  	_ =	swait.ge [sflag:s30], $0x2000  }
0xb2: {  	s3 =	smov.u32 s12;
	[sflag:s30] =	ssyncset.done $0x0  }
0xb3: {  	s3 =	sadd.s32 s0, s16;
	[sflag:s30] =	ssyncadd.s32 $0xFFFFE000  }
0xb4: {  	[tilespmem:s22], [sflag:$0x5] =	stream.linear.gather [hbm4b:s3+s2], $0x400, $0x38;
	[tilespmem:$0x1D000] =	vst v63  }
0xb5: {  	_ =	swait.ge [sflag:s18], $0x400  }
0xb6: {  	[sflag:s18] =	ssyncset.done $0x0  }
0xb7: {  	[sflag:s18] =	ssyncadd.s32 $0xFFFFFC00  }
0xb8: {  	[tilespmem:s23], [sflag:$0x2] =	stream.indirect.gather [hbm4b:s4+s20], $0x10, s22, s20, $0xb8;
	[tilespmem:$0x1D000] =	vst v63  }
0xb9: {  	_ =	swait.ge [sflag:s24], $0x2000  }
0xba: {  	[sflag:s24] =	ssyncset.done $0x0  }
0xbb: {  	[sflag:s24] =	ssyncadd.s32 $0xFFFFE000  }
0xbc: {  	[spmem:s1] =	stream.indirect.scatter.add.f32 [tilespmem:s21], [sflag:$0x3], $0x10, s25, s20, $0xb8;
	[tilespmem:$0x1D000] =	vst v63  }
0xbd: {  	_ =	swait.ge [sflag:s26], $0x2000  }
0xbe: {  	[sflag:s26] =	ssyncset.done $0x0  }
0xbf: {  	s12 =	sadd.s32 s0, s15;
	[sflag:s26] =	ssyncadd.s32 $0xFFFFE000  }
0xc0: {  	[tilespmem:s19], [sflag:$0x5] =	stream.linear.gather [hbm4b:s12+s2], $0x400, $0x38;
	[tilespmem:$0x1D000] =	vst v63  }
0xc1: {  	_ =	swait.ge [sflag:s18], $0x400  }
0xc2: {  	[sflag:s18] =	ssyncset.done $0x0  }
0xc3: {  	[sflag:s18] =	ssyncadd.s32 $0xFFFFFC00  }
0xc4: {  	[tilespmem:s21], [sflag:$0x1] =	stream.indirect.gather [hbm4b:s4+s20], $0x10, s19, s20, $0xb8;
	[tilespmem:$0x1D000] =	vst v63  }
0xc5: {  	_ =	swait.ge [sflag:s28], $0x2000  }
0xc6: {  	[sflag:s28] =	ssyncset.done $0x0  }
.Ltmp6:
0xc7: {  	[sflag:s28] =	ssyncadd.s32 $0xFFFFE000;
	(pc) =	sbr.rel .LBB2_8-.Ltmp6, $4  }
0xc8: {  	[spmem:s1] =	stream.indirect.scatter.add.f32 [tilespmem:s23], [sflag:$0x4], $0x10, s29, s20, $0xb8;
	[tilespmem:$0x1D000] =	vst v63  }
0xc9: {  	_ =	swait.ge [sflag:s30], $0x2000  }
0xca: {  	[sflag:s30] =	ssyncset.done $0x0;
	s3 =	rddreg [dreg:$0x5]  }
0xcb: {  	s0 =	rddreg [dreg:$0x3];
	[sflag:s30] =	ssyncadd.s32 $0xFFFFE000  }
.LBB2_9:
0xcc: {  	_ =	sfence.sel $0x180000  }
0xcd: {  	[bflag:$0x0] =	sbarrier.arrive $0xFFFF  }
0xce: {  	_ =	strace $0x9000004A  }
0xcf: {  	s0 =	stileid.u32;
	[bflag:$0x2] =	sbarrier.arrive $0xFFFF  }
0xd0: {  	p0 =	sne.s32 s0, $0x0;
	s0 =	rddreg [dreg:$0x2]  }
0xd1: {  	s0 =	sadd.s32 @!p0 $0x100000, s0  }
0xd2: {  	[sflag:s0] =	ssyncadd.tile.s32 @!p0 $0x1;
	_ =	shalt  }
.Lfunc_end2:
_tile_overlayer_lowered:
.L_overlay_start_2:
0xd3: {  	(tag) =	ssettag $0x2  }
0xd4: {  	s0 =	rddreg [dreg:$0x0];
	s2 =	stileid.u32  }
0xd5: {  	s1 =	rddreg [dreg:$0x1];
	p0 =	sne.s32 s2, $0x0  }
0xd6: {  	s3 =	rddreg [dreg:$0x2];
	[bflag:$0x3] =	sbarrier.arrive $0xFFFF;
	s2 =	simm.s32 @!p0 $0x1C05  }
0xd7: {  	[timem:s3], [sflag:s2] =	dma.local @!p0 [hbm:s0], s1  }
0xd8: {  	s0 =	simm.s32 @!p0 $0x5  }
0xd9: {  	_ =	swait.ge @!p0 [sflag:s0], s1  }
0xda: {  	s1 =	ssub.s32 @!p0 $0x0, s1;
	[sflag:s0] =	ssyncset.done @!p0 $0x0  }
0xdb: {  	[sflag:s0] =	ssyncadd.s32 @!p0 s1  }
0xdc: {  	[bflag:$0x3] =	sbarrier.arrive $0xFFFF  }
0xdd: {  	_ =	shalt  }

// kernel: kernel.19.cloned.1.call-start
scs
__scs_entry_jumppad:
0x0: {  	(pc) =	sbr.rel $0x88, $3  }
0x1: {  	(tag) =	ssettag $0x0;
	lr =	simm.s32 $0x1  }
0x2: {  	[smem:$0x3F98] =	sst lr;
	_ =	strace $0xD0000000  }
0x3: {  	_ = 	snop  }
0x4: {  	_ = 	snop  }
0x5: {  	_ = 	snop  }
0x6: {  	_ = 	snop  }
0x7: {  	_ = 	snop  }
__scs_overlays_trampoline_lowered:
0x8: {  	[smem:$0x3FA7] =	sst s0  }
0x9: {  	[smem:$0x3FA8] =	sst s1  }
0xa: {  	[smem:$0x3FA9] =	sst s2  }
0xb: {  	[smem:$0x3FAA] =	sst s3  }
0xc: {  	[smem:$0x3FAB] =	sst s4  }
0xd: {  	[smem:$0x3FAC] =	sst s5  }
0xe: {  	[smem:$0x3FAD] =	sst s6  }
0xf: {  	[smem:$0x3FAE] =	sst s7  }
0x10: {  	[smem:$0x3FAF] =	sst s8  }
0x11: {  	[smem:$0x3FB0] =	sst s9;
	s0 =	simm.s32 @!p0 $0x0  }
0x12: {  	s1 =	sld [smem:$0x3F96];
	s0 =	simm.s32 @p0 $0x1  }
0x13: {  	[smem:$0x3FB1] =	sst s0;
	s0 =	simm.s32 @!p1 $0x0  }
0x14: {  	s2 =	sld [smem:$0x3F95];
	s0 =	simm.s32 @p1 $0x1  }
0x15: {  	[smem:$0x3FB2] =	sst s0;
	s0 =	simm.s32 @!p2 $0x0  }
0x16: {  	s3 =	sld [smem:$0x3FDB];
	s0 =	simm.s32 @p2 $0x1  }
0x17: {  	s4 =	simm.s32 $0x1BF5;
	[smem:$0x3FB4] =	sst s0  }
0x18: {  	s0 =	sld [smem:$0x3F97];
	_ =	swait.ge [sflag:s4], $0x0  }
0x19: {  	s7 =	sld [smem:$0x3F98]  }
0x1a: {  	s8 =	sadd.s32 $0xFFFFE003, lr  }
0x1b: {  	s9 =	sadd.s32 $0xFFFFFEF7, lr;
	s5 =	simm.s32 $0xFFFFFFFF;
	p2 =	slt.u32 s8, $0xFFFFF086  }
0x1c: {  	p1 =	slt.u32 s9, $0xF7A;
	s5 =	simm.s32 @!p2 $0x0  }
0x1d: {  	s5 =	simm.s32 @p1 $0x1;
	p0 =	seq.s32 s7, s2  }
0x1e: {  	s7 =	smul.u32 @!p0 $0xF7A, s2;
	p2 =	seq.s32 @!p0 s5, $0x0  }
0x1f: {  	s9 =	smul.u32 $0xF7A, s1;
	s8 =	simm.s32 @!p0 $0x1BF5;
	p2 =	por !p2, p0  }
0x20: {  	[sflag:s8] =	ssyncset.s32 @!p0 $0xFFFFF086;
	s6 =	sadd.s32 @!p0 s3, s7;
	s7 =	simm.s32 @!p0 $0x108  }
0x21: {  	s3 =	sadd.s32 s3, s9;
	s6 =	sadd.s32 @!p0 $0x88, s6;
	s7 =	simm.s32 @p2 $0x1082  }
0x22: {  	[simem:s7], [sflag:s8] =	dma.local @!p0 [hbm:s6], $0xF7A  }
0x23: {  	s9 =	sor.u32 $0xD0000000, s2;
	s6 =	simm.s32 $0x108;
	_ =	swait.ge @!p0 [sflag:s8], $0x0  }
0x24: {  	s3 =	sadd.s32 $0x88, s3;
	s6 =	simm.s32 @!p1 $0x1082;
	[sflag:s4] =	ssyncset.s32 $0xFFFFF086  }
0x25: {  	[simem:s6], [sflag:s4] =	dma.local [hbm:s3], $0xF7A  }
0x26: {  	[smem:$0x3F98] =	sst s1;
	(tag) =	ssettag s2;
	_ =	strace s9  }
0x27: {  	s1 =	sld [smem:$0x3FA8]  }
0x28: {  	s2 =	sld [smem:$0x3FA9]  }
0x29: {  	s4 =	sld [smem:$0x3FAB]  }
0x2a: {  	p0 =	seq.s32 s5, $0x0;
	s5 =	sld [smem:$0x3FAC]  }
0x2b: {  	s6 =	sld [smem:$0x3FAD]  }
0x2c: {  	s7 =	sld [smem:$0x3FAE]  }
0x2d: {  	s3 =	simm.s32 $0x108;
	s8 =	sld [smem:$0x3FAF]  }
0x2e: {  	s3 =	simm.s32 @!p0 $0x1082;
	s9 =	sld [smem:$0x3FB0]  }
0x2f: {  	lr =	sadd.s32 s0, s3;
	s0 =	sld [smem:$0x3FA7]  }
0x30: {  	s3 =	sld [smem:$0x3FAA]  }
0x31: {  	[smem:$0x3FB3] =	sst s10  }
0x32: {  	s10 =	sld [smem:$0x3FB1];
	_ =	sdelay $0x3  }
0x33: {  	p0 =	seq.s32 s10, $0x1;
	s10 =	sld [smem:$0x3FB3];
	_ =	sdelay $0x3  }
0x34: {  	[smem:$0x3FB3] =	sst s10  }
0x35: {  	s10 =	sld [smem:$0x3FB2];
	_ =	sdelay $0x3  }
0x36: {  	p1 =	seq.s32 s10, $0x1;
	s10 =	sld [smem:$0x3FB3];
	_ =	sdelay $0x3  }
0x37: {  	[smem:$0x3FB3] =	sst s10  }
0x38: {  	s10 =	sld [smem:$0x3FB4]  }
0x39: {  	_ = 	snop;
	(pc) =	sbr.ind lr, $3  }
0x3a: {  	_ = 	snop  }
0x3b: {  	_ = 	snop  }
0x3c: {  	p2 =	seq.s32 s10, $0x1;
	s10 =	sld [smem:$0x3FB3]  }
0x3d: {  	_ =	shalt  }
0x3e: {  	_ =	shalt  }
0x3f: {  	_ =	shalt  }
0x40: {  	_ =	shalt  }
0x41: {  	_ =	shalt  }
0x42: {  	_ =	shalt  }
0x43: {  	_ =	shalt  }
0x44: {  	_ =	shalt  }
0x45: {  	_ =	shalt  }
0x46: {  	_ =	shalt  }
0x47: {  	_ =	shalt  }
0x48: {  	_ =	shalt  }
0x49: {  	_ =	shalt  }
0x4a: {  	_ =	shalt  }
0x4b: {  	_ =	shalt  }
0x4c: {  	_ =	shalt  }
0x4d: {  	_ =	shalt  }
0x4e: {  	_ =	shalt  }
0x4f: {  	_ =	shalt  }
0x50: {  	_ =	shalt  }
0x51: {  	_ =	shalt  }
0x52: {  	_ =	shalt  }
0x53: {  	_ =	shalt  }
0x54: {  	_ =	shalt  }
0x55: {  	_ =	shalt  }
0x56: {  	_ =	shalt  }
0x57: {  	_ =	shalt  }
0x58: {  	_ =	shalt  }
0x59: {  	_ =	shalt  }
0x5a: {  	_ =	shalt  }
0x5b: {  	_ =	shalt  }
0x5c: {  	_ =	shalt  }
0x5d: {  	_ =	shalt  }
0x5e: {  	_ =	shalt  }
0x5f: {  	_ =	shalt  }
0x60: {  	_ =	shalt  }
0x61: {  	_ =	shalt  }
0x62: {  	_ =	shalt  }
0x63: {  	_ =	shalt  }
0x64: {  	_ =	shalt  }
0x65: {  	_ =	shalt  }
0x66: {  	_ =	shalt  }
0x67: {  	_ =	shalt  }
0x68: {  	_ =	shalt  }
0x69: {  	_ =	shalt  }
0x6a: {  	_ =	shalt  }
0x6b: {  	_ =	shalt  }
0x6c: {  	_ =	shalt  }
0x6d: {  	_ =	shalt  }
0x6e: {  	_ =	shalt  }
0x6f: {  	_ =	shalt  }
0x70: {  	_ =	shalt  }
0x71: {  	_ =	shalt  }
0x72: {  	_ =	shalt  }
0x73: {  	_ =	shalt  }
0x74: {  	_ =	shalt  }
0x75: {  	_ =	shalt  }
0x76: {  	_ =	shalt  }
0x77: {  	_ =	shalt  }
0x78: {  	_ =	shalt  }
0x79: {  	_ =	shalt  }
0x7a: {  	_ =	shalt  }
0x7b: {  	_ =	shalt  }
0x7c: {  	_ =	shalt  }
0x7d: {  	_ =	shalt  }
0x7e: {  	_ =	shalt  }
0x7f: {  	_ =	shalt  }
0x80: {  	_ =	shalt  }
0x81: {  	_ =	shalt  }
0x82: {  	_ =	shalt  }
0x83: {  	_ =	shalt  }
0x84: {  	_ =	shalt  }
0x85: {  	_ =	shalt  }
0x86: {  	_ =	shalt  }
0x87: {  	_ =	shalt  }
.Lfunc_end0:
.L_simem_size_0:
called_computation.2_lowered:
.L_overlay_start_0:
0x88: {  	s2 =	sld [smem:$0x3FD9]  }
0x89: {  	s3 =	sld [smem:$0x3FFE];
	_ =	sdelay $0x1  }
0x8a: {  	s1 =	srdreg.scid  }
0x8b: {  	s0 =	sand.u32 $0x1, s1  }
0x8c: {  	s16 =	sshll.u32 s0, $0xA;
	s2 =	sadd.s32 s3, s2  }
0x8d: {  	s2 =	sadd.s32 s2, s16  }
0x8e: {  	[smem:$0x3FBF] =	sst s2  }
0x8f: {  	_ = 	snop  }
0x90: {  	(tm) =	ssettm $0x1  }
0x91: {  	s17 =	sld [smem:$0x3FFB];
	_ =	sdelay $0x3  }
0x92: {  	_ =	strace s17  }
0x93: {  	s2 =	sld [smem:$0x3FFC];
	_ =	sdelay $0x3  }
0x94: {  	_ =	strace s2  }
0x95: {  	s2 =	sld [smem:$0x3FFD];
	_ =	sdelay $0x3  }
0x96: {  	_ =	strace s2  }
0x97: {  	_ =	strace $0x8FFFFFFF  }
0x98: {  	s18 =	sld [smem:$0x3FDB];
	_ =	sdelay $0x1  }
0x99: {  	s19 =	simm.s32 $_scs_section_size  }
0x9a: {  	s4 =	simm.s32 $_size__tile_overlayer_lowered;
	s5 =	simm.s32 $_tile_overlayer_lowered  }
0x9b: {  	s22 =	simm.s32 $0x1BFF;
	s21 =	sshll.u32 s5, $0x1;
	s2 =	sadd.s32 s19, s18  }
0x9c: {  	s6 =	simm.s32 $0x0;
	s20 =	sshll.u32 s4, $0x1;
	s4 =	sadd.s32 s21, s2  }
0x9d: {  	[timem:s6], [sflag:s22] =	dma.local [hbm:s4], s20  }
0x9e: {  	_ =	swait.ge [sflag:s22], s20  }
0x9f: {  	s3 =	ssub.s32 $0x0, s20;
	[sflag:s22] =	ssyncset.done $0x0  }
0xa0: {  	[sflag:s22] =	ssyncadd.s32 s3;
	_ =	sdelay $0x1  }
0xa1: {  	s23 =	simm.s32 $0x1B8B  }
0xa2: {  	_ =	swait.ge [sflag:s23], $0x1  }
0xa3: {  	[sflag:s23] =	ssyncset.done $0x0  }
0xa4: {  	s25 =	simm.s32 $0x1B8E;
	s24 =	sld [smem:$0x3FFE];
	[sflag:s23] =	ssyncadd.s32 $0xFFFFFFFF  }
0xa5: {  	s26 =	simm.s32 $execute0_lowered;
	[smem:$0x3FD2] =	sst s25  }
0xa6: {  	s4 =	sshll.u32 s26, $0x1;
	_ =	strace $0x8000004C;
	[dreg:$0x1] =	wrdreg $0xFFFFFFFF  }
0xa7: {  	s28 =	simm.s32 $_size_execute0_lowered;
	s2 =	sadd.s32 s2, s4;
	[dreg:$0x0] =	wrdreg $0x0  }
0xa8: {  	s4 =	sshll.u32 s28, $0x1;
	[dreg:$0x2] =	wrdreg s2  }
0xa9: {  	[dreg:$0x3] =	wrdreg s4  }
0xaa: {  	[dreg:$0x4] =	wrdreg $0xC0  }
0xab: {  	_ =	task [dreg:s6], $0x5FFFF  }
0xac: {  	[dreg:$0x1] =	wrdreg $0xFFFFFFFF  }
0xad: {  	[dreg:$0x0] =	wrdreg $0x60  }
0xae: {  	[dreg:$0x2] =	wrdreg s24  }
0xaf: {  	[dreg:$0x3] =	wrdreg $0x0  }
0xb0: {  	[dreg:$0x4] =	wrdreg $0x9  }
0xb1: {  	_ =	task.clear_ibuf [dreg:s6], $0x5FFFF;
	_ =	strace $0x9000004C  }
0xb2: {  	s29 =	simm.s32 $0x9;
	_ =	strace $0x8000004E  }
0xb3: {  	_ =	swait.ge [sflag:s29], $0x1  }
0xb4: {  	[sflag:s29] =	ssyncadd.s32 $0xFFFFFFFF  }
0xb5: {  	_ =	strace $0x9000004E  }
0xb6: {  	_ =	sfence  }
0xb7: {  	s30 =	sld [smem:$0x0];
	_ =	sdelay $0x2  }
0xb8: {  	s31 =	sshll.u32 s1, $0xD;
	s1 =	sshrl.u32 s1, $0x2  }
0xb9: {  	s3 =	sand.u32 $0x4000, s31;
	s1 =	sadd.s32 s1, s30  }
0xba: {  	s0 =	sor.u32 s3, s0;
	s1 =	sshll.u32 s1, $0x11  }
0xbb: {  	s0 =	sor.u32 s1, s0  }
0xbc: {  	s0 =	sadd.s32 $0x8F2B, s0  }
0xbd: {  	[sflag:s0] =	ssyncadd.remote.s32 $0x1  }
0xbe: {  	_ =	sfence.sel $0xFFFF  }
0xbf: {  	[dreg:$0x0] =	wrdreg $0xFFFFFFFF;
	(pc) =	sbr.abs _section_cstart, $3  }
0xc0: {  	[dreg:$0x1] =	wrdreg $0xFFFFFFFF  }
0xc1: {  	_ =	task.clear_ibuf [dreg:s6], $0x2FFFF;
	_ =	strace $0x9FFFFFFF  }
0xc2: {  	(tm) =	ssettm $0x7FFFFFFF  }
0xc3: {  	_ =	shalt  }
tec
execute0_lowered:
.L_overlay_start_1:
0x0: {  	(tag) =	ssettag $0x1  }
0x1: {  	s0 =	rddreg [dreg:$0x0]  }
0x2: {  	s2 =	rddreg [dreg:$0x1];
	s3 =	simm.s32 $0x0;
	s7 =	stileid.u32  }
0x3: {  	s1 =	srdreg.scid;
	s17 =	simm.s32 $0x5;
	s18 =	simm.s32 $0x18800  }
0x4: {  	s19 =	simm.s32 $0x200;
	s20 =	simm.s32 $0x18C00;
	s21 =	simm.s32 $0x1AC00  }
0x5: {  	s22 =	simm.s32 $0x1B000;
	s23 =	simm.s32 $0x1;
	s28 =	simm.s32 $0x1AE00  }
0x6: {  	s29 =	simm.s32 $0x4;
	s30 =	simm.s32 $0x0;
	[smem:$0x7FF] =	sst s3  }
0x7: {  	s6 =	smul.u32 $0x6200, s7;
	s1 =	sand.u32 $0x1, s1;
	s4 =	sadd.s32 $0x67400, s0  }
0x8: {  	s5 =	sadd.s32 $0x98400, s0;
	s10 =	smul.u32 $0x18800, s7;
	s24 =	sadd.s32 $0xC9400, s0  }
0x9: {  	s14 =	sshll.u32 s7, $0x6;
	_ =	strace $0x8000004D;
	s8 =	ssub.s32 $0x2, s1  }
0xa: {  	[dreg:$0x3] =	wrdreg s24;
	p0 =	seq.s32 s1, $0x1;
	s15 =	sor.u32 $0x1C05, s14  }
0xb: {  	s24 =	simm.s32 $0x18A00;
	s13 =	sadd.s32 s6, s0;
	s9 =	sshrl.u32 s8, $0x1  }
.Ltmp0:
0xc: {  	s0 =	sadd.s32 $0xFA400, s0;
	s26 =	sadd.s32 s10, s2;
	(pc) =	sbr.rel .LBB2_1-.Ltmp0, $4  }
0xd: {  	[dreg:$0x4] =	wrdreg s0;
	s25 =	ssub.s32 s8, s9;
	s8 =	sshrl.u32 s10, $0x3  }
0xe: {  	s10 =	sadd.s32 $0x5400, s13;
	s13 =	sadd.s32 $0xB580, s13;
	s16 =	sshrl.u32 s26, $0x3  }
0xf: {  	s26 =	simm.s32 $0x2;
	s31 =	sadd.s32 s4, s8;
	s11 =	sadd.s32 s5, s8  }
0x10: {  	s12 =	smax.u32 s25, $0x1;
	s25 =	simm.s32 $0x3;
	[dreg:$0x5] =	wrdreg s31  }
.LBB2_7:
0x11: {  	s1 =	sadd.s32 $0x6180, s0;
	[sflag:s29] =	ssyncadd.s32 $0xFFFFE000  }
0x12: {  	[tilespmem:s21], [sflag:$0x5] =	stream.linear.gather [hbm4b:s1+s3], $0x400, $0x38;
	[tilespmem:$0x1D000] =	vst v63  }
0x13: {  	_ =	swait.ge [sflag:s17], $0x400  }
0x14: {  	[sflag:s17] =	ssyncset.done $0x0  }
0x15: {  	[sflag:s17] =	ssyncadd.s32 $0xFFFFFC00  }
0x16: {  	[tilespmem:s22], [sflag:$0x2] =	stream.indirect.gather [hbm4b:s5+s19], $0x10, s21, s19, $0xb8;
	[tilespmem:$0x1D000] =	vst v63  }
0x17: {  	_ =	swait.ge [sflag:s23], $0x2000  }
0x18: {  	[sflag:s23] =	ssyncset.done $0x0  }
0x19: {  	[sflag:s23] =	ssyncadd.s32 $0xFFFFE000  }
0x1a: {  	[spmem:s2] =	stream.indirect.scatter.add.f32 [tilespmem:s20], [sflag:$0x3], $0x10, s24, s19, $0xb8;
	[tilespmem:$0x1D000] =	vst v63  }
0x1b: {  	_ =	swait.ge [sflag:s25], $0x2000  }
0x1c: {  	[sflag:s25] =	ssyncset.done $0x0  }
0x1d: {  	s9 =	sadd.s32 $0x6200, s0;
	[sflag:s25] =	ssyncadd.s32 $0xFFFFE000  }
0x1e: {  	[tilespmem:s18], [sflag:$0x5] =	stream.linear.gather [hbm4b:s9+s3], $0x400, $0x38;
	[tilespmem:$0x1D000] =	vst v63  }
0x1f: {  	_ =	swait.ge [sflag:s17], $0x400  }
0x20: {  	[sflag:s17] =	ssyncset.done $0x0  }
0x21: {  	[sflag:s17] =	ssyncadd.s32 $0xFFFFFC00  }
0x22: {  	[tilespmem:s20], [sflag:$0x1] =	stream.indirect.gather [hbm4b:s5+s19], $0x10, s18, s19, $0xb8;
	[tilespmem:$0x1D000] =	vst v63  }
0x23: {  	_ =	swait.ge [sflag:s26], $0x2000  }
0x24: {  	[sflag:s26] =	ssyncset.done $0x0  }
0x25: {  	[sflag:s26] =	ssyncadd.s32 $0xFFFFE000  }
0x26: {  	[spmem:s2] =	stream.indirect.scatter.add.f32 [tilespmem:s22], [sflag:$0x4], $0x10, s28, s19, $0xb8;
	[tilespmem:$0x1D000] =	vst v63  }
0x27: {  	_ =	swait.ge [sflag:s29], $0x2000  }
0x28: {  	s31 =	smov.u32 s15;
	[sflag:s29] =	ssyncset.done $0x0  }
0x29: {  	s1 =	smov.u32 s5;
	s0 =	rddreg [dreg:$0x4];
	[sflag:s29] =	ssyncadd.s32 $0xFFFFE000  }
.LBB2_8:
0x2a: {  	[tilespmem:s21], [sflag:$0x5] =	stream.linear.gather [hbm4b:s13+s3], $0x400, $0x38;
	[tilespmem:$0x1D000] =	vst v63  }
0x2b: {  	_ =	swait.ge [sflag:s17], $0x400  }
0x2c: {  	[sflag:s17] =	ssyncset.done $0x0  }
0x2d: {  	[sflag:s17] =	ssyncadd.s32 $0xFFFFFC00  }
0x2e: {  	[tilespmem:s22], [sflag:$0x2] =	stream.indirect.gather [hbm4b:s1+s19], $0x10, s21, s19, $0xb8;
	[tilespmem:$0x1D000] =	vst v63  }
0x2f: {  	_ =	swait.ge [sflag:s23], $0x2000  }
0x30: {  	[sflag:s23] =	ssyncset.done $0x0  }
0x31: {  	[sflag:s23] =	ssyncadd.s32 $0xFFFFE000  }
0x32: {  	[spmem:s2] =	stream.indirect.scatter.add.f32 [tilespmem:s20], [sflag:$0x3], $0x10, s24, s19, $0xb8;
	[tilespmem:$0x1D000] =	vst v63  }
0x33: {  	_ =	swait.ge [sflag:s25], $0x2000  }
0x34: {  	[sflag:s25] =	ssyncset.done $0x0  }
0x35: {  	[sflag:s25] =	ssyncadd.s32 $0xFFFFE000  }
0x36: {  	_ =	swait.ge [sflag:s26], $0x2000  }
0x37: {  	[sflag:s26] =	ssyncset.done $0x0  }
0x38: {  	[sflag:s26] =	ssyncadd.s32 $0xFFFFE000  }
0x39: {  	[spmem:s2] =	stream.indirect.scatter.add.f32 [tilespmem:s22], [sflag:$0x4], $0x10, s28, s19, $0xb8;
	[tilespmem:$0x1D000] =	vst v63  }
0x3a: {  	_ =	swait.ge [sflag:s29], $0x2000  }
0x3b: {  	s30 =	sadd.s32 $0x1, s30;
	[sflag:s29] =	ssyncset.done $0x0  }
0x3c: {  	p1 =	sne.s32 s30, s12;
	[sflag:s29] =	ssyncadd.s32 $0xFFFFE000  }
.Ltmp1:
0x3d: {  	s0 =	sadd.s32 s0, s8;
	[bflag:$0x0] =	sbarrier.arrive $0xFFFF;
	(pc) =	sbr.rel @!p1 .LBB2_9-.Ltmp1, $4  }
0x3e: {  	[hbm:s0], [sflag:s31] =	dma.local [spmem:s16], $0x3100  }
0x3f: {  	_ =	swait.ge [sflag:s17], $0x3100  }
0x40: {  	[sflag:s17] =	ssyncset.done $0x0  }
0x41: {  	[sflag:s17] =	ssyncadd.s32 $0xFFFFCF00  }
.LBB2_1:
.Ltmp2:
0x42: {  	(pc) =	sbr.rel @!p0 .LBB2_2-.Ltmp2, $1  }
0x43: {  	_ =	sdelay $0x3  }
0x44: {  	[spmem:s16], [sflag:s15] =	dma.local [hbm:s11], $0x3100  }
0x45: {  	_ =	swait.ge [sflag:s17], $0x3100  }
0x46: {  	[sflag:s17] =	ssyncset.done $0x0  }
0x47: {  	[sflag:s17] =	ssyncadd.s32 $0xFFFFCF00  }
0x48: {  	[bflag:$0x0] =	sbarrier.arrive $0xFFFF  }
0x49: {  	[tilespmem:s18], [sflag:$0x5] =	stream.linear.gather [hbm4b:s10+s3], $0x400, $0x38;
	[tilespmem:$0x1D000] =	vst v63  }
0x4a: {  	_ =	swait.ge [sflag:s17], $0x400  }
0x4b: {  	[sflag:s17] =	ssyncset.done $0x0  }
0x4c: {  	s0 =	sadd.s32 $0xFFFF9F00, s10;
	[sflag:s17] =	ssyncadd.s32 $0xFFFFFC00  }
0x4d: {  	[tilespmem:s20], [sflag:$0x1] =	stream.indirect.gather [hbm4b:s5+s19], $0x10, s18, s19, $0xb8;
	[tilespmem:$0x1D000] =	vst v63  }
0x4e: {  	s1 =	sadd.s32 $0x6180, s0  }
0x4f: {  	[tilespmem:s21], [sflag:$0x5] =	stream.linear.gather [hbm4b:s1+s3], $0x400, $0x38;
	[tilespmem:$0x1D000] =	vst v63  }
0x50: {  	_ =	swait.ge [sflag:s17], $0x400  }
0x51: {  	[sflag:s17] =	ssyncset.done $0x0  }
0x52: {  	[sflag:s17] =	ssyncadd.s32 $0xFFFFFC00  }
0x53: {  	[tilespmem:s22], [sflag:$0x2] =	stream.indirect.gather [hbm4b:s5+s19], $0x10, s21, s19, $0xb8;
	[tilespmem:$0x1D000] =	vst v63  }
0x54: {  	_ =	swait.ge [sflag:s23], $0x2000  }
0x55: {  	[sflag:s23] =	ssyncset.done $0x0  }
0x56: {  	[sflag:s23] =	ssyncadd.s32 $0xFFFFE000  }
0x57: {  	[spmem:s2] =	stream.indirect.scatter.add.f32 [tilespmem:s20], [sflag:$0x3], $0x10, s24, s19, $0xb8;
	[tilespmem:$0x1D000] =	vst v63  }
0x58: {  	_ =	swait.ge [sflag:s25], $0x2000  }
0x59: {  	[sflag:s25] =	ssyncset.done $0x0  }
0x5a: {  	s0 =	sadd.s32 $0x6200, s0;
	[sflag:s25] =	ssyncadd.s32 $0xFFFFE000  }
0x5b: {  	[tilespmem:s18], [sflag:$0x5] =	stream.linear.gather [hbm4b:s0+s3], $0x400, $0x38;
	[tilespmem:$0x1D000] =	vst v63  }
0x5c: {  	_ =	swait.ge [sflag:s17], $0x400  }
0x5d: {  	[sflag:s17] =	ssyncset.done $0x0  }
0x5e: {  	[sflag:s17] =	ssyncadd.s32 $0xFFFFFC00  }
0x5f: {  	[tilespmem:s20], [sflag:$0x1] =	stream.indirect.gather [hbm4b:s5+s19], $0x10, s18, s19, $0xb8;
	[tilespmem:$0x1D000] =	vst v63  }
0x60: {  	_ =	swait.ge [sflag:s26], $0x2000  }
0x61: {  	[sflag:s26] =	ssyncset.done $0x0  }
0x62: {  	[sflag:s26] =	ssyncadd.s32 $0xFFFFE000  }
0x63: {  	[spmem:s2] =	stream.indirect.scatter.add.f32 [tilespmem:s22], [sflag:$0x4], $0x10, s28, s19, $0xb8;
	[tilespmem:$0x1D000] =	vst v63  }
0x64: {  	_ =	swait.ge [sflag:s29], $0x2000  }
0x65: {  	s1 =	simm.s32 $0xFFFFA100;
	s0 =	sadd.s32 $0xFFFFA000, s10;
	[sflag:s29] =	ssyncset.done $0x0  }
.LBB2_6:
0x66: {  	s6 =	sadd.s32 $0x6180, s0  }
0x67: {  	[sflag:s29] =	ssyncadd.s32 $0xFFFFE000;
	s7 =	smov.u32 s1;
	s9 =	sadd.s32 $0x100, s1  }
0x68: {  	[tilespmem:s21], [sflag:$0x5] =	stream.linear.gather [hbm4b:s6+s3], $0x400, $0x38;
	[tilespmem:$0x1D000] =	vst v63  }
0x69: {  	p1 =	sne.s32 s1, $0xFFFFFF00;
	_ =	swait.ge [sflag:s17], $0x400  }
0x6a: {  	[sflag:s17] =	ssyncset.done $0x0  }
0x6b: {  	[sflag:s17] =	ssyncadd.s32 $0xFFFFFC00  }
0x6c: {  	[tilespmem:s22], [sflag:$0x2] =	stream.indirect.gather [hbm4b:s5+s19], $0x10, s21, s19, $0xb8;
	[tilespmem:$0x1D000] =	vst v63  }
0x6d: {  	_ =	swait.ge [sflag:s23], $0x2000  }
0x6e: {  	[sflag:s23] =	ssyncset.done $0x0  }
0x6f: {  	[sflag:s23] =	ssyncadd.s32 $0xFFFFE000  }
0x70: {  	[spmem:s2] =	stream.indirect.scatter.add.f32 [tilespmem:s20], [sflag:$0x3], $0x10, s24, s19, $0xb8;
	[tilespmem:$0x1D000] =	vst v63  }
0x71: {  	_ =	swait.ge [sflag:s25], $0x2000  }
0x72: {  	[sflag:s25] =	ssyncset.done $0x0  }
0x73: {  	s0 =	sadd.s32 $0x6200, s0;
	[sflag:s25] =	ssyncadd.s32 $0xFFFFE000  }
0x74: {  	[tilespmem:s18], [sflag:$0x5] =	stream.linear.gather [hbm4b:s0+s3], $0x400, $0x38;
	[tilespmem:$0x1D000] =	vst v63  }
0x75: {  	_ =	swait.ge [sflag:s17], $0x400  }
0x76: {  	[sflag:s17] =	ssyncset.done $0x0  }
0x77: {  	[sflag:s17] =	ssyncadd.s32 $0xFFFFFC00  }
0x78: {  	[tilespmem:s20], [sflag:$0x1] =	stream.indirect.gather [hbm4b:s5+s19], $0x10, s18, s19, $0xb8;
	[tilespmem:$0x1D000] =	vst v63  }
0x79: {  	_ =	swait.ge [sflag:s26], $0x2000  }
.Ltmp3:
0x7a: {  	[sflag:s26] =	ssyncset.done $0x0;
	(pc) =	sbr.rel @p1 .LBB2_6-.Ltmp3, $4  }
0x7b: {  	[sflag:s26] =	ssyncadd.s32 $0xFFFFE000  }
0x7c: {  	[spmem:s2] =	stream.indirect.scatter.add.f32 [tilespmem:s22], [sflag:$0x4], $0x10, s28, s19, $0xb8;
	[tilespmem:$0x1D000] =	vst v63  }
0x7d: {  	_ =	swait.ge [sflag:s29], $0x2000  }
0x7e: {  	s1 =	smov.u32 s9;
	s0 =	sadd.s32 s7, s10;
	[sflag:s29] =	ssyncset.done $0x0  }
.Ltmp4:
0x7f: {  	_ = 	snop;
	(pc) =	sbr.rel .LBB2_7-.Ltmp4, $1  }
0x80: {  	_ =	sdelay $0x3  }
.LBB2_2:
0x81: {  	s31 =	sor.u32 $0x1C05, s14;
	s0 =	rddreg [dreg:$0x5]  }
0x82: {  	[spmem:s16], [sflag:s31] =	dma.local [hbm:s0], $0x3100  }
0x83: {  	_ =	swait.ge [sflag:s17], $0x3100  }
0x84: {  	[sflag:s17] =	ssyncset.done $0x0  }
0x85: {  	[sflag:s17] =	ssyncadd.s32 $0xFFFFCF00  }
0x86: {  	[bflag:$0x0] =	sbarrier.arrive $0xFFFF  }
0x87: {  	[tilespmem:s18], [sflag:$0x5] =	stream.linear.gather [hbm4b:s10+s3], $0x400, $0x38;
	[tilespmem:$0x1D000] =	vst v63  }
0x88: {  	_ =	swait.ge [sflag:s17], $0x400  }
0x89: {  	[sflag:s17] =	ssyncset.done $0x0  }
0x8a: {  	s9 =	sadd.s32 $0xFFFF9F00, s10;
	[sflag:s17] =	ssyncadd.s32 $0xFFFFFC00  }
0x8b: {  	[tilespmem:s20], [sflag:$0x1] =	stream.indirect.gather [hbm4b:s4+s19], $0x10, s18, s19, $0xb8;
	[tilespmem:$0x1D000] =	vst v63  }
0x8c: {  	s1 =	sadd.s32 $0x6180, s9  }
0x8d: {  	[tilespmem:s21], [sflag:$0x5] =	stream.linear.gather [hbm4b:s1+s3], $0x400, $0x38;
	[tilespmem:$0x1D000] =	vst v63  }
0x8e: {  	_ =	swait.ge [sflag:s17], $0x400  }
0x8f: {  	[sflag:s17] =	ssyncset.done $0x0  }
0x90: {  	[sflag:s17] =	ssyncadd.s32 $0xFFFFFC00  }
0x91: {  	[tilespmem:s22], [sflag:$0x2] =	stream.indirect.gather [hbm4b:s4+s19], $0x10, s21, s19, $0xb8;
	[tilespmem:$0x1D000] =	vst v63  }
0x92: {  	_ =	swait.ge [sflag:s23], $0x2000  }
0x93: {  	[sflag:s23] =	ssyncset.done $0x0  }
0x94: {  	[sflag:s23] =	ssyncadd.s32 $0xFFFFE000  }
0x95: {  	[spmem:s2] =	stream.indirect.scatter.add.f32 [tilespmem:s20], [sflag:$0x3], $0x10, s24, s19, $0xb8;
	[tilespmem:$0x1D000] =	vst v63  }
0x96: {  	_ =	swait.ge [sflag:s25], $0x2000  }
0x97: {  	[sflag:s25] =	ssyncset.done $0x0  }
0x98: {  	s0 =	sadd.s32 $0x6200, s9;
	[sflag:s25] =	ssyncadd.s32 $0xFFFFE000  }
0x99: {  	[tilespmem:s18], [sflag:$0x5] =	stream.linear.gather [hbm4b:s0+s3], $0x400, $0x38;
	[tilespmem:$0x1D000] =	vst v63  }
0x9a: {  	_ =	swait.ge [sflag:s17], $0x400  }
0x9b: {  	[sflag:s17] =	ssyncset.done $0x0  }
0x9c: {  	[sflag:s17] =	ssyncadd.s32 $0xFFFFFC00  }
0x9d: {  	[tilespmem:s20], [sflag:$0x1] =	stream.indirect.gather [hbm4b:s4+s19], $0x10, s18, s19, $0xb8;
	[tilespmem:$0x1D000] =	vst v63  }
0x9e: {  	_ =	swait.ge [sflag:s26], $0x2000  }
0x9f: {  	[sflag:s26] =	ssyncset.done $0x0  }
0xa0: {  	[sflag:s26] =	ssyncadd.s32 $0xFFFFE000  }
0xa1: {  	[spmem:s2] =	stream.indirect.scatter.add.f32 [tilespmem:s22], [sflag:$0x4], $0x10, s28, s19, $0xb8;
	[tilespmem:$0x1D000] =	vst v63  }
0xa2: {  	_ =	swait.ge [sflag:s29], $0x2000  }
0xa3: {  	s1 =	simm.s32 $0xFFFFA100;
	s0 =	sadd.s32 $0xFFFFA000, s10;
	[sflag:s29] =	ssyncset.done $0x0  }
.LBB2_3:
0xa4: {  	s6 =	sadd.s32 $0x6180, s0  }
0xa5: {  	[sflag:s29] =	ssyncadd.s32 $0xFFFFE000;
	s7 =	smov.u32 s1;
	s9 =	sadd.s32 $0x100, s1  }
0xa6: {  	[tilespmem:s21], [sflag:$0x5] =	stream.linear.gather [hbm4b:s6+s3], $0x400, $0x38;
	[tilespmem:$0x1D000] =	vst v63  }
0xa7: {  	p1 =	seq.s32 s1, $0xFFFFFF00;
	_ =	swait.ge [sflag:s17], $0x400  }
0xa8: {  	[sflag:s17] =	ssyncset.done $0x0  }
0xa9: {  	[sflag:s17] =	ssyncadd.s32 $0xFFFFFC00  }
0xaa: {  	[tilespmem:s22], [sflag:$0x2] =	stream.indirect.gather [hbm4b:s4+s19], $0x10, s21, s19, $0xb8;
	[tilespmem:$0x1D000] =	vst v63  }
0xab: {  	_ =	swait.ge [sflag:s23], $0x2000  }
0xac: {  	[sflag:s23] =	ssyncset.done $0x0  }
0xad: {  	[sflag:s23] =	ssyncadd.s32 $0xFFFFE000  }
0xae: {  	[spmem:s2] =	stream.indirect.scatter.add.f32 [tilespmem:s20], [sflag:$0x3], $0x10, s24, s19, $0xb8;
	[tilespmem:$0x1D000] =	vst v63  }
0xaf: {  	_ =	swait.ge [sflag:s25], $0x2000  }
0xb0: {  	[sflag:s25] =	ssyncset.done $0x0  }
0xb1: {  	s0 =	sadd.s32 $0x6200, s0;
	[sflag:s25] =	ssyncadd.s32 $0xFFFFE000  }
0xb2: {  	[tilespmem:s18], [sflag:$0x5] =	stream.linear.gather [hbm4b:s0+s3], $0x400, $0x38;
	[tilespmem:$0x1D000] =	vst v63  }
0xb3: {  	_ =	swait.ge [sflag:s17], $0x400  }
0xb4: {  	[sflag:s17] =	ssyncset.done $0x0  }
0xb5: {  	[sflag:s17] =	ssyncadd.s32 $0xFFFFFC00  }
0xb6: {  	[tilespmem:s20], [sflag:$0x1] =	stream.indirect.gather [hbm4b:s4+s19], $0x10, s18, s19, $0xb8;
	[tilespmem:$0x1D000] =	vst v63  }
0xb7: {  	_ =	swait.ge [sflag:s26], $0x2000  }
.Ltmp5:
0xb8: {  	[sflag:s26] =	ssyncset.done $0x0;
	(pc) =	sbr.rel @!p1 .LBB2_3-.Ltmp5, $4  }
0xb9: {  	[sflag:s26] =	ssyncadd.s32 $0xFFFFE000  }
0xba: {  	[spmem:s2] =	stream.indirect.scatter.add.f32 [tilespmem:s22], [sflag:$0x4], $0x10, s28, s19, $0xb8;
	[tilespmem:$0x1D000] =	vst v63  }
0xbb: {  	_ =	swait.ge [sflag:s29], $0x2000  }
0xbc: {  	s1 =	smov.u32 s9;
	s0 =	sadd.s32 s7, s10;
	[sflag:s29] =	ssyncset.done $0x0  }
0xbd: {  	s1 =	sadd.s32 $0x6180, s0;
	[sflag:s29] =	ssyncadd.s32 $0xFFFFE000  }
0xbe: {  	[tilespmem:s21], [sflag:$0x5] =	stream.linear.gather [hbm4b:s1+s3], $0x400, $0x38;
	[tilespmem:$0x1D000] =	vst v63  }
0xbf: {  	_ =	swait.ge [sflag:s17], $0x400  }
0xc0: {  	[sflag:s17] =	ssyncset.done $0x0  }
0xc1: {  	[sflag:s17] =	ssyncadd.s32 $0xFFFFFC00  }
0xc2: {  	[tilespmem:s22], [sflag:$0x2] =	stream.indirect.gather [hbm4b:s4+s19], $0x10, s21, s19, $0xb8;
	[tilespmem:$0x1D000] =	vst v63  }
0xc3: {  	_ =	swait.ge [sflag:s23], $0x2000  }
0xc4: {  	[sflag:s23] =	ssyncset.done $0x0  }
0xc5: {  	[sflag:s23] =	ssyncadd.s32 $0xFFFFE000  }
0xc6: {  	[spmem:s2] =	stream.indirect.scatter.add.f32 [tilespmem:s20], [sflag:$0x3], $0x10, s24, s19, $0xb8;
	[tilespmem:$0x1D000] =	vst v63  }
0xc7: {  	_ =	swait.ge [sflag:s25], $0x2000  }
0xc8: {  	[sflag:s25] =	ssyncset.done $0x0  }
0xc9: {  	s9 =	sadd.s32 $0x6200, s0;
	[sflag:s25] =	ssyncadd.s32 $0xFFFFE000  }
0xca: {  	[tilespmem:s18], [sflag:$0x5] =	stream.linear.gather [hbm4b:s9+s3], $0x400, $0x38;
	[tilespmem:$0x1D000] =	vst v63  }
0xcb: {  	_ =	swait.ge [sflag:s17], $0x400  }
0xcc: {  	[sflag:s17] =	ssyncset.done $0x0  }
0xcd: {  	[sflag:s17] =	ssyncadd.s32 $0xFFFFFC00  }
0xce: {  	[tilespmem:s20], [sflag:$0x1] =	stream.indirect.gather [hbm4b:s4+s19], $0x10, s18, s19, $0xb8;
	[tilespmem:$0x1D000] =	vst v63  }
0xcf: {  	_ =	swait.ge [sflag:s26], $0x2000  }
0xd0: {  	[sflag:s26] =	ssyncset.done $0x0  }
.Ltmp6:
0xd1: {  	[sflag:s26] =	ssyncadd.s32 $0xFFFFE000;
	(pc) =	sbr.rel .LBB2_8-.Ltmp6, $4  }
0xd2: {  	[spmem:s2] =	stream.indirect.scatter.add.f32 [tilespmem:s22], [sflag:$0x4], $0x10, s28, s19, $0xb8;
	[tilespmem:$0x1D000] =	vst v63  }
0xd3: {  	_ =	swait.ge [sflag:s29], $0x2000  }
0xd4: {  	[sflag:s29] =	ssyncset.done $0x0  }
0xd5: {  	s1 =	smov.u32 s4;
	s0 =	rddreg [dreg:$0x3];
	[sflag:s29] =	ssyncadd.s32 $0xFFFFE000  }
.LBB2_9:
0xd6: {  	_ =	sfence.sel $0x180000  }
0xd7: {  	[bflag:$0x0] =	sbarrier.arrive $0xFFFF  }
0xd8: {  	_ =	strace $0x9000004D  }
0xd9: {  	s0 =	stileid.u32;
	[bflag:$0x2] =	sbarrier.arrive $0xFFFF  }
0xda: {  	p0 =	sne.s32 s0, $0x0;
	s0 =	rddreg [dreg:$0x2]  }
0xdb: {  	s0 =	sadd.s32 @!p0 $0x100000, s0  }
0xdc: {  	[sflag:s0] =	ssyncadd.tile.s32 @!p0 $0x1;
	_ =	shalt  }
.Lfunc_end2:
_tile_overlayer_lowered:
.L_overlay_start_2:
0xdd: {  	(tag) =	ssettag $0x2  }
0xde: {  	s0 =	rddreg [dreg:$0x0];
	s2 =	stileid.u32  }
0xdf: {  	s1 =	rddreg [dreg:$0x1];
	p0 =	sne.s32 s2, $0x0  }
0xe0: {  	s3 =	rddreg [dreg:$0x2];
	[bflag:$0x3] =	sbarrier.arrive $0xFFFF;
	s2 =	simm.s32 @!p0 $0x1C05  }
0xe1: {  	[timem:s3], [sflag:s2] =	dma.local @!p0 [hbm:s0], s1  }
0xe2: {  	s0 =	simm.s32 @!p0 $0x5  }
0xe3: {  	_ =	swait.ge @!p0 [sflag:s0], s1  }
0xe4: {  	s1 =	ssub.s32 @!p0 $0x0, s1;
	[sflag:s0] =	ssyncset.done @!p0 $0x0  }
0xe5: {  	[sflag:s0] =	ssyncadd.s32 @!p0 s1  }
0xe6: {  	[bflag:$0x3] =	sbarrier.arrive $0xFFFF  }
0xe7: {  	_ =	shalt  }

// kernel: kernel.22.cloned.1.call-start
scs
__scs_entry_jumppad:
0x0: {  	(pc) =	sbr.rel $0x88, $3  }
0x1: {  	(tag) =	ssettag $0x0;
	lr =	simm.s32 $0x1  }
0x2: {  	[smem:$0x3F98] =	sst lr;
	_ =	strace $0xD0000000  }
0x3: {  	_ = 	snop  }
0x4: {  	_ = 	snop  }
0x5: {  	_ = 	snop  }
0x6: {  	_ = 	snop  }
0x7: {  	_ = 	snop  }
__scs_overlays_trampoline_lowered:
0x8: {  	[smem:$0x3FA7] =	sst s0  }
0x9: {  	[smem:$0x3FA8] =	sst s1  }
0xa: {  	[smem:$0x3FA9] =	sst s2  }
0xb: {  	[smem:$0x3FAA] =	sst s3  }
0xc: {  	[smem:$0x3FAB] =	sst s4  }
0xd: {  	[smem:$0x3FAC] =	sst s5  }
0xe: {  	[smem:$0x3FAD] =	sst s6  }
0xf: {  	[smem:$0x3FAE] =	sst s7  }
0x10: {  	[smem:$0x3FAF] =	sst s8  }
0x11: {  	[smem:$0x3FB0] =	sst s9;
	s0 =	simm.s32 @!p0 $0x0  }
0x12: {  	s1 =	sld [smem:$0x3F96];
	s0 =	simm.s32 @p0 $0x1  }
0x13: {  	[smem:$0x3FB1] =	sst s0;
	s0 =	simm.s32 @!p1 $0x0  }
0x14: {  	s2 =	sld [smem:$0x3F95];
	s0 =	simm.s32 @p1 $0x1  }
0x15: {  	[smem:$0x3FB2] =	sst s0;
	s0 =	simm.s32 @!p2 $0x0  }
0x16: {  	s3 =	sld [smem:$0x3FDB];
	s0 =	simm.s32 @p2 $0x1  }
0x17: {  	s4 =	simm.s32 $0x1BF5;
	[smem:$0x3FB4] =	sst s0  }
0x18: {  	s0 =	sld [smem:$0x3F97];
	_ =	swait.ge [sflag:s4], $0x0  }
0x19: {  	s7 =	sld [smem:$0x3F98]  }
0x1a: {  	s8 =	sadd.s32 $0xFFFFE003, lr  }
0x1b: {  	s9 =	sadd.s32 $0xFFFFFEF7, lr;
	s5 =	simm.s32 $0xFFFFFFFF;
	p2 =	slt.u32 s8, $0xFFFFF086  }
0x1c: {  	p1 =	slt.u32 s9, $0xF7A;
	s5 =	simm.s32 @!p2 $0x0  }
0x1d: {  	s5 =	simm.s32 @p1 $0x1;
	p0 =	seq.s32 s7, s2  }
0x1e: {  	s7 =	smul.u32 @!p0 $0xF7A, s2;
	p2 =	seq.s32 @!p0 s5, $0x0  }
0x1f: {  	s9 =	smul.u32 $0xF7A, s1;
	s8 =	simm.s32 @!p0 $0x1BF5;
	p2 =	por !p2, p0  }
0x20: {  	[sflag:s8] =	ssyncset.s32 @!p0 $0xFFFFF086;
	s6 =	sadd.s32 @!p0 s3, s7;
	s7 =	simm.s32 @!p0 $0x108  }
0x21: {  	s3 =	sadd.s32 s3, s9;
	s6 =	sadd.s32 @!p0 $0x88, s6;
	s7 =	simm.s32 @p2 $0x1082  }
0x22: {  	[simem:s7], [sflag:s8] =	dma.local @!p0 [hbm:s6], $0xF7A  }
0x23: {  	s9 =	sor.u32 $0xD0000000, s2;
	s6 =	simm.s32 $0x108;
	_ =	swait.ge @!p0 [sflag:s8], $0x0  }
0x24: {  	s3 =	sadd.s32 $0x88, s3;
	s6 =	simm.s32 @!p1 $0x1082;
	[sflag:s4] =	ssyncset.s32 $0xFFFFF086  }
0x25: {  	[simem:s6], [sflag:s4] =	dma.local [hbm:s3], $0xF7A  }
0x26: {  	[smem:$0x3F98] =	sst s1;
	(tag) =	ssettag s2;
	_ =	strace s9  }
0x27: {  	s1 =	sld [smem:$0x3FA8]  }
0x28: {  	s2 =	sld [smem:$0x3FA9]  }
0x29: {  	s4 =	sld [smem:$0x3FAB]  }
0x2a: {  	p0 =	seq.s32 s5, $0x0;
	s5 =	sld [smem:$0x3FAC]  }
0x2b: {  	s6 =	sld [smem:$0x3FAD]  }
0x2c: {  	s7 =	sld [smem:$0x3FAE]  }
0x2d: {  	s3 =	simm.s32 $0x108;
	s8 =	sld [smem:$0x3FAF]  }
0x2e: {  	s3 =	simm.s32 @!p0 $0x1082;
	s9 =	sld [smem:$0x3FB0]  }
0x2f: {  	lr =	sadd.s32 s0, s3;
	s0 =	sld [smem:$0x3FA7]  }
0x30: {  	s3 =	sld [smem:$0x3FAA]  }
0x31: {  	[smem:$0x3FB3] =	sst s10  }
0x32: {  	s10 =	sld [smem:$0x3FB1];
	_ =	sdelay $0x3  }
0x33: {  	p0 =	seq.s32 s10, $0x1;
	s10 =	sld [smem:$0x3FB3];
	_ =	sdelay $0x3  }
0x34: {  	[smem:$0x3FB3] =	sst s10  }
0x35: {  	s10 =	sld [smem:$0x3FB2];
	_ =	sdelay $0x3  }
0x36: {  	p1 =	seq.s32 s10, $0x1;
	s10 =	sld [smem:$0x3FB3];
	_ =	sdelay $0x3  }
0x37: {  	[smem:$0x3FB3] =	sst s10  }
0x38: {  	s10 =	sld [smem:$0x3FB4]  }
0x39: {  	_ = 	snop;
	(pc) =	sbr.ind lr, $3  }
0x3a: {  	_ = 	snop  }
0x3b: {  	_ = 	snop  }
0x3c: {  	p2 =	seq.s32 s10, $0x1;
	s10 =	sld [smem:$0x3FB3]  }
0x3d: {  	_ =	shalt  }
0x3e: {  	_ =	shalt  }
0x3f: {  	_ =	shalt  }
0x40: {  	_ =	shalt  }
0x41: {  	_ =	shalt  }
0x42: {  	_ =	shalt  }
0x43: {  	_ =	shalt  }
0x44: {  	_ =	shalt  }
0x45: {  	_ =	shalt  }
0x46: {  	_ =	shalt  }
0x47: {  	_ =	shalt  }
0x48: {  	_ =	shalt  }
0x49: {  	_ =	shalt  }
0x4a: {  	_ =	shalt  }
0x4b: {  	_ =	shalt  }
0x4c: {  	_ =	shalt  }
0x4d: {  	_ =	shalt  }
0x4e: {  	_ =	shalt  }
0x4f: {  	_ =	shalt  }
0x50: {  	_ =	shalt  }
0x51: {  	_ =	shalt  }
0x52: {  	_ =	shalt  }
0x53: {  	_ =	shalt  }
0x54: {  	_ =	shalt  }
0x55: {  	_ =	shalt  }
0x56: {  	_ =	shalt  }
0x57: {  	_ =	shalt  }
0x58: {  	_ =	shalt  }
0x59: {  	_ =	shalt  }
0x5a: {  	_ =	shalt  }
0x5b: {  	_ =	shalt  }
0x5c: {  	_ =	shalt  }
0x5d: {  	_ =	shalt  }
0x5e: {  	_ =	shalt  }
0x5f: {  	_ =	shalt  }
0x60: {  	_ =	shalt  }
0x61: {  	_ =	shalt  }
0x62: {  	_ =	shalt  }
0x63: {  	_ =	shalt  }
0x64: {  	_ =	shalt  }
0x65: {  	_ =	shalt  }
0x66: {  	_ =	shalt  }
0x67: {  	_ =	shalt  }
0x68: {  	_ =	shalt  }
0x69: {  	_ =	shalt  }
0x6a: {  	_ =	shalt  }
0x6b: {  	_ =	shalt  }
0x6c: {  	_ =	shalt  }
0x6d: {  	_ =	shalt  }
0x6e: {  	_ =	shalt  }
0x6f: {  	_ =	shalt  }
0x70: {  	_ =	shalt  }
0x71: {  	_ =	shalt  }
0x72: {  	_ =	shalt  }
0x73: {  	_ =	shalt  }
0x74: {  	_ =	shalt  }
0x75: {  	_ =	shalt  }
0x76: {  	_ =	shalt  }
0x77: {  	_ =	shalt  }
0x78: {  	_ =	shalt  }
0x79: {  	_ =	shalt  }
0x7a: {  	_ =	shalt  }
0x7b: {  	_ =	shalt  }
0x7c: {  	_ =	shalt  }
0x7d: {  	_ =	shalt  }
0x7e: {  	_ =	shalt  }
0x7f: {  	_ =	shalt  }
0x80: {  	_ =	shalt  }
0x81: {  	_ =	shalt  }
0x82: {  	_ =	shalt  }
0x83: {  	_ =	shalt  }
0x84: {  	_ =	shalt  }
0x85: {  	_ =	shalt  }
0x86: {  	_ =	shalt  }
0x87: {  	_ =	shalt  }
.Lfunc_end0:
.L_simem_size_0:
called_computation.3_lowered:
.L_overlay_start_0:
0x88: {  	s2 =	sld [smem:$0x3FD9]  }
0x89: {  	s3 =	sld [smem:$0x3FFE];
	_ =	sdelay $0x1  }
0x8a: {  	s1 =	srdreg.scid  }
0x8b: {  	s0 =	sand.u32 $0x1, s1  }
0x8c: {  	s16 =	sshll.u32 s0, $0xA;
	s2 =	sadd.s32 s3, s2  }
0x8d: {  	s2 =	sadd.s32 s2, s16  }
0x8e: {  	[smem:$0x3FBF] =	sst s2  }
0x8f: {  	_ = 	snop  }
0x90: {  	(tm) =	ssettm $0x1  }
0x91: {  	s17 =	sld [smem:$0x3FFB];
	_ =	sdelay $0x3  }
0x92: {  	_ =	strace s17  }
0x93: {  	s2 =	sld [smem:$0x3FFC];
	_ =	sdelay $0x3  }
0x94: {  	_ =	strace s2  }
0x95: {  	s2 =	sld [smem:$0x3FFD];
	_ =	sdelay $0x3  }
0x96: {  	_ =	strace s2  }
0x97: {  	_ =	strace $0x8FFFFFFF  }
0x98: {  	s18 =	sld [smem:$0x3FDB];
	_ =	sdelay $0x1  }
0x99: {  	s19 =	simm.s32 $_scs_section_size  }
0x9a: {  	s4 =	simm.s32 $_size__tile_overlayer_lowered;
	s5 =	simm.s32 $_tile_overlayer_lowered  }
0x9b: {  	s22 =	simm.s32 $0x1BFF;
	s21 =	sshll.u32 s5, $0x1;
	s2 =	sadd.s32 s19, s18  }
0x9c: {  	s6 =	simm.s32 $0x0;
	s20 =	sshll.u32 s4, $0x1;
	s4 =	sadd.s32 s21, s2  }
0x9d: {  	[timem:s6], [sflag:s22] =	dma.local [hbm:s4], s20  }
0x9e: {  	_ =	swait.ge [sflag:s22], s20  }
0x9f: {  	s3 =	ssub.s32 $0x0, s20;
	[sflag:s22] =	ssyncset.done $0x0  }
0xa0: {  	[sflag:s22] =	ssyncadd.s32 s3;
	_ =	sdelay $0x1  }
0xa1: {  	s23 =	simm.s32 $0x1B8B  }
0xa2: {  	_ =	swait.ge [sflag:s23], $0x1  }
0xa3: {  	[sflag:s23] =	ssyncset.done $0x0  }
0xa4: {  	s25 =	simm.s32 $0x1B8E;
	s24 =	sld [smem:$0x3FFE];
	[sflag:s23] =	ssyncadd.s32 $0xFFFFFFFF  }
0xa5: {  	s26 =	simm.s32 $execute0_lowered;
	[smem:$0x3FD2] =	sst s25  }
0xa6: {  	s4 =	sshll.u32 s26, $0x1;
	_ =	strace $0x8000004F;
	[dreg:$0x1] =	wrdreg $0xFFFFFFFF  }
0xa7: {  	s28 =	simm.s32 $_size_execute0_lowered;
	s2 =	sadd.s32 s2, s4;
	[dreg:$0x0] =	wrdreg $0x0  }
0xa8: {  	s4 =	sshll.u32 s28, $0x1;
	[dreg:$0x2] =	wrdreg s2  }
0xa9: {  	[dreg:$0x3] =	wrdreg s4  }
0xaa: {  	[dreg:$0x4] =	wrdreg $0xC0  }
0xab: {  	_ =	task [dreg:s6], $0x5FFFF  }
0xac: {  	[dreg:$0x1] =	wrdreg $0xFFFFFFFF  }
0xad: {  	[dreg:$0x0] =	wrdreg $0x60  }
0xae: {  	[dreg:$0x2] =	wrdreg s24  }
0xaf: {  	[dreg:$0x3] =	wrdreg $0x0  }
0xb0: {  	[dreg:$0x4] =	wrdreg $0x9  }
0xb1: {  	_ =	task.clear_ibuf [dreg:s6], $0x5FFFF;
	_ =	strace $0x9000004F  }
0xb2: {  	s29 =	simm.s32 $0x9;
	_ =	strace $0x80000051  }
0xb3: {  	_ =	swait.ge [sflag:s29], $0x1  }
0xb4: {  	[sflag:s29] =	ssyncadd.s32 $0xFFFFFFFF  }
0xb5: {  	_ =	strace $0x90000051  }
0xb6: {  	_ =	sfence  }
0xb7: {  	s30 =	sld [smem:$0x0];
	_ =	sdelay $0x2  }
0xb8: {  	s31 =	sshll.u32 s1, $0xD;
	s1 =	sshrl.u32 s1, $0x2  }
0xb9: {  	s3 =	sand.u32 $0x4000, s31;
	s1 =	sadd.s32 s1, s30  }
0xba: {  	s0 =	sor.u32 s3, s0;
	s1 =	sshll.u32 s1, $0x11  }
0xbb: {  	s0 =	sor.u32 s1, s0  }
0xbc: {  	s0 =	sadd.s32 $0x8F2B, s0  }
0xbd: {  	[sflag:s0] =	ssyncadd.remote.s32 $0x1  }
0xbe: {  	_ =	sfence.sel $0xFFFF  }
0xbf: {  	[dreg:$0x0] =	wrdreg $0xFFFFFFFF;
	(pc) =	sbr.abs _section_cstart, $3  }
0xc0: {  	[dreg:$0x1] =	wrdreg $0xFFFFFFFF  }
0xc1: {  	_ =	task.clear_ibuf [dreg:s6], $0x2FFFF;
	_ =	strace $0x9FFFFFFF  }
0xc2: {  	(tm) =	ssettm $0x7FFFFFFF  }
0xc3: {  	_ =	shalt  }
tec
execute0_lowered:
.L_overlay_start_1:
0x0: {  	(tag) =	ssettag $0x1  }
0x1: {  	s0 =	rddreg [dreg:$0x0]  }
0x2: {  	s2 =	rddreg [dreg:$0x1];
	s3 =	simm.s32 $0x0;
	s7 =	stileid.u32  }
0x3: {  	s1 =	srdreg.scid;
	s17 =	simm.s32 $0x5;
	s18 =	simm.s32 $0x18800  }
0x4: {  	s19 =	simm.s32 $0x200;
	s20 =	simm.s32 $0x18C00;
	s21 =	simm.s32 $0x1AC00  }
0x5: {  	s22 =	simm.s32 $0x1B000;
	s23 =	simm.s32 $0x1;
	s28 =	simm.s32 $0x1AE00  }
0x6: {  	s29 =	simm.s32 $0x4;
	s30 =	simm.s32 $0x0;
	[smem:$0x7FF] =	sst s3  }
0x7: {  	s6 =	smul.u32 $0x6200, s7;
	s1 =	sand.u32 $0x1, s1;
	s4 =	sadd.s32 $0xC9400, s0  }
0x8: {  	s5 =	sadd.s32 $0xFA400, s0;
	s10 =	smul.u32 $0x18800, s7;
	s24 =	sadd.s32 $0x12B400, s0  }
0x9: {  	s14 =	sshll.u32 s7, $0x6;
	_ =	strace $0x80000050;
	s8 =	ssub.s32 $0x2, s1  }
0xa: {  	[dreg:$0x3] =	wrdreg s24;
	p0 =	seq.s32 s1, $0x1;
	s15 =	sor.u32 $0x1C05, s14  }
0xb: {  	s24 =	simm.s32 $0x18A00;
	s13 =	sadd.s32 s6, s0;
	s9 =	sshrl.u32 s8, $0x1  }
.Ltmp0:
0xc: {  	s0 =	sadd.s32 $0x15C400, s0;
	s26 =	sadd.s32 s10, s2;
	(pc) =	sbr.rel .LBB2_1-.Ltmp0, $4  }
0xd: {  	[dreg:$0x4] =	wrdreg s0;
	s25 =	ssub.s32 s8, s9;
	s8 =	sshrl.u32 s10, $0x3  }
0xe: {  	s10 =	sadd.s32 $0x5400, s13;
	s13 =	sadd.s32 $0xB580, s13;
	s16 =	sshrl.u32 s26, $0x3  }
0xf: {  	s26 =	simm.s32 $0x2;
	s31 =	sadd.s32 s4, s8;
	s11 =	sadd.s32 s5, s8  }
0x10: {  	s12 =	smax.u32 s25, $0x1;
	s25 =	simm.s32 $0x3;
	[dreg:$0x5] =	wrdreg s31  }
.LBB2_7:
0x11: {  	s1 =	sadd.s32 $0x6180, s0;
	[sflag:s29] =	ssyncadd.s32 $0xFFFFE000  }
0x12: {  	[tilespmem:s21], [sflag:$0x5] =	stream.linear.gather [hbm4b:s1+s3], $0x400, $0x38;
	[tilespmem:$0x1D000] =	vst v63  }
0x13: {  	_ =	swait.ge [sflag:s17], $0x400  }
0x14: {  	[sflag:s17] =	ssyncset.done $0x0  }
0x15: {  	[sflag:s17] =	ssyncadd.s32 $0xFFFFFC00  }
0x16: {  	[tilespmem:s22], [sflag:$0x2] =	stream.indirect.gather [hbm4b:s5+s19], $0x10, s21, s19, $0xb8;
	[tilespmem:$0x1D000] =	vst v63  }
0x17: {  	_ =	swait.ge [sflag:s23], $0x2000  }
0x18: {  	[sflag:s23] =	ssyncset.done $0x0  }
0x19: {  	[sflag:s23] =	ssyncadd.s32 $0xFFFFE000  }
0x1a: {  	[spmem:s2] =	stream.indirect.scatter.add.f32 [tilespmem:s20], [sflag:$0x3], $0x10, s24, s19, $0xb8;
	[tilespmem:$0x1D000] =	vst v63  }
0x1b: {  	_ =	swait.ge [sflag:s25], $0x2000  }
0x1c: {  	[sflag:s25] =	ssyncset.done $0x0  }
0x1d: {  	s9 =	sadd.s32 $0x6200, s0;
	[sflag:s25] =	ssyncadd.s32 $0xFFFFE000  }
0x1e: {  	[tilespmem:s18], [sflag:$0x5] =	stream.linear.gather [hbm4b:s9+s3], $0x400, $0x38;
	[tilespmem:$0x1D000] =	vst v63  }
0x1f: {  	_ =	swait.ge [sflag:s17], $0x400  }
0x20: {  	[sflag:s17] =	ssyncset.done $0x0  }
0x21: {  	[sflag:s17] =	ssyncadd.s32 $0xFFFFFC00  }
0x22: {  	[tilespmem:s20], [sflag:$0x1] =	stream.indirect.gather [hbm4b:s5+s19], $0x10, s18, s19, $0xb8;
	[tilespmem:$0x1D000] =	vst v63  }
0x23: {  	_ =	swait.ge [sflag:s26], $0x2000  }
0x24: {  	[sflag:s26] =	ssyncset.done $0x0  }
0x25: {  	[sflag:s26] =	ssyncadd.s32 $0xFFFFE000  }
0x26: {  	[spmem:s2] =	stream.indirect.scatter.add.f32 [tilespmem:s22], [sflag:$0x4], $0x10, s28, s19, $0xb8;
	[tilespmem:$0x1D000] =	vst v63  }
0x27: {  	_ =	swait.ge [sflag:s29], $0x2000  }
0x28: {  	s31 =	smov.u32 s15;
	[sflag:s29] =	ssyncset.done $0x0  }
0x29: {  	s1 =	smov.u32 s5;
	s0 =	rddreg [dreg:$0x4];
	[sflag:s29] =	ssyncadd.s32 $0xFFFFE000  }
.LBB2_8:
0x2a: {  	[tilespmem:s21], [sflag:$0x5] =	stream.linear.gather [hbm4b:s13+s3], $0x400, $0x38;
	[tilespmem:$0x1D000] =	vst v63  }
0x2b: {  	_ =	swait.ge [sflag:s17], $0x400  }
0x2c: {  	[sflag:s17] =	ssyncset.done $0x0  }
0x2d: {  	[sflag:s17] =	ssyncadd.s32 $0xFFFFFC00  }
0x2e: {  	[tilespmem:s22], [sflag:$0x2] =	stream.indirect.gather [hbm4b:s1+s19], $0x10, s21, s19, $0xb8;
	[tilespmem:$0x1D000] =	vst v63  }
0x2f: {  	_ =	swait.ge [sflag:s23], $0x2000  }
0x30: {  	[sflag:s23] =	ssyncset.done $0x0  }
0x31: {  	[sflag:s23] =	ssyncadd.s32 $0xFFFFE000  }
0x32: {  	[spmem:s2] =	stream.indirect.scatter.add.f32 [tilespmem:s20], [sflag:$0x3], $0x10, s24, s19, $0xb8;
	[tilespmem:$0x1D000] =	vst v63  }
0x33: {  	_ =	swait.ge [sflag:s25], $0x2000  }
0x34: {  	[sflag:s25] =	ssyncset.done $0x0  }
0x35: {  	[sflag:s25] =	ssyncadd.s32 $0xFFFFE000  }
0x36: {  	_ =	swait.ge [sflag:s26], $0x2000  }
0x37: {  	[sflag:s26] =	ssyncset.done $0x0  }
0x38: {  	[sflag:s26] =	ssyncadd.s32 $0xFFFFE000  }
0x39: {  	[spmem:s2] =	stream.indirect.scatter.add.f32 [tilespmem:s22], [sflag:$0x4], $0x10, s28, s19, $0xb8;
	[tilespmem:$0x1D000] =	vst v63  }
0x3a: {  	_ =	swait.ge [sflag:s29], $0x2000  }
0x3b: {  	s30 =	sadd.s32 $0x1, s30;
	[sflag:s29] =	ssyncset.done $0x0  }
0x3c: {  	p1 =	sne.s32 s30, s12;
	[sflag:s29] =	ssyncadd.s32 $0xFFFFE000  }
.Ltmp1:
0x3d: {  	s0 =	sadd.s32 s0, s8;
	[bflag:$0x0] =	sbarrier.arrive $0xFFFF;
	(pc) =	sbr.rel @!p1 .LBB2_9-.Ltmp1, $4  }
0x3e: {  	[hbm:s0], [sflag:s31] =	dma.local [spmem:s16], $0x3100  }
0x3f: {  	_ =	swait.ge [sflag:s17], $0x3100  }
0x40: {  	[sflag:s17] =	ssyncset.done $0x0  }
0x41: {  	[sflag:s17] =	ssyncadd.s32 $0xFFFFCF00  }
.LBB2_1:
.Ltmp2:
0x42: {  	(pc) =	sbr.rel @!p0 .LBB2_2-.Ltmp2, $1  }
0x43: {  	_ =	sdelay $0x3  }
0x44: {  	[spmem:s16], [sflag:s15] =	dma.local [hbm:s11], $0x3100  }
0x45: {  	_ =	swait.ge [sflag:s17], $0x3100  }
0x46: {  	[sflag:s17] =	ssyncset.done $0x0  }
0x47: {  	[sflag:s17] =	ssyncadd.s32 $0xFFFFCF00  }
0x48: {  	[bflag:$0x0] =	sbarrier.arrive $0xFFFF  }
0x49: {  	[tilespmem:s18], [sflag:$0x5] =	stream.linear.gather [hbm4b:s10+s3], $0x400, $0x38;
	[tilespmem:$0x1D000] =	vst v63  }
0x4a: {  	_ =	swait.ge [sflag:s17], $0x400  }
0x4b: {  	[sflag:s17] =	ssyncset.done $0x0  }
0x4c: {  	s0 =	sadd.s32 $0xFFFF9F00, s10;
	[sflag:s17] =	ssyncadd.s32 $0xFFFFFC00  }
0x4d: {  	[tilespmem:s20], [sflag:$0x1] =	stream.indirect.gather [hbm4b:s5+s19], $0x10, s18, s19, $0xb8;
	[tilespmem:$0x1D000] =	vst v63  }
0x4e: {  	s1 =	sadd.s32 $0x6180, s0  }
0x4f: {  	[tilespmem:s21], [sflag:$0x5] =	stream.linear.gather [hbm4b:s1+s3], $0x400, $0x38;
	[tilespmem:$0x1D000] =	vst v63  }
0x50: {  	_ =	swait.ge [sflag:s17], $0x400  }
0x51: {  	[sflag:s17] =	ssyncset.done $0x0  }
0x52: {  	[sflag:s17] =	ssyncadd.s32 $0xFFFFFC00  }
0x53: {  	[tilespmem:s22], [sflag:$0x2] =	stream.indirect.gather [hbm4b:s5+s19], $0x10, s21, s19, $0xb8;
	[tilespmem:$0x1D000] =	vst v63  }
0x54: {  	_ =	swait.ge [sflag:s23], $0x2000  }
0x55: {  	[sflag:s23] =	ssyncset.done $0x0  }
0x56: {  	[sflag:s23] =	ssyncadd.s32 $0xFFFFE000  }
0x57: {  	[spmem:s2] =	stream.indirect.scatter.add.f32 [tilespmem:s20], [sflag:$0x3], $0x10, s24, s19, $0xb8;
	[tilespmem:$0x1D000] =	vst v63  }
0x58: {  	_ =	swait.ge [sflag:s25], $0x2000  }
0x59: {  	[sflag:s25] =	ssyncset.done $0x0  }
0x5a: {  	s0 =	sadd.s32 $0x6200, s0;
	[sflag:s25] =	ssyncadd.s32 $0xFFFFE000  }
0x5b: {  	[tilespmem:s18], [sflag:$0x5] =	stream.linear.gather [hbm4b:s0+s3], $0x400, $0x38;
	[tilespmem:$0x1D000] =	vst v63  }
0x5c: {  	_ =	swait.ge [sflag:s17], $0x400  }
0x5d: {  	[sflag:s17] =	ssyncset.done $0x0  }
0x5e: {  	[sflag:s17] =	ssyncadd.s32 $0xFFFFFC00  }
0x5f: {  	[tilespmem:s20], [sflag:$0x1] =	stream.indirect.gather [hbm4b:s5+s19], $0x10, s18, s19, $0xb8;
	[tilespmem:$0x1D000] =	vst v63  }
0x60: {  	_ =	swait.ge [sflag:s26], $0x2000  }
0x61: {  	[sflag:s26] =	ssyncset.done $0x0  }
0x62: {  	[sflag:s26] =	ssyncadd.s32 $0xFFFFE000  }
0x63: {  	[spmem:s2] =	stream.indirect.scatter.add.f32 [tilespmem:s22], [sflag:$0x4], $0x10, s28, s19, $0xb8;
	[tilespmem:$0x1D000] =	vst v63  }
0x64: {  	_ =	swait.ge [sflag:s29], $0x2000  }
0x65: {  	s1 =	simm.s32 $0xFFFFA100;
	s0 =	sadd.s32 $0xFFFFA000, s10;
	[sflag:s29] =	ssyncset.done $0x0  }
.LBB2_6:
0x66: {  	s6 =	sadd.s32 $0x6180, s0  }
0x67: {  	[sflag:s29] =	ssyncadd.s32 $0xFFFFE000;
	s7 =	smov.u32 s1;
	s9 =	sadd.s32 $0x100, s1  }
0x68: {  	[tilespmem:s21], [sflag:$0x5] =	stream.linear.gather [hbm4b:s6+s3], $0x400, $0x38;
	[tilespmem:$0x1D000] =	vst v63  }
0x69: {  	p1 =	sne.s32 s1, $0xFFFFFF00;
	_ =	swait.ge [sflag:s17], $0x400  }
0x6a: {  	[sflag:s17] =	ssyncset.done $0x0  }
0x6b: {  	[sflag:s17] =	ssyncadd.s32 $0xFFFFFC00  }
0x6c: {  	[tilespmem:s22], [sflag:$0x2] =	stream.indirect.gather [hbm4b:s5+s19], $0x10, s21, s19, $0xb8;
	[tilespmem:$0x1D000] =	vst v63  }
0x6d: {  	_ =	swait.ge [sflag:s23], $0x2000  }
0x6e: {  	[sflag:s23] =	ssyncset.done $0x0  }
0x6f: {  	[sflag:s23] =	ssyncadd.s32 $0xFFFFE000  }
0x70: {  	[spmem:s2] =	stream.indirect.scatter.add.f32 [tilespmem:s20], [sflag:$0x3], $0x10, s24, s19, $0xb8;
	[tilespmem:$0x1D000] =	vst v63  }
0x71: {  	_ =	swait.ge [sflag:s25], $0x2000  }
0x72: {  	[sflag:s25] =	ssyncset.done $0x0  }
0x73: {  	s0 =	sadd.s32 $0x6200, s0;
	[sflag:s25] =	ssyncadd.s32 $0xFFFFE000  }
0x74: {  	[tilespmem:s18], [sflag:$0x5] =	stream.linear.gather [hbm4b:s0+s3], $0x400, $0x38;
	[tilespmem:$0x1D000] =	vst v63  }
0x75: {  	_ =	swait.ge [sflag:s17], $0x400  }
0x76: {  	[sflag:s17] =	ssyncset.done $0x0  }
0x77: {  	[sflag:s17] =	ssyncadd.s32 $0xFFFFFC00  }
0x78: {  	[tilespmem:s20], [sflag:$0x1] =	stream.indirect.gather [hbm4b:s5+s19], $0x10, s18, s19, $0xb8;
	[tilespmem:$0x1D000] =	vst v63  }
0x79: {  	_ =	swait.ge [sflag:s26], $0x2000  }
.Ltmp3:
0x7a: {  	[sflag:s26] =	ssyncset.done $0x0;
	(pc) =	sbr.rel @p1 .LBB2_6-.Ltmp3, $4  }
0x7b: {  	[sflag:s26] =	ssyncadd.s32 $0xFFFFE000  }
0x7c: {  	[spmem:s2] =	stream.indirect.scatter.add.f32 [tilespmem:s22], [sflag:$0x4], $0x10, s28, s19, $0xb8;
	[tilespmem:$0x1D000] =	vst v63  }
0x7d: {  	_ =	swait.ge [sflag:s29], $0x2000  }
0x7e: {  	s1 =	smov.u32 s9;
	s0 =	sadd.s32 s7, s10;
	[sflag:s29] =	ssyncset.done $0x0  }
.Ltmp4:
0x7f: {  	_ = 	snop;
	(pc) =	sbr.rel .LBB2_7-.Ltmp4, $1  }
0x80: {  	_ =	sdelay $0x3  }
.LBB2_2:
0x81: {  	s31 =	sor.u32 $0x1C05, s14;
	s0 =	rddreg [dreg:$0x5]  }
0x82: {  	[spmem:s16], [sflag:s31] =	dma.local [hbm:s0], $0x3100  }
0x83: {  	_ =	swait.ge [sflag:s17], $0x3100  }
0x84: {  	[sflag:s17] =	ssyncset.done $0x0  }
0x85: {  	[sflag:s17] =	ssyncadd.s32 $0xFFFFCF00  }
0x86: {  	[bflag:$0x0] =	sbarrier.arrive $0xFFFF  }
0x87: {  	[tilespmem:s18], [sflag:$0x5] =	stream.linear.gather [hbm4b:s10+s3], $0x400, $0x38;
	[tilespmem:$0x1D000] =	vst v63  }
0x88: {  	_ =	swait.ge [sflag:s17], $0x400  }
0x89: {  	[sflag:s17] =	ssyncset.done $0x0  }
0x8a: {  	s9 =	sadd.s32 $0xFFFF9F00, s10;
	[sflag:s17] =	ssyncadd.s32 $0xFFFFFC00  }
0x8b: {  	[tilespmem:s20], [sflag:$0x1] =	stream.indirect.gather [hbm4b:s4+s19], $0x10, s18, s19, $0xb8;
	[tilespmem:$0x1D000] =	vst v63  }
0x8c: {  	s1 =	sadd.s32 $0x6180, s9  }
0x8d: {  	[tilespmem:s21], [sflag:$0x5] =	stream.linear.gather [hbm4b:s1+s3], $0x400, $0x38;
	[tilespmem:$0x1D000] =	vst v63  }
0x8e: {  	_ =	swait.ge [sflag:s17], $0x400  }
0x8f: {  	[sflag:s17] =	ssyncset.done $0x0  }
0x90: {  	[sflag:s17] =	ssyncadd.s32 $0xFFFFFC00  }
0x91: {  	[tilespmem:s22], [sflag:$0x2] =	stream.indirect.gather [hbm4b:s4+s19], $0x10, s21, s19, $0xb8;
	[tilespmem:$0x1D000] =	vst v63  }
0x92: {  	_ =	swait.ge [sflag:s23], $0x2000  }
0x93: {  	[sflag:s23] =	ssyncset.done $0x0  }
0x94: {  	[sflag:s23] =	ssyncadd.s32 $0xFFFFE000  }
0x95: {  	[spmem:s2] =	stream.indirect.scatter.add.f32 [tilespmem:s20], [sflag:$0x3], $0x10, s24, s19, $0xb8;
	[tilespmem:$0x1D000] =	vst v63  }
0x96: {  	_ =	swait.ge [sflag:s25], $0x2000  }
0x97: {  	[sflag:s25] =	ssyncset.done $0x0  }
0x98: {  	s0 =	sadd.s32 $0x6200, s9;
	[sflag:s25] =	ssyncadd.s32 $0xFFFFE000  }
0x99: {  	[tilespmem:s18], [sflag:$0x5] =	stream.linear.gather [hbm4b:s0+s3], $0x400, $0x38;
	[tilespmem:$0x1D000] =	vst v63  }
0x9a: {  	_ =	swait.ge [sflag:s17], $0x400  }
0x9b: {  	[sflag:s17] =	ssyncset.done $0x0  }
0x9c: {  	[sflag:s17] =	ssyncadd.s32 $0xFFFFFC00  }
0x9d: {  	[tilespmem:s20], [sflag:$0x1] =	stream.indirect.gather [hbm4b:s4+s19], $0x10, s18, s19, $0xb8;
	[tilespmem:$0x1D000] =	vst v63  }
0x9e: {  	_ =	swait.ge [sflag:s26], $0x2000  }
0x9f: {  	[sflag:s26] =	ssyncset.done $0x0  }
0xa0: {  	[sflag:s26] =	ssyncadd.s32 $0xFFFFE000  }
0xa1: {  	[spmem:s2] =	stream.indirect.scatter.add.f32 [tilespmem:s22], [sflag:$0x4], $0x10, s28, s19, $0xb8;
	[tilespmem:$0x1D000] =	vst v63  }
0xa2: {  	_ =	swait.ge [sflag:s29], $0x2000  }
0xa3: {  	s1 =	simm.s32 $0xFFFFA100;
	s0 =	sadd.s32 $0xFFFFA000, s10;
	[sflag:s29] =	ssyncset.done $0x0  }
.LBB2_3:
0xa4: {  	s6 =	sadd.s32 $0x6180, s0  }
0xa5: {  	[sflag:s29] =	ssyncadd.s32 $0xFFFFE000;
	s7 =	smov.u32 s1;
	s9 =	sadd.s32 $0x100, s1  }
0xa6: {  	[tilespmem:s21], [sflag:$0x5] =	stream.linear.gather [hbm4b:s6+s3], $0x400, $0x38;
	[tilespmem:$0x1D000] =	vst v63  }
0xa7: {  	p1 =	seq.s32 s1, $0xFFFFFF00;
	_ =	swait.ge [sflag:s17], $0x400  }
0xa8: {  	[sflag:s17] =	ssyncset.done $0x0  }
0xa9: {  	[sflag:s17] =	ssyncadd.s32 $0xFFFFFC00  }
0xaa: {  	[tilespmem:s22], [sflag:$0x2] =	stream.indirect.gather [hbm4b:s4+s19], $0x10, s21, s19, $0xb8;
	[tilespmem:$0x1D000] =	vst v63  }
0xab: {  	_ =	swait.ge [sflag:s23], $0x2000  }
0xac: {  	[sflag:s23] =	ssyncset.done $0x0  }
0xad: {  	[sflag:s23] =	ssyncadd.s32 $0xFFFFE000  }
0xae: {  	[spmem:s2] =	stream.indirect.scatter.add.f32 [tilespmem:s20], [sflag:$0x3], $0x10, s24, s19, $0xb8;
	[tilespmem:$0x1D000] =	vst v63  }
0xaf: {  	_ =	swait.ge [sflag:s25], $0x2000  }
0xb0: {  	[sflag:s25] =	ssyncset.done $0x0  }
0xb1: {  	s0 =	sadd.s32 $0x6200, s0;
	[sflag:s25] =	ssyncadd.s32 $0xFFFFE000  }
0xb2: {  	[tilespmem:s18], [sflag:$0x5] =	stream.linear.gather [hbm4b:s0+s3], $0x400, $0x38;
	[tilespmem:$0x1D000] =	vst v63  }
0xb3: {  	_ =	swait.ge [sflag:s17], $0x400  }
0xb4: {  	[sflag:s17] =	ssyncset.done $0x0  }
0xb5: {  	[sflag:s17] =	ssyncadd.s32 $0xFFFFFC00  }
0xb6: {  	[tilespmem:s20], [sflag:$0x1] =	stream.indirect.gather [hbm4b:s4+s19], $0x10, s18, s19, $0xb8;
	[tilespmem:$0x1D000] =	vst v63  }
0xb7: {  	_ =	swait.ge [sflag:s26], $0x2000  }
.Ltmp5:
0xb8: {  	[sflag:s26] =	ssyncset.done $0x0;
	(pc) =	sbr.rel @!p1 .LBB2_3-.Ltmp5, $4  }
0xb9: {  	[sflag:s26] =	ssyncadd.s32 $0xFFFFE000  }
0xba: {  	[spmem:s2] =	stream.indirect.scatter.add.f32 [tilespmem:s22], [sflag:$0x4], $0x10, s28, s19, $0xb8;
	[tilespmem:$0x1D000] =	vst v63  }
0xbb: {  	_ =	swait.ge [sflag:s29], $0x2000  }
0xbc: {  	s1 =	smov.u32 s9;
	s0 =	sadd.s32 s7, s10;
	[sflag:s29] =	ssyncset.done $0x0  }
0xbd: {  	s1 =	sadd.s32 $0x6180, s0;
	[sflag:s29] =	ssyncadd.s32 $0xFFFFE000  }
0xbe: {  	[tilespmem:s21], [sflag:$0x5] =	stream.linear.gather [hbm4b:s1+s3], $0x400, $0x38;
	[tilespmem:$0x1D000] =	vst v63  }
0xbf: {  	_ =	swait.ge [sflag:s17], $0x400  }
0xc0: {  	[sflag:s17] =	ssyncset.done $0x0  }
0xc1: {  	[sflag:s17] =	ssyncadd.s32 $0xFFFFFC00  }
0xc2: {  	[tilespmem:s22], [sflag:$0x2] =	stream.indirect.gather [hbm4b:s4+s19], $0x10, s21, s19, $0xb8;
	[tilespmem:$0x1D000] =	vst v63  }
0xc3: {  	_ =	swait.ge [sflag:s23], $0x2000  }
0xc4: {  	[sflag:s23] =	ssyncset.done $0x0  }
0xc5: {  	[sflag:s23] =	ssyncadd.s32 $0xFFFFE000  }
0xc6: {  	[spmem:s2] =	stream.indirect.scatter.add.f32 [tilespmem:s20], [sflag:$0x3], $0x10, s24, s19, $0xb8;
	[tilespmem:$0x1D000] =	vst v63  }
0xc7: {  	_ =	swait.ge [sflag:s25], $0x2000  }
0xc8: {  	[sflag:s25] =	ssyncset.done $0x0  }
0xc9: {  	s9 =	sadd.s32 $0x6200, s0;
	[sflag:s25] =	ssyncadd.s32 $0xFFFFE000  }
0xca: {  	[tilespmem:s18], [sflag:$0x5] =	stream.linear.gather [hbm4b:s9+s3], $0x400, $0x38;
	[tilespmem:$0x1D000] =	vst v63  }
0xcb: {  	_ =	swait.ge [sflag:s17], $0x400  }
0xcc: {  	[sflag:s17] =	ssyncset.done $0x0  }
0xcd: {  	[sflag:s17] =	ssyncadd.s32 $0xFFFFFC00  }
0xce: {  	[tilespmem:s20], [sflag:$0x1] =	stream.indirect.gather [hbm4b:s4+s19], $0x10, s18, s19, $0xb8;
	[tilespmem:$0x1D000] =	vst v63  }
0xcf: {  	_ =	swait.ge [sflag:s26], $0x2000  }
0xd0: {  	[sflag:s26] =	ssyncset.done $0x0  }
.Ltmp6:
0xd1: {  	[sflag:s26] =	ssyncadd.s32 $0xFFFFE000;
	(pc) =	sbr.rel .LBB2_8-.Ltmp6, $4  }
0xd2: {  	[spmem:s2] =	stream.indirect.scatter.add.f32 [tilespmem:s22], [sflag:$0x4], $0x10, s28, s19, $0xb8;
	[tilespmem:$0x1D000] =	vst v63  }
0xd3: {  	_ =	swait.ge [sflag:s29], $0x2000  }
0xd4: {  	[sflag:s29] =	ssyncset.done $0x0  }
0xd5: {  	s1 =	smov.u32 s4;
	s0 =	rddreg [dreg:$0x3];
	[sflag:s29] =	ssyncadd.s32 $0xFFFFE000  }
.LBB2_9:
0xd6: {  	_ =	sfence.sel $0x180000  }
0xd7: {  	[bflag:$0x0] =	sbarrier.arrive $0xFFFF  }
0xd8: {  	_ =	strace $0x90000050  }
0xd9: {  	s0 =	stileid.u32;
	[bflag:$0x2] =	sbarrier.arrive $0xFFFF  }
0xda: {  	p0 =	sne.s32 s0, $0x0;
	s0 =	rddreg [dreg:$0x2]  }
0xdb: {  	s0 =	sadd.s32 @!p0 $0x100000, s0  }
0xdc: {  	[sflag:s0] =	ssyncadd.tile.s32 @!p0 $0x1;
	_ =	shalt  }
.Lfunc_end2:
_tile_overlayer_lowered:
.L_overlay_start_2:
0xdd: {  	(tag) =	ssettag $0x2  }
0xde: {  	s0 =	rddreg [dreg:$0x0];
	s2 =	stileid.u32  }
0xdf: {  	s1 =	rddreg [dreg:$0x1];
	p0 =	sne.s32 s2, $0x0  }
0xe0: {  	s3 =	rddreg [dreg:$0x2];
	[bflag:$0x3] =	sbarrier.arrive $0xFFFF;
	s2 =	simm.s32 @!p0 $0x1C05  }
0xe1: {  	[timem:s3], [sflag:s2] =	dma.local @!p0 [hbm:s0], s1  }
0xe2: {  	s0 =	simm.s32 @!p0 $0x5  }
0xe3: {  	_ =	swait.ge @!p0 [sflag:s0], s1  }
0xe4: {  	s1 =	ssub.s32 @!p0 $0x0, s1;
	[sflag:s0] =	ssyncset.done @!p0 $0x0  }
0xe5: {  	[sflag:s0] =	ssyncadd.s32 @!p0 s1  }
0xe6: {  	[bflag:$0x3] =	sbarrier.arrive $0xFFFF  }
0xe7: {  	_ =	shalt  }

// kernel: kernel.25.cloned.1.call-start
scs
__scs_entry_jumppad:
0x0: {  	(pc) =	sbr.rel $0x88, $3  }
0x1: {  	(tag) =	ssettag $0x0;
	lr =	simm.s32 $0x1  }
0x2: {  	[smem:$0x3F98] =	sst lr;
	_ =	strace $0xD0000000  }
0x3: {  	_ = 	snop  }
0x4: {  	_ = 	snop  }
0x5: {  	_ = 	snop  }
0x6: {  	_ = 	snop  }
0x7: {  	_ = 	snop  }
__scs_overlays_trampoline_lowered:
0x8: {  	[smem:$0x3FA7] =	sst s0  }
0x9: {  	[smem:$0x3FA8] =	sst s1  }
0xa: {  	[smem:$0x3FA9] =	sst s2  }
0xb: {  	[smem:$0x3FAA] =	sst s3  }
0xc: {  	[smem:$0x3FAB] =	sst s4  }
0xd: {  	[smem:$0x3FAC] =	sst s5  }
0xe: {  	[smem:$0x3FAD] =	sst s6  }
0xf: {  	[smem:$0x3FAE] =	sst s7  }
0x10: {  	[smem:$0x3FAF] =	sst s8  }
0x11: {  	[smem:$0x3FB0] =	sst s9;
	s0 =	simm.s32 @!p0 $0x0  }
0x12: {  	s1 =	sld [smem:$0x3F96];
	s0 =	simm.s32 @p0 $0x1  }
0x13: {  	[smem:$0x3FB1] =	sst s0;
	s0 =	simm.s32 @!p1 $0x0  }
0x14: {  	s2 =	sld [smem:$0x3F95];
	s0 =	simm.s32 @p1 $0x1  }
0x15: {  	[smem:$0x3FB2] =	sst s0;
	s0 =	simm.s32 @!p2 $0x0  }
0x16: {  	s3 =	sld [smem:$0x3FDB];
	s0 =	simm.s32 @p2 $0x1  }
0x17: {  	s4 =	simm.s32 $0x1BF5;
	[smem:$0x3FB4] =	sst s0  }
0x18: {  	s0 =	sld [smem:$0x3F97];
	_ =	swait.ge [sflag:s4], $0x0  }
0x19: {  	s7 =	sld [smem:$0x3F98]  }
0x1a: {  	s8 =	sadd.s32 $0xFFFFE003, lr  }
0x1b: {  	s9 =	sadd.s32 $0xFFFFFEF7, lr;
	s5 =	simm.s32 $0xFFFFFFFF;
	p2 =	slt.u32 s8, $0xFFFFF086  }
0x1c: {  	p1 =	slt.u32 s9, $0xF7A;
	s5 =	simm.s32 @!p2 $0x0  }
0x1d: {  	s5 =	simm.s32 @p1 $0x1;
	p0 =	seq.s32 s7, s2  }
0x1e: {  	s7 =	smul.u32 @!p0 $0xF7A, s2;
	p2 =	seq.s32 @!p0 s5, $0x0  }
0x1f: {  	s9 =	smul.u32 $0xF7A, s1;
	s8 =	simm.s32 @!p0 $0x1BF5;
	p2 =	por !p2, p0  }
0x20: {  	[sflag:s8] =	ssyncset.s32 @!p0 $0xFFFFF086;
	s6 =	sadd.s32 @!p0 s3, s7;
	s7 =	simm.s32 @!p0 $0x108  }
0x21: {  	s3 =	sadd.s32 s3, s9;
	s6 =	sadd.s32 @!p0 $0x88, s6;
	s7 =	simm.s32 @p2 $0x1082  }
0x22: {  	[simem:s7], [sflag:s8] =	dma.local @!p0 [hbm:s6], $0xF7A  }
0x23: {  	s9 =	sor.u32 $0xD0000000, s2;
	s6 =	simm.s32 $0x108;
	_ =	swait.ge @!p0 [sflag:s8], $0x0  }
0x24: {  	s3 =	sadd.s32 $0x88, s3;
	s6 =	simm.s32 @!p1 $0x1082;
	[sflag:s4] =	ssyncset.s32 $0xFFFFF086  }
0x25: {  	[simem:s6], [sflag:s4] =	dma.local [hbm:s3], $0xF7A  }
0x26: {  	[smem:$0x3F98] =	sst s1;
	(tag) =	ssettag s2;
	_ =	strace s9  }
0x27: {  	s1 =	sld [smem:$0x3FA8]  }
0x28: {  	s2 =	sld [smem:$0x3FA9]  }
0x29: {  	s4 =	sld [smem:$0x3FAB]  }
0x2a: {  	p0 =	seq.s32 s5, $0x0;
	s5 =	sld [smem:$0x3FAC]  }
0x2b: {  	s6 =	sld [smem:$0x3FAD]  }
0x2c: {  	s7 =	sld [smem:$0x3FAE]  }
0x2d: {  	s3 =	simm.s32 $0x108;
	s8 =	sld [smem:$0x3FAF]  }
0x2e: {  	s3 =	simm.s32 @!p0 $0x1082;
	s9 =	sld [smem:$0x3FB0]  }
0x2f: {  	lr =	sadd.s32 s0, s3;
	s0 =	sld [smem:$0x3FA7]  }
0x30: {  	s3 =	sld [smem:$0x3FAA]  }
0x31: {  	[smem:$0x3FB3] =	sst s10  }
0x32: {  	s10 =	sld [smem:$0x3FB1];
	_ =	sdelay $0x3  }
0x33: {  	p0 =	seq.s32 s10, $0x1;
	s10 =	sld [smem:$0x3FB3];
	_ =	sdelay $0x3  }
0x34: {  	[smem:$0x3FB3] =	sst s10  }
0x35: {  	s10 =	sld [smem:$0x3FB2];
	_ =	sdelay $0x3  }
0x36: {  	p1 =	seq.s32 s10, $0x1;
	s10 =	sld [smem:$0x3FB3];
	_ =	sdelay $0x3  }
0x37: {  	[smem:$0x3FB3] =	sst s10  }
0x38: {  	s10 =	sld [smem:$0x3FB4]  }
0x39: {  	_ = 	snop;
	(pc) =	sbr.ind lr, $3  }
0x3a: {  	_ = 	snop  }
0x3b: {  	_ = 	snop  }
0x3c: {  	p2 =	seq.s32 s10, $0x1;
	s10 =	sld [smem:$0x3FB3]  }
0x3d: {  	_ =	shalt  }
0x3e: {  	_ =	shalt  }
0x3f: {  	_ =	shalt  }
0x40: {  	_ =	shalt  }
0x41: {  	_ =	shalt  }
0x42: {  	_ =	shalt  }
0x43: {  	_ =	shalt  }
0x44: {  	_ =	shalt  }
0x45: {  	_ =	shalt  }
0x46: {  	_ =	shalt  }
0x47: {  	_ =	shalt  }
0x48: {  	_ =	shalt  }
0x49: {  	_ =	shalt  }
0x4a: {  	_ =	shalt  }
0x4b: {  	_ =	shalt  }
0x4c: {  	_ =	shalt  }
0x4d: {  	_ =	shalt  }
0x4e: {  	_ =	shalt  }
0x4f: {  	_ =	shalt  }
0x50: {  	_ =	shalt  }
0x51: {  	_ =	shalt  }
0x52: {  	_ =	shalt  }
0x53: {  	_ =	shalt  }
0x54: {  	_ =	shalt  }
0x55: {  	_ =	shalt  }
0x56: {  	_ =	shalt  }
0x57: {  	_ =	shalt  }
0x58: {  	_ =	shalt  }
0x59: {  	_ =	shalt  }
0x5a: {  	_ =	shalt  }
0x5b: {  	_ =	shalt  }
0x5c: {  	_ =	shalt  }
0x5d: {  	_ =	shalt  }
0x5e: {  	_ =	shalt  }
0x5f: {  	_ =	shalt  }
0x60: {  	_ =	shalt  }
0x61: {  	_ =	shalt  }
0x62: {  	_ =	shalt  }
0x63: {  	_ =	shalt  }
0x64: {  	_ =	shalt  }
0x65: {  	_ =	shalt  }
0x66: {  	_ =	shalt  }
0x67: {  	_ =	shalt  }
0x68: {  	_ =	shalt  }
0x69: {  	_ =	shalt  }
0x6a: {  	_ =	shalt  }
0x6b: {  	_ =	shalt  }
0x6c: {  	_ =	shalt  }
0x6d: {  	_ =	shalt  }
0x6e: {  	_ =	shalt  }
0x6f: {  	_ =	shalt  }
0x70: {  	_ =	shalt  }
0x71: {  	_ =	shalt  }
0x72: {  	_ =	shalt  }
0x73: {  	_ =	shalt  }
0x74: {  	_ =	shalt  }
0x75: {  	_ =	shalt  }
0x76: {  	_ =	shalt  }
0x77: {  	_ =	shalt  }
0x78: {  	_ =	shalt  }
0x79: {  	_ =	shalt  }
0x7a: {  	_ =	shalt  }
0x7b: {  	_ =	shalt  }
0x7c: {  	_ =	shalt  }
0x7d: {  	_ =	shalt  }
0x7e: {  	_ =	shalt  }
0x7f: {  	_ =	shalt  }
0x80: {  	_ =	shalt  }
0x81: {  	_ =	shalt  }
0x82: {  	_ =	shalt  }
0x83: {  	_ =	shalt  }
0x84: {  	_ =	shalt  }
0x85: {  	_ =	shalt  }
0x86: {  	_ =	shalt  }
0x87: {  	_ =	shalt  }
.Lfunc_end0:
.L_simem_size_0:
called_computation.4_lowered:
.L_overlay_start_0:
0x88: {  	s2 =	sld [smem:$0x3FD9]  }
0x89: {  	s3 =	sld [smem:$0x3FFE];
	_ =	sdelay $0x1  }
0x8a: {  	s1 =	srdreg.scid  }
0x8b: {  	s0 =	sand.u32 $0x1, s1  }
0x8c: {  	s16 =	sshll.u32 s0, $0xA;
	s2 =	sadd.s32 s3, s2  }
0x8d: {  	s2 =	sadd.s32 s2, s16  }
0x8e: {  	[smem:$0x3FBF] =	sst s2  }
0x8f: {  	_ = 	snop  }
0x90: {  	(tm) =	ssettm $0x1  }
0x91: {  	s17 =	sld [smem:$0x3FFB];
	_ =	sdelay $0x3  }
0x92: {  	_ =	strace s17  }
0x93: {  	s2 =	sld [smem:$0x3FFC];
	_ =	sdelay $0x3  }
0x94: {  	_ =	strace s2  }
0x95: {  	s2 =	sld [smem:$0x3FFD];
	_ =	sdelay $0x3  }
0x96: {  	_ =	strace s2  }
0x97: {  	_ =	strace $0x8FFFFFFF  }
0x98: {  	s18 =	sld [smem:$0x3FDB];
	_ =	sdelay $0x1  }
0x99: {  	s19 =	simm.s32 $_scs_section_size  }
0x9a: {  	s4 =	simm.s32 $_size__tile_overlayer_lowered;
	s5 =	simm.s32 $_tile_overlayer_lowered  }
0x9b: {  	s22 =	simm.s32 $0x1BFF;
	s21 =	sshll.u32 s5, $0x1;
	s2 =	sadd.s32 s19, s18  }
0x9c: {  	s6 =	simm.s32 $0x0;
	s20 =	sshll.u32 s4, $0x1;
	s4 =	sadd.s32 s21, s2  }
0x9d: {  	[timem:s6], [sflag:s22] =	dma.local [hbm:s4], s20  }
0x9e: {  	_ =	swait.ge [sflag:s22], s20  }
0x9f: {  	s3 =	ssub.s32 $0x0, s20;
	[sflag:s22] =	ssyncset.done $0x0  }
0xa0: {  	[sflag:s22] =	ssyncadd.s32 s3;
	_ =	sdelay $0x1  }
0xa1: {  	s23 =	simm.s32 $0x1B8B  }
0xa2: {  	_ =	swait.ge [sflag:s23], $0x1  }
0xa3: {  	[sflag:s23] =	ssyncset.done $0x0  }
0xa4: {  	s25 =	simm.s32 $0x1B8E;
	s24 =	sld [smem:$0x3FFE];
	[sflag:s23] =	ssyncadd.s32 $0xFFFFFFFF  }
0xa5: {  	s26 =	simm.s32 $execute0_lowered;
	[smem:$0x3FD2] =	sst s25  }
0xa6: {  	s4 =	sshll.u32 s26, $0x1;
	_ =	strace $0x80000052;
	[dreg:$0x1] =	wrdreg $0xFFFFFFFF  }
0xa7: {  	s28 =	simm.s32 $_size_execute0_lowered;
	s2 =	sadd.s32 s2, s4;
	[dreg:$0x0] =	wrdreg $0x0  }
0xa8: {  	s4 =	sshll.u32 s28, $0x1;
	[dreg:$0x2] =	wrdreg s2  }
0xa9: {  	[dreg:$0x3] =	wrdreg s4  }
0xaa: {  	[dreg:$0x4] =	wrdreg $0xC0  }
0xab: {  	_ =	task [dreg:s6], $0x5FFFF  }
0xac: {  	[dreg:$0x1] =	wrdreg $0xFFFFFFFF  }
0xad: {  	[dreg:$0x0] =	wrdreg $0x60  }
0xae: {  	[dreg:$0x2] =	wrdreg s24  }
0xaf: {  	[dreg:$0x3] =	wrdreg $0x9  }
0xb0: {  	_ =	task.clear_ibuf [dreg:s6], $0x4FFFF;
	_ =	strace $0x90000052  }
0xb1: {  	s29 =	simm.s32 $0x9;
	_ =	strace $0x80000054  }
0xb2: {  	_ =	swait.ge [sflag:s29], $0x1  }
0xb3: {  	[sflag:s29] =	ssyncadd.s32 $0xFFFFFFFF  }
0xb4: {  	_ =	strace $0x90000054  }
0xb5: {  	_ =	sfence  }
0xb6: {  	s30 =	sld [smem:$0x0];
	_ =	sdelay $0x2  }
0xb7: {  	s31 =	sshll.u32 s1, $0xD;
	s1 =	sshrl.u32 s1, $0x2  }
0xb8: {  	s3 =	sand.u32 $0x4000, s31;
	s1 =	sadd.s32 s1, s30  }
0xb9: {  	s0 =	sor.u32 s3, s0;
	s1 =	sshll.u32 s1, $0x11  }
0xba: {  	s0 =	sor.u32 s1, s0  }
0xbb: {  	s0 =	sadd.s32 $0x8F2B, s0  }
0xbc: {  	[sflag:s0] =	ssyncadd.remote.s32 $0x1  }
0xbd: {  	_ =	sfence.sel $0xFFFF  }
0xbe: {  	[dreg:$0x0] =	wrdreg $0xFFFFFFFF;
	(pc) =	sbr.abs _section_cstart, $3  }
0xbf: {  	[dreg:$0x1] =	wrdreg $0xFFFFFFFF  }
0xc0: {  	_ =	task.clear_ibuf [dreg:s6], $0x2FFFF;
	_ =	strace $0x9FFFFFFF  }
0xc1: {  	(tm) =	ssettm $0x7FFFFFFF  }
tec
execute0_lowered:
.L_overlay_start_1:
0x0: {  	(tag) =	ssettag $0x1  }
0x1: {  	s8 =	rddreg [dreg:$0x0]  }
0x2: {  	s0 =	rddreg [dreg:$0x1];
	s2 =	simm.s32 $0x0  }
0x3: {  	s3 =	srdreg.scid;
	s1 =	stileid.u32;
	s13 =	simm.s32 $0x1A600  }
0x4: {  	s14 =	simm.s32 $0x1B400;
	s15 =	simm.s32 $0x1B4E0;
	s16 =	simm.s32 $0x1B5C0  }
0x5: {  	s17 =	simm.s32 $0x0;
	[smem:$0x7FF] =	sst s2;
	s6 =	sand.u32 $0x1, s3  }
0x6: {  	s5 =	sshll.u32 s1, $0x1;
	s3 =	sadd.s32 $0x5400, s8;
	s4 =	sadd.s32 $0x36400, s8  }
0x7: {  	s7 =	sadd.s32 $0x193800, s8;
	s9 =	sor.u32 s6, s5;
	s11 =	ssub.s32 $0x2, s6  }
0x8: {  	_ =	strace $0x80000053;
	s10 =	smul.u32 $0x3300, s9;
	s12 =	sshrl.u32 s11, $0x1  }
0x9: {  	s5 =	sadd.s32 $0x18D400, s8;
	s6 =	sadd.s32 $0x190600, s8;
	s11 =	ssub.s32 s11, s12  }
0xa: {  	s12 =	simm.s32 $0x1;
	s10 =	sadd.s32 s10, s8;
	s8 =	smul.u32 $0xC40, s9  }
0xb: {  	v0 =	vimm.f32 $-Inf;
	s9 =	sadd.s32 $0x67400, s10;
	s10 =	smax.u32 s11, $0x1;
	s11 =	simm.s32 $0x19800  }
.LBB2_1:
0xc: {  	s18 =	simm.s32 $0x80;
	s19 =	simm.s32 $0x0  }
.LBB2_2:
0xd: {  	p0 =	sne.s32 s18, $0x65F80;
	[tilespmem:s19+$0x0] =	vst v0;
	s20 =	smov.u32 s18;
	s18 =	sadd.s32 $0x80, s18  }
.Ltmp0:
0xe: {  	[tilespmem:s19+$0x10] =	vst v0;
	(pc) =	sbr.rel @p0 .LBB2_2-.Ltmp0, $2  }
0xf: {  	_ =	sdelay $0x2  }
0x10: {  	s19 =	sshra.s32 s20, $0x2  }
0x11: {  	[tilespmem:s19+$0x0] =	vst v0  }
0x12: {  	s18 =	simm.s32 $0x0;
	[tilespmem:s19+$0x10] =	vst v0;
	s19 =	simm.s32 $0x0  }
.LBB2_4:
0x13: {  	s20 =	smul.u32 $0xE0, s19;
	_ =	sdelay $0x1  }
0x14: {  	s20 =	sadd.s32 s8, s20  }
0x15: {  	s21 =	sshll.u32 s20, $0x1  }
0x16: {  	s22 =	sadd.s32 s3, s21  }
0x17: {  	[tilespmem:s11], [sflag:$0x1] =	stream.linear.gather [hbm4b:s22+s18], $0xE00, $0x38;
	[tilespmem:$0x1B6A0] =	vst v63  }
0x18: {  	_ =	swait.ge [sflag:s12], $0xE00  }
0x19: {  	[sflag:s12] =	ssyncset.done $0x0  }
0x1a: {  	s21 =	sadd.s32 s4, s21;
	[sflag:s12] =	ssyncadd.s32 $0xFFFFF200  }
0x1b: {  	[tilespmem:s13], [sflag:$0x1] =	stream.linear.gather [hbm4b:s21+s18], $0xE00, $0x38;
	[tilespmem:$0x1B6A0] =	vst v63  }
0x1c: {  	_ =	swait.ge [sflag:s12], $0xE00  }
0x1d: {  	s20 =	sshrl.u32 s20, $0x3;
	[sflag:s12] =	ssyncset.done $0x0  }
0x1e: {  	s23 =	sadd.s32 s5, s20;
	[sflag:s12] =	ssyncadd.s32 $0xFFFFF200  }
0x1f: {  	[tilespmem:s14], [sflag:$0x1] =	stream.linear.gather [hbm4b:s23+s18], $0xE0, $0x38;
	[tilespmem:$0x1B6A0] =	vst v63  }
0x20: {  	_ =	swait.ge [sflag:s12], $0xE0  }
0x21: {  	[sflag:s12] =	ssyncset.done $0x0  }
0x22: {  	s24 =	sadd.s32 s6, s20;
	[sflag:s12] =	ssyncadd.s32 $0xFFFFFF20  }
0x23: {  	[tilespmem:s15], [sflag:$0x1] =	stream.linear.gather [hbm4b:s24+s18], $0xE0, $0x38;
	[tilespmem:$0x1B6A0] =	vst v63  }
0x24: {  	_ =	swait.ge [sflag:s12], $0xE0  }
0x25: {  	[sflag:s12] =	ssyncset.done $0x0  }
0x26: {  	s20 =	sadd.s32 s7, s20;
	[sflag:s12] =	ssyncadd.s32 $0xFFFFFF20  }
0x27: {  	[tilespmem:s16], [sflag:$0x1] =	stream.linear.gather [hbm4b:s20+s18], $0xE0, $0x38;
	[tilespmem:$0x1B6A0] =	vst v63  }
0x28: {  	_ =	swait.ge [sflag:s12], $0xE0  }
0x29: {  	[sflag:s12] =	ssyncset.done $0x0  }
0x2a: {  	s25 =	simm.s32 $0x0;
	[sflag:s12] =	ssyncadd.s32 $0xFFFFFF20  }
0x2b: {  	v1 =	vld [tilespmem:s25+$0x1B400];
	_ =	sdelay $0x2  }
0x2c: {  	v2 =	vld [tilespmem:s25+$0x1B4E0];
	_ =	sdelay $0x1  }
0x2d: {  	v1 =	vmul.f32 $1.600000000e+01, v1;
	_ =	sdelay $0x1  }
0x2e: {  	v1 =	vtrunc.f32 v1  }
0x2f: {  	v3 =	vld [tilespmem:s25+$0x1B5C0];
	v2 =	vmul.f32 $1.200000000e+01, v2;
	v1 =	vcvt.f32.s32 v1;
	_ =	sdelay $0x1  }
0x30: {  	v2 =	vtrunc.f32 v2;
	vm0 =	vgt.s32 v1, $0x0  }
0x31: {  	v2 =	vcvt.f32.s32 v2;
	v1 =	vnsel vm0, $0x0, v1  }
0x32: {  	v1 =	vmin.u32 v1, $0xF  }
0x33: {  	v3 =	vmul.u32 $0xC0, v3;
	vm15 =	vgt.s32 v2, $0x0;
	v1 =	vmul.u32 $0xC, v1  }
0x34: {  	v2 =	vnsel vm15, $0x0, v2  }
0x35: {  	v2 =	vmin.u32 v2, $0xB;
	v1 =	vadd.s32 v3, v1  }
0x36: {  	v1 =	vadd.s32 v2, v1  }
0x37: {  	v1 =	vshll.u32 v1, $0x7  }
0x38: {  	v1 =	vshra.s32 v1, $0x2  }
0x39: {  	(v2sf) =	vpush v1, $0x0;
	_ =	sdelay $0xd  }
0x3a: {  	s20 =	simm.s32 $0x19880;
	(v2sf) =	vpush v1, $0x1  }
0x3b: {  	v2 =	vld [tilespmem:s20+$0xFFFFFF80];
	s26 =	spop (v2sf)  }
0x3c: {  	v3 =	vld [tilespmem:s26+$0x0];
	_ =	sdelay $0x4  }
0x3d: {  	v2 =	vmax.f32 v3, v2  }
0x3e: {  	s21 =	simm.s32 $0x1A680;
	v3 =	vld [tilespmem:s26+$0x10];
	[tilespmem:s26+$0x0] =	vst v2  }
0x3f: {  	v2 =	vld [tilespmem:s21+$0xFFFFFF80];
	_ =	sdelay $0x4  }
0x40: {  	v2 =	vmax.f32 v3, v2  }
0x41: {  	(v2sf) =	vpush v1, $0x2;
	s23 =	spop (v2sf);
	[tilespmem:s26+$0x10] =	vst v2  }
0x42: {  	v2 =	vld [tilespmem:s23+$0x0]  }
0x43: {  	v3 =	vld [tilespmem:s20+$0xFFFFFF90];
	_ =	sdelay $0x4  }
0x44: {  	v2 =	vmax.f32 v2, v3  }
0x45: {  	v3 =	vld [tilespmem:s23+$0x10];
	[tilespmem:s23+$0x0] =	vst v2  }
0x46: {  	v2 =	vld [tilespmem:s21+$0xFFFFFF90];
	_ =	sdelay $0x4  }
0x47: {  	v2 =	vmax.f32 v3, v2  }
0x48: {  	s28 =	spop (v2sf);
	(v2sf) =	vpush v1, $0x3;
	[tilespmem:s23+$0x10] =	vst v2  }
0x49: {  	v2 =	vld [tilespmem:s28+$0x0]  }
0x4a: {  	v3 =	vld [tilespmem:s20+$0xFFFFFFA0];
	_ =	sdelay $0x4  }
0x4b: {  	v2 =	vmax.f32 v2, v3  }
0x4c: {  	[tilespmem:s28+$0x0] =	vst v2;
	v2 =	vld [tilespmem:s28+$0x10]  }
0x4d: {  	v3 =	vld [tilespmem:s21+$0xFFFFFFA0];
	_ =	sdelay $0x4  }
0x4e: {  	v2 =	vmax.f32 v2, v3  }
0x4f: {  	s29 =	spop (v2sf);
	(v2sf) =	vpush v1, $0x4;
	[tilespmem:s28+$0x10] =	vst v2  }
0x50: {  	v2 =	vld [tilespmem:s29+$0x0]  }
0x51: {  	v3 =	vld [tilespmem:s20+$0xFFFFFFB0];
	_ =	sdelay $0x4  }
0x52: {  	v2 =	vmax.f32 v2, v3  }
0x53: {  	[tilespmem:s29+$0x0] =	vst v2;
	v2 =	vld [tilespmem:s29+$0x10]  }
0x54: {  	v3 =	vld [tilespmem:s21+$0xFFFFFFB0];
	_ =	sdelay $0x4  }
0x55: {  	v2 =	vmax.f32 v2, v3  }
0x56: {  	s30 =	spop (v2sf);
	(v2sf) =	vpush v1, $0x5;
	[tilespmem:s29+$0x10] =	vst v2  }
0x57: {  	v2 =	vld [tilespmem:s30+$0x0]  }
0x58: {  	v3 =	vld [tilespmem:s20+$0xFFFFFFC0];
	_ =	sdelay $0x4  }
0x59: {  	v2 =	vmax.f32 v2, v3  }
0x5a: {  	[tilespmem:s30+$0x0] =	vst v2;
	v2 =	vld [tilespmem:s30+$0x10]  }
0x5b: {  	v3 =	vld [tilespmem:s21+$0xFFFFFFC0];
	_ =	sdelay $0x4  }
0x5c: {  	v2 =	vmax.f32 v2, v3  }
0x5d: {  	s31 =	spop (v2sf);
	(v2sf) =	vpush v1, $0x6;
	[tilespmem:s30+$0x10] =	vst v2  }
0x5e: {  	v2 =	vld [tilespmem:s31+$0x0]  }
0x5f: {  	v3 =	vld [tilespmem:s20+$0xFFFFFFD0];
	_ =	sdelay $0x4  }
0x60: {  	v2 =	vmax.f32 v2, v3  }
0x61: {  	[tilespmem:s31+$0x0] =	vst v2;
	v2 =	vld [tilespmem:s31+$0x10]  }
0x62: {  	v3 =	vld [tilespmem:s21+$0xFFFFFFD0];
	_ =	sdelay $0x4  }
0x63: {  	v2 =	vmax.f32 v2, v3  }
0x64: {  	s23 =	spop (v2sf);
	(v2sf) =	vpush v1, $0x7;
	[tilespmem:s31+$0x10] =	vst v2  }
0x65: {  	v2 =	vld [tilespmem:s23+$0x0]  }
0x66: {  	v3 =	vld [tilespmem:s20+$0xFFFFFFE0];
	_ =	sdelay $0x4  }
0x67: {  	v2 =	vmax.f32 v2, v3  }
0x68: {  	[tilespmem:s23+$0x0] =	vst v2;
	v2 =	vld [tilespmem:s23+$0x10]  }
0x69: {  	v3 =	vld [tilespmem:s21+$0xFFFFFFE0];
	_ =	sdelay $0x4  }
0x6a: {  	v2 =	vmax.f32 v2, v3  }
0x6b: {  	s24 =	spop (v2sf);
	(v2sf) =	vpush v1, $0x8;
	[tilespmem:s23+$0x10] =	vst v2  }
0x6c: {  	v2 =	vld [tilespmem:s24+$0x0]  }
0x6d: {  	v3 =	vld [tilespmem:s20+$0xFFFFFFF0];
	_ =	sdelay $0x4  }
0x6e: {  	v2 =	vmax.f32 v2, v3  }
0x6f: {  	[tilespmem:s24+$0x0] =	vst v2;
	v2 =	vld [tilespmem:s24+$0x10]  }
0x70: {  	v3 =	vld [tilespmem:s21+$0xFFFFFFF0];
	_ =	sdelay $0x4  }
0x71: {  	v2 =	vmax.f32 v2, v3  }
0x72: {  	s25 =	spop (v2sf);
	(v2sf) =	vpush v1, $0x9;
	[tilespmem:s24+$0x10] =	vst v2  }
0x73: {  	v2 =	vld [tilespmem:s25+$0x0]  }
0x74: {  	v3 =	vld [tilespmem:s20+$0x0];
	_ =	sdelay $0x4  }
0x75: {  	v2 =	vmax.f32 v2, v3  }
0x76: {  	[tilespmem:s25+$0x0] =	vst v2;
	v2 =	vld [tilespmem:s25+$0x10]  }
0x77: {  	v3 =	vld [tilespmem:s21+$0x0];
	_ =	sdelay $0x4  }
0x78: {  	v2 =	vmax.f32 v2, v3  }
0x79: {  	s26 =	spop (v2sf);
	(v2sf) =	vpush v1, $0xA;
	[tilespmem:s25+$0x10] =	vst v2  }
0x7a: {  	v2 =	vld [tilespmem:s26+$0x0]  }
0x7b: {  	v3 =	vld [tilespmem:s20+$0x10];
	_ =	sdelay $0x4  }
0x7c: {  	v2 =	vmax.f32 v2, v3  }
0x7d: {  	v3 =	vld [tilespmem:s26+$0x10];
	[tilespmem:s26+$0x0] =	vst v2  }
0x7e: {  	v2 =	vld [tilespmem:s21+$0x10];
	_ =	sdelay $0x4  }
0x7f: {  	v2 =	vmax.f32 v3, v2  }
0x80: {  	s28 =	spop (v2sf);
	(v2sf) =	vpush v1, $0xB;
	[tilespmem:s26+$0x10] =	vst v2  }
0x81: {  	v2 =	vld [tilespmem:s28+$0x0]  }
0x82: {  	v3 =	vld [tilespmem:s20+$0x20];
	_ =	sdelay $0x4  }
0x83: {  	v2 =	vmax.f32 v2, v3  }
0x84: {  	v3 =	vld [tilespmem:s28+$0x10];
	[tilespmem:s28+$0x0] =	vst v2  }
0x85: {  	v2 =	vld [tilespmem:s21+$0x20];
	_ =	sdelay $0x4  }
0x86: {  	v2 =	vmax.f32 v3, v2  }
0x87: {  	s29 =	spop (v2sf);
	(v2sf) =	vpush v1, $0xC;
	[tilespmem:s28+$0x10] =	vst v2  }
0x88: {  	v2 =	vld [tilespmem:s29+$0x0]  }
0x89: {  	v3 =	vld [tilespmem:s20+$0x30];
	_ =	sdelay $0x4  }
0x8a: {  	v2 =	vmax.f32 v2, v3  }
0x8b: {  	v3 =	vld [tilespmem:s29+$0x10];
	[tilespmem:s29+$0x0] =	vst v2  }
0x8c: {  	v2 =	vld [tilespmem:s21+$0x30];
	_ =	sdelay $0x4  }
0x8d: {  	v2 =	vmax.f32 v3, v2  }
0x8e: {  	s30 =	spop (v2sf);
	(v2sf) =	vpush v1, $0xD;
	[tilespmem:s29+$0x10] =	vst v2  }
0x8f: {  	v2 =	vld [tilespmem:s30+$0x0]  }
0x90: {  	v3 =	vld [tilespmem:s20+$0x40];
	_ =	sdelay $0x4  }
0x91: {  	v2 =	vmax.f32 v2, v3  }
0x92: {  	v3 =	vld [tilespmem:s30+$0x10];
	[tilespmem:s30+$0x0] =	vst v2  }
0x93: {  	v2 =	vld [tilespmem:s21+$0x40];
	_ =	sdelay $0x4  }
0x94: {  	v2 =	vmax.f32 v3, v2  }
0x95: {  	s31 =	spop (v2sf);
	(v2sf) =	vpush v1, $0xE;
	[tilespmem:s30+$0x10] =	vst v2  }
0x96: {  	v2 =	vld [tilespmem:s31+$0x0]  }
0x97: {  	v3 =	vld [tilespmem:s20+$0x50];
	_ =	sdelay $0x4  }
0x98: {  	v2 =	vmax.f32 v2, v3  }
0x99: {  	v3 =	vld [tilespmem:s31+$0x10];
	[tilespmem:s31+$0x0] =	vst v2  }
0x9a: {  	v2 =	vld [tilespmem:s21+$0x50];
	_ =	sdelay $0x4  }
0x9b: {  	v2 =	vmax.f32 v3, v2  }
0x9c: {  	s25 =	spop (v2sf);
	(v2sf) =	vpush v1, $0xF;
	[tilespmem:s31+$0x10] =	vst v2  }
0x9d: {  	v3 =	vld [tilespmem:s25+$0x0]  }
0x9e: {  	v4 =	vld [tilespmem:s20+$0x60];
	_ =	sdelay $0x4  }
0x9f: {  	v3 =	vmax.f32 v3, v4  }
0xa0: {  	v2 =	vld [tilespmem:s25+$0x10];
	[tilespmem:s25+$0x0] =	vst v3  }
0xa1: {  	s22 =	simm.s32 $0x1A680;
	s23 =	simm.s32 $0x19880;
	s24 =	simm.s32 $0x40;
	v1 =	vld [tilespmem:s21+$0x60]  }
.LBB2_5:
0xa2: {  	_ =	sdelay $0x2  }
0xa3: {  	p0 =	sne.s32 s24, $0x340;
	s20 =	sadd.s32 $0x100, s20;
	s21 =	sadd.s32 $0x100, s21  }
0xa4: {  	s26 =	smov.u32 s24;
	s24 =	sadd.s32 $0x40, s24;
	v1 =	vmax.f32 v2, v1  }
0xa5: {  	[tilespmem:s25+$0x10] =	vst v1;
	s25 =	spop (v2sf)  }
0xa6: {  	v1 =	vld [tilespmem:s25+$0x0]  }
0xa7: {  	v2 =	vld [tilespmem:s23+$0x70];
	s23 =	smov.u32 s20  }
0xa8: {  	v3 =	vld [tilespmem:s25+$0x10];
	_ =	sdelay $0x3  }
0xa9: {  	v1 =	vmax.f32 v1, v2  }
0xaa: {  	[tilespmem:s25+$0x0] =	vst v1  }
0xab: {  	v1 =	vld [tilespmem:s22+$0x70];
	s22 =	smov.u32 s21;
	_ =	sdelay $0x3  }
0xac: {  	s26 =	sshra.s32 s26, $0x2  }
0xad: {  	v1 =	vmax.f32 v3, v1  }
0xae: {  	[tilespmem:s25+$0x10] =	vst v1  }
0xaf: {  	v1 =	vld [tilespmem:s26+$0x1B400]  }
0xb0: {  	v2 =	vld [tilespmem:s26+$0x1B4E0];
	_ =	sdelay $0x3  }
0xb1: {  	v1 =	vmul.f32 $1.600000000e+01, v1  }
0xb2: {  	v2 =	vmul.f32 $1.200000000e+01, v2  }
0xb3: {  	v1 =	vtrunc.f32 v1;
	v3 =	vld [tilespmem:s26+$0x1B5C0]  }
0xb4: {  	v1 =	vcvt.f32.s32 v1;
	v2 =	vtrunc.f32 v2  }
0xb5: {  	v2 =	vcvt.f32.s32 v2  }
0xb6: {  	vm0 =	vgt.s32 v1, $0x0  }
0xb7: {  	v1 =	vnsel vm0, $0x0, v1;
	vm0 =	vgt.s32 v2, $0x0  }
0xb8: {  	v1 =	vmin.u32 v1, $0xF;
	v2 =	vnsel vm0, $0x0, v2;
	v3 =	vmul.u32 $0xC0, v3  }
0xb9: {  	v2 =	vmin.u32 v2, $0xB;
	v1 =	vmul.u32 $0xC, v1;
	_ =	sdelay $0x1  }
0xba: {  	v1 =	vadd.s32 v3, v1  }
0xbb: {  	v1 =	vadd.s32 v2, v1  }
0xbc: {  	v1 =	vshll.u32 v1, $0x7  }
0xbd: {  	v1 =	vshra.s32 v1, $0x2  }
0xbe: {  	(v2sf) =	vpush v1, $0x0;
	_ =	sdelay $0xc  }
0xbf: {  	(v2sf) =	vpush v1, $0x1;
	_ =	sdelay $0x1  }
0xc0: {  	v2 =	vld [tilespmem:s20+$0xFFFFFF80];
	s25 =	spop (v2sf)  }
0xc1: {  	v3 =	vld [tilespmem:s25+$0x0];
	_ =	sdelay $0x3  }
0xc2: {  	v4 =	vld [tilespmem:s25+$0x10]  }
0xc3: {  	v2 =	vmax.f32 v3, v2  }
0xc4: {  	[tilespmem:s25+$0x0] =	vst v2  }
0xc5: {  	v2 =	vld [tilespmem:s21+$0xFFFFFF80];
	_ =	sdelay $0x4  }
0xc6: {  	v2 =	vmax.f32 v4, v2;
	s26 =	spop (v2sf)  }
0xc7: {  	[tilespmem:s25+$0x10] =	vst v2;
	(v2sf) =	vpush v1, $0x2  }
0xc8: {  	v2 =	vld [tilespmem:s26+$0x0]  }
0xc9: {  	v3 =	vld [tilespmem:s20+$0xFFFFFF90];
	_ =	sdelay $0x4  }
0xca: {  	v2 =	vmax.f32 v2, v3;
	v3 =	vld [tilespmem:s26+$0x10]  }
0xcb: {  	[tilespmem:s26+$0x0] =	vst v2  }
0xcc: {  	v2 =	vld [tilespmem:s21+$0xFFFFFF90];
	_ =	sdelay $0x4  }
0xcd: {  	v2 =	vmax.f32 v3, v2  }
0xce: {  	[tilespmem:s26+$0x10] =	vst v2;
	s25 =	spop (v2sf);
	(v2sf) =	vpush v1, $0x3  }
0xcf: {  	v2 =	vld [tilespmem:s25+$0x0]  }
0xd0: {  	v3 =	vld [tilespmem:s20+$0xFFFFFFA0];
	_ =	sdelay $0x4  }
0xd1: {  	v2 =	vmax.f32 v2, v3  }
0xd2: {  	[tilespmem:s25+$0x0] =	vst v2;
	v2 =	vld [tilespmem:s25+$0x10]  }
0xd3: {  	v3 =	vld [tilespmem:s21+$0xFFFFFFA0];
	_ =	sdelay $0x4  }
0xd4: {  	v2 =	vmax.f32 v2, v3  }
0xd5: {  	[tilespmem:s25+$0x10] =	vst v2;
	s25 =	spop (v2sf);
	(v2sf) =	vpush v1, $0x4  }
0xd6: {  	v2 =	vld [tilespmem:s25+$0x0]  }
0xd7: {  	v3 =	vld [tilespmem:s20+$0xFFFFFFB0];
	_ =	sdelay $0x4  }
0xd8: {  	v2 =	vmax.f32 v2, v3  }
0xd9: {  	[tilespmem:s25+$0x0] =	vst v2;
	v2 =	vld [tilespmem:s25+$0x10]  }
0xda: {  	v3 =	vld [tilespmem:s21+$0xFFFFFFB0];
	_ =	sdelay $0x4  }
0xdb: {  	v2 =	vmax.f32 v2, v3  }
0xdc: {  	[tilespmem:s25+$0x10] =	vst v2;
	s25 =	spop (v2sf);
	(v2sf) =	vpush v1, $0x5  }
0xdd: {  	v2 =	vld [tilespmem:s25+$0x0]  }
0xde: {  	v3 =	vld [tilespmem:s20+$0xFFFFFFC0];
	_ =	sdelay $0x4  }
0xdf: {  	v2 =	vmax.f32 v2, v3  }
0xe0: {  	[tilespmem:s25+$0x0] =	vst v2;
	v2 =	vld [tilespmem:s25+$0x10]  }
0xe1: {  	v3 =	vld [tilespmem:s21+$0xFFFFFFC0];
	_ =	sdelay $0x4  }
0xe2: {  	v2 =	vmax.f32 v2, v3  }
0xe3: {  	[tilespmem:s25+$0x10] =	vst v2;
	s25 =	spop (v2sf);
	(v2sf) =	vpush v1, $0x6  }
0xe4: {  	v2 =	vld [tilespmem:s25+$0x0]  }
0xe5: {  	v3 =	vld [tilespmem:s20+$0xFFFFFFD0];
	_ =	sdelay $0x4  }
0xe6: {  	v2 =	vmax.f32 v2, v3  }
0xe7: {  	[tilespmem:s25+$0x0] =	vst v2;
	v2 =	vld [tilespmem:s25+$0x10]  }
0xe8: {  	v3 =	vld [tilespmem:s21+$0xFFFFFFD0];
	_ =	sdelay $0x4  }
0xe9: {  	v2 =	vmax.f32 v2, v3  }
0xea: {  	[tilespmem:s25+$0x10] =	vst v2;
	s25 =	spop (v2sf);
	(v2sf) =	vpush v1, $0x7  }
0xeb: {  	v2 =	vld [tilespmem:s25+$0x0]  }
0xec: {  	v3 =	vld [tilespmem:s20+$0xFFFFFFE0];
	_ =	sdelay $0x4  }
0xed: {  	v2 =	vmax.f32 v2, v3  }
0xee: {  	[tilespmem:s25+$0x0] =	vst v2;
	v2 =	vld [tilespmem:s25+$0x10]  }
0xef: {  	v3 =	vld [tilespmem:s21+$0xFFFFFFE0];
	_ =	sdelay $0x4  }
0xf0: {  	v2 =	vmax.f32 v2, v3  }
0xf1: {  	[tilespmem:s25+$0x10] =	vst v2;
	s25 =	spop (v2sf);
	(v2sf) =	vpush v1, $0x8  }
0xf2: {  	v2 =	vld [tilespmem:s25+$0x0]  }
0xf3: {  	v3 =	vld [tilespmem:s20+$0xFFFFFFF0];
	_ =	sdelay $0x4  }
0xf4: {  	v2 =	vmax.f32 v2, v3  }
0xf5: {  	[tilespmem:s25+$0x0] =	vst v2;
	v2 =	vld [tilespmem:s25+$0x10]  }
0xf6: {  	v3 =	vld [tilespmem:s21+$0xFFFFFFF0];
	_ =	sdelay $0x4  }
0xf7: {  	v2 =	vmax.f32 v2, v3  }
0xf8: {  	[tilespmem:s25+$0x10] =	vst v2;
	s25 =	spop (v2sf);
	(v2sf) =	vpush v1, $0x9  }
0xf9: {  	v2 =	vld [tilespmem:s25+$0x0]  }
0xfa: {  	v3 =	vld [tilespmem:s20+$0x0];
	_ =	sdelay $0x4  }
0xfb: {  	v2 =	vmax.f32 v2, v3  }
0xfc: {  	[tilespmem:s25+$0x0] =	vst v2;
	v2 =	vld [tilespmem:s25+$0x10]  }
0xfd: {  	v3 =	vld [tilespmem:s21+$0x0];
	_ =	sdelay $0x4  }
0xfe: {  	v2 =	vmax.f32 v2, v3  }
0xff: {  	[tilespmem:s25+$0x10] =	vst v2;
	s25 =	spop (v2sf);
	(v2sf) =	vpush v1, $0xA  }
0x100: {  	v2 =	vld [tilespmem:s25+$0x0]  }
0x101: {  	v3 =	vld [tilespmem:s20+$0x10]  }
0x102: {  	v4 =	vld [tilespmem:s25+$0x10];
	_ =	sdelay $0x3  }
0x103: {  	v2 =	vmax.f32 v2, v3  }
0x104: {  	[tilespmem:s25+$0x0] =	vst v2  }
0x105: {  	v2 =	vld [tilespmem:s21+$0x10];
	_ =	sdelay $0x4  }
0x106: {  	v2 =	vmax.f32 v4, v2  }
0x107: {  	[tilespmem:s25+$0x10] =	vst v2;
	s25 =	spop (v2sf);
	(v2sf) =	vpush v1, $0xB  }
0x108: {  	v2 =	vld [tilespmem:s25+$0x0]  }
0x109: {  	v3 =	vld [tilespmem:s20+$0x20]  }
0x10a: {  	v4 =	vld [tilespmem:s25+$0x10];
	_ =	sdelay $0x3  }
0x10b: {  	v2 =	vmax.f32 v2, v3  }
0x10c: {  	[tilespmem:s25+$0x0] =	vst v2  }
0x10d: {  	v2 =	vld [tilespmem:s21+$0x20];
	_ =	sdelay $0x4  }
0x10e: {  	v2 =	vmax.f32 v4, v2  }
0x10f: {  	[tilespmem:s25+$0x10] =	vst v2;
	s25 =	spop (v2sf);
	(v2sf) =	vpush v1, $0xC  }
0x110: {  	v2 =	vld [tilespmem:s25+$0x0]  }
0x111: {  	v3 =	vld [tilespmem:s20+$0x30]  }
0x112: {  	v4 =	vld [tilespmem:s25+$0x10];
	_ =	sdelay $0x3  }
0x113: {  	v2 =	vmax.f32 v2, v3  }
0x114: {  	[tilespmem:s25+$0x0] =	vst v2  }
0x115: {  	v2 =	vld [tilespmem:s21+$0x30];
	_ =	sdelay $0x4  }
0x116: {  	v2 =	vmax.f32 v4, v2  }
0x117: {  	[tilespmem:s25+$0x10] =	vst v2;
	s25 =	spop (v2sf);
	(v2sf) =	vpush v1, $0xD  }
0x118: {  	v2 =	vld [tilespmem:s25+$0x0]  }
0x119: {  	v3 =	vld [tilespmem:s20+$0x40]  }
0x11a: {  	v4 =	vld [tilespmem:s25+$0x10];
	_ =	sdelay $0x3  }
0x11b: {  	v2 =	vmax.f32 v2, v3  }
0x11c: {  	[tilespmem:s25+$0x0] =	vst v2  }
0x11d: {  	v2 =	vld [tilespmem:s21+$0x40];
	_ =	sdelay $0x4  }
0x11e: {  	v2 =	vmax.f32 v4, v2  }
0x11f: {  	[tilespmem:s25+$0x10] =	vst v2;
	s25 =	spop (v2sf);
	(v2sf) =	vpush v1, $0xE  }
0x120: {  	v2 =	vld [tilespmem:s25+$0x0]  }
0x121: {  	v3 =	vld [tilespmem:s20+$0x50]  }
0x122: {  	v4 =	vld [tilespmem:s25+$0x10];
	_ =	sdelay $0x3  }
0x123: {  	v2 =	vmax.f32 v2, v3  }
0x124: {  	[tilespmem:s25+$0x0] =	vst v2  }
0x125: {  	v2 =	vld [tilespmem:s21+$0x50];
	_ =	sdelay $0x4  }
0x126: {  	v2 =	vmax.f32 v4, v2  }
0x127: {  	[tilespmem:s25+$0x10] =	vst v2;
	s25 =	spop (v2sf);
	(v2sf) =	vpush v1, $0xF  }
0x128: {  	v1 =	vld [tilespmem:s25+$0x0]  }
0x129: {  	v3 =	vld [tilespmem:s20+$0x60]  }
0x12a: {  	v2 =	vld [tilespmem:s25+$0x10];
	_ =	sdelay $0x1  }
.Ltmp1:
0x12b: {  	(pc) =	sbr.rel @p0 .LBB2_5-.Ltmp1, $4  }
0x12c: {  	_ = 	snop  }
0x12d: {  	v1 =	vmax.f32 v1, v3  }
0x12e: {  	[tilespmem:s25+$0x0] =	vst v1  }
0x12f: {  	v1 =	vld [tilespmem:s21+$0x60]  }
0x130: {  	_ =	sdelay $0x3  }
0x131: {  	v1 =	vmax.f32 v2, v1  }
0x132: {  	[tilespmem:s25+$0x10] =	vst v1;
	s20 =	spop (v2sf)  }
0x133: {  	v1 =	vld [tilespmem:s20+$0x0]  }
0x134: {  	v2 =	vld [tilespmem:s23+$0x70];
	_ =	sdelay $0x4  }
0x135: {  	v1 =	vmax.f32 v1, v2  }
0x136: {  	v2 =	vld [tilespmem:s20+$0x10];
	[tilespmem:s20+$0x0] =	vst v1  }
0x137: {  	s19 =	sadd.s32 $0x1, s19;
	v1 =	vld [tilespmem:s22+$0x70]  }
0x138: {  	p0 =	sne.s32 s19, $0xE  }
.Ltmp2:
0x139: {  	_ = 	snop;
	(pc) =	sbr.rel @p0 .LBB2_4-.Ltmp2, $3  }
0x13a: {  	_ =	sdelay $0x1  }
0x13b: {  	v1 =	vmax.f32 v2, v1  }
0x13c: {  	[tilespmem:s20+$0x10] =	vst v1  }
0x13d: {  	s17 =	sadd.s32 $0x1, s17  }
0x13e: {  	p0 =	sne.s32 s17, s10  }
.Ltmp3:
0x13f: {  	_ = 	snop;
	(pc) =	sbr.rel @p0 .LBB2_1-.Ltmp3, $4  }
0x140: {  	[hbm4b:s9+s2] =	stream.linear.scatter [tilespmem:s2], [sflag:$0x1], $0x19800, $0x38;
	[tilespmem:$0x1B6A0] =	vst v63  }
0x141: {  	_ =	swait.ge [sflag:s12], $0x19800  }
0x142: {  	[sflag:s12] =	ssyncset.done $0x0  }
0x143: {  	[sflag:s12] =	ssyncadd.s32 $0xFFFE6800  }
0x144: {  	_ =	sfence.sel $0x180000  }
0x145: {  	[bflag:$0x0] =	sbarrier.arrive $0xFFFF  }
0x146: {  	p0 =	sne.s32 s1, $0x0;
	_ =	strace $0x90000053  }
0x147: {  	s0 =	sadd.s32 @!p0 $0x100000, s0;
	[bflag:$0x2] =	sbarrier.arrive $0xFFFF  }
0x148: {  	[sflag:s0] =	ssyncadd.tile.s32 @!p0 $0x1;
	_ =	shalt  }
.Lfunc_end2:
_tile_overlayer_lowered:
.L_overlay_start_2:
0x149: {  	(tag) =	ssettag $0x2  }
0x14a: {  	s0 =	rddreg [dreg:$0x0];
	s2 =	stileid.u32  }
0x14b: {  	s1 =	rddreg [dreg:$0x1];
	p0 =	sne.s32 s2, $0x0  }
0x14c: {  	s3 =	rddreg [dreg:$0x2];
	[bflag:$0x3] =	sbarrier.arrive $0xFFFF;
	s2 =	simm.s32 @!p0 $0x1C01  }
0x14d: {  	[timem:s3], [sflag:s2] =	dma.local @!p0 [hbm:s0], s1  }
0x14e: {  	s0 =	simm.s32 @!p0 $0x1  }
0x14f: {  	_ =	swait.ge @!p0 [sflag:s0], s1  }
0x150: {  	s1 =	ssub.s32 @!p0 $0x0, s1;
	[sflag:s0] =	ssyncset.done @!p0 $0x0  }
0x151: {  	[sflag:s0] =	ssyncadd.s32 @!p0 s1  }
0x152: {  	[bflag:$0x3] =	sbarrier.arrive $0xFFFF  }
0x153: {  	_ =	shalt  }

</sc_bundles>
